<compile_context>
chip_gen: v7x
topology: tpu7x:2x2x1
jax: 0.10.2.dev20260603
libtpu: 0.0.44.dev20260713+nightly
codegen_flags: <defaults>
</compile_context>

<pallas_src>
import functools

import jax
import jax.numpy as jnp
from jax import lax
from jax.experimental import pallas as pl
from jax.experimental.pallas import tpu as pltpu
from jax.experimental.pallas import tpu_sc as plsc

N, E, D = 10000, 320000, 128
NC, NS = 2, 16
NW = NC * NS
EC = E // NW
K = 80
NB = EC // K
RPT = 624
RLAST = N - RPT * (NS - 1)
DEGW = 16
RB = 2000

_mesh = plsc.VectorSubcoreMesh(core_axis_name="c", subcore_axis_name="s")


def _rows_copy(s, copy):

    @pl.when(s < NS - 1)
    def _():
        copy(pl.multiple_of(s * RPT, 8), RPT)

    @pl.when(s == NS - 1)
    def _():
        copy((NS - 1) * RPT, RLAST)



@functools.partial(
    pl.kernel,
    out_type=jax.ShapeDtypeStruct((NC * N,), jnp.float32),
    mesh=_mesh,
    scratch_types=[
        pltpu.VMEM((EC,), jnp.int32),
        [pltpu.VMEM((K,), jnp.int32)] * 4,
        pltpu.VMEM((K,), jnp.float32),
        pltpu.VMEM((RLAST,), jnp.float32),
        pltpu.VMEM_SHARED((N,), jnp.float32),
        [pltpu.SemaphoreType.DMA] * 4,
    ],
)
def _deg_kernel(dst_hbm, out_hbm, dstbig, dv, ones_v, zbuf, acc, sems):
    c = lax.axis_index("c")
    s = lax.axis_index("s")
    t = s * NC + c
    zeros = jnp.zeros((16,), jnp.float32)
    for j in range(RLAST // 16):
        zbuf[pl.ds(j * 16, 16)] = zeros
    _rows_copy(s, lambda r0, nr: pltpu.sync_copy(
        zbuf.at[pl.ds(0, nr)], acc.at[pl.ds(r0, nr)]))
    ones = jnp.full((16,), 1.0, jnp.float32)
    for j in range(K // 16):
        ones_v[pl.ds(j * 16, 16)] = ones
    pltpu.sync_copy(dst_hbm.at[pl.ds(pl.multiple_of(t * EC, 8), EC)], dstbig)
    plsc.subcore_barrier()

    def fill(i, x):
        for j in range(K // 16):
            dv[x][pl.ds(j * 16, 16)] = dstbig[pl.ds(i * K + j * 16, 16)]

    def scat(x):
        pltpu.async_copy(ones_v, acc.at[dv[x]], sems[x], add=True)

    def wait_scat(x):
        pltpu.make_async_copy(ones_v, acc.at[dv[x]], sems[x]).wait()

    for i in range(4):
        fill(i, i)
        scat(i)

    def body(j, carry):
        i0 = 4 + 4 * j
        for u in range(4):
            wait_scat(u)
            fill(i0 + u, u)
            scat(u)
        return carry

    lax.fori_loop(0, (NB - 5) // 4, body, 0)
    wait_scat(0)
    fill(NB - 1, 0)
    scat(0)
    for x in (1, 2, 3, 0):
        wait_scat(x)
    plsc.subcore_barrier()

    def drain(r0, nr):
        pltpu.sync_copy(acc.at[pl.ds(r0, nr)], zbuf.at[pl.ds(0, nr)])
        pltpu.sync_copy(zbuf.at[pl.ds(0, nr)],
                        out_hbm.at[pl.ds(pl.multiple_of(c * N + r0, 8), nr)])

    _rows_copy(s, drain)


@functools.partial(
    pl.kernel,
    out_type=jax.ShapeDtypeStruct((NC, N, D), jnp.float32),
    mesh=_mesh,
    scratch_types=[
        pltpu.VMEM((EC,), jnp.int32),
        [pltpu.VMEM((K,), jnp.int32)] * 3,
        [pltpu.VMEM((K, D), jnp.float32)] * 3,
        pltpu.VMEM_SHARED((N, D), jnp.float32),
        [pltpu.SemaphoreType.DMA] * 3,
        [pltpu.SemaphoreType.DMA] * 3,
        [pltpu.SemaphoreType.DMA] * 3,
    ],
)
def _agg_kernel(g_hbm, src_hbm, dst_hbm, zeros_hbm, out_hbm,
                srcbig, dv, rows, acc, semi, semg, sems):
    c = lax.axis_index("c")
    s = lax.axis_index("s")
    t = s * NC + c
    _rows_copy(s, lambda r0, nr: pltpu.sync_copy(
        zeros_hbm.at[pl.ds(r0, nr)], acc.at[pl.ds(r0, nr)]))
    base = pl.multiple_of(t * EC, 8)
    pltpu.sync_copy(src_hbm.at[pl.ds(base, EC)], srcbig)
    plsc.subcore_barrier()

    def start(i, x):
        off = pl.multiple_of(base + i * K, 8)
        pltpu.async_copy(dst_hbm.at[pl.ds(off, K)], dv[x], semi[x])
        pltpu.async_copy(g_hbm.at[srcbig.at[pl.ds(i * K, K)]], rows[x], semg[x])

    def wait_gather(x):
        pltpu.make_async_copy(
            g_hbm.at[srcbig.at[pl.ds(0, K)]], rows[x], semg[x]).wait()
        pltpu.make_async_copy(dst_hbm.at[pl.ds(base, K)], dv[x], semi[x]).wait()

    def scatter(x):
        pltpu.async_copy(rows[x], acc.at[dv[x]], sems[x], add=True)

    def wait_scatter(x):
        pltpu.make_async_copy(rows[x], acc.at[dv[x]], sems[x]).wait()

    def steady(i, x):
        wait_scatter(x)
        start(i, x)
        y = (x + 2) % 3
        wait_gather(y)
        scatter(y)

    start(0, 0)
    start(1, 1)
    wait_gather(0)
    scatter(0)
    start(2, 2)
    wait_gather(1)
    scatter(1)

    def body(j, carry):
        i0 = 3 + 3 * j
        for u in range(3):
            steady(i0 + u, u)
        return carry

    q = (NB - 3) // 3
    lax.fori_loop(0, q, body, 0)
    for i in range(3 + 3 * q, NB):
        steady(i, i % 3)
    y = (NB - 1) % 3
    wait_gather(y)
    scatter(y)
    for x in range(3):
        wait_scatter(x)
    plsc.subcore_barrier()
    _rows_copy(s, lambda r0, nr: pltpu.sync_copy(
        acc.at[pl.ds(r0, nr)], out_hbm.at[c, pl.ds(r0, nr)]))



def _dinv(degp_ref):
    deg = 1.0 + degp_ref[:, 0:1] + degp_ref[:, 1:2]
    return lax.rsqrt(deg)


def _tc_first_body(degp_ref, x_ref, w_ref, o_ref):
    dinv = _dinv(degp_ref)
    o_ref[...] = jnp.dot(dinv * x_ref[...], w_ref[...],
                         preferred_element_type=jnp.float32)


def _tc_mid_body(degp_ref, p_ref, g_ref, b_ref, w_ref, o_ref):
    dinv = _dinv(degp_ref)
    pre = dinv * (p_ref[0] + p_ref[1] + g_ref[...]) + b_ref[...]
    h = jnp.maximum(pre, 0.0)
    o_ref[...] = jnp.dot(dinv * h, w_ref[...], preferred_element_type=jnp.float32)


def _tc_last_body(degp_ref, p_ref, g_ref, b_ref, wl_ref, bl_ref, o_ref):
    dinv = _dinv(degp_ref)
    pre = dinv * (p_ref[0] + p_ref[1] + g_ref[...]) + b_ref[...]
    o_ref[...] = jnp.dot(pre, wl_ref[...],
                         preferred_element_type=jnp.float32) + bl_ref[...]


_degp_spec = pl.BlockSpec((RB, NC), lambda i: (i, 0))
_p_spec = pl.BlockSpec((NC, RB, D), lambda i: (0, i, 0))
_row_spec = pl.BlockSpec((RB, D), lambda i: (i, 0))
_b_spec = pl.BlockSpec((1, D), lambda i: (0, 0))
_w_spec = pl.BlockSpec((D, D), lambda i: (0, 0))
_out_shape = jax.ShapeDtypeStruct((N, D), jnp.float32)
_grid = (N // RB,)

_tc_first = pl.pallas_call(
    _tc_first_body, grid=_grid,
    in_specs=[_degp_spec, _row_spec, _w_spec],
    out_specs=_row_spec, out_shape=_out_shape)

_tc_mid = pl.pallas_call(
    _tc_mid_body, grid=_grid,
    in_specs=[_degp_spec, _p_spec, _row_spec, _b_spec, _w_spec],
    out_specs=_row_spec, out_shape=_out_shape)

_tc_last = pl.pallas_call(
    _tc_last_body, grid=_grid,
    in_specs=[_degp_spec, _p_spec, _row_spec, _b_spec, _w_spec, _b_spec],
    out_specs=_row_spec, out_shape=_out_shape)



def kernel(x, adj_t, W0, b0, W1, b1, W2, b2, Wl, bl):
    src = adj_t[0]
    dst = adj_t[1]
    zeros128 = jnp.zeros((N, D), jnp.float32)

    degp = _deg_kernel(dst).reshape(NC, N).T
    g0 = _tc_first(degp, x, W0)
    p = _agg_kernel(g0, src, dst, zeros128)
    g1 = _tc_mid(degp, p, g0, b0.reshape(1, D), W1)
    p = _agg_kernel(g1, src, dst, zeros128)
    g2 = _tc_mid(degp, p, g1, b1.reshape(1, D), W2)
    p = _agg_kernel(g2, src, dst, zeros128)
    out = _tc_last(degp, p, g2, b2.reshape(1, D), Wl, bl.reshape(1, D))
    return out

# --- scband reference (transcript-rebuilt; emitter-appended) ---
"""Pipeline reference for scband-gnn-34617436405792 (READ-ONLY COPY).

The authoritative reference and input builder live on the scoring server;
editing this copy changes nothing except your own understanding.
"""

import jax, jax.numpy as jnp
import numpy as np

N, E, D, H, O = 10000, 320000, 128, 128, 128


def _glorot(key, fan_in, fan_out):
    limit = np.sqrt(6.0 / (fan_in + fan_out))
    return jax.random.uniform(key, (fan_in, fan_out), jnp.float32, -limit, limit)


def setup_inputs(seed: int = 0) -> dict:
    key = jax.random.key(seed)
    ks = jax.random.split(key, 12)
    x = jax.random.normal(ks[0], (N, D), jnp.float32)
    adj_t = jax.random.randint(ks[1], (2, E), 0, N).astype(jnp.int32)
    W0 = _glorot(ks[2], D, H)
    b0 = jnp.zeros((H,), jnp.float32)
    W1 = _glorot(ks[3], H, H)
    b1 = jnp.zeros((H,), jnp.float32)
    W2 = _glorot(ks[4], H, H)
    b2 = jnp.zeros((H,), jnp.float32)
    Wl = _glorot(ks[5], H, O)
    bl = jnp.zeros((O,), jnp.float32)
    return {"x": x, "adj_t": adj_t, "W0": W0, "b0": b0, "W1": W1, "b1": b1, "W2": W2, "b2": b2, "Wl": Wl, "bl": bl}


def _gcn_norm(adj_t, n):
    # PyG gcn_norm with add_self_loops=True, edge_weight=1
    loop = jnp.arange(n, dtype=adj_t.dtype)
    src = jnp.concatenate([adj_t[0], loop])
    dst = jnp.concatenate([adj_t[1], loop])
    deg = jnp.zeros((n,), jnp.float32).at[dst].add(1.0)
    dinv = 1.0 / jnp.sqrt(deg)  # deg >= 1 due to self-loops
    norm = dinv[src] * dinv[dst]
    return src, dst, norm


def _gcn_conv(h, src, dst, norm, W, b):
    h = h @ W                      # dense transform
    msg = h[src] * norm[:, None]   # gather + scale
    out = jnp.zeros_like(h).at[dst].add(msg)  # scatter-add aggregation
    return out + b


def reference(x, adj_t, W0, b0, W1, b1, W2, b2, Wl, bl):
    # GNN.forward, layer_type='GCN', num_layers=3, residual=False,
    # return_embeds=False, eval mode (dropout is identity).
    src, dst, norm = _gcn_norm(adj_t, x.shape[0])
    h = _gcn_conv(x, src, dst, norm, W0, b0)
    h = jax.nn.relu(h)
    h = _gcn_conv(h, src, dst, norm, W1, b1)
    h = jax.nn.relu(h)
    out = _gcn_conv(h, src, dst, norm, W2, b2)
    out = out @ Wl + bl
    return out

if __name__ == "__main__":
    import jax
    _d = setup_inputs()
    print(jax.jit(kernel)(*tuple(_d.values())))

</pallas_src>

<mosaic_0001>
#map = affine_map<(d0, d1) -> (0)>
module attributes {stable_mosaic.version = 14 : i64} {
  func.func @_deg_kernel(%arg0: i32, %arg1: i32, %arg2: memref<320000xi32, #tpu.memory_space<hbm>>, %arg3: memref<20000xf32, #tpu.memory_space<hbm>>, %arg4: memref<10000xi32, #tpu.memory_space<vmem>>, %arg5: memref<80xi32, #tpu.memory_space<vmem>>, %arg6: memref<80xi32, #tpu.memory_space<vmem>>, %arg7: memref<80xi32, #tpu.memory_space<vmem>>, %arg8: memref<80xi32, #tpu.memory_space<vmem>>, %arg9: memref<80xf32, #tpu.memory_space<vmem>>, %arg10: memref<640xf32, #tpu.memory_space<vmem>>, %arg11: memref<10000xf32, #tpu.memory_space<vmem_shared>>, %arg12: memref<!tpu.dma_semaphore, #tpu.memory_space<semaphore_mem>>, %arg13: memref<!tpu.dma_semaphore, #tpu.memory_space<semaphore_mem>>, %arg14: memref<!tpu.dma_semaphore, #tpu.memory_space<semaphore_mem>>, %arg15: memref<!tpu.dma_semaphore, #tpu.memory_space<semaphore_mem>>) attributes {dimension_semantics = [#tpu.dimension_semantics<core_parallel>, #tpu.dimension_semantics<subcore_parallel>], iteration_bounds = array<i64: 2, 16>, scalar_prefetch = 0 : i64, scratch_operands = 12 : i64, tpu.core_type = #tpu.core_type<sc_vector_subcore>, window_params = [{transform_indices = #map}, {transform_indices = #map}]} {
    %mul3A = arith.constant 2 : i32
    %mul3A_0 = arith.muli %arg1, %mul3A : i32
    %add3A = arith.addi %mul3A_0, %arg0 : i32
    %broadcast_in_dim3A = arith.constant 0.000000e+00 : f32
    %broadcast_in_dim3A_1 = vector.broadcast %broadcast_in_dim3A : f32 to vector<16xf32>
    %swap3A = arith.constant 0 : index
    %swap3A_2 = tpu.vector_load %arg10[%swap3A] {strides = array<i32>} : memref<640xf32, #tpu.memory_space<vmem>>, vector<16xf32>,
    %swap3A_3 = vector.shape_cast %swap3A_2 : vector<16xf32> to vector<16xf32>
    %swap3A_4 = vector.shape_cast %broadcast_in_dim3A_1 : vector<16xf32> to vector<16xf32>
    tpu.vector_store %arg10[%swap3A], %swap3A_4 {strides = array<i32>} : memref<640xf32, #tpu.memory_space<vmem>>, vector<16xf32>,
    %swap3A_5 = arith.constant 16 : index
    %swap3A_6 = tpu.vector_load %arg10[%swap3A_5] {strides = array<i32>} : memref<640xf32, #tpu.memory_space<vmem>>, vector<16xf32>,
    %swap3A_7 = vector.shape_cast %swap3A_6 : vector<16xf32> to vector<16xf32>
    %swap3A_8 = vector.shape_cast %broadcast_in_dim3A_1 : vector<16xf32> to vector<16xf32>
    tpu.vector_store %arg10[%swap3A_5], %swap3A_8 {strides = array<i32>} : memref<640xf32, #tpu.memory_space<vmem>>, vector<16xf32>,
    %swap3A_9 = arith.constant 32 : index
    %swap3A_10 = tpu.vector_load %arg10[%swap3A_9] {strides = array<i32>} : memref<640xf32, #tpu.memory_space<vmem>>, vector<16xf32>,
    %swap3A_11 = vector.shape_cast %swap3A_10 : vector<16xf32> to vector<16xf32>
    %swap3A_12 = vector.shape_cast %broadcast_in_dim3A_1 : vector<16xf32> to vector<16xf32>
    tpu.vector_store %arg10[%swap3A_9], %swap3A_12 {strides = array<i32>} : memref<640xf32, #tpu.memory_space<vmem>>, vector<16xf32>,
    %swap3A_13 = arith.constant 48 : index
    %swap3A_14 = tpu.vector_load %arg10[%swap3A_13] {strides = array<i32>} : memref<640xf32, #tpu.memory_space<vmem>>, vector<16xf32>,
    %swap3A_15 = vector.shape_cast %swap3A_14 : vector<16xf32> to vector<16xf32>
    %swap3A_16 = vector.shape_cast %broadcast_in_dim3A_1 : vector<16xf32> to vector<16xf32>
    tpu.vector_store %arg10[%swap3A_13], %swap3A_16 {strides = array<i32>} : memref<640xf32, #tpu.memory_space<vmem>>, vector<16xf32>,
    %swap3A_17 = arith.constant 64 : index
    %swap3A_18 = tpu.vector_load %arg10[%swap3A_17] {strides = array<i32>} : memref<640xf32, #tpu.memory_space<vmem>>, vector<16xf32>,
    %swap3A_19 = vector.shape_cast %swap3A_18 : vector<16xf32> to vector<16xf32>
    %swap3A_20 = vector.shape_cast %broadcast_in_dim3A_1 : vector<16xf32> to vector<16xf32>
    tpu.vector_store %arg10[%swap3A_17], %swap3A_20 {strides = array<i32>} : memref<640xf32, #tpu.memory_space<vmem>>, vector<16xf32>,
    %swap3A_21 = arith.constant 80 : index
    %swap3A_22 = tpu.vector_load %arg10[%swap3A_21] {strides = array<i32>} : memref<640xf32, #tpu.memory_space<vmem>>, vector<16xf32>,
    %swap3A_23 = vector.shape_cast %swap3A_22 : vector<16xf32> to vector<16xf32>
    %swap3A_24 = vector.shape_cast %broadcast_in_dim3A_1 : vector<16xf32> to vector<16xf32>
    tpu.vector_store %arg10[%swap3A_21], %swap3A_24 {strides = array<i32>} : memref<640xf32, #tpu.memory_space<vmem>>, vector<16xf32>,
    %swap3A_25 = arith.constant 96 : index
    %swap3A_26 = tpu.vector_load %arg10[%swap3A_25] {strides = array<i32>} : memref<640xf32, #tpu.memory_space<vmem>>, vector<16xf32>,
    %swap3A_27 = vector.shape_cast %swap3A_26 : vector<16xf32> to vector<16xf32>
    %swap3A_28 = vector.shape_cast %broadcast_in_dim3A_1 : vector<16xf32> to vector<16xf32>
    tpu.vector_store %arg10[%swap3A_25], %swap3A_28 {strides = array<i32>} : memref<640xf32, #tpu.memory_space<vmem>>, vector<16xf32>,
    %swap3A_29 = arith.constant 112 : index
    %swap3A_30 = tpu.vector_load %arg10[%swap3A_29] {strides = array<i32>} : memref<640xf32, #tpu.memory_space<vmem>>, vector<16xf32>,
    %swap3A_31 = vector.shape_cast %swap3A_30 : vector<16xf32> to vector<16xf32>
    %swap3A_32 = vector.shape_cast %broadcast_in_dim3A_1 : vector<16xf32> to vector<16xf32>
    tpu.vector_store %arg10[%swap3A_29], %swap3A_32 {strides = array<i32>} : memref<640xf32, #tpu.memory_space<vmem>>, vector<16xf32>,
    %swap3A_33 = arith.constant 128 : index
    %swap3A_34 = tpu.vector_load %arg10[%swap3A_33] {strides = array<i32>} : memref<640xf32, #tpu.memory_space<vmem>>, vector<16xf32>,
    %swap3A_35 = vector.shape_cast %swap3A_34 : vector<16xf32> to vector<16xf32>
    %swap3A_36 = vector.shape_cast %broadcast_in_dim3A_1 : vector<16xf32> to vector<16xf32>
    tpu.vector_store %arg10[%swap3A_33], %swap3A_36 {strides = array<i32>} : memref<640xf32, #tpu.memory_space<vmem>>, vector<16xf32>,
    %swap3A_37 = arith.constant 144 : index
    %swap3A_38 = tpu.vector_load %arg10[%swap3A_37] {strides = array<i32>} : memref<640xf32, #tpu.memory_space<vmem>>, vector<16xf32>,
    %swap3A_39 = vector.shape_cast %swap3A_38 : vector<16xf32> to vector<16xf32>
    %swap3A_40 = vector.shape_cast %broadcast_in_dim3A_1 : vector<16xf32> to vector<16xf32>
    tpu.vector_store %arg10[%swap3A_37], %swap3A_40 {strides = array<i32>} : memref<640xf32, #tpu.memory_space<vmem>>, vector<16xf32>,
    %swap3A_41 = arith.constant 160 : index
    %swap3A_42 = tpu.vector_load %arg10[%swap3A_41] {strides = array<i32>} : memref<640xf32, #tpu.memory_space<vmem>>, vector<16xf32>,
    %swap3A_43 = vector.shape_cast %swap3A_42 : vector<16xf32> to vector<16xf32>
    %swap3A_44 = vector.shape_cast %broadcast_in_dim3A_1 : vector<16xf32> to vector<16xf32>
    tpu.vector_store %arg10[%swap3A_41], %swap3A_44 {strides = array<i32>} : memref<640xf32, #tpu.memory_space<vmem>>, vector<16xf32>,
    %swap3A_45 = arith.constant 176 : index
    %swap3A_46 = tpu.vector_load %arg10[%swap3A_45] {strides = array<i32>} : memref<640xf32, #tpu.memory_space<vmem>>, vector<16xf32>,
    %swap3A_47 = vector.shape_cast %swap3A_46 : vector<16xf32> to vector<16xf32>
    %swap3A_48 = vector.shape_cast %broadcast_in_dim3A_1 : vector<16xf32> to vector<16xf32>
    tpu.vector_store %arg10[%swap3A_45], %swap3A_48 {strides = array<i32>} : memref<640xf32, #tpu.memory_space<vmem>>, vector<16xf32>,
    %swap3A_49 = arith.constant 192 : index
    %swap3A_50 = tpu.vector_load %arg10[%swap3A_49] {strides = array<i32>} : memref<640xf32, #tpu.memory_space<vmem>>, vector<16xf32>,
    %swap3A_51 = vector.shape_cast %swap3A_50 : vector<16xf32> to vector<16xf32>
    %swap3A_52 = vector.shape_cast %broadcast_in_dim3A_1 : vector<16xf32> to vector<16xf32>
    tpu.vector_store %arg10[%swap3A_49], %swap3A_52 {strides = array<i32>} : memref<640xf32, #tpu.memory_space<vmem>>, vector<16xf32>,
    %swap3A_53 = arith.constant 208 : index
    %swap3A_54 = tpu.vector_load %arg10[%swap3A_53] {strides = array<i32>} : memref<640xf32, #tpu.memory_space<vmem>>, vector<16xf32>,
    %swap3A_55 = vector.shape_cast %swap3A_54 : vector<16xf32> to vector<16xf32>
    %swap3A_56 = vector.shape_cast %broadcast_in_dim3A_1 : vector<16xf32> to vector<16xf32>
    tpu.vector_store %arg10[%swap3A_53], %swap3A_56 {strides = array<i32>} : memref<640xf32, #tpu.memory_space<vmem>>, vector<16xf32>,
    %swap3A_57 = arith.constant 224 : index
    %swap3A_58 = tpu.vector_load %arg10[%swap3A_57] {strides = array<i32>} : memref<640xf32, #tpu.memory_space<vmem>>, vector<16xf32>,
    %swap3A_59 = vector.shape_cast %swap3A_58 : vector<16xf32> to vector<16xf32>
    %swap3A_60 = vector.shape_cast %broadcast_in_dim3A_1 : vector<16xf32> to vector<16xf32>
    tpu.vector_store %arg10[%swap3A_57], %swap3A_60 {strides = array<i32>} : memref<640xf32, #tpu.memory_space<vmem>>, vector<16xf32>,
    %swap3A_61 = arith.constant 240 : index
    %swap3A_62 = tpu.vector_load %arg10[%swap3A_61] {strides = array<i32>} : memref<640xf32, #tpu.memory_space<vmem>>, vector<16xf32>,
    %swap3A_63 = vector.shape_cast %swap3A_62 : vector<16xf32> to vector<16xf32>
    %swap3A_64 = vector.shape_cast %broadcast_in_dim3A_1 : vector<16xf32> to vector<16xf32>
    tpu.vector_store %arg10[%swap3A_61], %swap3A_64 {strides = array<i32>} : memref<640xf32, #tpu.memory_space<vmem>>, vector<16xf32>,
    %swap3A_65 = arith.constant 256 : index
    %swap3A_66 = tpu.vector_load %arg10[%swap3A_65] {strides = array<i32>} : memref<640xf32, #tpu.memory_space<vmem>>, vector<16xf32>,
    %swap3A_67 = vector.shape_cast %swap3A_66 : vector<16xf32> to vector<16xf32>
    %swap3A_68 = vector.shape_cast %broadcast_in_dim3A_1 : vector<16xf32> to vector<16xf32>
    tpu.vector_store %arg10[%swap3A_65], %swap3A_68 {strides = array<i32>} : memref<640xf32, #tpu.memory_space<vmem>>, vector<16xf32>,
    %swap3A_69 = arith.constant 272 : index
    %swap3A_70 = tpu.vector_load %arg10[%swap3A_69] {strides = array<i32>} : memref<640xf32, #tpu.memory_space<vmem>>, vector<16xf32>,
    %swap3A_71 = vector.shape_cast %swap3A_70 : vector<16xf32> to vector<16xf32>
    %swap3A_72 = vector.shape_cast %broadcast_in_dim3A_1 : vector<16xf32> to vector<16xf32>
    tpu.vector_store %arg10[%swap3A_69], %swap3A_72 {strides = array<i32>} : memref<640xf32, #tpu.memory_space<vmem>>, vector<16xf32>,
    %swap3A_73 = arith.constant 288 : index
    %swap3A_74 = tpu.vector_load %arg10[%swap3A_73] {strides = array<i32>} : memref<640xf32, #tpu.memory_space<vmem>>, vector<16xf32>,
    %swap3A_75 = vector.shape_cast %swap3A_74 : vector<16xf32> to vector<16xf32>
    %swap3A_76 = vector.shape_cast %broadcast_in_dim3A_1 : vector<16xf32> to vector<16xf32>
    tpu.vector_store %arg10[%swap3A_73], %swap3A_76 {strides = array<i32>} : memref<640xf32, #tpu.memory_space<vmem>>, vector<16xf32>,
    %swap3A_77 = arith.constant 304 : index
    %swap3A_78 = tpu.vector_load %arg10[%swap3A_77] {strides = array<i32>} : memref<640xf32, #tpu.memory_space<vmem>>, vector<16xf32>,
    %swap3A_79 = vector.shape_cast %swap3A_78 : vector<16xf32> to vector<16xf32>
    %swap3A_80 = vector.shape_cast %broadcast_in_dim3A_1 : vector<16xf32> to vector<16xf32>
    tpu.vector_store %arg10[%swap3A_77], %swap3A_80 {strides = array<i32>} : memref<640xf32, #tpu.memory_space<vmem>>, vector<16xf32>,
    %swap3A_81 = arith.constant 320 : index
    %swap3A_82 = tpu.vector_load %arg10[%swap3A_81] {strides = array<i32>} : memref<640xf32, #tpu.memory_space<vmem>>, vector<16xf32>,
    %swap3A_83 = vector.shape_cast %swap3A_82 : vector<16xf32> to vector<16xf32>
    %swap3A_84 = vector.shape_cast %broadcast_in_dim3A_1 : vector<16xf32> to vector<16xf32>
    tpu.vector_store %arg10[%swap3A_81], %swap3A_84 {strides = array<i32>} : memref<640xf32, #tpu.memory_space<vmem>>, vector<16xf32>,
    %swap3A_85 = arith.constant 336 : index
    %swap3A_86 = tpu.vector_load %arg10[%swap3A_85] {strides = array<i32>} : memref<640xf32, #tpu.memory_space<vmem>>, vector<16xf32>,
    %swap3A_87 = vector.shape_cast %swap3A_86 : vector<16xf32> to vector<16xf32>
    %swap3A_88 = vector.shape_cast %broadcast_in_dim3A_1 : vector<16xf32> to vector<16xf32>
    tpu.vector_store %arg10[%swap3A_85], %swap3A_88 {strides = array<i32>} : memref<640xf32, #tpu.memory_space<vmem>>, vector<16xf32>,
    %swap3A_89 = arith.constant 352 : index
    %swap3A_90 = tpu.vector_load %arg10[%swap3A_89] {strides = array<i32>} : memref<640xf32, #tpu.memory_space<vmem>>, vector<16xf32>,
    %swap3A_91 = vector.shape_cast %swap3A_90 : vector<16xf32> to vector<16xf32>
    %swap3A_92 = vector.shape_cast %broadcast_in_dim3A_1 : vector<16xf32> to vector<16xf32>
    tpu.vector_store %arg10[%swap3A_89], %swap3A_92 {strides = array<i32>} : memref<640xf32, #tpu.memory_space<vmem>>, vector<16xf32>,
    %swap3A_93 = arith.constant 368 : index
    %swap3A_94 = tpu.vector_load %arg10[%swap3A_93] {strides = array<i32>} : memref<640xf32, #tpu.memory_space<vmem>>, vector<16xf32>,
    %swap3A_95 = vector.shape_cast %swap3A_94 : vector<16xf32> to vector<16xf32>
    %swap3A_96 = vector.shape_cast %broadcast_in_dim3A_1 : vector<16xf32> to vector<16xf32>
    tpu.vector_store %arg10[%swap3A_93], %swap3A_96 {strides = array<i32>} : memref<640xf32, #tpu.memory_space<vmem>>, vector<16xf32>,
    %swap3A_97 = arith.constant 384 : index
    %swap3A_98 = tpu.vector_load %arg10[%swap3A_97] {strides = array<i32>} : memref<640xf32, #tpu.memory_space<vmem>>, vector<16xf32>,
    %swap3A_99 = vector.shape_cast %swap3A_98 : vector<16xf32> to vector<16xf32>
    %swap3A_100 = vector.shape_cast %broadcast_in_dim3A_1 : vector<16xf32> to vector<16xf32>
    tpu.vector_store %arg10[%swap3A_97], %swap3A_100 {strides = array<i32>} : memref<640xf32, #tpu.memory_space<vmem>>, vector<16xf32>,
    %swap3A_101 = arith.constant 400 : index
    %swap3A_102 = tpu.vector_load %arg10[%swap3A_101] {strides = array<i32>} : memref<640xf32, #tpu.memory_space<vmem>>, vector<16xf32>,
    %swap3A_103 = vector.shape_cast %swap3A_102 : vector<16xf32> to vector<16xf32>
    %swap3A_104 = vector.shape_cast %broadcast_in_dim3A_1 : vector<16xf32> to vector<16xf32>
    tpu.vector_store %arg10[%swap3A_101], %swap3A_104 {strides = array<i32>} : memref<640xf32, #tpu.memory_space<vmem>>, vector<16xf32>,
    %swap3A_105 = arith.constant 416 : index
    %swap3A_106 = tpu.vector_load %arg10[%swap3A_105] {strides = array<i32>} : memref<640xf32, #tpu.memory_space<vmem>>, vector<16xf32>,
    %swap3A_107 = vector.shape_cast %swap3A_106 : vector<16xf32> to vector<16xf32>
    %swap3A_108 = vector.shape_cast %broadcast_in_dim3A_1 : vector<16xf32> to vector<16xf32>
    tpu.vector_store %arg10[%swap3A_105], %swap3A_108 {strides = array<i32>} : memref<640xf32, #tpu.memory_space<vmem>>, vector<16xf32>,
    %swap3A_109 = arith.constant 432 : index
    %swap3A_110 = tpu.vector_load %arg10[%swap3A_109] {strides = array<i32>} : memref<640xf32, #tpu.memory_space<vmem>>, vector<16xf32>,
    %swap3A_111 = vector.shape_cast %swap3A_110 : vector<16xf32> to vector<16xf32>
    %swap3A_112 = vector.shape_cast %broadcast_in_dim3A_1 : vector<16xf32> to vector<16xf32>
    tpu.vector_store %arg10[%swap3A_109], %swap3A_112 {strides = array<i32>} : memref<640xf32, #tpu.memory_space<vmem>>, vector<16xf32>,
    %swap3A_113 = arith.constant 448 : index
    %swap3A_114 = tpu.vector_load %arg10[%swap3A_113] {strides = array<i32>} : memref<640xf32, #tpu.memory_space<vmem>>, vector<16xf32>,
    %swap3A_115 = vector.shape_cast %swap3A_114 : vector<16xf32> to vector<16xf32>
    %swap3A_116 = vector.shape_cast %broadcast_in_dim3A_1 : vector<16xf32> to vector<16xf32>
    tpu.vector_store %arg10[%swap3A_113], %swap3A_116 {strides = array<i32>} : memref<640xf32, #tpu.memory_space<vmem>>, vector<16xf32>,
    %swap3A_117 = arith.constant 464 : index
    %swap3A_118 = tpu.vector_load %arg10[%swap3A_117] {strides = array<i32>} : memref<640xf32, #tpu.memory_space<vmem>>, vector<16xf32>,
    %swap3A_119 = vector.shape_cast %swap3A_118 : vector<16xf32> to vector<16xf32>
    %swap3A_120 = vector.shape_cast %broadcast_in_dim3A_1 : vector<16xf32> to vector<16xf32>
    tpu.vector_store %arg10[%swap3A_117], %swap3A_120 {strides = array<i32>} : memref<640xf32, #tpu.memory_space<vmem>>, vector<16xf32>,
    %swap3A_121 = arith.constant 480 : index
    %swap3A_122 = tpu.vector_load %arg10[%swap3A_121] {strides = array<i32>} : memref<640xf32, #tpu.memory_space<vmem>>, vector<16xf32>,
    %swap3A_123 = vector.shape_cast %swap3A_122 : vector<16xf32> to vector<16xf32>
    %swap3A_124 = vector.shape_cast %broadcast_in_dim3A_1 : vector<16xf32> to vector<16xf32>
    tpu.vector_store %arg10[%swap3A_121], %swap3A_124 {strides = array<i32>} : memref<640xf32, #tpu.memory_space<vmem>>, vector<16xf32>,
    %swap3A_125 = arith.constant 496 : index
    %swap3A_126 = tpu.vector_load %arg10[%swap3A_125] {strides = array<i32>} : memref<640xf32, #tpu.memory_space<vmem>>, vector<16xf32>,
    %swap3A_127 = vector.shape_cast %swap3A_126 : vector<16xf32> to vector<16xf32>
    %swap3A_128 = vector.shape_cast %broadcast_in_dim3A_1 : vector<16xf32> to vector<16xf32>
    tpu.vector_store %arg10[%swap3A_125], %swap3A_128 {strides = array<i32>} : memref<640xf32, #tpu.memory_space<vmem>>, vector<16xf32>,
    %swap3A_129 = arith.constant 512 : index
    %swap3A_130 = tpu.vector_load %arg10[%swap3A_129] {strides = array<i32>} : memref<640xf32, #tpu.memory_space<vmem>>, vector<16xf32>,
    %swap3A_131 = vector.shape_cast %swap3A_130 : vector<16xf32> to vector<16xf32>
    %swap3A_132 = vector.shape_cast %broadcast_in_dim3A_1 : vector<16xf32> to vector<16xf32>
    tpu.vector_store %arg10[%swap3A_129], %swap3A_132 {strides = array<i32>} : memref<640xf32, #tpu.memory_space<vmem>>, vector<16xf32>,
    %swap3A_133 = arith.constant 528 : index
    %swap3A_134 = tpu.vector_load %arg10[%swap3A_133] {strides = array<i32>} : memref<640xf32, #tpu.memory_space<vmem>>, vector<16xf32>,
    %swap3A_135 = vector.shape_cast %swap3A_134 : vector<16xf32> to vector<16xf32>
    %swap3A_136 = vector.shape_cast %broadcast_in_dim3A_1 : vector<16xf32> to vector<16xf32>
    tpu.vector_store %arg10[%swap3A_133], %swap3A_136 {strides = array<i32>} : memref<640xf32, #tpu.memory_space<vmem>>, vector<16xf32>,
    %swap3A_137 = arith.constant 544 : index
    %swap3A_138 = tpu.vector_load %arg10[%swap3A_137] {strides = array<i32>} : memref<640xf32, #tpu.memory_space<vmem>>, vector<16xf32>,
    %swap3A_139 = vector.shape_cast %swap3A_138 : vector<16xf32> to vector<16xf32>
    %swap3A_140 = vector.shape_cast %broadcast_in_dim3A_1 : vector<16xf32> to vector<16xf32>
    tpu.vector_store %arg10[%swap3A_137], %swap3A_140 {strides = array<i32>} : memref<640xf32, #tpu.memory_space<vmem>>, vector<16xf32>,
    %swap3A_141 = arith.constant 560 : index
    %swap3A_142 = tpu.vector_load %arg10[%swap3A_141] {strides = array<i32>} : memref<640xf32, #tpu.memory_space<vmem>>, vector<16xf32>,
    %swap3A_143 = vector.shape_cast %swap3A_142 : vector<16xf32> to vector<16xf32>
    %swap3A_144 = vector.shape_cast %broadcast_in_dim3A_1 : vector<16xf32> to vector<16xf32>
    tpu.vector_store %arg10[%swap3A_141], %swap3A_144 {strides = array<i32>} : memref<640xf32, #tpu.memory_space<vmem>>, vector<16xf32>,
    %swap3A_145 = arith.constant 576 : index
    %swap3A_146 = tpu.vector_load %arg10[%swap3A_145] {strides = array<i32>} : memref<640xf32, #tpu.memory_space<vmem>>, vector<16xf32>,
    %swap3A_147 = vector.shape_cast %swap3A_146 : vector<16xf32> to vector<16xf32>
    %swap3A_148 = vector.shape_cast %broadcast_in_dim3A_1 : vector<16xf32> to vector<16xf32>
    tpu.vector_store %arg10[%swap3A_145], %swap3A_148 {strides = array<i32>} : memref<640xf32, #tpu.memory_space<vmem>>, vector<16xf32>,
    %swap3A_149 = arith.constant 592 : index
    %swap3A_150 = tpu.vector_load %arg10[%swap3A_149] {strides = array<i32>} : memref<640xf32, #tpu.memory_space<vmem>>, vector<16xf32>,
    %swap3A_151 = vector.shape_cast %swap3A_150 : vector<16xf32> to vector<16xf32>
    %swap3A_152 = vector.shape_cast %broadcast_in_dim3A_1 : vector<16xf32> to vector<16xf32>
    tpu.vector_store %arg10[%swap3A_149], %swap3A_152 {strides = array<i32>} : memref<640xf32, #tpu.memory_space<vmem>>, vector<16xf32>,
    %swap3A_153 = arith.constant 608 : index
    %swap3A_154 = tpu.vector_load %arg10[%swap3A_153] {strides = array<i32>} : memref<640xf32, #tpu.memory_space<vmem>>, vector<16xf32>,
    %swap3A_155 = vector.shape_cast %swap3A_154 : vector<16xf32> to vector<16xf32>
    %swap3A_156 = vector.shape_cast %broadcast_in_dim3A_1 : vector<16xf32> to vector<16xf32>
    tpu.vector_store %arg10[%swap3A_153], %swap3A_156 {strides = array<i32>} : memref<640xf32, #tpu.memory_space<vmem>>, vector<16xf32>,
    %swap3A_157 = arith.constant 624 : index
    %swap3A_158 = tpu.vector_load %arg10[%swap3A_157] {strides = array<i32>} : memref<640xf32, #tpu.memory_space<vmem>>, vector<16xf32>,
    %swap3A_159 = vector.shape_cast %swap3A_158 : vector<16xf32> to vector<16xf32>
    %swap3A_160 = vector.shape_cast %broadcast_in_dim3A_1 : vector<16xf32> to vector<16xf32>
    tpu.vector_store %arg10[%swap3A_157], %swap3A_160 {strides = array<i32>} : memref<640xf32, #tpu.memory_space<vmem>>, vector<16xf32>,
    %lt3A = arith.constant 15 : i32
    %lt3A_161 = arith.cmpi slt, %arg1, %lt3A : i32
    %convert_element_type3A = arith.extui %lt3A_161 : i1 to i32
    %cond3A = arith.constant 0 : i32
    %cond3A_162 = arith.cmpi ne, %convert_element_type3A, %cond3A : i32
    scf.if %cond3A_162 {
      %mul3A_399 = arith.constant 624 : i32
      %mul3A_400 = arith.muli %arg1, %mul3A_399 : i32
      %multiple_of3A_401 = tpu.assume_multiple %mul3A_400, 8 : i32
      "tpu.region"() ({
        %run_scoped3A = tpu.sem_alloc : memref<!tpu.dma_semaphore, #tpu.memory_space<semaphore_mem>>
        %dma_start3A_402 = arith.constant 0 : i32
        %dma_start3A_403 = tpu.memref_slice %arg10[%dma_start3A_402] : memref<640xf32, #tpu.memory_space<vmem>> -> memref<624xf32, #tpu.memory_space<vmem>>
        %dma_start3A_404 = tpu.memref_slice %arg11[%multiple_of3A_401] : memref<10000xf32, #tpu.memory_space<vmem_shared>> -> memref<624xf32, #tpu.memory_space<vmem_shared>>
        %dma_start3A_405 = tpu.memref_slice %arg11[%multiple_of3A_401] : memref<10000xf32, #tpu.memory_space<vmem_shared>> -> memref<624xf32, #tpu.memory_space<vmem_shared>>
        %dma_start3A_406 = arith.constant 0 : i32
        %dma_start3A_407 = tpu.memref_slice %arg10[%dma_start3A_406] : memref<640xf32, #tpu.memory_space<vmem>> -> memref<624xf32, #tpu.memory_space<vmem>>
        tpu.enqueue_dma source(%dma_start3A_407 : memref<624xf32, #tpu.memory_space<vmem>>) target(%dma_start3A_405 : memref<624xf32, #tpu.memory_space<vmem_shared>>) target_semaphore(%run_scoped3A : memref<!tpu.dma_semaphore, #tpu.memory_space<semaphore_mem>>)
        %dma_wait3A_408 = arith.constant 0 : i32
        %dma_wait3A_409 = tpu.memref_slice %arg10[%dma_wait3A_408] : memref<640xf32, #tpu.memory_space<vmem>> -> memref<624xf32, #tpu.memory_space<vmem>>
        %dma_wait3A_410 = tpu.memref_slice %arg11[%multiple_of3A_401] : memref<10000xf32, #tpu.memory_space<vmem_shared>> -> memref<624xf32, #tpu.memory_space<vmem_shared>>
        %dma_wait3A_411 = tpu.memref_slice %arg11[%multiple_of3A_401] : memref<10000xf32, #tpu.memory_space<vmem_shared>> -> memref<624xf32, #tpu.memory_space<vmem_shared>>
        %dma_wait3A_412 = arith.constant 0 : i32
        %dma_wait3A_413 = tpu.memref_slice %arg10[%dma_wait3A_412] : memref<640xf32, #tpu.memory_space<vmem>> -> memref<624xf32, #tpu.memory_space<vmem>>
        tpu.wait_dma2 semaphore(%run_scoped3A : memref<!tpu.dma_semaphore, #tpu.memory_space<semaphore_mem>>) src(%dma_wait3A_413 : memref<624xf32, #tpu.memory_space<vmem>>) dst(%dma_wait3A_411 : memref<624xf32, #tpu.memory_space<vmem_shared>>)
        tpu.yield
      }) : () -> ()
    } else {
    }
    %eq3A = arith.constant 15 : i32
    %eq3A_163 = arith.cmpi eq, %arg1, %eq3A : i32
    %convert_element_type3A_164 = arith.extui %eq3A_163 : i1 to i32
    %cond3A_165 = arith.constant 0 : i32
    %cond3A_166 = arith.cmpi ne, %convert_element_type3A_164, %cond3A_165 : i32
    scf.if %cond3A_166 {
      "tpu.region"() ({
        %run_scoped3A = tpu.sem_alloc : memref<!tpu.dma_semaphore, #tpu.memory_space<semaphore_mem>>
        %dma_start3A_399 = arith.constant 0 : i32
        %dma_start3A_400 = tpu.memref_slice %arg10[%dma_start3A_399] : memref<640xf32, #tpu.memory_space<vmem>> -> memref<640xf32, #tpu.memory_space<vmem>>
        %dma_start3A_401 = arith.constant 9360 : i32
        %dma_start3A_402 = tpu.memref_slice %arg11[%dma_start3A_401] : memref<10000xf32, #tpu.memory_space<vmem_shared>> -> memref<640xf32, #tpu.memory_space<vmem_shared>>
        %dma_start3A_403 = arith.constant 9360 : i32
        %dma_start3A_404 = tpu.memref_slice %arg11[%dma_start3A_403] : memref<10000xf32, #tpu.memory_space<vmem_shared>> -> memref<640xf32, #tpu.memory_space<vmem_shared>>
        %dma_start3A_405 = arith.constant 0 : i32
        %dma_start3A_406 = tpu.memref_slice %arg10[%dma_start3A_405] : memref<640xf32, #tpu.memory_space<vmem>> -> memref<640xf32, #tpu.memory_space<vmem>>
        tpu.enqueue_dma source(%dma_start3A_406 : memref<640xf32, #tpu.memory_space<vmem>>) target(%dma_start3A_404 : memref<640xf32, #tpu.memory_space<vmem_shared>>) target_semaphore(%run_scoped3A : memref<!tpu.dma_semaphore, #tpu.memory_space<semaphore_mem>>)
        %dma_wait3A_407 = arith.constant 0 : i32
        %dma_wait3A_408 = tpu.memref_slice %arg10[%dma_wait3A_407] : memref<640xf32, #tpu.memory_space<vmem>> -> memref<640xf32, #tpu.memory_space<vmem>>
        %dma_wait3A_409 = arith.constant 9360 : i32
        %dma_wait3A_410 = tpu.memref_slice %arg11[%dma_wait3A_409] : memref<10000xf32, #tpu.memory_space<vmem_shared>> -> memref<640xf32, #tpu.memory_space<vmem_shared>>
        %dma_wait3A_411 = arith.constant 9360 : i32
        %dma_wait3A_412 = tpu.memref_slice %arg11[%dma_wait3A_411] : memref<10000xf32, #tpu.memory_space<vmem_shared>> -> memref<640xf32, #tpu.memory_space<vmem_shared>>
        %dma_wait3A_413 = arith.constant 0 : i32
        %dma_wait3A_414 = tpu.memref_slice %arg10[%dma_wait3A_413] : memref<640xf32, #tpu.memory_space<vmem>> -> memref<640xf32, #tpu.memory_space<vmem>>
        tpu.wait_dma2 semaphore(%run_scoped3A : memref<!tpu.dma_semaphore, #tpu.memory_space<semaphore_mem>>) src(%dma_wait3A_414 : memref<640xf32, #tpu.memory_space<vmem>>) dst(%dma_wait3A_412 : memref<640xf32, #tpu.memory_space<vmem_shared>>)
        tpu.yield
      }) : () -> ()
    } else {
    }
    %broadcast_in_dim3A_167 = arith.constant 1.000000e+00 : f32
    %broadcast_in_dim3A_168 = vector.broadcast %broadcast_in_dim3A_167 : f32 to vector<16xf32>
    %swap3A_169 = arith.constant 0 : index
    %swap3A_170 = tpu.vector_load %arg9[%swap3A_169] {strides = array<i32>} : memref<80xf32, #tpu.memory_space<vmem>>, vector<16xf32>,
    %swap3A_171 = vector.shape_cast %swap3A_170 : vector<16xf32> to vector<16xf32>
    %swap3A_172 = vector.shape_cast %broadcast_in_dim3A_168 : vector<16xf32> to vector<16xf32>
    tpu.vector_store %arg9[%swap3A_169], %swap3A_172 {strides = array<i32>} : memref<80xf32, #tpu.memory_space<vmem>>, vector<16xf32>,
    %swap3A_173 = arith.constant 16 : index
    %swap3A_174 = tpu.vector_load %arg9[%swap3A_173] {strides = array<i32>} : memref<80xf32, #tpu.memory_space<vmem>>, vector<16xf32>,
    %swap3A_175 = vector.shape_cast %swap3A_174 : vector<16xf32> to vector<16xf32>
    %swap3A_176 = vector.shape_cast %broadcast_in_dim3A_168 : vector<16xf32> to vector<16xf32>
    tpu.vector_store %arg9[%swap3A_173], %swap3A_176 {strides = array<i32>} : memref<80xf32, #tpu.memory_space<vmem>>, vector<16xf32>,
    %swap3A_177 = arith.constant 32 : index
    %swap3A_178 = tpu.vector_load %arg9[%swap3A_177] {strides = array<i32>} : memref<80xf32, #tpu.memory_space<vmem>>, vector<16xf32>,
    %swap3A_179 = vector.shape_cast %swap3A_178 : vector<16xf32> to vector<16xf32>
    %swap3A_180 = vector.shape_cast %broadcast_in_dim3A_168 : vector<16xf32> to vector<16xf32>
    tpu.vector_store %arg9[%swap3A_177], %swap3A_180 {strides = array<i32>} : memref<80xf32, #tpu.memory_space<vmem>>, vector<16xf32>,
    %swap3A_181 = arith.constant 48 : index
    %swap3A_182 = tpu.vector_load %arg9[%swap3A_181] {strides = array<i32>} : memref<80xf32, #tpu.memory_space<vmem>>, vector<16xf32>,
    %swap3A_183 = vector.shape_cast %swap3A_182 : vector<16xf32> to vector<16xf32>
    %swap3A_184 = vector.shape_cast %broadcast_in_dim3A_168 : vector<16xf32> to vector<16xf32>
    tpu.vector_store %arg9[%swap3A_181], %swap3A_184 {strides = array<i32>} : memref<80xf32, #tpu.memory_space<vmem>>, vector<16xf32>,
    %swap3A_185 = arith.constant 64 : index
    %swap3A_186 = tpu.vector_load %arg9[%swap3A_185] {strides = array<i32>} : memref<80xf32, #tpu.memory_space<vmem>>, vector<16xf32>,
    %swap3A_187 = vector.shape_cast %swap3A_186 : vector<16xf32> to vector<16xf32>
    %swap3A_188 = vector.shape_cast %broadcast_in_dim3A_168 : vector<16xf32> to vector<16xf32>
    tpu.vector_store %arg9[%swap3A_185], %swap3A_188 {strides = array<i32>} : memref<80xf32, #tpu.memory_space<vmem>>, vector<16xf32>,
    %mul3A_189 = arith.constant 10000 : i32
    %mul3A_190 = arith.muli %add3A, %mul3A_189 : i32
    %multiple_of3A = tpu.assume_multiple %mul3A_190, 8 : i32
    "tpu.region"() ({
      %run_scoped3A = tpu.sem_alloc : memref<!tpu.dma_semaphore, #tpu.memory_space<semaphore_mem>>
      %dma_start3A_399 = tpu.memref_slice %arg2[%multiple_of3A] : memref<320000xi32, #tpu.memory_space<hbm>> -> memref<10000xi32, #tpu.memory_space<hbm>>
      %dma_start3A_400 = tpu.memref_slice %arg2[%multiple_of3A] : memref<320000xi32, #tpu.memory_space<hbm>> -> memref<10000xi32, #tpu.memory_space<hbm>>
      tpu.enqueue_dma source(%dma_start3A_400 : memref<10000xi32, #tpu.memory_space<hbm>>) target(%arg4 : memref<10000xi32, #tpu.memory_space<vmem>>) target_semaphore(%run_scoped3A : memref<!tpu.dma_semaphore, #tpu.memory_space<semaphore_mem>>)
      %dma_wait3A_401 = tpu.memref_slice %arg2[%multiple_of3A] : memref<320000xi32, #tpu.memory_space<hbm>> -> memref<10000xi32, #tpu.memory_space<hbm>>
      %dma_wait3A_402 = tpu.memref_slice %arg2[%multiple_of3A] : memref<320000xi32, #tpu.memory_space<hbm>> -> memref<10000xi32, #tpu.memory_space<hbm>>
      tpu.wait_dma2 semaphore(%run_scoped3A : memref<!tpu.dma_semaphore, #tpu.memory_space<semaphore_mem>>) src(%dma_wait3A_402 : memref<10000xi32, #tpu.memory_space<hbm>>) dst(%arg4 : memref<10000xi32, #tpu.memory_space<vmem>>)
      tpu.yield
    }) : () -> ()
    %barrier3A = arith.constant 0 : index
    tpu.barrier barrier_id(%barrier3A)
    %get3A = arith.constant 0 : index
    %get3A_191 = tpu.vector_load %arg4[%get3A] {strides = array<i32>} : memref<10000xi32, #tpu.memory_space<vmem>>, vector<16xi32>,
    %get3A_192 = vector.shape_cast %get3A_191 : vector<16xi32> to vector<16xi32>
    %swap3A_193 = arith.constant 0 : index
    %swap3A_194 = tpu.vector_load %arg5[%swap3A_193] {strides = array<i32>} : memref<80xi32, #tpu.memory_space<vmem>>, vector<16xi32>,
    %swap3A_195 = vector.shape_cast %swap3A_194 : vector<16xi32> to vector<16xi32>
    %swap3A_196 = vector.shape_cast %get3A_192 : vector<16xi32> to vector<16xi32>
    tpu.vector_store %arg5[%swap3A_193], %swap3A_196 {strides = array<i32>} : memref<80xi32, #tpu.memory_space<vmem>>, vector<16xi32>,
    %get3A_197 = arith.constant 16 : index
    %get3A_198 = tpu.vector_load %arg4[%get3A_197] {strides = array<i32>} : memref<10000xi32, #tpu.memory_space<vmem>>, vector<16xi32>,
    %get3A_199 = vector.shape_cast %get3A_198 : vector<16xi32> to vector<16xi32>
    %swap3A_200 = arith.constant 16 : index
    %swap3A_201 = tpu.vector_load %arg5[%swap3A_200] {strides = array<i32>} : memref<80xi32, #tpu.memory_space<vmem>>, vector<16xi32>,
    %swap3A_202 = vector.shape_cast %swap3A_201 : vector<16xi32> to vector<16xi32>
    %swap3A_203 = vector.shape_cast %get3A_199 : vector<16xi32> to vector<16xi32>
    tpu.vector_store %arg5[%swap3A_200], %swap3A_203 {strides = array<i32>} : memref<80xi32, #tpu.memory_space<vmem>>, vector<16xi32>,
    %get3A_204 = arith.constant 32 : index
    %get3A_205 = tpu.vector_load %arg4[%get3A_204] {strides = array<i32>} : memref<10000xi32, #tpu.memory_space<vmem>>, vector<16xi32>,
    %get3A_206 = vector.shape_cast %get3A_205 : vector<16xi32> to vector<16xi32>
    %swap3A_207 = arith.constant 32 : index
    %swap3A_208 = tpu.vector_load %arg5[%swap3A_207] {strides = array<i32>} : memref<80xi32, #tpu.memory_space<vmem>>, vector<16xi32>,
    %swap3A_209 = vector.shape_cast %swap3A_208 : vector<16xi32> to vector<16xi32>
    %swap3A_210 = vector.shape_cast %get3A_206 : vector<16xi32> to vector<16xi32>
    tpu.vector_store %arg5[%swap3A_207], %swap3A_210 {strides = array<i32>} : memref<80xi32, #tpu.memory_space<vmem>>, vector<16xi32>,
    %get3A_211 = arith.constant 48 : index
    %get3A_212 = tpu.vector_load %arg4[%get3A_211] {strides = array<i32>} : memref<10000xi32, #tpu.memory_space<vmem>>, vector<16xi32>,
    %get3A_213 = vector.shape_cast %get3A_212 : vector<16xi32> to vector<16xi32>
    %swap3A_214 = arith.constant 48 : index
    %swap3A_215 = tpu.vector_load %arg5[%swap3A_214] {strides = array<i32>} : memref<80xi32, #tpu.memory_space<vmem>>, vector<16xi32>,
    %swap3A_216 = vector.shape_cast %swap3A_215 : vector<16xi32> to vector<16xi32>
    %swap3A_217 = vector.shape_cast %get3A_213 : vector<16xi32> to vector<16xi32>
    tpu.vector_store %arg5[%swap3A_214], %swap3A_217 {strides = array<i32>} : memref<80xi32, #tpu.memory_space<vmem>>, vector<16xi32>,
    %get3A_218 = arith.constant 64 : index
    %get3A_219 = tpu.vector_load %arg4[%get3A_218] {strides = array<i32>} : memref<10000xi32, #tpu.memory_space<vmem>>, vector<16xi32>,
    %get3A_220 = vector.shape_cast %get3A_219 : vector<16xi32> to vector<16xi32>
    %swap3A_221 = arith.constant 64 : index
    %swap3A_222 = tpu.vector_load %arg5[%swap3A_221] {strides = array<i32>} : memref<80xi32, #tpu.memory_space<vmem>>, vector<16xi32>,
    %swap3A_223 = vector.shape_cast %swap3A_222 : vector<16xi32> to vector<16xi32>
    %swap3A_224 = vector.shape_cast %get3A_220 : vector<16xi32> to vector<16xi32>
    tpu.vector_store %arg5[%swap3A_221], %swap3A_224 {strides = array<i32>} : memref<80xi32, #tpu.memory_space<vmem>>, vector<16xi32>,
    %dma_start3A = arith.constant 0 : i32
    %dma_start3A_225 = tpu.memref_slice %arg11[%dma_start3A] : memref<10000xf32, #tpu.memory_space<vmem_shared>> -> memref<10000xf32, #tpu.memory_space<vmem_shared>>
    tpu.enqueue_indirect_dma source(%arg9 : memref<80xf32, #tpu.memory_space<vmem>>) target(%dma_start3A_225 : memref<10000xf32, #tpu.memory_space<vmem_shared>>) offsets(%arg5 : memref<80xi32, #tpu.memory_space<vmem>>) semaphore(%arg12 : memref<!tpu.dma_semaphore, #tpu.memory_space<semaphore_mem>>) {add = true}
    %get3A_226 = arith.constant 80 : index
    %get3A_227 = tpu.vector_load %arg4[%get3A_226] {strides = array<i32>} : memref<10000xi32, #tpu.memory_space<vmem>>, vector<16xi32>,
    %get3A_228 = vector.shape_cast %get3A_227 : vector<16xi32> to vector<16xi32>
    %swap3A_229 = arith.constant 0 : index
    %swap3A_230 = tpu.vector_load %arg6[%swap3A_229] {strides = array<i32>} : memref<80xi32, #tpu.memory_space<vmem>>, vector<16xi32>,
    %swap3A_231 = vector.shape_cast %swap3A_230 : vector<16xi32> to vector<16xi32>
    %swap3A_232 = vector.shape_cast %get3A_228 : vector<16xi32> to vector<16xi32>
    tpu.vector_store %arg6[%swap3A_229], %swap3A_232 {strides = array<i32>} : memref<80xi32, #tpu.memory_space<vmem>>, vector<16xi32>,
    %get3A_233 = arith.constant 96 : index
    %get3A_234 = tpu.vector_load %arg4[%get3A_233] {strides = array<i32>} : memref<10000xi32, #tpu.memory_space<vmem>>, vector<16xi32>,
    %get3A_235 = vector.shape_cast %get3A_234 : vector<16xi32> to vector<16xi32>
    %swap3A_236 = arith.constant 16 : index
    %swap3A_237 = tpu.vector_load %arg6[%swap3A_236] {strides = array<i32>} : memref<80xi32, #tpu.memory_space<vmem>>, vector<16xi32>,
    %swap3A_238 = vector.shape_cast %swap3A_237 : vector<16xi32> to vector<16xi32>
    %swap3A_239 = vector.shape_cast %get3A_235 : vector<16xi32> to vector<16xi32>
    tpu.vector_store %arg6[%swap3A_236], %swap3A_239 {strides = array<i32>} : memref<80xi32, #tpu.memory_space<vmem>>, vector<16xi32>,
    %get3A_240 = arith.constant 112 : index
    %get3A_241 = tpu.vector_load %arg4[%get3A_240] {strides = array<i32>} : memref<10000xi32, #tpu.memory_space<vmem>>, vector<16xi32>,
    %get3A_242 = vector.shape_cast %get3A_241 : vector<16xi32> to vector<16xi32>
    %swap3A_243 = arith.constant 32 : index
    %swap3A_244 = tpu.vector_load %arg6[%swap3A_243] {strides = array<i32>} : memref<80xi32, #tpu.memory_space<vmem>>, vector<16xi32>,
    %swap3A_245 = vector.shape_cast %swap3A_244 : vector<16xi32> to vector<16xi32>
    %swap3A_246 = vector.shape_cast %get3A_242 : vector<16xi32> to vector<16xi32>
    tpu.vector_store %arg6[%swap3A_243], %swap3A_246 {strides = array<i32>} : memref<80xi32, #tpu.memory_space<vmem>>, vector<16xi32>,
    %get3A_247 = arith.constant 128 : index
    %get3A_248 = tpu.vector_load %arg4[%get3A_247] {strides = array<i32>} : memref<10000xi32, #tpu.memory_space<vmem>>, vector<16xi32>,
    %get3A_249 = vector.shape_cast %get3A_248 : vector<16xi32> to vector<16xi32>
    %swap3A_250 = arith.constant 48 : index
    %swap3A_251 = tpu.vector_load %arg6[%swap3A_250] {strides = array<i32>} : memref<80xi32, #tpu.memory_space<vmem>>, vector<16xi32>,
    %swap3A_252 = vector.shape_cast %swap3A_251 : vector<16xi32> to vector<16xi32>
    %swap3A_253 = vector.shape_cast %get3A_249 : vector<16xi32> to vector<16xi32>
    tpu.vector_store %arg6[%swap3A_250], %swap3A_253 {strides = array<i32>} : memref<80xi32, #tpu.memory_space<vmem>>, vector<16xi32>,
    %get3A_254 = arith.constant 144 : index
    %get3A_255 = tpu.vector_load %arg4[%get3A_254] {strides = array<i32>} : memref<10000xi32, #tpu.memory_space<vmem>>, vector<16xi32>,
    %get3A_256 = vector.shape_cast %get3A_255 : vector<16xi32> to vector<16xi32>
    %swap3A_257 = arith.constant 64 : index
    %swap3A_258 = tpu.vector_load %arg6[%swap3A_257] {strides = array<i32>} : memref<80xi32, #tpu.memory_space<vmem>>, vector<16xi32>,
    %swap3A_259 = vector.shape_cast %swap3A_258 : vector<16xi32> to vector<16xi32>
    %swap3A_260 = vector.shape_cast %get3A_256 : vector<16xi32> to vector<16xi32>
    tpu.vector_store %arg6[%swap3A_257], %swap3A_260 {strides = array<i32>} : memref<80xi32, #tpu.memory_space<vmem>>, vector<16xi32>,
    %dma_start3A_261 = arith.constant 0 : i32
    %dma_start3A_262 = tpu.memref_slice %arg11[%dma_start3A_261] : memref<10000xf32, #tpu.memory_space<vmem_shared>> -> memref<10000xf32, #tpu.memory_space<vmem_shared>>
    tpu.enqueue_indirect_dma source(%arg9 : memref<80xf32, #tpu.memory_space<vmem>>) target(%dma_start3A_262 : memref<10000xf32, #tpu.memory_space<vmem_shared>>) offsets(%arg6 : memref<80xi32, #tpu.memory_space<vmem>>) semaphore(%arg13 : memref<!tpu.dma_semaphore, #tpu.memory_space<semaphore_mem>>) {add = true}
    %get3A_263 = arith.constant 160 : index
    %get3A_264 = tpu.vector_load %arg4[%get3A_263] {strides = array<i32>} : memref<10000xi32, #tpu.memory_space<vmem>>, vector<16xi32>,
    %get3A_265 = vector.shape_cast %get3A_264 : vector<16xi32> to vector<16xi32>
    %swap3A_266 = arith.constant 0 : index
    %swap3A_267 = tpu.vector_load %arg7[%swap3A_266] {strides = array<i32>} : memref<80xi32, #tpu.memory_space<vmem>>, vector<16xi32>,
    %swap3A_268 = vector.shape_cast %swap3A_267 : vector<16xi32> to vector<16xi32>
    %swap3A_269 = vector.shape_cast %get3A_265 : vector<16xi32> to vector<16xi32>
    tpu.vector_store %arg7[%swap3A_266], %swap3A_269 {strides = array<i32>} : memref<80xi32, #tpu.memory_space<vmem>>, vector<16xi32>,
    %get3A_270 = arith.constant 176 : index
    %get3A_271 = tpu.vector_load %arg4[%get3A_270] {strides = array<i32>} : memref<10000xi32, #tpu.memory_space<vmem>>, vector<16xi32>,
    %get3A_272 = vector.shape_cast %get3A_271 : vector<16xi32> to vector<16xi32>
    %swap3A_273 = arith.constant 16 : index
    %swap3A_274 = tpu.vector_load %arg7[%swap3A_273] {strides = array<i32>} : memref<80xi32, #tpu.memory_space<vmem>>, vector<16xi32>,
    %swap3A_275 = vector.shape_cast %swap3A_274 : vector<16xi32> to vector<16xi32>
    %swap3A_276 = vector.shape_cast %get3A_272 : vector<16xi32> to vector<16xi32>
    tpu.vector_store %arg7[%swap3A_273], %swap3A_276 {strides = array<i32>} : memref<80xi32, #tpu.memory_space<vmem>>, vector<16xi32>,
    %get3A_277 = arith.constant 192 : index
    %get3A_278 = tpu.vector_load %arg4[%get3A_277] {strides = array<i32>} : memref<10000xi32, #tpu.memory_space<vmem>>, vector<16xi32>,
    %get3A_279 = vector.shape_cast %get3A_278 : vector<16xi32> to vector<16xi32>
    %swap3A_280 = arith.constant 32 : index
    %swap3A_281 = tpu.vector_load %arg7[%swap3A_280] {strides = array<i32>} : memref<80xi32, #tpu.memory_space<vmem>>, vector<16xi32>,
    %swap3A_282 = vector.shape_cast %swap3A_281 : vector<16xi32> to vector<16xi32>
    %swap3A_283 = vector.shape_cast %get3A_279 : vector<16xi32> to vector<16xi32>
    tpu.vector_store %arg7[%swap3A_280], %swap3A_283 {strides = array<i32>} : memref<80xi32, #tpu.memory_space<vmem>>, vector<16xi32>,
    %get3A_284 = arith.constant 208 : index
    %get3A_285 = tpu.vector_load %arg4[%get3A_284] {strides = array<i32>} : memref<10000xi32, #tpu.memory_space<vmem>>, vector<16xi32>,
    %get3A_286 = vector.shape_cast %get3A_285 : vector<16xi32> to vector<16xi32>
    %swap3A_287 = arith.constant 48 : index
    %swap3A_288 = tpu.vector_load %arg7[%swap3A_287] {strides = array<i32>} : memref<80xi32, #tpu.memory_space<vmem>>, vector<16xi32>,
    %swap3A_289 = vector.shape_cast %swap3A_288 : vector<16xi32> to vector<16xi32>
    %swap3A_290 = vector.shape_cast %get3A_286 : vector<16xi32> to vector<16xi32>
    tpu.vector_store %arg7[%swap3A_287], %swap3A_290 {strides = array<i32>} : memref<80xi32, #tpu.memory_space<vmem>>, vector<16xi32>,
    %get3A_291 = arith.constant 224 : index
    %get3A_292 = tpu.vector_load %arg4[%get3A_291] {strides = array<i32>} : memref<10000xi32, #tpu.memory_space<vmem>>, vector<16xi32>,
    %get3A_293 = vector.shape_cast %get3A_292 : vector<16xi32> to vector<16xi32>
    %swap3A_294 = arith.constant 64 : index
    %swap3A_295 = tpu.vector_load %arg7[%swap3A_294] {strides = array<i32>} : memref<80xi32, #tpu.memory_space<vmem>>, vector<16xi32>,
    %swap3A_296 = vector.shape_cast %swap3A_295 : vector<16xi32> to vector<16xi32>
    %swap3A_297 = vector.shape_cast %get3A_293 : vector<16xi32> to vector<16xi32>
    tpu.vector_store %arg7[%swap3A_294], %swap3A_297 {strides = array<i32>} : memref<80xi32, #tpu.memory_space<vmem>>, vector<16xi32>,
    %dma_start3A_298 = arith.constant 0 : i32
    %dma_start3A_299 = tpu.memref_slice %arg11[%dma_start3A_298] : memref<10000xf32, #tpu.memory_space<vmem_shared>> -> memref<10000xf32, #tpu.memory_space<vmem_shared>>
    tpu.enqueue_indirect_dma source(%arg9 : memref<80xf32, #tpu.memory_space<vmem>>) target(%dma_start3A_299 : memref<10000xf32, #tpu.memory_space<vmem_shared>>) offsets(%arg7 : memref<80xi32, #tpu.memory_space<vmem>>) semaphore(%arg14 : memref<!tpu.dma_semaphore, #tpu.memory_space<semaphore_mem>>) {add = true}
    %get3A_300 = arith.constant 240 : index
    %get3A_301 = tpu.vector_load %arg4[%get3A_300] {strides = array<i32>} : memref<10000xi32, #tpu.memory_space<vmem>>, vector<16xi32>,
    %get3A_302 = vector.shape_cast %get3A_301 : vector<16xi32> to vector<16xi32>
    %swap3A_303 = arith.constant 0 : index
    %swap3A_304 = tpu.vector_load %arg8[%swap3A_303] {strides = array<i32>} : memref<80xi32, #tpu.memory_space<vmem>>, vector<16xi32>,
    %swap3A_305 = vector.shape_cast %swap3A_304 : vector<16xi32> to vector<16xi32>
    %swap3A_306 = vector.shape_cast %get3A_302 : vector<16xi32> to vector<16xi32>
    tpu.vector_store %arg8[%swap3A_303], %swap3A_306 {strides = array<i32>} : memref<80xi32, #tpu.memory_space<vmem>>, vector<16xi32>,
    %get3A_307 = arith.constant 256 : index
    %get3A_308 = tpu.vector_load %arg4[%get3A_307] {strides = array<i32>} : memref<10000xi32, #tpu.memory_space<vmem>>, vector<16xi32>,
    %get3A_309 = vector.shape_cast %get3A_308 : vector<16xi32> to vector<16xi32>
    %swap3A_310 = arith.constant 16 : index
    %swap3A_311 = tpu.vector_load %arg8[%swap3A_310] {strides = array<i32>} : memref<80xi32, #tpu.memory_space<vmem>>, vector<16xi32>,
    %swap3A_312 = vector.shape_cast %swap3A_311 : vector<16xi32> to vector<16xi32>
    %swap3A_313 = vector.shape_cast %get3A_309 : vector<16xi32> to vector<16xi32>
    tpu.vector_store %arg8[%swap3A_310], %swap3A_313 {strides = array<i32>} : memref<80xi32, #tpu.memory_space<vmem>>, vector<16xi32>,
    %get3A_314 = arith.constant 272 : index
    %get3A_315 = tpu.vector_load %arg4[%get3A_314] {strides = array<i32>} : memref<10000xi32, #tpu.memory_space<vmem>>, vector<16xi32>,
    %get3A_316 = vector.shape_cast %get3A_315 : vector<16xi32> to vector<16xi32>
    %swap3A_317 = arith.constant 32 : index
    %swap3A_318 = tpu.vector_load %arg8[%swap3A_317] {strides = array<i32>} : memref<80xi32, #tpu.memory_space<vmem>>, vector<16xi32>,
    %swap3A_319 = vector.shape_cast %swap3A_318 : vector<16xi32> to vector<16xi32>
    %swap3A_320 = vector.shape_cast %get3A_316 : vector<16xi32> to vector<16xi32>
    tpu.vector_store %arg8[%swap3A_317], %swap3A_320 {strides = array<i32>} : memref<80xi32, #tpu.memory_space<vmem>>, vector<16xi32>,
    %get3A_321 = arith.constant 288 : index
    %get3A_322 = tpu.vector_load %arg4[%get3A_321] {strides = array<i32>} : memref<10000xi32, #tpu.memory_space<vmem>>, vector<16xi32>,
    %get3A_323 = vector.shape_cast %get3A_322 : vector<16xi32> to vector<16xi32>
    %swap3A_324 = arith.constant 48 : index
    %swap3A_325 = tpu.vector_load %arg8[%swap3A_324] {strides = array<i32>} : memref<80xi32, #tpu.memory_space<vmem>>, vector<16xi32>,
    %swap3A_326 = vector.shape_cast %swap3A_325 : vector<16xi32> to vector<16xi32>
    %swap3A_327 = vector.shape_cast %get3A_323 : vector<16xi32> to vector<16xi32>
    tpu.vector_store %arg8[%swap3A_324], %swap3A_327 {strides = array<i32>} : memref<80xi32, #tpu.memory_space<vmem>>, vector<16xi32>,
    %get3A_328 = arith.constant 304 : index
    %get3A_329 = tpu.vector_load %arg4[%get3A_328] {strides = array<i32>} : memref<10000xi32, #tpu.memory_space<vmem>>, vector<16xi32>,
    %get3A_330 = vector.shape_cast %get3A_329 : vector<16xi32> to vector<16xi32>
    %swap3A_331 = arith.constant 64 : index
    %swap3A_332 = tpu.vector_load %arg8[%swap3A_331] {strides = array<i32>} : memref<80xi32, #tpu.memory_space<vmem>>, vector<16xi32>,
    %swap3A_333 = vector.shape_cast %swap3A_332 : vector<16xi32> to vector<16xi32>
    %swap3A_334 = vector.shape_cast %get3A_330 : vector<16xi32> to vector<16xi32>
    tpu.vector_store %arg8[%swap3A_331], %swap3A_334 {strides = array<i32>} : memref<80xi32, #tpu.memory_space<vmem>>, vector<16xi32>,
    %dma_start3A_335 = arith.constant 0 : i32
    %dma_start3A_336 = tpu.memref_slice %arg11[%dma_start3A_335] : memref<10000xf32, #tpu.memory_space<vmem_shared>> -> memref<10000xf32, #tpu.memory_space<vmem_shared>>
    tpu.enqueue_indirect_dma source(%arg9 : memref<80xf32, #tpu.memory_space<vmem>>) target(%dma_start3A_336 : memref<10000xf32, #tpu.memory_space<vmem_shared>>) offsets(%arg8 : memref<80xi32, #tpu.memory_space<vmem>>) semaphore(%arg15 : memref<!tpu.dma_semaphore, #tpu.memory_space<semaphore_mem>>) {add = true}
    %scan3A = arith.constant 0 : i32
    %scan3A_337 = arith.constant 0 : i32
    %scan3A_338 = arith.constant 30 : i32
    %scan3A_339 = arith.addi %scan3A_337, %scan3A_338 : i32
    %scan3A_340 = arith.constant 1 : i32
    scf.for %scan3A_399 = %scan3A_337 to %scan3A_339 step %scan3A_340  : i32 {
      %mul3A_400 = arith.constant 4 : i32
      %mul3A_401 = arith.muli %mul3A_400, %scan3A_399 : i32
      %add3A_402 = arith.constant 4 : i32
      %add3A_403 = arith.addi %add3A_402, %mul3A_401 : i32
      %dma_wait3A_404 = arith.constant 0 : i32
      %dma_wait3A_405 = tpu.memref_slice %arg11[%dma_wait3A_404] : memref<10000xf32, #tpu.memory_space<vmem_shared>> -> memref<10000xf32, #tpu.memory_space<vmem_shared>>
      tpu.wait_indirect_dma semaphore(%arg12 : memref<!tpu.dma_semaphore, #tpu.memory_space<semaphore_mem>>) src(%arg9 : memref<80xf32, #tpu.memory_space<vmem>>) dst(%dma_wait3A_405 : memref<10000xf32, #tpu.memory_space<vmem_shared>>)
      %add3A_406 = arith.constant 0 : i32
      %add3A_407 = arith.addi %add3A_403, %add3A_406 : i32
      %mul3A_408 = arith.constant 80 : i32
      %mul3A_409 = arith.muli %add3A_407, %mul3A_408 : i32
      %add3A_410 = arith.constant 0 : i32
      %add3A_411 = arith.addi %mul3A_409, %add3A_410 : i32
      %get3A_412 = arith.index_cast %add3A_411 : i32 to index
      %get3A_413 = tpu.vector_load %arg4[%get3A_412] {strides = array<i32>} : memref<10000xi32, #tpu.memory_space<vmem>>, vector<16xi32>,
      %get3A_414 = vector.shape_cast %get3A_413 : vector<16xi32> to vector<16xi32>
      %swap3A_415 = arith.constant 0 : index
      %swap3A_416 = tpu.vector_load %arg5[%swap3A_415] {strides = array<i32>} : memref<80xi32, #tpu.memory_space<vmem>>, vector<16xi32>,
      %swap3A_417 = vector.shape_cast %swap3A_416 : vector<16xi32> to vector<16xi32>
      %swap3A_418 = vector.shape_cast %get3A_414 : vector<16xi32> to vector<16xi32>
      tpu.vector_store %arg5[%swap3A_415], %swap3A_418 {strides = array<i32>} : memref<80xi32, #tpu.memory_space<vmem>>, vector<16xi32>,
      %mul3A_419 = arith.constant 80 : i32
      %mul3A_420 = arith.muli %add3A_407, %mul3A_419 : i32
      %add3A_421 = arith.constant 16 : i32
      %add3A_422 = arith.addi %mul3A_420, %add3A_421 : i32
      %get3A_423 = arith.index_cast %add3A_422 : i32 to index
      %get3A_424 = tpu.vector_load %arg4[%get3A_423] {strides = array<i32>} : memref<10000xi32, #tpu.memory_space<vmem>>, vector<16xi32>,
      %get3A_425 = vector.shape_cast %get3A_424 : vector<16xi32> to vector<16xi32>
      %swap3A_426 = arith.constant 16 : index
      %swap3A_427 = tpu.vector_load %arg5[%swap3A_426] {strides = array<i32>} : memref<80xi32, #tpu.memory_space<vmem>>, vector<16xi32>,
      %swap3A_428 = vector.shape_cast %swap3A_427 : vector<16xi32> to vector<16xi32>
      %swap3A_429 = vector.shape_cast %get3A_425 : vector<16xi32> to vector<16xi32>
      tpu.vector_store %arg5[%swap3A_426], %swap3A_429 {strides = array<i32>} : memref<80xi32, #tpu.memory_space<vmem>>, vector<16xi32>,
      %mul3A_430 = arith.constant 80 : i32
      %mul3A_431 = arith.muli %add3A_407, %mul3A_430 : i32
      %add3A_432 = arith.constant 32 : i32
      %add3A_433 = arith.addi %mul3A_431, %add3A_432 : i32
      %get3A_434 = arith.index_cast %add3A_433 : i32 to index
      %get3A_435 = tpu.vector_load %arg4[%get3A_434] {strides = array<i32>} : memref<10000xi32, #tpu.memory_space<vmem>>, vector<16xi32>,
      %get3A_436 = vector.shape_cast %get3A_435 : vector<16xi32> to vector<16xi32>
      %swap3A_437 = arith.constant 32 : index
      %swap3A_438 = tpu.vector_load %arg5[%swap3A_437] {strides = array<i32>} : memref<80xi32, #tpu.memory_space<vmem>>, vector<16xi32>,
      %swap3A_439 = vector.shape_cast %swap3A_438 : vector<16xi32> to vector<16xi32>
      %swap3A_440 = vector.shape_cast %get3A_436 : vector<16xi32> to vector<16xi32>
      tpu.vector_store %arg5[%swap3A_437], %swap3A_440 {strides = array<i32>} : memref<80xi32, #tpu.memory_space<vmem>>, vector<16xi32>,
      %mul3A_441 = arith.constant 80 : i32
      %mul3A_442 = arith.muli %add3A_407, %mul3A_441 : i32
      %add3A_443 = arith.constant 48 : i32
      %add3A_444 = arith.addi %mul3A_442, %add3A_443 : i32
      %get3A_445 = arith.index_cast %add3A_444 : i32 to index
      %get3A_446 = tpu.vector_load %arg4[%get3A_445] {strides = array<i32>} : memref<10000xi32, #tpu.memory_space<vmem>>, vector<16xi32>,
      %get3A_447 = vector.shape_cast %get3A_446 : vector<16xi32> to vector<16xi32>
      %swap3A_448 = arith.constant 48 : index
      %swap3A_449 = tpu.vector_load %arg5[%swap3A_448] {strides = array<i32>} : memref<80xi32, #tpu.memory_space<vmem>>, vector<16xi32>,
      %swap3A_450 = vector.shape_cast %swap3A_449 : vector<16xi32> to vector<16xi32>
      %swap3A_451 = vector.shape_cast %get3A_447 : vector<16xi32> to vector<16xi32>
      tpu.vector_store %arg5[%swap3A_448], %swap3A_451 {strides = array<i32>} : memref<80xi32, #tpu.memory_space<vmem>>, vector<16xi32>,
      %mul3A_452 = arith.constant 80 : i32
      %mul3A_453 = arith.muli %add3A_407, %mul3A_452 : i32
      %add3A_454 = arith.constant 64 : i32
      %add3A_455 = arith.addi %mul3A_453, %add3A_454 : i32
      %get3A_456 = arith.index_cast %add3A_455 : i32 to index
      %get3A_457 = tpu.vector_load %arg4[%get3A_456] {strides = array<i32>} : memref<10000xi32, #tpu.memory_space<vmem>>, vector<16xi32>,
      %get3A_458 = vector.shape_cast %get3A_457 : vector<16xi32> to vector<16xi32>
      %swap3A_459 = arith.constant 64 : index
      %swap3A_460 = tpu.vector_load %arg5[%swap3A_459] {strides = array<i32>} : memref<80xi32, #tpu.memory_space<vmem>>, vector<16xi32>,
      %swap3A_461 = vector.shape_cast %swap3A_460 : vector<16xi32> to vector<16xi32>
      %swap3A_462 = vector.shape_cast %get3A_458 : vector<16xi32> to vector<16xi32>
      tpu.vector_store %arg5[%swap3A_459], %swap3A_462 {strides = array<i32>} : memref<80xi32, #tpu.memory_space<vmem>>, vector<16xi32>,
      %dma_start3A_463 = arith.constant 0 : i32
      %dma_start3A_464 = tpu.memref_slice %arg11[%dma_start3A_463] : memref<10000xf32, #tpu.memory_space<vmem_shared>> -> memref<10000xf32, #tpu.memory_space<vmem_shared>>
      tpu.enqueue_indirect_dma source(%arg9 : memref<80xf32, #tpu.memory_space<vmem>>) target(%dma_start3A_464 : memref<10000xf32, #tpu.memory_space<vmem_shared>>) offsets(%arg5 : memref<80xi32, #tpu.memory_space<vmem>>) semaphore(%arg12 : memref<!tpu.dma_semaphore, #tpu.memory_space<semaphore_mem>>) {add = true}
      %dma_wait3A_465 = arith.constant 0 : i32
      %dma_wait3A_466 = tpu.memref_slice %arg11[%dma_wait3A_465] : memref<10000xf32, #tpu.memory_space<vmem_shared>> -> memref<10000xf32, #tpu.memory_space<vmem_shared>>
      tpu.wait_indirect_dma semaphore(%arg13 : memref<!tpu.dma_semaphore, #tpu.memory_space<semaphore_mem>>) src(%arg9 : memref<80xf32, #tpu.memory_space<vmem>>) dst(%dma_wait3A_466 : memref<10000xf32, #tpu.memory_space<vmem_shared>>)
      %add3A_467 = arith.constant 1 : i32
      %add3A_468 = arith.addi %add3A_403, %add3A_467 : i32
      %mul3A_469 = arith.constant 80 : i32
      %mul3A_470 = arith.muli %add3A_468, %mul3A_469 : i32
      %add3A_471 = arith.constant 0 : i32
      %add3A_472 = arith.addi %mul3A_470, %add3A_471 : i32
      %get3A_473 = arith.index_cast %add3A_472 : i32 to index
      %get3A_474 = tpu.vector_load %arg4[%get3A_473] {strides = array<i32>} : memref<10000xi32, #tpu.memory_space<vmem>>, vector<16xi32>,
      %get3A_475 = vector.shape_cast %get3A_474 : vector<16xi32> to vector<16xi32>
      %swap3A_476 = arith.constant 0 : index
      %swap3A_477 = tpu.vector_load %arg6[%swap3A_476] {strides = array<i32>} : memref<80xi32, #tpu.memory_space<vmem>>, vector<16xi32>,
      %swap3A_478 = vector.shape_cast %swap3A_477 : vector<16xi32> to vector<16xi32>
      %swap3A_479 = vector.shape_cast %get3A_475 : vector<16xi32> to vector<16xi32>
      tpu.vector_store %arg6[%swap3A_476], %swap3A_479 {strides = array<i32>} : memref<80xi32, #tpu.memory_space<vmem>>, vector<16xi32>,
      %mul3A_480 = arith.constant 80 : i32
      %mul3A_481 = arith.muli %add3A_468, %mul3A_480 : i32
      %add3A_482 = arith.constant 16 : i32
      %add3A_483 = arith.addi %mul3A_481, %add3A_482 : i32
      %get3A_484 = arith.index_cast %add3A_483 : i32 to index
      %get3A_485 = tpu.vector_load %arg4[%get3A_484] {strides = array<i32>} : memref<10000xi32, #tpu.memory_space<vmem>>, vector<16xi32>,
      %get3A_486 = vector.shape_cast %get3A_485 : vector<16xi32> to vector<16xi32>
      %swap3A_487 = arith.constant 16 : index
      %swap3A_488 = tpu.vector_load %arg6[%swap3A_487] {strides = array<i32>} : memref<80xi32, #tpu.memory_space<vmem>>, vector<16xi32>,
      %swap3A_489 = vector.shape_cast %swap3A_488 : vector<16xi32> to vector<16xi32>
      %swap3A_490 = vector.shape_cast %get3A_486 : vector<16xi32> to vector<16xi32>
      tpu.vector_store %arg6[%swap3A_487], %swap3A_490 {strides = array<i32>} : memref<80xi32, #tpu.memory_space<vmem>>, vector<16xi32>,
      %mul3A_491 = arith.constant 80 : i32
      %mul3A_492 = arith.muli %add3A_468, %mul3A_491 : i32
      %add3A_493 = arith.constant 32 : i32
      %add3A_494 = arith.addi %mul3A_492, %add3A_493 : i32
      %get3A_495 = arith.index_cast %add3A_494 : i32 to index
      %get3A_496 = tpu.vector_load %arg4[%get3A_495] {strides = array<i32>} : memref<10000xi32, #tpu.memory_space<vmem>>, vector<16xi32>,
      %get3A_497 = vector.shape_cast %get3A_496 : vector<16xi32> to vector<16xi32>
      %swap3A_498 = arith.constant 32 : index
      %swap3A_499 = tpu.vector_load %arg6[%swap3A_498] {strides = array<i32>} : memref<80xi32, #tpu.memory_space<vmem>>, vector<16xi32>,
      %swap3A_500 = vector.shape_cast %swap3A_499 : vector<16xi32> to vector<16xi32>
      %swap3A_501 = vector.shape_cast %get3A_497 : vector<16xi32> to vector<16xi32>
      tpu.vector_store %arg6[%swap3A_498], %swap3A_501 {strides = array<i32>} : memref<80xi32, #tpu.memory_space<vmem>>, vector<16xi32>,
      %mul3A_502 = arith.constant 80 : i32
      %mul3A_503 = arith.muli %add3A_468, %mul3A_502 : i32
      %add3A_504 = arith.constant 48 : i32
      %add3A_505 = arith.addi %mul3A_503, %add3A_504 : i32
      %get3A_506 = arith.index_cast %add3A_505 : i32 to index
      %get3A_507 = tpu.vector_load %arg4[%get3A_506] {strides = array<i32>} : memref<10000xi32, #tpu.memory_space<vmem>>, vector<16xi32>,
      %get3A_508 = vector.shape_cast %get3A_507 : vector<16xi32> to vector<16xi32>
      %swap3A_509 = arith.constant 48 : index
      %swap3A_510 = tpu.vector_load %arg6[%swap3A_509] {strides = array<i32>} : memref<80xi32, #tpu.memory_space<vmem>>, vector<16xi32>,
      %swap3A_511 = vector.shape_cast %swap3A_510 : vector<16xi32> to vector<16xi32>
      %swap3A_512 = vector.shape_cast %get3A_508 : vector<16xi32> to vector<16xi32>
      tpu.vector_store %arg6[%swap3A_509], %swap3A_512 {strides = array<i32>} : memref<80xi32, #tpu.memory_space<vmem>>, vector<16xi32>,
      %mul3A_513 = arith.constant 80 : i32
      %mul3A_514 = arith.muli %add3A_468, %mul3A_513 : i32
      %add3A_515 = arith.constant 64 : i32
      %add3A_516 = arith.addi %mul3A_514, %add3A_515 : i32
      %get3A_517 = arith.index_cast %add3A_516 : i32 to index
      %get3A_518 = tpu.vector_load %arg4[%get3A_517] {strides = array<i32>} : memref<10000xi32, #tpu.memory_space<vmem>>, vector<16xi32>,
      %get3A_519 = vector.shape_cast %get3A_518 : vector<16xi32> to vector<16xi32>
      %swap3A_520 = arith.constant 64 : index
      %swap3A_521 = tpu.vector_load %arg6[%swap3A_520] {strides = array<i32>} : memref<80xi32, #tpu.memory_space<vmem>>, vector<16xi32>,
      %swap3A_522 = vector.shape_cast %swap3A_521 : vector<16xi32> to vector<16xi32>
      %swap3A_523 = vector.shape_cast %get3A_519 : vector<16xi32> to vector<16xi32>
      tpu.vector_store %arg6[%swap3A_520], %swap3A_523 {strides = array<i32>} : memref<80xi32, #tpu.memory_space<vmem>>, vector<16xi32>,
      %dma_start3A_524 = arith.constant 0 : i32
      %dma_start3A_525 = tpu.memref_slice %arg11[%dma_start3A_524] : memref<10000xf32, #tpu.memory_space<vmem_shared>> -> memref<10000xf32, #tpu.memory_space<vmem_shared>>
      tpu.enqueue_indirect_dma source(%arg9 : memref<80xf32, #tpu.memory_space<vmem>>) target(%dma_start3A_525 : memref<10000xf32, #tpu.memory_space<vmem_shared>>) offsets(%arg6 : memref<80xi32, #tpu.memory_space<vmem>>) semaphore(%arg13 : memref<!tpu.dma_semaphore, #tpu.memory_space<semaphore_mem>>) {add = true}
      %dma_wait3A_526 = arith.constant 0 : i32
      %dma_wait3A_527 = tpu.memref_slice %arg11[%dma_wait3A_526] : memref<10000xf32, #tpu.memory_space<vmem_shared>> -> memref<10000xf32, #tpu.memory_space<vmem_shared>>
      tpu.wait_indirect_dma semaphore(%arg14 : memref<!tpu.dma_semaphore, #tpu.memory_space<semaphore_mem>>) src(%arg9 : memref<80xf32, #tpu.memory_space<vmem>>) dst(%dma_wait3A_527 : memref<10000xf32, #tpu.memory_space<vmem_shared>>)
      %add3A_528 = arith.constant 2 : i32
      %add3A_529 = arith.addi %add3A_403, %add3A_528 : i32
      %mul3A_530 = arith.constant 80 : i32
      %mul3A_531 = arith.muli %add3A_529, %mul3A_530 : i32
      %add3A_532 = arith.constant 0 : i32
      %add3A_533 = arith.addi %mul3A_531, %add3A_532 : i32
      %get3A_534 = arith.index_cast %add3A_533 : i32 to index
      %get3A_535 = tpu.vector_load %arg4[%get3A_534] {strides = array<i32>} : memref<10000xi32, #tpu.memory_space<vmem>>, vector<16xi32>,
      %get3A_536 = vector.shape_cast %get3A_535 : vector<16xi32> to vector<16xi32>
      %swap3A_537 = arith.constant 0 : index
      %swap3A_538 = tpu.vector_load %arg7[%swap3A_537] {strides = array<i32>} : memref<80xi32, #tpu.memory_space<vmem>>, vector<16xi32>,
      %swap3A_539 = vector.shape_cast %swap3A_538 : vector<16xi32> to vector<16xi32>
      %swap3A_540 = vector.shape_cast %get3A_536 : vector<16xi32> to vector<16xi32>
      tpu.vector_store %arg7[%swap3A_537], %swap3A_540 {strides = array<i32>} : memref<80xi32, #tpu.memory_space<vmem>>, vector<16xi32>,
      %mul3A_541 = arith.constant 80 : i32
      %mul3A_542 = arith.muli %add3A_529, %mul3A_541 : i32
      %add3A_543 = arith.constant 16 : i32
      %add3A_544 = arith.addi %mul3A_542, %add3A_543 : i32
      %get3A_545 = arith.index_cast %add3A_544 : i32 to index
      %get3A_546 = tpu.vector_load %arg4[%get3A_545] {strides = array<i32>} : memref<10000xi32, #tpu.memory_space<vmem>>, vector<16xi32>,
      %get3A_547 = vector.shape_cast %get3A_546 : vector<16xi32> to vector<16xi32>
      %swap3A_548 = arith.constant 16 : index
      %swap3A_549 = tpu.vector_load %arg7[%swap3A_548] {strides = array<i32>} : memref<80xi32, #tpu.memory_space<vmem>>, vector<16xi32>,
      %swap3A_550 = vector.shape_cast %swap3A_549 : vector<16xi32> to vector<16xi32>
      %swap3A_551 = vector.shape_cast %get3A_547 : vector<16xi32> to vector<16xi32>
      tpu.vector_store %arg7[%swap3A_548], %swap3A_551 {strides = array<i32>} : memref<80xi32, #tpu.memory_space<vmem>>, vector<16xi32>,
      %mul3A_552 = arith.constant 80 : i32
      %mul3A_553 = arith.muli %add3A_529, %mul3A_552 : i32
      %add3A_554 = arith.constant 32 : i32
      %add3A_555 = arith.addi %mul3A_553, %add3A_554 : i32
      %get3A_556 = arith.index_cast %add3A_555 : i32 to index
      %get3A_557 = tpu.vector_load %arg4[%get3A_556] {strides = array<i32>} : memref<10000xi32, #tpu.memory_space<vmem>>, vector<16xi32>,
      %get3A_558 = vector.shape_cast %get3A_557 : vector<16xi32> to vector<16xi32>
      %swap3A_559 = arith.constant 32 : index
      %swap3A_560 = tpu.vector_load %arg7[%swap3A_559] {strides = array<i32>} : memref<80xi32, #tpu.memory_space<vmem>>, vector<16xi32>,
      %swap3A_561 = vector.shape_cast %swap3A_560 : vector<16xi32> to vector<16xi32>
      %swap3A_562 = vector.shape_cast %get3A_558 : vector<16xi32> to vector<16xi32>
      tpu.vector_store %arg7[%swap3A_559], %swap3A_562 {strides = array<i32>} : memref<80xi32, #tpu.memory_space<vmem>>, vector<16xi32>,
      %mul3A_563 = arith.constant 80 : i32
      %mul3A_564 = arith.muli %add3A_529, %mul3A_563 : i32
      %add3A_565 = arith.constant 48 : i32
      %add3A_566 = arith.addi %mul3A_564, %add3A_565 : i32
      %get3A_567 = arith.index_cast %add3A_566 : i32 to index
      %get3A_568 = tpu.vector_load %arg4[%get3A_567] {strides = array<i32>} : memref<10000xi32, #tpu.memory_space<vmem>>, vector<16xi32>,
      %get3A_569 = vector.shape_cast %get3A_568 : vector<16xi32> to vector<16xi32>
      %swap3A_570 = arith.constant 48 : index
      %swap3A_571 = tpu.vector_load %arg7[%swap3A_570] {strides = array<i32>} : memref<80xi32, #tpu.memory_space<vmem>>, vector<16xi32>,
      %swap3A_572 = vector.shape_cast %swap3A_571 : vector<16xi32> to vector<16xi32>
      %swap3A_573 = vector.shape_cast %get3A_569 : vector<16xi32> to vector<16xi32>
      tpu.vector_store %arg7[%swap3A_570], %swap3A_573 {strides = array<i32>} : memref<80xi32, #tpu.memory_space<vmem>>, vector<16xi32>,
      %mul3A_574 = arith.constant 80 : i32
      %mul3A_575 = arith.muli %add3A_529, %mul3A_574 : i32
      %add3A_576 = arith.constant 64 : i32
      %add3A_577 = arith.addi %mul3A_575, %add3A_576 : i32
      %get3A_578 = arith.index_cast %add3A_577 : i32 to index
      %get3A_579 = tpu.vector_load %arg4[%get3A_578] {strides = array<i32>} : memref<10000xi32, #tpu.memory_space<vmem>>, vector<16xi32>,
      %get3A_580 = vector.shape_cast %get3A_579 : vector<16xi32> to vector<16xi32>
      %swap3A_581 = arith.constant 64 : index
      %swap3A_582 = tpu.vector_load %arg7[%swap3A_581] {strides = array<i32>} : memref<80xi32, #tpu.memory_space<vmem>>, vector<16xi32>,
      %swap3A_583 = vector.shape_cast %swap3A_582 : vector<16xi32> to vector<16xi32>
      %swap3A_584 = vector.shape_cast %get3A_580 : vector<16xi32> to vector<16xi32>
      tpu.vector_store %arg7[%swap3A_581], %swap3A_584 {strides = array<i32>} : memref<80xi32, #tpu.memory_space<vmem>>, vector<16xi32>,
      %dma_start3A_585 = arith.constant 0 : i32
      %dma_start3A_586 = tpu.memref_slice %arg11[%dma_start3A_585] : memref<10000xf32, #tpu.memory_space<vmem_shared>> -> memref<10000xf32, #tpu.memory_space<vmem_shared>>
      tpu.enqueue_indirect_dma source(%arg9 : memref<80xf32, #tpu.memory_space<vmem>>) target(%dma_start3A_586 : memref<10000xf32, #tpu.memory_space<vmem_shared>>) offsets(%arg7 : memref<80xi32, #tpu.memory_space<vmem>>) semaphore(%arg14 : memref<!tpu.dma_semaphore, #tpu.memory_space<semaphore_mem>>) {add = true}
      %dma_wait3A_587 = arith.constant 0 : i32
      %dma_wait3A_588 = tpu.memref_slice %arg11[%dma_wait3A_587] : memref<10000xf32, #tpu.memory_space<vmem_shared>> -> memref<10000xf32, #tpu.memory_space<vmem_shared>>
      tpu.wait_indirect_dma semaphore(%arg15 : memref<!tpu.dma_semaphore, #tpu.memory_space<semaphore_mem>>) src(%arg9 : memref<80xf32, #tpu.memory_space<vmem>>) dst(%dma_wait3A_588 : memref<10000xf32, #tpu.memory_space<vmem_shared>>)
      %add3A_589 = arith.constant 3 : i32
      %add3A_590 = arith.addi %add3A_403, %add3A_589 : i32
      %mul3A_591 = arith.constant 80 : i32
      %mul3A_592 = arith.muli %add3A_590, %mul3A_591 : i32
      %add3A_593 = arith.constant 0 : i32
      %add3A_594 = arith.addi %mul3A_592, %add3A_593 : i32
      %get3A_595 = arith.index_cast %add3A_594 : i32 to index
      %get3A_596 = tpu.vector_load %arg4[%get3A_595] {strides = array<i32>} : memref<10000xi32, #tpu.memory_space<vmem>>, vector<16xi32>,
      %get3A_597 = vector.shape_cast %get3A_596 : vector<16xi32> to vector<16xi32>
      %swap3A_598 = arith.constant 0 : index
      %swap3A_599 = tpu.vector_load %arg8[%swap3A_598] {strides = array<i32>} : memref<80xi32, #tpu.memory_space<vmem>>, vector<16xi32>,
      %swap3A_600 = vector.shape_cast %swap3A_599 : vector<16xi32> to vector<16xi32>
      %swap3A_601 = vector.shape_cast %get3A_597 : vector<16xi32> to vector<16xi32>
      tpu.vector_store %arg8[%swap3A_598], %swap3A_601 {strides = array<i32>} : memref<80xi32, #tpu.memory_space<vmem>>, vector<16xi32>,
      %mul3A_602 = arith.constant 80 : i32
      %mul3A_603 = arith.muli %add3A_590, %mul3A_602 : i32
      %add3A_604 = arith.constant 16 : i32
      %add3A_605 = arith.addi %mul3A_603, %add3A_604 : i32
      %get3A_606 = arith.index_cast %add3A_605 : i32 to index
      %get3A_607 = tpu.vector_load %arg4[%get3A_606] {strides = array<i32>} : memref<10000xi32, #tpu.memory_space<vmem>>, vector<16xi32>,
      %get3A_608 = vector.shape_cast %get3A_607 : vector<16xi32> to vector<16xi32>
      %swap3A_609 = arith.constant 16 : index
      %swap3A_610 = tpu.vector_load %arg8[%swap3A_609] {strides = array<i32>} : memref<80xi32, #tpu.memory_space<vmem>>, vector<16xi32>,
      %swap3A_611 = vector.shape_cast %swap3A_610 : vector<16xi32> to vector<16xi32>
      %swap3A_612 = vector.shape_cast %get3A_608 : vector<16xi32> to vector<16xi32>
      tpu.vector_store %arg8[%swap3A_609], %swap3A_612 {strides = array<i32>} : memref<80xi32, #tpu.memory_space<vmem>>, vector<16xi32>,
      %mul3A_613 = arith.constant 80 : i32
      %mul3A_614 = arith.muli %add3A_590, %mul3A_613 : i32
      %add3A_615 = arith.constant 32 : i32
      %add3A_616 = arith.addi %mul3A_614, %add3A_615 : i32
      %get3A_617 = arith.index_cast %add3A_616 : i32 to index
      %get3A_618 = tpu.vector_load %arg4[%get3A_617] {strides = array<i32>} : memref<10000xi32, #tpu.memory_space<vmem>>, vector<16xi32>,
      %get3A_619 = vector.shape_cast %get3A_618 : vector<16xi32> to vector<16xi32>
      %swap3A_620 = arith.constant 32 : index
      %swap3A_621 = tpu.vector_load %arg8[%swap3A_620] {strides = array<i32>} : memref<80xi32, #tpu.memory_space<vmem>>, vector<16xi32>,
      %swap3A_622 = vector.shape_cast %swap3A_621 : vector<16xi32> to vector<16xi32>
      %swap3A_623 = vector.shape_cast %get3A_619 : vector<16xi32> to vector<16xi32>
      tpu.vector_store %arg8[%swap3A_620], %swap3A_623 {strides = array<i32>} : memref<80xi32, #tpu.memory_space<vmem>>, vector<16xi32>,
      %mul3A_624 = arith.constant 80 : i32
      %mul3A_625 = arith.muli %add3A_590, %mul3A_624 : i32
      %add3A_626 = arith.constant 48 : i32
      %add3A_627 = arith.addi %mul3A_625, %add3A_626 : i32
      %get3A_628 = arith.index_cast %add3A_627 : i32 to index
      %get3A_629 = tpu.vector_load %arg4[%get3A_628] {strides = array<i32>} : memref<10000xi32, #tpu.memory_space<vmem>>, vector<16xi32>,
      %get3A_630 = vector.shape_cast %get3A_629 : vector<16xi32> to vector<16xi32>
      %swap3A_631 = arith.constant 48 : index
      %swap3A_632 = tpu.vector_load %arg8[%swap3A_631] {strides = array<i32>} : memref<80xi32, #tpu.memory_space<vmem>>, vector<16xi32>,
      %swap3A_633 = vector.shape_cast %swap3A_632 : vector<16xi32> to vector<16xi32>
      %swap3A_634 = vector.shape_cast %get3A_630 : vector<16xi32> to vector<16xi32>
      tpu.vector_store %arg8[%swap3A_631], %swap3A_634 {strides = array<i32>} : memref<80xi32, #tpu.memory_space<vmem>>, vector<16xi32>,
      %mul3A_635 = arith.constant 80 : i32
      %mul3A_636 = arith.muli %add3A_590, %mul3A_635 : i32
      %add3A_637 = arith.constant 64 : i32
      %add3A_638 = arith.addi %mul3A_636, %add3A_637 : i32
      %get3A_639 = arith.index_cast %add3A_638 : i32 to index
      %get3A_640 = tpu.vector_load %arg4[%get3A_639] {strides = array<i32>} : memref<10000xi32, #tpu.memory_space<vmem>>, vector<16xi32>,
      %get3A_641 = vector.shape_cast %get3A_640 : vector<16xi32> to vector<16xi32>
      %swap3A_642 = arith.constant 64 : index
      %swap3A_643 = tpu.vector_load %arg8[%swap3A_642] {strides = array<i32>} : memref<80xi32, #tpu.memory_space<vmem>>, vector<16xi32>,
      %swap3A_644 = vector.shape_cast %swap3A_643 : vector<16xi32> to vector<16xi32>
      %swap3A_645 = vector.shape_cast %get3A_641 : vector<16xi32> to vector<16xi32>
      tpu.vector_store %arg8[%swap3A_642], %swap3A_645 {strides = array<i32>} : memref<80xi32, #tpu.memory_space<vmem>>, vector<16xi32>,
      %dma_start3A_646 = arith.constant 0 : i32
      %dma_start3A_647 = tpu.memref_slice %arg11[%dma_start3A_646] : memref<10000xf32, #tpu.memory_space<vmem_shared>> -> memref<10000xf32, #tpu.memory_space<vmem_shared>>
      tpu.enqueue_indirect_dma source(%arg9 : memref<80xf32, #tpu.memory_space<vmem>>) target(%dma_start3A_647 : memref<10000xf32, #tpu.memory_space<vmem_shared>>) offsets(%arg8 : memref<80xi32, #tpu.memory_space<vmem>>) semaphore(%arg15 : memref<!tpu.dma_semaphore, #tpu.memory_space<semaphore_mem>>) {add = true}
    }
    %scan3A_341 = arith.constant 30 : i32
    %dma_wait3A = arith.constant 0 : i32
    %dma_wait3A_342 = tpu.memref_slice %arg11[%dma_wait3A] : memref<10000xf32, #tpu.memory_space<vmem_shared>> -> memref<10000xf32, #tpu.memory_space<vmem_shared>>
    tpu.wait_indirect_dma semaphore(%arg12 : memref<!tpu.dma_semaphore, #tpu.memory_space<semaphore_mem>>) src(%arg9 : memref<80xf32, #tpu.memory_space<vmem>>) dst(%dma_wait3A_342 : memref<10000xf32, #tpu.memory_space<vmem_shared>>)
    %get3A_343 = arith.constant 9920 : index
    %get3A_344 = tpu.vector_load %arg4[%get3A_343] {strides = array<i32>} : memref<10000xi32, #tpu.memory_space<vmem>>, vector<16xi32>,
    %get3A_345 = vector.shape_cast %get3A_344 : vector<16xi32> to vector<16xi32>
    %swap3A_346 = arith.constant 0 : index
    %swap3A_347 = tpu.vector_load %arg5[%swap3A_346] {strides = array<i32>} : memref<80xi32, #tpu.memory_space<vmem>>, vector<16xi32>,
    %swap3A_348 = vector.shape_cast %swap3A_347 : vector<16xi32> to vector<16xi32>
    %swap3A_349 = vector.shape_cast %get3A_345 : vector<16xi32> to vector<16xi32>
    tpu.vector_store %arg5[%swap3A_346], %swap3A_349 {strides = array<i32>} : memref<80xi32, #tpu.memory_space<vmem>>, vector<16xi32>,
    %get3A_350 = arith.constant 9936 : index
    %get3A_351 = tpu.vector_load %arg4[%get3A_350] {strides = array<i32>} : memref<10000xi32, #tpu.memory_space<vmem>>, vector<16xi32>,
    %get3A_352 = vector.shape_cast %get3A_351 : vector<16xi32> to vector<16xi32>
    %swap3A_353 = arith.constant 16 : index
    %swap3A_354 = tpu.vector_load %arg5[%swap3A_353] {strides = array<i32>} : memref<80xi32, #tpu.memory_space<vmem>>, vector<16xi32>,
    %swap3A_355 = vector.shape_cast %swap3A_354 : vector<16xi32> to vector<16xi32>
    %swap3A_356 = vector.shape_cast %get3A_352 : vector<16xi32> to vector<16xi32>
    tpu.vector_store %arg5[%swap3A_353], %swap3A_356 {strides = array<i32>} : memref<80xi32, #tpu.memory_space<vmem>>, vector<16xi32>,
    %get3A_357 = arith.constant 9952 : index
    %get3A_358 = tpu.vector_load %arg4[%get3A_357] {strides = array<i32>} : memref<10000xi32, #tpu.memory_space<vmem>>, vector<16xi32>,
    %get3A_359 = vector.shape_cast %get3A_358 : vector<16xi32> to vector<16xi32>
    %swap3A_360 = arith.constant 32 : index
    %swap3A_361 = tpu.vector_load %arg5[%swap3A_360] {strides = array<i32>} : memref<80xi32, #tpu.memory_space<vmem>>, vector<16xi32>,
    %swap3A_362 = vector.shape_cast %swap3A_361 : vector<16xi32> to vector<16xi32>
    %swap3A_363 = vector.shape_cast %get3A_359 : vector<16xi32> to vector<16xi32>
    tpu.vector_store %arg5[%swap3A_360], %swap3A_363 {strides = array<i32>} : memref<80xi32, #tpu.memory_space<vmem>>, vector<16xi32>,
    %get3A_364 = arith.constant 9968 : index
    %get3A_365 = tpu.vector_load %arg4[%get3A_364] {strides = array<i32>} : memref<10000xi32, #tpu.memory_space<vmem>>, vector<16xi32>,
    %get3A_366 = vector.shape_cast %get3A_365 : vector<16xi32> to vector<16xi32>
    %swap3A_367 = arith.constant 48 : index
    %swap3A_368 = tpu.vector_load %arg5[%swap3A_367] {strides = array<i32>} : memref<80xi32, #tpu.memory_space<vmem>>, vector<16xi32>,
    %swap3A_369 = vector.shape_cast %swap3A_368 : vector<16xi32> to vector<16xi32>
    %swap3A_370 = vector.shape_cast %get3A_366 : vector<16xi32> to vector<16xi32>
    tpu.vector_store %arg5[%swap3A_367], %swap3A_370 {strides = array<i32>} : memref<80xi32, #tpu.memory_space<vmem>>, vector<16xi32>,
    %get3A_371 = arith.constant 9984 : index
    %get3A_372 = tpu.vector_load %arg4[%get3A_371] {strides = array<i32>} : memref<10000xi32, #tpu.memory_space<vmem>>, vector<16xi32>,
    %get3A_373 = vector.shape_cast %get3A_372 : vector<16xi32> to vector<16xi32>
    %swap3A_374 = arith.constant 64 : index
    %swap3A_375 = tpu.vector_load %arg5[%swap3A_374] {strides = array<i32>} : memref<80xi32, #tpu.memory_space<vmem>>, vector<16xi32>,
    %swap3A_376 = vector.shape_cast %swap3A_375 : vector<16xi32> to vector<16xi32>
    %swap3A_377 = vector.shape_cast %get3A_373 : vector<16xi32> to vector<16xi32>
    tpu.vector_store %arg5[%swap3A_374], %swap3A_377 {strides = array<i32>} : memref<80xi32, #tpu.memory_space<vmem>>, vector<16xi32>,
    %dma_start3A_378 = arith.constant 0 : i32
    %dma_start3A_379 = tpu.memref_slice %arg11[%dma_start3A_378] : memref<10000xf32, #tpu.memory_space<vmem_shared>> -> memref<10000xf32, #tpu.memory_space<vmem_shared>>
    tpu.enqueue_indirect_dma source(%arg9 : memref<80xf32, #tpu.memory_space<vmem>>) target(%dma_start3A_379 : memref<10000xf32, #tpu.memory_space<vmem_shared>>) offsets(%arg5 : memref<80xi32, #tpu.memory_space<vmem>>) semaphore(%arg12 : memref<!tpu.dma_semaphore, #tpu.memory_space<semaphore_mem>>) {add = true}
    %dma_wait3A_380 = arith.constant 0 : i32
    %dma_wait3A_381 = tpu.memref_slice %arg11[%dma_wait3A_380] : memref<10000xf32, #tpu.memory_space<vmem_shared>> -> memref<10000xf32, #tpu.memory_space<vmem_shared>>
    tpu.wait_indirect_dma semaphore(%arg13 : memref<!tpu.dma_semaphore, #tpu.memory_space<semaphore_mem>>) src(%arg9 : memref<80xf32, #tpu.memory_space<vmem>>) dst(%dma_wait3A_381 : memref<10000xf32, #tpu.memory_space<vmem_shared>>)
    %dma_wait3A_382 = arith.constant 0 : i32
    %dma_wait3A_383 = tpu.memref_slice %arg11[%dma_wait3A_382] : memref<10000xf32, #tpu.memory_space<vmem_shared>> -> memref<10000xf32, #tpu.memory_space<vmem_shared>>
    tpu.wait_indirect_dma semaphore(%arg14 : memref<!tpu.dma_semaphore, #tpu.memory_space<semaphore_mem>>) src(%arg9 : memref<80xf32, #tpu.memory_space<vmem>>) dst(%dma_wait3A_383 : memref<10000xf32, #tpu.memory_space<vmem_shared>>)
    %dma_wait3A_384 = arith.constant 0 : i32
    %dma_wait3A_385 = tpu.memref_slice %arg11[%dma_wait3A_384] : memref<10000xf32, #tpu.memory_space<vmem_shared>> -> memref<10000xf32, #tpu.memory_space<vmem_shared>>
    tpu.wait_indirect_dma semaphore(%arg15 : memref<!tpu.dma_semaphore, #tpu.memory_space<semaphore_mem>>) src(%arg9 : memref<80xf32, #tpu.memory_space<vmem>>) dst(%dma_wait3A_385 : memref<10000xf32, #tpu.memory_space<vmem_shared>>)
    %dma_wait3A_386 = arith.constant 0 : i32
    %dma_wait3A_387 = tpu.memref_slice %arg11[%dma_wait3A_386] : memref<10000xf32, #tpu.memory_space<vmem_shared>> -> memref<10000xf32, #tpu.memory_space<vmem_shared>>
    tpu.wait_indirect_dma semaphore(%arg12 : memref<!tpu.dma_semaphore, #tpu.memory_space<semaphore_mem>>) src(%arg9 : memref<80xf32, #tpu.memory_space<vmem>>) dst(%dma_wait3A_387 : memref<10000xf32, #tpu.memory_space<vmem_shared>>)
    %barrier3A_388 = arith.constant 0 : index
    tpu.barrier barrier_id(%barrier3A_388)
    %lt3A_389 = arith.constant 15 : i32
    %lt3A_390 = arith.cmpi slt, %arg1, %lt3A_389 : i32
    %convert_element_type3A_391 = arith.extui %lt3A_390 : i1 to i32
    %cond3A_392 = arith.constant 0 : i32
    %cond3A_393 = arith.cmpi ne, %convert_element_type3A_391, %cond3A_392 : i32
    scf.if %cond3A_393 {
      %mul3A_399 = arith.constant 624 : i32
      %mul3A_400 = arith.muli %arg1, %mul3A_399 : i32
      %multiple_of3A_401 = tpu.assume_multiple %mul3A_400, 8 : i32
      "tpu.region"() ({
        %run_scoped3A = tpu.sem_alloc : memref<!tpu.dma_semaphore, #tpu.memory_space<semaphore_mem>>
        %dma_start3A_406 = arith.constant 0 : i32
        %dma_start3A_407 = tpu.memref_slice %arg10[%dma_start3A_406] : memref<640xf32, #tpu.memory_space<vmem>> -> memref<624xf32, #tpu.memory_space<vmem>>
        %dma_start3A_408 = tpu.memref_slice %arg11[%multiple_of3A_401] : memref<10000xf32, #tpu.memory_space<vmem_shared>> -> memref<624xf32, #tpu.memory_space<vmem_shared>>
        %dma_start3A_409 = arith.constant 0 : i32
        %dma_start3A_410 = tpu.memref_slice %arg10[%dma_start3A_409] : memref<640xf32, #tpu.memory_space<vmem>> -> memref<624xf32, #tpu.memory_space<vmem>>
        %dma_start3A_411 = tpu.memref_slice %arg11[%multiple_of3A_401] : memref<10000xf32, #tpu.memory_space<vmem_shared>> -> memref<624xf32, #tpu.memory_space<vmem_shared>>
        tpu.enqueue_dma source(%dma_start3A_411 : memref<624xf32, #tpu.memory_space<vmem_shared>>) target(%dma_start3A_410 : memref<624xf32, #tpu.memory_space<vmem>>) target_semaphore(%run_scoped3A : memref<!tpu.dma_semaphore, #tpu.memory_space<semaphore_mem>>)
        %dma_wait3A_412 = arith.constant 0 : i32
        %dma_wait3A_413 = tpu.memref_slice %arg10[%dma_wait3A_412] : memref<640xf32, #tpu.memory_space<vmem>> -> memref<624xf32, #tpu.memory_space<vmem>>
        %dma_wait3A_414 = tpu.memref_slice %arg11[%multiple_of3A_401] : memref<10000xf32, #tpu.memory_space<vmem_shared>> -> memref<624xf32, #tpu.memory_space<vmem_shared>>
        %dma_wait3A_415 = arith.constant 0 : i32
        %dma_wait3A_416 = tpu.memref_slice %arg10[%dma_wait3A_415] : memref<640xf32, #tpu.memory_space<vmem>> -> memref<624xf32, #tpu.memory_space<vmem>>
        %dma_wait3A_417 = tpu.memref_slice %arg11[%multiple_of3A_401] : memref<10000xf32, #tpu.memory_space<vmem_shared>> -> memref<624xf32, #tpu.memory_space<vmem_shared>>
        tpu.wait_dma2 semaphore(%run_scoped3A : memref<!tpu.dma_semaphore, #tpu.memory_space<semaphore_mem>>) src(%dma_wait3A_417 : memref<624xf32, #tpu.memory_space<vmem_shared>>) dst(%dma_wait3A_416 : memref<624xf32, #tpu.memory_space<vmem>>)
        tpu.yield
      }) : () -> ()
      %mul3A_402 = arith.constant 10000 : i32
      %mul3A_403 = arith.muli %arg0, %mul3A_402 : i32
      %add3A_404 = arith.addi %mul3A_403, %multiple_of3A_401 : i32
      %multiple_of3A_405 = tpu.assume_multiple %add3A_404, 8 : i32
      "tpu.region"() ({
        %run_scoped3A = tpu.sem_alloc : memref<!tpu.dma_semaphore, #tpu.memory_space<semaphore_mem>>
        %dma_start3A_406 = arith.constant 0 : i32
        %dma_start3A_407 = tpu.memref_slice %arg10[%dma_start3A_406] : memref<640xf32, #tpu.memory_space<vmem>> -> memref<624xf32, #tpu.memory_space<vmem>>
        %dma_start3A_408 = tpu.memref_slice %arg3[%multiple_of3A_405] : memref<20000xf32, #tpu.memory_space<hbm>> -> memref<624xf32, #tpu.memory_space<hbm>>
        %dma_start3A_409 = tpu.memref_slice %arg3[%multiple_of3A_405] : memref<20000xf32, #tpu.memory_space<hbm>> -> memref<624xf32, #tpu.memory_space<hbm>>
        %dma_start3A_410 = arith.constant 0 : i32
        %dma_start3A_411 = tpu.memref_slice %arg10[%dma_start3A_410] : memref<640xf32, #tpu.memory_space<vmem>> -> memref<624xf32, #tpu.memory_space<vmem>>
        tpu.enqueue_dma source(%dma_start3A_411 : memref<624xf32, #tpu.memory_space<vmem>>) target(%dma_start3A_409 : memref<624xf32, #tpu.memory_space<hbm>>) target_semaphore(%run_scoped3A : memref<!tpu.dma_semaphore, #tpu.memory_space<semaphore_mem>>)
        %dma_wait3A_412 = arith.constant 0 : i32
        %dma_wait3A_413 = tpu.memref_slice %arg10[%dma_wait3A_412] : memref<640xf32, #tpu.memory_space<vmem>> -> memref<624xf32, #tpu.memory_space<vmem>>
        %dma_wait3A_414 = tpu.memref_slice %arg3[%multiple_of3A_405] : memref<20000xf32, #tpu.memory_space<hbm>> -> memref<624xf32, #tpu.memory_space<hbm>>
        %dma_wait3A_415 = tpu.memref_slice %arg3[%multiple_of3A_405] : memref<20000xf32, #tpu.memory_space<hbm>> -> memref<624xf32, #tpu.memory_space<hbm>>
        %dma_wait3A_416 = arith.constant 0 : i32
        %dma_wait3A_417 = tpu.memref_slice %arg10[%dma_wait3A_416] : memref<640xf32, #tpu.memory_space<vmem>> -> memref<624xf32, #tpu.memory_space<vmem>>
        tpu.wait_dma2 semaphore(%run_scoped3A : memref<!tpu.dma_semaphore, #tpu.memory_space<semaphore_mem>>) src(%dma_wait3A_417 : memref<624xf32, #tpu.memory_space<vmem>>) dst(%dma_wait3A_415 : memref<624xf32, #tpu.memory_space<hbm>>)
        tpu.yield
      }) : () -> ()
    } else {
    }
    %eq3A_394 = arith.constant 15 : i32
    %eq3A_395 = arith.cmpi eq, %arg1, %eq3A_394 : i32
    %convert_element_type3A_396 = arith.extui %eq3A_395 : i1 to i32
    %cond3A_397 = arith.constant 0 : i32
    %cond3A_398 = arith.cmpi ne, %convert_element_type3A_396, %cond3A_397 : i32
    scf.if %cond3A_398 {
      "tpu.region"() ({
        %run_scoped3A = tpu.sem_alloc : memref<!tpu.dma_semaphore, #tpu.memory_space<semaphore_mem>>
        %dma_start3A_404 = arith.constant 0 : i32
        %dma_start3A_405 = tpu.memref_slice %arg10[%dma_start3A_404] : memref<640xf32, #tpu.memory_space<vmem>> -> memref<640xf32, #tpu.memory_space<vmem>>
        %dma_start3A_406 = arith.constant 9360 : i32
        %dma_start3A_407 = tpu.memref_slice %arg11[%dma_start3A_406] : memref<10000xf32, #tpu.memory_space<vmem_shared>> -> memref<640xf32, #tpu.memory_space<vmem_shared>>
        %dma_start3A_408 = arith.constant 0 : i32
        %dma_start3A_409 = tpu.memref_slice %arg10[%dma_start3A_408] : memref<640xf32, #tpu.memory_space<vmem>> -> memref<640xf32, #tpu.memory_space<vmem>>
        %dma_start3A_410 = arith.constant 9360 : i32
        %dma_start3A_411 = tpu.memref_slice %arg11[%dma_start3A_410] : memref<10000xf32, #tpu.memory_space<vmem_shared>> -> memref<640xf32, #tpu.memory_space<vmem_shared>>
        tpu.enqueue_dma source(%dma_start3A_411 : memref<640xf32, #tpu.memory_space<vmem_shared>>) target(%dma_start3A_409 : memref<640xf32, #tpu.memory_space<vmem>>) target_semaphore(%run_scoped3A : memref<!tpu.dma_semaphore, #tpu.memory_space<semaphore_mem>>)
        %dma_wait3A_412 = arith.constant 0 : i32
        %dma_wait3A_413 = tpu.memref_slice %arg10[%dma_wait3A_412] : memref<640xf32, #tpu.memory_space<vmem>> -> memref<640xf32, #tpu.memory_space<vmem>>
        %dma_wait3A_414 = arith.constant 9360 : i32
        %dma_wait3A_415 = tpu.memref_slice %arg11[%dma_wait3A_414] : memref<10000xf32, #tpu.memory_space<vmem_shared>> -> memref<640xf32, #tpu.memory_space<vmem_shared>>
        %dma_wait3A_416 = arith.constant 0 : i32
        %dma_wait3A_417 = tpu.memref_slice %arg10[%dma_wait3A_416] : memref<640xf32, #tpu.memory_space<vmem>> -> memref<640xf32, #tpu.memory_space<vmem>>
        %dma_wait3A_418 = arith.constant 9360 : i32
        %dma_wait3A_419 = tpu.memref_slice %arg11[%dma_wait3A_418] : memref<10000xf32, #tpu.memory_space<vmem_shared>> -> memref<640xf32, #tpu.memory_space<vmem_shared>>
        tpu.wait_dma2 semaphore(%run_scoped3A : memref<!tpu.dma_semaphore, #tpu.memory_space<semaphore_mem>>) src(%dma_wait3A_419 : memref<640xf32, #tpu.memory_space<vmem_shared>>) dst(%dma_wait3A_417 : memref<640xf32, #tpu.memory_space<vmem>>)
        tpu.yield
      }) : () -> ()
      %mul3A_399 = arith.constant 10000 : i32
      %mul3A_400 = arith.muli %arg0, %mul3A_399 : i32
      %add3A_401 = arith.constant 9360 : i32
      %add3A_402 = arith.addi %mul3A_400, %add3A_401 : i32
      %multiple_of3A_403 = tpu.assume_multiple %add3A_402, 8 : i32
      "tpu.region"() ({
        %run_scoped3A = tpu.sem_alloc : memref<!tpu.dma_semaphore, #tpu.memory_space<semaphore_mem>>
        %dma_start3A_404 = arith.constant 0 : i32
        %dma_start3A_405 = tpu.memref_slice %arg10[%dma_start3A_404] : memref<640xf32, #tpu.memory_space<vmem>> -> memref<640xf32, #tpu.memory_space<vmem>>
        %dma_start3A_406 = tpu.memref_slice %arg3[%multiple_of3A_403] : memref<20000xf32, #tpu.memory_space<hbm>> -> memref<640xf32, #tpu.memory_space<hbm>>
        %dma_start3A_407 = tpu.memref_slice %arg3[%multiple_of3A_403] : memref<20000xf32, #tpu.memory_space<hbm>> -> memref<640xf32, #tpu.memory_space<hbm>>
        %dma_start3A_408 = arith.constant 0 : i32
        %dma_start3A_409 = tpu.memref_slice %arg10[%dma_start3A_408] : memref<640xf32, #tpu.memory_space<vmem>> -> memref<640xf32, #tpu.memory_space<vmem>>
        tpu.enqueue_dma source(%dma_start3A_409 : memref<640xf32, #tpu.memory_space<vmem>>) target(%dma_start3A_407 : memref<640xf32, #tpu.memory_space<hbm>>) target_semaphore(%run_scoped3A : memref<!tpu.dma_semaphore, #tpu.memory_space<semaphore_mem>>)
        %dma_wait3A_410 = arith.constant 0 : i32
        %dma_wait3A_411 = tpu.memref_slice %arg10[%dma_wait3A_410] : memref<640xf32, #tpu.memory_space<vmem>> -> memref<640xf32, #tpu.memory_space<vmem>>
        %dma_wait3A_412 = tpu.memref_slice %arg3[%multiple_of3A_403] : memref<20000xf32, #tpu.memory_space<hbm>> -> memref<640xf32, #tpu.memory_space<hbm>>
        %dma_wait3A_413 = tpu.memref_slice %arg3[%multiple_of3A_403] : memref<20000xf32, #tpu.memory_space<hbm>> -> memref<640xf32, #tpu.memory_space<hbm>>
        %dma_wait3A_414 = arith.constant 0 : i32
        %dma_wait3A_415 = tpu.memref_slice %arg10[%dma_wait3A_414] : memref<640xf32, #tpu.memory_space<vmem>> -> memref<640xf32, #tpu.memory_space<vmem>>
        tpu.wait_dma2 semaphore(%run_scoped3A : memref<!tpu.dma_semaphore, #tpu.memory_space<semaphore_mem>>) src(%dma_wait3A_415 : memref<640xf32, #tpu.memory_space<vmem>>) dst(%dma_wait3A_413 : memref<640xf32, #tpu.memory_space<hbm>>)
        tpu.yield
      }) : () -> ()
    } else {
    }
    return
  }
}

#map = affine_map<(d0, d1) -> (0, 0)>
#map1 = affine_map<(d0, d1) -> (0)>
#map2 = affine_map<(d0, d1) -> (0, 0, 0)>
module attributes {stable_mosaic.version = 14 : i64} {
  func.func @_agg_kernel(%arg0: i32, %arg1: i32, %arg2: memref<10000x128xf32, #tpu.memory_space<hbm>>, %arg3: memref<320000xi32, #tpu.memory_space<hbm>>, %arg4: memref<320000xi32, #tpu.memory_space<hbm>>, %arg5: memref<10000x128xf32, #tpu.memory_space<hbm>>, %arg6: memref<2x10000x128xf32, #tpu.memory_space<hbm>>, %arg7: memref<10000xi32, #tpu.memory_space<vmem>>, %arg8: memref<80xi32, #tpu.memory_space<vmem>>, %arg9: memref<80xi32, #tpu.memory_space<vmem>>, %arg10: memref<80xi32, #tpu.memory_space<vmem>>, %arg11: memref<80x128xf32, #tpu.memory_space<vmem>>, %arg12: memref<80x128xf32, #tpu.memory_space<vmem>>, %arg13: memref<80x128xf32, #tpu.memory_space<vmem>>, %arg14: memref<10000x128xf32, #tpu.memory_space<vmem_shared>>, %arg15: memref<!tpu.dma_semaphore, #tpu.memory_space<semaphore_mem>>, %arg16: memref<!tpu.dma_semaphore, #tpu.memory_space<semaphore_mem>>, %arg17: memref<!tpu.dma_semaphore, #tpu.memory_space<semaphore_mem>>, %arg18: memref<!tpu.dma_semaphore, #tpu.memory_space<semaphore_mem>>, %arg19: memref<!tpu.dma_semaphore, #tpu.memory_space<semaphore_mem>>, %arg20: memref<!tpu.dma_semaphore, #tpu.memory_space<semaphore_mem>>, %arg21: memref<!tpu.dma_semaphore, #tpu.memory_space<semaphore_mem>>, %arg22: memref<!tpu.dma_semaphore, #tpu.memory_space<semaphore_mem>>, %arg23: memref<!tpu.dma_semaphore, #tpu.memory_space<semaphore_mem>>) attributes {dimension_semantics = [#tpu.dimension_semantics<core_parallel>, #tpu.dimension_semantics<subcore_parallel>], iteration_bounds = array<i64: 2, 16>, scalar_prefetch = 0 : i64, scratch_operands = 17 : i64, tpu.core_type = #tpu.core_type<sc_vector_subcore>, window_params = [{transform_indices = #map}, {transform_indices = #map1}, {transform_indices = #map1}, {transform_indices = #map}, {transform_indices = #map2}]} {
    %mul3A = arith.constant 2 : i32
    %mul3A_0 = arith.muli %arg1, %mul3A : i32
    %add3A = arith.addi %mul3A_0, %arg0 : i32
    %lt3A = arith.constant 15 : i32
    %lt3A_1 = arith.cmpi slt, %arg1, %lt3A : i32
    %convert_element_type3A = arith.extui %lt3A_1 : i1 to i32
    %cond3A = arith.constant 0 : i32
    %cond3A_2 = arith.cmpi ne, %convert_element_type3A, %cond3A : i32
    scf.if %cond3A_2 {
      %mul3A_138 = arith.constant 624 : i32
      %mul3A_139 = arith.muli %arg1, %mul3A_138 : i32
      %multiple_of3A_140 = tpu.assume_multiple %mul3A_139, 8 : i32
      "tpu.region"() ({
        %run_scoped3A = tpu.sem_alloc : memref<!tpu.dma_semaphore, #tpu.memory_space<semaphore_mem>>
        %dma_start3A_141 = arith.constant 0 : i32
        %dma_start3A_142 = tpu.memref_slice %arg14[%multiple_of3A_140, %dma_start3A_141] : memref<10000x128xf32, #tpu.memory_space<vmem_shared>> -> memref<624x128xf32, #tpu.memory_space<vmem_shared>>
        %dma_start3A_143 = arith.constant 0 : i32
        %dma_start3A_144 = tpu.memref_slice %arg5[%multiple_of3A_140, %dma_start3A_143] : memref<10000x128xf32, #tpu.memory_space<hbm>> -> memref<624x128xf32, #tpu.memory_space<hbm>>
        tpu.enqueue_dma source(%dma_start3A_144 : memref<624x128xf32, #tpu.memory_space<hbm>>) target(%dma_start3A_142 : memref<624x128xf32, #tpu.memory_space<vmem_shared>>) target_semaphore(%run_scoped3A : memref<!tpu.dma_semaphore, #tpu.memory_space<semaphore_mem>>)
        %dma_wait3A_145 = arith.constant 0 : i32
        %dma_wait3A_146 = tpu.memref_slice %arg14[%multiple_of3A_140, %dma_wait3A_145] : memref<10000x128xf32, #tpu.memory_space<vmem_shared>> -> memref<624x128xf32, #tpu.memory_space<vmem_shared>>
        %dma_wait3A_147 = arith.constant 0 : i32
        %dma_wait3A_148 = tpu.memref_slice %arg5[%multiple_of3A_140, %dma_wait3A_147] : memref<10000x128xf32, #tpu.memory_space<hbm>> -> memref<624x128xf32, #tpu.memory_space<hbm>>
        tpu.wait_dma2 semaphore(%run_scoped3A : memref<!tpu.dma_semaphore, #tpu.memory_space<semaphore_mem>>) src(%dma_wait3A_148 : memref<624x128xf32, #tpu.memory_space<hbm>>) dst(%dma_wait3A_146 : memref<624x128xf32, #tpu.memory_space<vmem_shared>>)
        tpu.yield
      }) : () -> ()
    } else {
    }
    %eq3A = arith.constant 15 : i32
    %eq3A_3 = arith.cmpi eq, %arg1, %eq3A : i32
    %convert_element_type3A_4 = arith.extui %eq3A_3 : i1 to i32
    %cond3A_5 = arith.constant 0 : i32
    %cond3A_6 = arith.cmpi ne, %convert_element_type3A_4, %cond3A_5 : i32
    scf.if %cond3A_6 {
      "tpu.region"() ({
        %run_scoped3A = tpu.sem_alloc : memref<!tpu.dma_semaphore, #tpu.memory_space<semaphore_mem>>
        %dma_start3A_138 = arith.constant 9360 : i32
        %dma_start3A_139 = arith.constant 0 : i32
        %dma_start3A_140 = tpu.memref_slice %arg14[%dma_start3A_138, %dma_start3A_139] : memref<10000x128xf32, #tpu.memory_space<vmem_shared>> -> memref<640x128xf32, #tpu.memory_space<vmem_shared>>
        %dma_start3A_141 = arith.constant 9360 : i32
        %dma_start3A_142 = arith.constant 0 : i32
        %dma_start3A_143 = tpu.memref_slice %arg5[%dma_start3A_141, %dma_start3A_142] : memref<10000x128xf32, #tpu.memory_space<hbm>> -> memref<640x128xf32, #tpu.memory_space<hbm>>
        tpu.enqueue_dma source(%dma_start3A_143 : memref<640x128xf32, #tpu.memory_space<hbm>>) target(%dma_start3A_140 : memref<640x128xf32, #tpu.memory_space<vmem_shared>>) target_semaphore(%run_scoped3A : memref<!tpu.dma_semaphore, #tpu.memory_space<semaphore_mem>>)
        %dma_wait3A_144 = arith.constant 9360 : i32
        %dma_wait3A_145 = arith.constant 0 : i32
        %dma_wait3A_146 = tpu.memref_slice %arg14[%dma_wait3A_144, %dma_wait3A_145] : memref<10000x128xf32, #tpu.memory_space<vmem_shared>> -> memref<640x128xf32, #tpu.memory_space<vmem_shared>>
        %dma_wait3A_147 = arith.constant 9360 : i32
        %dma_wait3A_148 = arith.constant 0 : i32
        %dma_wait3A_149 = tpu.memref_slice %arg5[%dma_wait3A_147, %dma_wait3A_148] : memref<10000x128xf32, #tpu.memory_space<hbm>> -> memref<640x128xf32, #tpu.memory_space<hbm>>
        tpu.wait_dma2 semaphore(%run_scoped3A : memref<!tpu.dma_semaphore, #tpu.memory_space<semaphore_mem>>) src(%dma_wait3A_149 : memref<640x128xf32, #tpu.memory_space<hbm>>) dst(%dma_wait3A_146 : memref<640x128xf32, #tpu.memory_space<vmem_shared>>)
        tpu.yield
      }) : () -> ()
    } else {
    }
    %mul3A_7 = arith.constant 10000 : i32
    %mul3A_8 = arith.muli %add3A, %mul3A_7 : i32
    %multiple_of3A = tpu.assume_multiple %mul3A_8, 8 : i32
    "tpu.region"() ({
      %run_scoped3A = tpu.sem_alloc : memref<!tpu.dma_semaphore, #tpu.memory_space<semaphore_mem>>
      %dma_start3A_138 = tpu.memref_slice %arg3[%multiple_of3A] : memref<320000xi32, #tpu.memory_space<hbm>> -> memref<10000xi32, #tpu.memory_space<hbm>>
      %dma_start3A_139 = tpu.memref_slice %arg3[%multiple_of3A] : memref<320000xi32, #tpu.memory_space<hbm>> -> memref<10000xi32, #tpu.memory_space<hbm>>
      tpu.enqueue_dma source(%dma_start3A_139 : memref<10000xi32, #tpu.memory_space<hbm>>) target(%arg7 : memref<10000xi32, #tpu.memory_space<vmem>>) target_semaphore(%run_scoped3A : memref<!tpu.dma_semaphore, #tpu.memory_space<semaphore_mem>>)
      %dma_wait3A_140 = tpu.memref_slice %arg3[%multiple_of3A] : memref<320000xi32, #tpu.memory_space<hbm>> -> memref<10000xi32, #tpu.memory_space<hbm>>
      %dma_wait3A_141 = tpu.memref_slice %arg3[%multiple_of3A] : memref<320000xi32, #tpu.memory_space<hbm>> -> memref<10000xi32, #tpu.memory_space<hbm>>
      tpu.wait_dma2 semaphore(%run_scoped3A : memref<!tpu.dma_semaphore, #tpu.memory_space<semaphore_mem>>) src(%dma_wait3A_141 : memref<10000xi32, #tpu.memory_space<hbm>>) dst(%arg7 : memref<10000xi32, #tpu.memory_space<vmem>>)
      tpu.yield
    }) : () -> ()
    %barrier3A = arith.constant 0 : index
    tpu.barrier barrier_id(%barrier3A)
    %add3A_9 = arith.constant 0 : i32
    %add3A_10 = arith.addi %multiple_of3A, %add3A_9 : i32
    %multiple_of3A_11 = tpu.assume_multiple %add3A_10, 8 : i32
    %dma_start3A = tpu.memref_slice %arg4[%multiple_of3A_11] : memref<320000xi32, #tpu.memory_space<hbm>> -> memref<80xi32, #tpu.memory_space<hbm>>
    %dma_start3A_12 = tpu.memref_slice %arg4[%multiple_of3A_11] : memref<320000xi32, #tpu.memory_space<hbm>> -> memref<80xi32, #tpu.memory_space<hbm>>
    tpu.enqueue_dma source(%dma_start3A_12 : memref<80xi32, #tpu.memory_space<hbm>>) target(%arg8 : memref<80xi32, #tpu.memory_space<vmem>>) target_semaphore(%arg15 : memref<!tpu.dma_semaphore, #tpu.memory_space<semaphore_mem>>)
    %dma_start3A_13 = arith.constant 0 : i32
    %dma_start3A_14 = tpu.memref_slice %arg7[%dma_start3A_13] : memref<10000xi32, #tpu.memory_space<vmem>> -> memref<80xi32, #tpu.memory_space<vmem>>
    %dma_start3A_15 = arith.constant 0 : i32
    %dma_start3A_16 = arith.constant 0 : i32
    %dma_start3A_17 = tpu.memref_slice %arg2[%dma_start3A_15, %dma_start3A_16] : memref<10000x128xf32, #tpu.memory_space<hbm>> -> memref<10000x128xf32, #tpu.memory_space<hbm>>
    tpu.enqueue_indirect_dma source(%dma_start3A_17 : memref<10000x128xf32, #tpu.memory_space<hbm>>) target(%arg11 : memref<80x128xf32, #tpu.memory_space<vmem>>) offsets(%dma_start3A_14 : memref<80xi32, #tpu.memory_space<vmem>>) semaphore(%arg18 : memref<!tpu.dma_semaphore, #tpu.memory_space<semaphore_mem>>)
    %add3A_18 = arith.constant 80 : i32
    %add3A_19 = arith.addi %multiple_of3A, %add3A_18 : i32
    %multiple_of3A_20 = tpu.assume_multiple %add3A_19, 8 : i32
    %dma_start3A_21 = tpu.memref_slice %arg4[%multiple_of3A_20] : memref<320000xi32, #tpu.memory_space<hbm>> -> memref<80xi32, #tpu.memory_space<hbm>>
    %dma_start3A_22 = tpu.memref_slice %arg4[%multiple_of3A_20] : memref<320000xi32, #tpu.memory_space<hbm>> -> memref<80xi32, #tpu.memory_space<hbm>>
    tpu.enqueue_dma source(%dma_start3A_22 : memref<80xi32, #tpu.memory_space<hbm>>) target(%arg9 : memref<80xi32, #tpu.memory_space<vmem>>) target_semaphore(%arg16 : memref<!tpu.dma_semaphore, #tpu.memory_space<semaphore_mem>>)
    %dma_start3A_23 = arith.constant 80 : i32
    %dma_start3A_24 = tpu.memref_slice %arg7[%dma_start3A_23] : memref<10000xi32, #tpu.memory_space<vmem>> -> memref<80xi32, #tpu.memory_space<vmem>>
    %dma_start3A_25 = arith.constant 0 : i32
    %dma_start3A_26 = arith.constant 0 : i32
    %dma_start3A_27 = tpu.memref_slice %arg2[%dma_start3A_25, %dma_start3A_26] : memref<10000x128xf32, #tpu.memory_space<hbm>> -> memref<10000x128xf32, #tpu.memory_space<hbm>>
    tpu.enqueue_indirect_dma source(%dma_start3A_27 : memref<10000x128xf32, #tpu.memory_space<hbm>>) target(%arg12 : memref<80x128xf32, #tpu.memory_space<vmem>>) offsets(%dma_start3A_24 : memref<80xi32, #tpu.memory_space<vmem>>) semaphore(%arg19 : memref<!tpu.dma_semaphore, #tpu.memory_space<semaphore_mem>>)
    %dma_wait3A = arith.constant 0 : i32
    %dma_wait3A_28 = tpu.memref_slice %arg7[%dma_wait3A] : memref<10000xi32, #tpu.memory_space<vmem>> -> memref<80xi32, #tpu.memory_space<vmem>>
    %dma_wait3A_29 = arith.constant 0 : i32
    %dma_wait3A_30 = arith.constant 0 : i32
    %dma_wait3A_31 = tpu.memref_slice %arg2[%dma_wait3A_29, %dma_wait3A_30] : memref<10000x128xf32, #tpu.memory_space<hbm>> -> memref<10000x128xf32, #tpu.memory_space<hbm>>
    tpu.wait_indirect_dma semaphore(%arg18 : memref<!tpu.dma_semaphore, #tpu.memory_space<semaphore_mem>>) src(%dma_wait3A_31 : memref<10000x128xf32, #tpu.memory_space<hbm>>) dst(%arg11 : memref<80x128xf32, #tpu.memory_space<vmem>>)
    %dma_wait3A_32 = tpu.memref_slice %arg4[%multiple_of3A] : memref<320000xi32, #tpu.memory_space<hbm>> -> memref<80xi32, #tpu.memory_space<hbm>>
    %dma_wait3A_33 = tpu.memref_slice %arg4[%multiple_of3A] : memref<320000xi32, #tpu.memory_space<hbm>> -> memref<80xi32, #tpu.memory_space<hbm>>
    tpu.wait_dma2 semaphore(%arg15 : memref<!tpu.dma_semaphore, #tpu.memory_space<semaphore_mem>>) src(%dma_wait3A_33 : memref<80xi32, #tpu.memory_space<hbm>>) dst(%arg8 : memref<80xi32, #tpu.memory_space<vmem>>)
    %dma_start3A_34 = arith.constant 0 : i32
    %dma_start3A_35 = arith.constant 0 : i32
    %dma_start3A_36 = tpu.memref_slice %arg14[%dma_start3A_34, %dma_start3A_35] : memref<10000x128xf32, #tpu.memory_space<vmem_shared>> -> memref<10000x128xf32, #tpu.memory_space<vmem_shared>>
    tpu.enqueue_indirect_dma source(%arg11 : memref<80x128xf32, #tpu.memory_space<vmem>>) target(%dma_start3A_36 : memref<10000x128xf32, #tpu.memory_space<vmem_shared>>) offsets(%arg8 : memref<80xi32, #tpu.memory_space<vmem>>) semaphore(%arg21 : memref<!tpu.dma_semaphore, #tpu.memory_space<semaphore_mem>>) {add = true}
    %add3A_37 = arith.constant 160 : i32
    %add3A_38 = arith.addi %multiple_of3A, %add3A_37 : i32
    %multiple_of3A_39 = tpu.assume_multiple %add3A_38, 8 : i32
    %dma_start3A_40 = tpu.memref_slice %arg4[%multiple_of3A_39] : memref<320000xi32, #tpu.memory_space<hbm>> -> memref<80xi32, #tpu.memory_space<hbm>>
    %dma_start3A_41 = tpu.memref_slice %arg4[%multiple_of3A_39] : memref<320000xi32, #tpu.memory_space<hbm>> -> memref<80xi32, #tpu.memory_space<hbm>>
    tpu.enqueue_dma source(%dma_start3A_41 : memref<80xi32, #tpu.memory_space<hbm>>) target(%arg10 : memref<80xi32, #tpu.memory_space<vmem>>) target_semaphore(%arg17 : memref<!tpu.dma_semaphore, #tpu.memory_space<semaphore_mem>>)
    %dma_start3A_42 = arith.constant 160 : i32
    %dma_start3A_43 = tpu.memref_slice %arg7[%dma_start3A_42] : memref<10000xi32, #tpu.memory_space<vmem>> -> memref<80xi32, #tpu.memory_space<vmem>>
    %dma_start3A_44 = arith.constant 0 : i32
    %dma_start3A_45 = arith.constant 0 : i32
    %dma_start3A_46 = tpu.memref_slice %arg2[%dma_start3A_44, %dma_start3A_45] : memref<10000x128xf32, #tpu.memory_space<hbm>> -> memref<10000x128xf32, #tpu.memory_space<hbm>>
    tpu.enqueue_indirect_dma source(%dma_start3A_46 : memref<10000x128xf32, #tpu.memory_space<hbm>>) target(%arg13 : memref<80x128xf32, #tpu.memory_space<vmem>>) offsets(%dma_start3A_43 : memref<80xi32, #tpu.memory_space<vmem>>) semaphore(%arg20 : memref<!tpu.dma_semaphore, #tpu.memory_space<semaphore_mem>>)
    %dma_wait3A_47 = arith.constant 0 : i32
    %dma_wait3A_48 = tpu.memref_slice %arg7[%dma_wait3A_47] : memref<10000xi32, #tpu.memory_space<vmem>> -> memref<80xi32, #tpu.memory_space<vmem>>
    %dma_wait3A_49 = arith.constant 0 : i32
    %dma_wait3A_50 = arith.constant 0 : i32
    %dma_wait3A_51 = tpu.memref_slice %arg2[%dma_wait3A_49, %dma_wait3A_50] : memref<10000x128xf32, #tpu.memory_space<hbm>> -> memref<10000x128xf32, #tpu.memory_space<hbm>>
    tpu.wait_indirect_dma semaphore(%arg19 : memref<!tpu.dma_semaphore, #tpu.memory_space<semaphore_mem>>) src(%dma_wait3A_51 : memref<10000x128xf32, #tpu.memory_space<hbm>>) dst(%arg12 : memref<80x128xf32, #tpu.memory_space<vmem>>)
    %dma_wait3A_52 = tpu.memref_slice %arg4[%multiple_of3A] : memref<320000xi32, #tpu.memory_space<hbm>> -> memref<80xi32, #tpu.memory_space<hbm>>
    %dma_wait3A_53 = tpu.memref_slice %arg4[%multiple_of3A] : memref<320000xi32, #tpu.memory_space<hbm>> -> memref<80xi32, #tpu.memory_space<hbm>>
    tpu.wait_dma2 semaphore(%arg16 : memref<!tpu.dma_semaphore, #tpu.memory_space<semaphore_mem>>) src(%dma_wait3A_53 : memref<80xi32, #tpu.memory_space<hbm>>) dst(%arg9 : memref<80xi32, #tpu.memory_space<vmem>>)
    %dma_start3A_54 = arith.constant 0 : i32
    %dma_start3A_55 = arith.constant 0 : i32
    %dma_start3A_56 = tpu.memref_slice %arg14[%dma_start3A_54, %dma_start3A_55] : memref<10000x128xf32, #tpu.memory_space<vmem_shared>> -> memref<10000x128xf32, #tpu.memory_space<vmem_shared>>
    tpu.enqueue_indirect_dma source(%arg12 : memref<80x128xf32, #tpu.memory_space<vmem>>) target(%dma_start3A_56 : memref<10000x128xf32, #tpu.memory_space<vmem_shared>>) offsets(%arg9 : memref<80xi32, #tpu.memory_space<vmem>>) semaphore(%arg22 : memref<!tpu.dma_semaphore, #tpu.memory_space<semaphore_mem>>) {add = true}
    %scan3A = arith.constant 0 : i32
    %scan3A_57 = arith.constant 0 : i32
    %scan3A_58 = arith.constant 40 : i32
    %scan3A_59 = arith.addi %scan3A_57, %scan3A_58 : i32
    %scan3A_60 = arith.constant 1 : i32
    scf.for %scan3A_138 = %scan3A_57 to %scan3A_59 step %scan3A_60  : i32 {
      %mul3A_139 = arith.constant 3 : i32
      %mul3A_140 = arith.muli %mul3A_139, %scan3A_138 : i32
      %add3A_141 = arith.constant 3 : i32
      %add3A_142 = arith.addi %add3A_141, %mul3A_140 : i32
      %add3A_143 = arith.constant 0 : i32
      %add3A_144 = arith.addi %add3A_142, %add3A_143 : i32
      %dma_wait3A_145 = arith.constant 0 : i32
      %dma_wait3A_146 = arith.constant 0 : i32
      %dma_wait3A_147 = tpu.memref_slice %arg14[%dma_wait3A_145, %dma_wait3A_146] : memref<10000x128xf32, #tpu.memory_space<vmem_shared>> -> memref<10000x128xf32, #tpu.memory_space<vmem_shared>>
      tpu.wait_indirect_dma semaphore(%arg21 : memref<!tpu.dma_semaphore, #tpu.memory_space<semaphore_mem>>) src(%arg11 : memref<80x128xf32, #tpu.memory_space<vmem>>) dst(%dma_wait3A_147 : memref<10000x128xf32, #tpu.memory_space<vmem_shared>>)
      %mul3A_148 = arith.constant 80 : i32
      %mul3A_149 = arith.muli %add3A_144, %mul3A_148 : i32
      %add3A_150 = arith.addi %multiple_of3A, %mul3A_149 : i32
      %multiple_of3A_151 = tpu.assume_multiple %add3A_150, 8 : i32
      %dma_start3A_152 = tpu.memref_slice %arg4[%multiple_of3A_151] : memref<320000xi32, #tpu.memory_space<hbm>> -> memref<80xi32, #tpu.memory_space<hbm>>
      %dma_start3A_153 = tpu.memref_slice %arg4[%multiple_of3A_151] : memref<320000xi32, #tpu.memory_space<hbm>> -> memref<80xi32, #tpu.memory_space<hbm>>
      tpu.enqueue_dma source(%dma_start3A_153 : memref<80xi32, #tpu.memory_space<hbm>>) target(%arg8 : memref<80xi32, #tpu.memory_space<vmem>>) target_semaphore(%arg15 : memref<!tpu.dma_semaphore, #tpu.memory_space<semaphore_mem>>)
      %mul3A_154 = arith.constant 80 : i32
      %mul3A_155 = arith.muli %add3A_144, %mul3A_154 : i32
      %dma_start3A_156 = tpu.memref_slice %arg7[%mul3A_155] : memref<10000xi32, #tpu.memory_space<vmem>> -> memref<80xi32, #tpu.memory_space<vmem>>
      %dma_start3A_157 = arith.constant 0 : i32
      %dma_start3A_158 = arith.constant 0 : i32
      %dma_start3A_159 = tpu.memref_slice %arg2[%dma_start3A_157, %dma_start3A_158] : memref<10000x128xf32, #tpu.memory_space<hbm>> -> memref<10000x128xf32, #tpu.memory_space<hbm>>
      tpu.enqueue_indirect_dma source(%dma_start3A_159 : memref<10000x128xf32, #tpu.memory_space<hbm>>) target(%arg11 : memref<80x128xf32, #tpu.memory_space<vmem>>) offsets(%dma_start3A_156 : memref<80xi32, #tpu.memory_space<vmem>>) semaphore(%arg18 : memref<!tpu.dma_semaphore, #tpu.memory_space<semaphore_mem>>)
      %dma_wait3A_160 = arith.constant 0 : i32
      %dma_wait3A_161 = tpu.memref_slice %arg7[%dma_wait3A_160] : memref<10000xi32, #tpu.memory_space<vmem>> -> memref<80xi32, #tpu.memory_space<vmem>>
      %dma_wait3A_162 = arith.constant 0 : i32
      %dma_wait3A_163 = arith.constant 0 : i32
      %dma_wait3A_164 = tpu.memref_slice %arg2[%dma_wait3A_162, %dma_wait3A_163] : memref<10000x128xf32, #tpu.memory_space<hbm>> -> memref<10000x128xf32, #tpu.memory_space<hbm>>
      tpu.wait_indirect_dma semaphore(%arg20 : memref<!tpu.dma_semaphore, #tpu.memory_space<semaphore_mem>>) src(%dma_wait3A_164 : memref<10000x128xf32, #tpu.memory_space<hbm>>) dst(%arg13 : memref<80x128xf32, #tpu.memory_space<vmem>>)
      %dma_wait3A_165 = tpu.memref_slice %arg4[%multiple_of3A] : memref<320000xi32, #tpu.memory_space<hbm>> -> memref<80xi32, #tpu.memory_space<hbm>>
      %dma_wait3A_166 = tpu.memref_slice %arg4[%multiple_of3A] : memref<320000xi32, #tpu.memory_space<hbm>> -> memref<80xi32, #tpu.memory_space<hbm>>
      tpu.wait_dma2 semaphore(%arg17 : memref<!tpu.dma_semaphore, #tpu.memory_space<semaphore_mem>>) src(%dma_wait3A_166 : memref<80xi32, #tpu.memory_space<hbm>>) dst(%arg10 : memref<80xi32, #tpu.memory_space<vmem>>)
      %dma_start3A_167 = arith.constant 0 : i32
      %dma_start3A_168 = arith.constant 0 : i32
      %dma_start3A_169 = tpu.memref_slice %arg14[%dma_start3A_167, %dma_start3A_168] : memref<10000x128xf32, #tpu.memory_space<vmem_shared>> -> memref<10000x128xf32, #tpu.memory_space<vmem_shared>>
      tpu.enqueue_indirect_dma source(%arg13 : memref<80x128xf32, #tpu.memory_space<vmem>>) target(%dma_start3A_169 : memref<10000x128xf32, #tpu.memory_space<vmem_shared>>) offsets(%arg10 : memref<80xi32, #tpu.memory_space<vmem>>) semaphore(%arg23 : memref<!tpu.dma_semaphore, #tpu.memory_space<semaphore_mem>>) {add = true}
      %add3A_170 = arith.constant 1 : i32
      %add3A_171 = arith.addi %add3A_142, %add3A_170 : i32
      %dma_wait3A_172 = arith.constant 0 : i32
      %dma_wait3A_173 = arith.constant 0 : i32
      %dma_wait3A_174 = tpu.memref_slice %arg14[%dma_wait3A_172, %dma_wait3A_173] : memref<10000x128xf32, #tpu.memory_space<vmem_shared>> -> memref<10000x128xf32, #tpu.memory_space<vmem_shared>>
      tpu.wait_indirect_dma semaphore(%arg22 : memref<!tpu.dma_semaphore, #tpu.memory_space<semaphore_mem>>) src(%arg12 : memref<80x128xf32, #tpu.memory_space<vmem>>) dst(%dma_wait3A_174 : memref<10000x128xf32, #tpu.memory_space<vmem_shared>>)
      %mul3A_175 = arith.constant 80 : i32
      %mul3A_176 = arith.muli %add3A_171, %mul3A_175 : i32
      %add3A_177 = arith.addi %multiple_of3A, %mul3A_176 : i32
      %multiple_of3A_178 = tpu.assume_multiple %add3A_177, 8 : i32
      %dma_start3A_179 = tpu.memref_slice %arg4[%multiple_of3A_178] : memref<320000xi32, #tpu.memory_space<hbm>> -> memref<80xi32, #tpu.memory_space<hbm>>
      %dma_start3A_180 = tpu.memref_slice %arg4[%multiple_of3A_178] : memref<320000xi32, #tpu.memory_space<hbm>> -> memref<80xi32, #tpu.memory_space<hbm>>
      tpu.enqueue_dma source(%dma_start3A_180 : memref<80xi32, #tpu.memory_space<hbm>>) target(%arg9 : memref<80xi32, #tpu.memory_space<vmem>>) target_semaphore(%arg16 : memref<!tpu.dma_semaphore, #tpu.memory_space<semaphore_mem>>)
      %mul3A_181 = arith.constant 80 : i32
      %mul3A_182 = arith.muli %add3A_171, %mul3A_181 : i32
      %dma_start3A_183 = tpu.memref_slice %arg7[%mul3A_182] : memref<10000xi32, #tpu.memory_space<vmem>> -> memref<80xi32, #tpu.memory_space<vmem>>
      %dma_start3A_184 = arith.constant 0 : i32
      %dma_start3A_185 = arith.constant 0 : i32
      %dma_start3A_186 = tpu.memref_slice %arg2[%dma_start3A_184, %dma_start3A_185] : memref<10000x128xf32, #tpu.memory_space<hbm>> -> memref<10000x128xf32, #tpu.memory_space<hbm>>
      tpu.enqueue_indirect_dma source(%dma_start3A_186 : memref<10000x128xf32, #tpu.memory_space<hbm>>) target(%arg12 : memref<80x128xf32, #tpu.memory_space<vmem>>) offsets(%dma_start3A_183 : memref<80xi32, #tpu.memory_space<vmem>>) semaphore(%arg19 : memref<!tpu.dma_semaphore, #tpu.memory_space<semaphore_mem>>)
      %dma_wait3A_187 = arith.constant 0 : i32
      %dma_wait3A_188 = tpu.memref_slice %arg7[%dma_wait3A_187] : memref<10000xi32, #tpu.memory_space<vmem>> -> memref<80xi32, #tpu.memory_space<vmem>>
      %dma_wait3A_189 = arith.constant 0 : i32
      %dma_wait3A_190 = arith.constant 0 : i32
      %dma_wait3A_191 = tpu.memref_slice %arg2[%dma_wait3A_189, %dma_wait3A_190] : memref<10000x128xf32, #tpu.memory_space<hbm>> -> memref<10000x128xf32, #tpu.memory_space<hbm>>
      tpu.wait_indirect_dma semaphore(%arg18 : memref<!tpu.dma_semaphore, #tpu.memory_space<semaphore_mem>>) src(%dma_wait3A_191 : memref<10000x128xf32, #tpu.memory_space<hbm>>) dst(%arg11 : memref<80x128xf32, #tpu.memory_space<vmem>>)
      %dma_wait3A_192 = tpu.memref_slice %arg4[%multiple_of3A] : memref<320000xi32, #tpu.memory_space<hbm>> -> memref<80xi32, #tpu.memory_space<hbm>>
      %dma_wait3A_193 = tpu.memref_slice %arg4[%multiple_of3A] : memref<320000xi32, #tpu.memory_space<hbm>> -> memref<80xi32, #tpu.memory_space<hbm>>
      tpu.wait_dma2 semaphore(%arg15 : memref<!tpu.dma_semaphore, #tpu.memory_space<semaphore_mem>>) src(%dma_wait3A_193 : memref<80xi32, #tpu.memory_space<hbm>>) dst(%arg8 : memref<80xi32, #tpu.memory_space<vmem>>)
      %dma_start3A_194 = arith.constant 0 : i32
      %dma_start3A_195 = arith.constant 0 : i32
      %dma_start3A_196 = tpu.memref_slice %arg14[%dma_start3A_194, %dma_start3A_195] : memref<10000x128xf32, #tpu.memory_space<vmem_shared>> -> memref<10000x128xf32, #tpu.memory_space<vmem_shared>>
      tpu.enqueue_indirect_dma source(%arg11 : memref<80x128xf32, #tpu.memory_space<vmem>>) target(%dma_start3A_196 : memref<10000x128xf32, #tpu.memory_space<vmem_shared>>) offsets(%arg8 : memref<80xi32, #tpu.memory_space<vmem>>) semaphore(%arg21 : memref<!tpu.dma_semaphore, #tpu.memory_space<semaphore_mem>>) {add = true}
      %add3A_197 = arith.constant 2 : i32
      %add3A_198 = arith.addi %add3A_142, %add3A_197 : i32
      %dma_wait3A_199 = arith.constant 0 : i32
      %dma_wait3A_200 = arith.constant 0 : i32
      %dma_wait3A_201 = tpu.memref_slice %arg14[%dma_wait3A_199, %dma_wait3A_200] : memref<10000x128xf32, #tpu.memory_space<vmem_shared>> -> memref<10000x128xf32, #tpu.memory_space<vmem_shared>>
      tpu.wait_indirect_dma semaphore(%arg23 : memref<!tpu.dma_semaphore, #tpu.memory_space<semaphore_mem>>) src(%arg13 : memref<80x128xf32, #tpu.memory_space<vmem>>) dst(%dma_wait3A_201 : memref<10000x128xf32, #tpu.memory_space<vmem_shared>>)
      %mul3A_202 = arith.constant 80 : i32
      %mul3A_203 = arith.muli %add3A_198, %mul3A_202 : i32
      %add3A_204 = arith.addi %multiple_of3A, %mul3A_203 : i32
      %multiple_of3A_205 = tpu.assume_multiple %add3A_204, 8 : i32
      %dma_start3A_206 = tpu.memref_slice %arg4[%multiple_of3A_205] : memref<320000xi32, #tpu.memory_space<hbm>> -> memref<80xi32, #tpu.memory_space<hbm>>
      %dma_start3A_207 = tpu.memref_slice %arg4[%multiple_of3A_205] : memref<320000xi32, #tpu.memory_space<hbm>> -> memref<80xi32, #tpu.memory_space<hbm>>
      tpu.enqueue_dma source(%dma_start3A_207 : memref<80xi32, #tpu.memory_space<hbm>>) target(%arg10 : memref<80xi32, #tpu.memory_space<vmem>>) target_semaphore(%arg17 : memref<!tpu.dma_semaphore, #tpu.memory_space<semaphore_mem>>)
      %mul3A_208 = arith.constant 80 : i32
      %mul3A_209 = arith.muli %add3A_198, %mul3A_208 : i32
      %dma_start3A_210 = tpu.memref_slice %arg7[%mul3A_209] : memref<10000xi32, #tpu.memory_space<vmem>> -> memref<80xi32, #tpu.memory_space<vmem>>
      %dma_start3A_211 = arith.constant 0 : i32
      %dma_start3A_212 = arith.constant 0 : i32
      %dma_start3A_213 = tpu.memref_slice %arg2[%dma_start3A_211, %dma_start3A_212] : memref<10000x128xf32, #tpu.memory_space<hbm>> -> memref<10000x128xf32, #tpu.memory_space<hbm>>
      tpu.enqueue_indirect_dma source(%dma_start3A_213 : memref<10000x128xf32, #tpu.memory_space<hbm>>) target(%arg13 : memref<80x128xf32, #tpu.memory_space<vmem>>) offsets(%dma_start3A_210 : memref<80xi32, #tpu.memory_space<vmem>>) semaphore(%arg20 : memref<!tpu.dma_semaphore, #tpu.memory_space<semaphore_mem>>)
      %dma_wait3A_214 = arith.constant 0 : i32
      %dma_wait3A_215 = tpu.memref_slice %arg7[%dma_wait3A_214] : memref<10000xi32, #tpu.memory_space<vmem>> -> memref<80xi32, #tpu.memory_space<vmem>>
      %dma_wait3A_216 = arith.constant 0 : i32
      %dma_wait3A_217 = arith.constant 0 : i32
      %dma_wait3A_218 = tpu.memref_slice %arg2[%dma_wait3A_216, %dma_wait3A_217] : memref<10000x128xf32, #tpu.memory_space<hbm>> -> memref<10000x128xf32, #tpu.memory_space<hbm>>
      tpu.wait_indirect_dma semaphore(%arg19 : memref<!tpu.dma_semaphore, #tpu.memory_space<semaphore_mem>>) src(%dma_wait3A_218 : memref<10000x128xf32, #tpu.memory_space<hbm>>) dst(%arg12 : memref<80x128xf32, #tpu.memory_space<vmem>>)
      %dma_wait3A_219 = tpu.memref_slice %arg4[%multiple_of3A] : memref<320000xi32, #tpu.memory_space<hbm>> -> memref<80xi32, #tpu.memory_space<hbm>>
      %dma_wait3A_220 = tpu.memref_slice %arg4[%multiple_of3A] : memref<320000xi32, #tpu.memory_space<hbm>> -> memref<80xi32, #tpu.memory_space<hbm>>
      tpu.wait_dma2 semaphore(%arg16 : memref<!tpu.dma_semaphore, #tpu.memory_space<semaphore_mem>>) src(%dma_wait3A_220 : memref<80xi32, #tpu.memory_space<hbm>>) dst(%arg9 : memref<80xi32, #tpu.memory_space<vmem>>)
      %dma_start3A_221 = arith.constant 0 : i32
      %dma_start3A_222 = arith.constant 0 : i32
      %dma_start3A_223 = tpu.memref_slice %arg14[%dma_start3A_221, %dma_start3A_222] : memref<10000x128xf32, #tpu.memory_space<vmem_shared>> -> memref<10000x128xf32, #tpu.memory_space<vmem_shared>>
      tpu.enqueue_indirect_dma source(%arg12 : memref<80x128xf32, #tpu.memory_space<vmem>>) target(%dma_start3A_223 : memref<10000x128xf32, #tpu.memory_space<vmem_shared>>) offsets(%arg9 : memref<80xi32, #tpu.memory_space<vmem>>) semaphore(%arg22 : memref<!tpu.dma_semaphore, #tpu.memory_space<semaphore_mem>>) {add = true}
    }
    %scan3A_61 = arith.constant 40 : i32
    %dma_wait3A_62 = arith.constant 0 : i32
    %dma_wait3A_63 = arith.constant 0 : i32
    %dma_wait3A_64 = tpu.memref_slice %arg14[%dma_wait3A_62, %dma_wait3A_63] : memref<10000x128xf32, #tpu.memory_space<vmem_shared>> -> memref<10000x128xf32, #tpu.memory_space<vmem_shared>>
    tpu.wait_indirect_dma semaphore(%arg21 : memref<!tpu.dma_semaphore, #tpu.memory_space<semaphore_mem>>) src(%arg11 : memref<80x128xf32, #tpu.memory_space<vmem>>) dst(%dma_wait3A_64 : memref<10000x128xf32, #tpu.memory_space<vmem_shared>>)
    %add3A_65 = arith.constant 9840 : i32
    %add3A_66 = arith.addi %multiple_of3A, %add3A_65 : i32
    %multiple_of3A_67 = tpu.assume_multiple %add3A_66, 8 : i32
    %dma_start3A_68 = tpu.memref_slice %arg4[%multiple_of3A_67] : memref<320000xi32, #tpu.memory_space<hbm>> -> memref<80xi32, #tpu.memory_space<hbm>>
    %dma_start3A_69 = tpu.memref_slice %arg4[%multiple_of3A_67] : memref<320000xi32, #tpu.memory_space<hbm>> -> memref<80xi32, #tpu.memory_space<hbm>>
    tpu.enqueue_dma source(%dma_start3A_69 : memref<80xi32, #tpu.memory_space<hbm>>) target(%arg8 : memref<80xi32, #tpu.memory_space<vmem>>) target_semaphore(%arg15 : memref<!tpu.dma_semaphore, #tpu.memory_space<semaphore_mem>>)
    %dma_start3A_70 = arith.constant 9840 : i32
    %dma_start3A_71 = tpu.memref_slice %arg7[%dma_start3A_70] : memref<10000xi32, #tpu.memory_space<vmem>> -> memref<80xi32, #tpu.memory_space<vmem>>
    %dma_start3A_72 = arith.constant 0 : i32
    %dma_start3A_73 = arith.constant 0 : i32
    %dma_start3A_74 = tpu.memref_slice %arg2[%dma_start3A_72, %dma_start3A_73] : memref<10000x128xf32, #tpu.memory_space<hbm>> -> memref<10000x128xf32, #tpu.memory_space<hbm>>
    tpu.enqueue_indirect_dma source(%dma_start3A_74 : memref<10000x128xf32, #tpu.memory_space<hbm>>) target(%arg11 : memref<80x128xf32, #tpu.memory_space<vmem>>) offsets(%dma_start3A_71 : memref<80xi32, #tpu.memory_space<vmem>>) semaphore(%arg18 : memref<!tpu.dma_semaphore, #tpu.memory_space<semaphore_mem>>)
    %dma_wait3A_75 = arith.constant 0 : i32
    %dma_wait3A_76 = tpu.memref_slice %arg7[%dma_wait3A_75] : memref<10000xi32, #tpu.memory_space<vmem>> -> memref<80xi32, #tpu.memory_space<vmem>>
    %dma_wait3A_77 = arith.constant 0 : i32
    %dma_wait3A_78 = arith.constant 0 : i32
    %dma_wait3A_79 = tpu.memref_slice %arg2[%dma_wait3A_77, %dma_wait3A_78] : memref<10000x128xf32, #tpu.memory_space<hbm>> -> memref<10000x128xf32, #tpu.memory_space<hbm>>
    tpu.wait_indirect_dma semaphore(%arg20 : memref<!tpu.dma_semaphore, #tpu.memory_space<semaphore_mem>>) src(%dma_wait3A_79 : memref<10000x128xf32, #tpu.memory_space<hbm>>) dst(%arg13 : memref<80x128xf32, #tpu.memory_space<vmem>>)
    %dma_wait3A_80 = tpu.memref_slice %arg4[%multiple_of3A] : memref<320000xi32, #tpu.memory_space<hbm>> -> memref<80xi32, #tpu.memory_space<hbm>>
    %dma_wait3A_81 = tpu.memref_slice %arg4[%multiple_of3A] : memref<320000xi32, #tpu.memory_space<hbm>> -> memref<80xi32, #tpu.memory_space<hbm>>
    tpu.wait_dma2 semaphore(%arg17 : memref<!tpu.dma_semaphore, #tpu.memory_space<semaphore_mem>>) src(%dma_wait3A_81 : memref<80xi32, #tpu.memory_space<hbm>>) dst(%arg10 : memref<80xi32, #tpu.memory_space<vmem>>)
    %dma_start3A_82 = arith.constant 0 : i32
    %dma_start3A_83 = arith.constant 0 : i32
    %dma_start3A_84 = tpu.memref_slice %arg14[%dma_start3A_82, %dma_start3A_83] : memref<10000x128xf32, #tpu.memory_space<vmem_shared>> -> memref<10000x128xf32, #tpu.memory_space<vmem_shared>>
    tpu.enqueue_indirect_dma source(%arg13 : memref<80x128xf32, #tpu.memory_space<vmem>>) target(%dma_start3A_84 : memref<10000x128xf32, #tpu.memory_space<vmem_shared>>) offsets(%arg10 : memref<80xi32, #tpu.memory_space<vmem>>) semaphore(%arg23 : memref<!tpu.dma_semaphore, #tpu.memory_space<semaphore_mem>>) {add = true}
    %dma_wait3A_85 = arith.constant 0 : i32
    %dma_wait3A_86 = arith.constant 0 : i32
    %dma_wait3A_87 = tpu.memref_slice %arg14[%dma_wait3A_85, %dma_wait3A_86] : memref<10000x128xf32, #tpu.memory_space<vmem_shared>> -> memref<10000x128xf32, #tpu.memory_space<vmem_shared>>
    tpu.wait_indirect_dma semaphore(%arg22 : memref<!tpu.dma_semaphore, #tpu.memory_space<semaphore_mem>>) src(%arg12 : memref<80x128xf32, #tpu.memory_space<vmem>>) dst(%dma_wait3A_87 : memref<10000x128xf32, #tpu.memory_space<vmem_shared>>)
    %add3A_88 = arith.constant 9920 : i32
    %add3A_89 = arith.addi %multiple_of3A, %add3A_88 : i32
    %multiple_of3A_90 = tpu.assume_multiple %add3A_89, 8 : i32
    %dma_start3A_91 = tpu.memref_slice %arg4[%multiple_of3A_90] : memref<320000xi32, #tpu.memory_space<hbm>> -> memref<80xi32, #tpu.memory_space<hbm>>
    %dma_start3A_92 = tpu.memref_slice %arg4[%multiple_of3A_90] : memref<320000xi32, #tpu.memory_space<hbm>> -> memref<80xi32, #tpu.memory_space<hbm>>
    tpu.enqueue_dma source(%dma_start3A_92 : memref<80xi32, #tpu.memory_space<hbm>>) target(%arg9 : memref<80xi32, #tpu.memory_space<vmem>>) target_semaphore(%arg16 : memref<!tpu.dma_semaphore, #tpu.memory_space<semaphore_mem>>)
    %dma_start3A_93 = arith.constant 9920 : i32
    %dma_start3A_94 = tpu.memref_slice %arg7[%dma_start3A_93] : memref<10000xi32, #tpu.memory_space<vmem>> -> memref<80xi32, #tpu.memory_space<vmem>>
    %dma_start3A_95 = arith.constant 0 : i32
    %dma_start3A_96 = arith.constant 0 : i32
    %dma_start3A_97 = tpu.memref_slice %arg2[%dma_start3A_95, %dma_start3A_96] : memref<10000x128xf32, #tpu.memory_space<hbm>> -> memref<10000x128xf32, #tpu.memory_space<hbm>>
    tpu.enqueue_indirect_dma source(%dma_start3A_97 : memref<10000x128xf32, #tpu.memory_space<hbm>>) target(%arg12 : memref<80x128xf32, #tpu.memory_space<vmem>>) offsets(%dma_start3A_94 : memref<80xi32, #tpu.memory_space<vmem>>) semaphore(%arg19 : memref<!tpu.dma_semaphore, #tpu.memory_space<semaphore_mem>>)
    %dma_wait3A_98 = arith.constant 0 : i32
    %dma_wait3A_99 = tpu.memref_slice %arg7[%dma_wait3A_98] : memref<10000xi32, #tpu.memory_space<vmem>> -> memref<80xi32, #tpu.memory_space<vmem>>
    %dma_wait3A_100 = arith.constant 0 : i32
    %dma_wait3A_101 = arith.constant 0 : i32
    %dma_wait3A_102 = tpu.memref_slice %arg2[%dma_wait3A_100, %dma_wait3A_101] : memref<10000x128xf32, #tpu.memory_space<hbm>> -> memref<10000x128xf32, #tpu.memory_space<hbm>>
    tpu.wait_indirect_dma semaphore(%arg18 : memref<!tpu.dma_semaphore, #tpu.memory_space<semaphore_mem>>) src(%dma_wait3A_102 : memref<10000x128xf32, #tpu.memory_space<hbm>>) dst(%arg11 : memref<80x128xf32, #tpu.memory_space<vmem>>)
    %dma_wait3A_103 = tpu.memref_slice %arg4[%multiple_of3A] : memref<320000xi32, #tpu.memory_space<hbm>> -> memref<80xi32, #tpu.memory_space<hbm>>
    %dma_wait3A_104 = tpu.memref_slice %arg4[%multiple_of3A] : memref<320000xi32, #tpu.memory_space<hbm>> -> memref<80xi32, #tpu.memory_space<hbm>>
    tpu.wait_dma2 semaphore(%arg15 : memref<!tpu.dma_semaphore, #tpu.memory_space<semaphore_mem>>) src(%dma_wait3A_104 : memref<80xi32, #tpu.memory_space<hbm>>) dst(%arg8 : memref<80xi32, #tpu.memory_space<vmem>>)
    %dma_start3A_105 = arith.constant 0 : i32
    %dma_start3A_106 = arith.constant 0 : i32
    %dma_start3A_107 = tpu.memref_slice %arg14[%dma_start3A_105, %dma_start3A_106] : memref<10000x128xf32, #tpu.memory_space<vmem_shared>> -> memref<10000x128xf32, #tpu.memory_space<vmem_shared>>
    tpu.enqueue_indirect_dma source(%arg11 : memref<80x128xf32, #tpu.memory_space<vmem>>) target(%dma_start3A_107 : memref<10000x128xf32, #tpu.memory_space<vmem_shared>>) offsets(%arg8 : memref<80xi32, #tpu.memory_space<vmem>>) semaphore(%arg21 : memref<!tpu.dma_semaphore, #tpu.memory_space<semaphore_mem>>) {add = true}
    %dma_wait3A_108 = arith.constant 0 : i32
    %dma_wait3A_109 = tpu.memref_slice %arg7[%dma_wait3A_108] : memref<10000xi32, #tpu.memory_space<vmem>> -> memref<80xi32, #tpu.memory_space<vmem>>
    %dma_wait3A_110 = arith.constant 0 : i32
    %dma_wait3A_111 = arith.constant 0 : i32
    %dma_wait3A_112 = tpu.memref_slice %arg2[%dma_wait3A_110, %dma_wait3A_111] : memref<10000x128xf32, #tpu.memory_space<hbm>> -> memref<10000x128xf32, #tpu.memory_space<hbm>>
    tpu.wait_indirect_dma semaphore(%arg19 : memref<!tpu.dma_semaphore, #tpu.memory_space<semaphore_mem>>) src(%dma_wait3A_112 : memref<10000x128xf32, #tpu.memory_space<hbm>>) dst(%arg12 : memref<80x128xf32, #tpu.memory_space<vmem>>)
    %dma_wait3A_113 = tpu.memref_slice %arg4[%multiple_of3A] : memref<320000xi32, #tpu.memory_space<hbm>> -> memref<80xi32, #tpu.memory_space<hbm>>
    %dma_wait3A_114 = tpu.memref_slice %arg4[%multiple_of3A] : memref<320000xi32, #tpu.memory_space<hbm>> -> memref<80xi32, #tpu.memory_space<hbm>>
    tpu.wait_dma2 semaphore(%arg16 : memref<!tpu.dma_semaphore, #tpu.memory_space<semaphore_mem>>) src(%dma_wait3A_114 : memref<80xi32, #tpu.memory_space<hbm>>) dst(%arg9 : memref<80xi32, #tpu.memory_space<vmem>>)
    %dma_start3A_115 = arith.constant 0 : i32
    %dma_start3A_116 = arith.constant 0 : i32
    %dma_start3A_117 = tpu.memref_slice %arg14[%dma_start3A_115, %dma_start3A_116] : memref<10000x128xf32, #tpu.memory_space<vmem_shared>> -> memref<10000x128xf32, #tpu.memory_space<vmem_shared>>
    tpu.enqueue_indirect_dma source(%arg12 : memref<80x128xf32, #tpu.memory_space<vmem>>) target(%dma_start3A_117 : memref<10000x128xf32, #tpu.memory_space<vmem_shared>>) offsets(%arg9 : memref<80xi32, #tpu.memory_space<vmem>>) semaphore(%arg22 : memref<!tpu.dma_semaphore, #tpu.memory_space<semaphore_mem>>) {add = true}
    %dma_wait3A_118 = arith.constant 0 : i32
    %dma_wait3A_119 = arith.constant 0 : i32
    %dma_wait3A_120 = tpu.memref_slice %arg14[%dma_wait3A_118, %dma_wait3A_119] : memref<10000x128xf32, #tpu.memory_space<vmem_shared>> -> memref<10000x128xf32, #tpu.memory_space<vmem_shared>>
    tpu.wait_indirect_dma semaphore(%arg21 : memref<!tpu.dma_semaphore, #tpu.memory_space<semaphore_mem>>) src(%arg11 : memref<80x128xf32, #tpu.memory_space<vmem>>) dst(%dma_wait3A_120 : memref<10000x128xf32, #tpu.memory_space<vmem_shared>>)
    %dma_wait3A_121 = arith.constant 0 : i32
    %dma_wait3A_122 = arith.constant 0 : i32
    %dma_wait3A_123 = tpu.memref_slice %arg14[%dma_wait3A_121, %dma_wait3A_122] : memref<10000x128xf32, #tpu.memory_space<vmem_shared>> -> memref<10000x128xf32, #tpu.memory_space<vmem_shared>>
    tpu.wait_indirect_dma semaphore(%arg22 : memref<!tpu.dma_semaphore, #tpu.memory_space<semaphore_mem>>) src(%arg12 : memref<80x128xf32, #tpu.memory_space<vmem>>) dst(%dma_wait3A_123 : memref<10000x128xf32, #tpu.memory_space<vmem_shared>>)
    %dma_wait3A_124 = arith.constant 0 : i32
    %dma_wait3A_125 = arith.constant 0 : i32
    %dma_wait3A_126 = tpu.memref_slice %arg14[%dma_wait3A_124, %dma_wait3A_125] : memref<10000x128xf32, #tpu.memory_space<vmem_shared>> -> memref<10000x128xf32, #tpu.memory_space<vmem_shared>>
    tpu.wait_indirect_dma semaphore(%arg23 : memref<!tpu.dma_semaphore, #tpu.memory_space<semaphore_mem>>) src(%arg13 : memref<80x128xf32, #tpu.memory_space<vmem>>) dst(%dma_wait3A_126 : memref<10000x128xf32, #tpu.memory_space<vmem_shared>>)
    %barrier3A_127 = arith.constant 0 : index
    tpu.barrier barrier_id(%barrier3A_127)
    %lt3A_128 = arith.constant 15 : i32
    %lt3A_129 = arith.cmpi slt, %arg1, %lt3A_128 : i32
    %convert_element_type3A_130 = arith.extui %lt3A_129 : i1 to i32
    %cond3A_131 = arith.constant 0 : i32
    %cond3A_132 = arith.cmpi ne, %convert_element_type3A_130, %cond3A_131 : i32
    scf.if %cond3A_132 {
      %mul3A_138 = arith.constant 624 : i32
      %mul3A_139 = arith.muli %arg1, %mul3A_138 : i32
      %multiple_of3A_140 = tpu.assume_multiple %mul3A_139, 8 : i32
      "tpu.region"() ({
        %run_scoped3A = tpu.sem_alloc : memref<!tpu.dma_semaphore, #tpu.memory_space<semaphore_mem>>
        %dma_start3A_141 = arith.constant 0 : i32
        %dma_start3A_142 = tpu.memref_slice %arg6[%arg0, %multiple_of3A_140, %dma_start3A_141] : memref<2x10000x128xf32, #tpu.memory_space<hbm>> -> memref<1x624x128xf32, #tpu.memory_space<hbm>>
        %dma_start3A_143 = tpu.memref_squeeze %dma_start3A_142 : memref<1x624x128xf32, #tpu.memory_space<hbm>> -> memref<624x128xf32, #tpu.memory_space<hbm>>
        %dma_start3A_144 = arith.constant 0 : i32
        %dma_start3A_145 = tpu.memref_slice %arg14[%multiple_of3A_140, %dma_start3A_144] : memref<10000x128xf32, #tpu.memory_space<vmem_shared>> -> memref<624x128xf32, #tpu.memory_space<vmem_shared>>
        tpu.enqueue_dma source(%dma_start3A_145 : memref<624x128xf32, #tpu.memory_space<vmem_shared>>) target(%dma_start3A_143 : memref<624x128xf32, #tpu.memory_space<hbm>>) target_semaphore(%run_scoped3A : memref<!tpu.dma_semaphore, #tpu.memory_space<semaphore_mem>>)
        %dma_wait3A_146 = arith.constant 0 : i32
        %dma_wait3A_147 = tpu.memref_slice %arg6[%arg0, %multiple_of3A_140, %dma_wait3A_146] : memref<2x10000x128xf32, #tpu.memory_space<hbm>> -> memref<1x624x128xf32, #tpu.memory_space<hbm>>
        %dma_wait3A_148 = tpu.memref_squeeze %dma_wait3A_147 : memref<1x624x128xf32, #tpu.memory_space<hbm>> -> memref<624x128xf32, #tpu.memory_space<hbm>>
        %dma_wait3A_149 = arith.constant 0 : i32
        %dma_wait3A_150 = tpu.memref_slice %arg14[%multiple_of3A_140, %dma_wait3A_149] : memref<10000x128xf32, #tpu.memory_space<vmem_shared>> -> memref<624x128xf32, #tpu.memory_space<vmem_shared>>
        tpu.wait_dma2 semaphore(%run_scoped3A : memref<!tpu.dma_semaphore, #tpu.memory_space<semaphore_mem>>) src(%dma_wait3A_150 : memref<624x128xf32, #tpu.memory_space<vmem_shared>>) dst(%dma_wait3A_148 : memref<624x128xf32, #tpu.memory_space<hbm>>)
        tpu.yield
      }) : () -> ()
    } else {
    }
    %eq3A_133 = arith.constant 15 : i32
    %eq3A_134 = arith.cmpi eq, %arg1, %eq3A_133 : i32
    %convert_element_type3A_135 = arith.extui %eq3A_134 : i1 to i32
    %cond3A_136 = arith.constant 0 : i32
    %cond3A_137 = arith.cmpi ne, %convert_element_type3A_135, %cond3A_136 : i32
    scf.if %cond3A_137 {
      "tpu.region"() ({
        %run_scoped3A = tpu.sem_alloc : memref<!tpu.dma_semaphore, #tpu.memory_space<semaphore_mem>>
        %dma_start3A_138 = arith.constant 9360 : i32
        %dma_start3A_139 = arith.constant 0 : i32
        %dma_start3A_140 = tpu.memref_slice %arg6[%arg0, %dma_start3A_138, %dma_start3A_139] : memref<2x10000x128xf32, #tpu.memory_space<hbm>> -> memref<1x640x128xf32, #tpu.memory_space<hbm>>
        %dma_start3A_141 = tpu.memref_squeeze %dma_start3A_140 : memref<1x640x128xf32, #tpu.memory_space<hbm>> -> memref<640x128xf32, #tpu.memory_space<hbm>>
        %dma_start3A_142 = arith.constant 9360 : i32
        %dma_start3A_143 = arith.constant 0 : i32
        %dma_start3A_144 = tpu.memref_slice %arg14[%dma_start3A_142, %dma_start3A_143] : memref<10000x128xf32, #tpu.memory_space<vmem_shared>> -> memref<640x128xf32, #tpu.memory_space<vmem_shared>>
        tpu.enqueue_dma source(%dma_start3A_144 : memref<640x128xf32, #tpu.memory_space<vmem_shared>>) target(%dma_start3A_141 : memref<640x128xf32, #tpu.memory_space<hbm>>) target_semaphore(%run_scoped3A : memref<!tpu.dma_semaphore, #tpu.memory_space<semaphore_mem>>)
        %dma_wait3A_145 = arith.constant 9360 : i32
        %dma_wait3A_146 = arith.constant 0 : i32
        %dma_wait3A_147 = tpu.memref_slice %arg6[%arg0, %dma_wait3A_145, %dma_wait3A_146] : memref<2x10000x128xf32, #tpu.memory_space<hbm>> -> memref<1x640x128xf32, #tpu.memory_space<hbm>>
        %dma_wait3A_148 = tpu.memref_squeeze %dma_wait3A_147 : memref<1x640x128xf32, #tpu.memory_space<hbm>> -> memref<640x128xf32, #tpu.memory_space<hbm>>
        %dma_wait3A_149 = arith.constant 9360 : i32
        %dma_wait3A_150 = arith.constant 0 : i32
        %dma_wait3A_151 = tpu.memref_slice %arg14[%dma_wait3A_149, %dma_wait3A_150] : memref<10000x128xf32, #tpu.memory_space<vmem_shared>> -> memref<640x128xf32, #tpu.memory_space<vmem_shared>>
        tpu.wait_dma2 semaphore(%run_scoped3A : memref<!tpu.dma_semaphore, #tpu.memory_space<semaphore_mem>>) src(%dma_wait3A_151 : memref<640x128xf32, #tpu.memory_space<vmem_shared>>) dst(%dma_wait3A_148 : memref<640x128xf32, #tpu.memory_space<hbm>>)
        tpu.yield
      }) : () -> ()
    } else {
    }
    return
  }
}

#map = affine_map<(d0, d1) -> (0, 0)>
#map1 = affine_map<(d0, d1) -> (0)>
#map2 = affine_map<(d0, d1) -> (0, 0, 0)>
module attributes {stable_mosaic.version = 14 : i64} {
  func.func @_agg_kernel(%arg0: i32, %arg1: i32, %arg2: memref<10000x128xf32, #tpu.memory_space<hbm>>, %arg3: memref<320000xi32, #tpu.memory_space<hbm>>, %arg4: memref<320000xi32, #tpu.memory_space<hbm>>, %arg5: memref<10000x128xf32, #tpu.memory_space<hbm>>, %arg6: memref<2x10000x128xf32, #tpu.memory_space<hbm>>, %arg7: memref<10000xi32, #tpu.memory_space<vmem>>, %arg8: memref<80xi32, #tpu.memory_space<vmem>>, %arg9: memref<80xi32, #tpu.memory_space<vmem>>, %arg10: memref<80xi32, #tpu.memory_space<vmem>>, %arg11: memref<80x128xf32, #tpu.memory_space<vmem>>, %arg12: memref<80x128xf32, #tpu.memory_space<vmem>>, %arg13: memref<80x128xf32, #tpu.memory_space<vmem>>, %arg14: memref<10000x128xf32, #tpu.memory_space<vmem_shared>>, %arg15: memref<!tpu.dma_semaphore, #tpu.memory_space<semaphore_mem>>, %arg16: memref<!tpu.dma_semaphore, #tpu.memory_space<semaphore_mem>>, %arg17: memref<!tpu.dma_semaphore, #tpu.memory_space<semaphore_mem>>, %arg18: memref<!tpu.dma_semaphore, #tpu.memory_space<semaphore_mem>>, %arg19: memref<!tpu.dma_semaphore, #tpu.memory_space<semaphore_mem>>, %arg20: memref<!tpu.dma_semaphore, #tpu.memory_space<semaphore_mem>>, %arg21: memref<!tpu.dma_semaphore, #tpu.memory_space<semaphore_mem>>, %arg22: memref<!tpu.dma_semaphore, #tpu.memory_space<semaphore_mem>>, %arg23: memref<!tpu.dma_semaphore, #tpu.memory_space<semaphore_mem>>) attributes {dimension_semantics = [#tpu.dimension_semantics<core_parallel>, #tpu.dimension_semantics<subcore_parallel>], iteration_bounds = array<i64: 2, 16>, scalar_prefetch = 0 : i64, scratch_operands = 17 : i64, tpu.core_type = #tpu.core_type<sc_vector_subcore>, window_params = [{transform_indices = #map}, {transform_indices = #map1}, {transform_indices = #map1}, {transform_indices = #map}, {transform_indices = #map2}]} {
    %mul3A = arith.constant 2 : i32
    %mul3A_0 = arith.muli %arg1, %mul3A : i32
    %add3A = arith.addi %mul3A_0, %arg0 : i32
    %lt3A = arith.constant 15 : i32
    %lt3A_1 = arith.cmpi slt, %arg1, %lt3A : i32
    %convert_element_type3A = arith.extui %lt3A_1 : i1 to i32
    %cond3A = arith.constant 0 : i32
    %cond3A_2 = arith.cmpi ne, %convert_element_type3A, %cond3A : i32
    scf.if %cond3A_2 {
      %mul3A_138 = arith.constant 624 : i32
      %mul3A_139 = arith.muli %arg1, %mul3A_138 : i32
      %multiple_of3A_140 = tpu.assume_multiple %mul3A_139, 8 : i32
      "tpu.region"() ({
        %run_scoped3A = tpu.sem_alloc : memref<!tpu.dma_semaphore, #tpu.memory_space<semaphore_mem>>
        %dma_start3A_141 = arith.constant 0 : i32
        %dma_start3A_142 = tpu.memref_slice %arg14[%multiple_of3A_140, %dma_start3A_141] : memref<10000x128xf32, #tpu.memory_space<vmem_shared>> -> memref<624x128xf32, #tpu.memory_space<vmem_shared>>
        %dma_start3A_143 = arith.constant 0 : i32
        %dma_start3A_144 = tpu.memref_slice %arg5[%multiple_of3A_140, %dma_start3A_143] : memref<10000x128xf32, #tpu.memory_space<hbm>> -> memref<624x128xf32, #tpu.memory_space<hbm>>
        tpu.enqueue_dma source(%dma_start3A_144 : memref<624x128xf32, #tpu.memory_space<hbm>>) target(%dma_start3A_142 : memref<624x128xf32, #tpu.memory_space<vmem_shared>>) target_semaphore(%run_scoped3A : memref<!tpu.dma_semaphore, #tpu.memory_space<semaphore_mem>>)
        %dma_wait3A_145 = arith.constant 0 : i32
        %dma_wait3A_146 = tpu.memref_slice %arg14[%multiple_of3A_140, %dma_wait3A_145] : memref<10000x128xf32, #tpu.memory_space<vmem_shared>> -> memref<624x128xf32, #tpu.memory_space<vmem_shared>>
        %dma_wait3A_147 = arith.constant 0 : i32
        %dma_wait3A_148 = tpu.memref_slice %arg5[%multiple_of3A_140, %dma_wait3A_147] : memref<10000x128xf32, #tpu.memory_space<hbm>> -> memref<624x128xf32, #tpu.memory_space<hbm>>
        tpu.wait_dma2 semaphore(%run_scoped3A : memref<!tpu.dma_semaphore, #tpu.memory_space<semaphore_mem>>) src(%dma_wait3A_148 : memref<624x128xf32, #tpu.memory_space<hbm>>) dst(%dma_wait3A_146 : memref<624x128xf32, #tpu.memory_space<vmem_shared>>)
        tpu.yield
      }) : () -> ()
    } else {
    }
    %eq3A = arith.constant 15 : i32
    %eq3A_3 = arith.cmpi eq, %arg1, %eq3A : i32
    %convert_element_type3A_4 = arith.extui %eq3A_3 : i1 to i32
    %cond3A_5 = arith.constant 0 : i32
    %cond3A_6 = arith.cmpi ne, %convert_element_type3A_4, %cond3A_5 : i32
    scf.if %cond3A_6 {
      "tpu.region"() ({
        %run_scoped3A = tpu.sem_alloc : memref<!tpu.dma_semaphore, #tpu.memory_space<semaphore_mem>>
        %dma_start3A_138 = arith.constant 9360 : i32
        %dma_start3A_139 = arith.constant 0 : i32
        %dma_start3A_140 = tpu.memref_slice %arg14[%dma_start3A_138, %dma_start3A_139] : memref<10000x128xf32, #tpu.memory_space<vmem_shared>> -> memref<640x128xf32, #tpu.memory_space<vmem_shared>>
        %dma_start3A_141 = arith.constant 9360 : i32
        %dma_start3A_142 = arith.constant 0 : i32
        %dma_start3A_143 = tpu.memref_slice %arg5[%dma_start3A_141, %dma_start3A_142] : memref<10000x128xf32, #tpu.memory_space<hbm>> -> memref<640x128xf32, #tpu.memory_space<hbm>>
        tpu.enqueue_dma source(%dma_start3A_143 : memref<640x128xf32, #tpu.memory_space<hbm>>) target(%dma_start3A_140 : memref<640x128xf32, #tpu.memory_space<vmem_shared>>) target_semaphore(%run_scoped3A : memref<!tpu.dma_semaphore, #tpu.memory_space<semaphore_mem>>)
        %dma_wait3A_144 = arith.constant 9360 : i32
        %dma_wait3A_145 = arith.constant 0 : i32
        %dma_wait3A_146 = tpu.memref_slice %arg14[%dma_wait3A_144, %dma_wait3A_145] : memref<10000x128xf32, #tpu.memory_space<vmem_shared>> -> memref<640x128xf32, #tpu.memory_space<vmem_shared>>
        %dma_wait3A_147 = arith.constant 9360 : i32
        %dma_wait3A_148 = arith.constant 0 : i32
        %dma_wait3A_149 = tpu.memref_slice %arg5[%dma_wait3A_147, %dma_wait3A_148] : memref<10000x128xf32, #tpu.memory_space<hbm>> -> memref<640x128xf32, #tpu.memory_space<hbm>>
        tpu.wait_dma2 semaphore(%run_scoped3A : memref<!tpu.dma_semaphore, #tpu.memory_space<semaphore_mem>>) src(%dma_wait3A_149 : memref<640x128xf32, #tpu.memory_space<hbm>>) dst(%dma_wait3A_146 : memref<640x128xf32, #tpu.memory_space<vmem_shared>>)
        tpu.yield
      }) : () -> ()
    } else {
    }
    %mul3A_7 = arith.constant 10000 : i32
    %mul3A_8 = arith.muli %add3A, %mul3A_7 : i32
    %multiple_of3A = tpu.assume_multiple %mul3A_8, 8 : i32
    "tpu.region"() ({
      %run_scoped3A = tpu.sem_alloc : memref<!tpu.dma_semaphore, #tpu.memory_space<semaphore_mem>>
      %dma_start3A_138 = tpu.memref_slice %arg3[%multiple_of3A] : memref<320000xi32, #tpu.memory_space<hbm>> -> memref<10000xi32, #tpu.memory_space<hbm>>
      %dma_start3A_139 = tpu.memref_slice %arg3[%multiple_of3A] : memref<320000xi32, #tpu.memory_space<hbm>> -> memref<10000xi32, #tpu.memory_space<hbm>>
      tpu.enqueue_dma source(%dma_start3A_139 : memref<10000xi32, #tpu.memory_space<hbm>>) target(%arg7 : memref<10000xi32, #tpu.memory_space<vmem>>) target_semaphore(%run_scoped3A : memref<!tpu.dma_semaphore, #tpu.memory_space<semaphore_mem>>)
      %dma_wait3A_140 = tpu.memref_slice %arg3[%multiple_of3A] : memref<320000xi32, #tpu.memory_space<hbm>> -> memref<10000xi32, #tpu.memory_space<hbm>>
      %dma_wait3A_141 = tpu.memref_slice %arg3[%multiple_of3A] : memref<320000xi32, #tpu.memory_space<hbm>> -> memref<10000xi32, #tpu.memory_space<hbm>>
      tpu.wait_dma2 semaphore(%run_scoped3A : memref<!tpu.dma_semaphore, #tpu.memory_space<semaphore_mem>>) src(%dma_wait3A_141 : memref<10000xi32, #tpu.memory_space<hbm>>) dst(%arg7 : memref<10000xi32, #tpu.memory_space<vmem>>)
      tpu.yield
    }) : () -> ()
    %barrier3A = arith.constant 0 : index
    tpu.barrier barrier_id(%barrier3A)
    %add3A_9 = arith.constant 0 : i32
    %add3A_10 = arith.addi %multiple_of3A, %add3A_9 : i32
    %multiple_of3A_11 = tpu.assume_multiple %add3A_10, 8 : i32
    %dma_start3A = tpu.memref_slice %arg4[%multiple_of3A_11] : memref<320000xi32, #tpu.memory_space<hbm>> -> memref<80xi32, #tpu.memory_space<hbm>>
    %dma_start3A_12 = tpu.memref_slice %arg4[%multiple_of3A_11] : memref<320000xi32, #tpu.memory_space<hbm>> -> memref<80xi32, #tpu.memory_space<hbm>>
    tpu.enqueue_dma source(%dma_start3A_12 : memref<80xi32, #tpu.memory_space<hbm>>) target(%arg8 : memref<80xi32, #tpu.memory_space<vmem>>) target_semaphore(%arg15 : memref<!tpu.dma_semaphore, #tpu.memory_space<semaphore_mem>>)
    %dma_start3A_13 = arith.constant 0 : i32
    %dma_start3A_14 = tpu.memref_slice %arg7[%dma_start3A_13] : memref<10000xi32, #tpu.memory_space<vmem>> -> memref<80xi32, #tpu.memory_space<vmem>>
    %dma_start3A_15 = arith.constant 0 : i32
    %dma_start3A_16 = arith.constant 0 : i32
    %dma_start3A_17 = tpu.memref_slice %arg2[%dma_start3A_15, %dma_start3A_16] : memref<10000x128xf32, #tpu.memory_space<hbm>> -> memref<10000x128xf32, #tpu.memory_space<hbm>>
    tpu.enqueue_indirect_dma source(%dma_start3A_17 : memref<10000x128xf32, #tpu.memory_space<hbm>>) target(%arg11 : memref<80x128xf32, #tpu.memory_space<vmem>>) offsets(%dma_start3A_14 : memref<80xi32, #tpu.memory_space<vmem>>) semaphore(%arg18 : memref<!tpu.dma_semaphore, #tpu.memory_space<semaphore_mem>>)
    %add3A_18 = arith.constant 80 : i32
    %add3A_19 = arith.addi %multiple_of3A, %add3A_18 : i32
    %multiple_of3A_20 = tpu.assume_multiple %add3A_19, 8 : i32
    %dma_start3A_21 = tpu.memref_slice %arg4[%multiple_of3A_20] : memref<320000xi32, #tpu.memory_space<hbm>> -> memref<80xi32, #tpu.memory_space<hbm>>
    %dma_start3A_22 = tpu.memref_slice %arg4[%multiple_of3A_20] : memref<320000xi32, #tpu.memory_space<hbm>> -> memref<80xi32, #tpu.memory_space<hbm>>
    tpu.enqueue_dma source(%dma_start3A_22 : memref<80xi32, #tpu.memory_space<hbm>>) target(%arg9 : memref<80xi32, #tpu.memory_space<vmem>>) target_semaphore(%arg16 : memref<!tpu.dma_semaphore, #tpu.memory_space<semaphore_mem>>)
    %dma_start3A_23 = arith.constant 80 : i32
    %dma_start3A_24 = tpu.memref_slice %arg7[%dma_start3A_23] : memref<10000xi32, #tpu.memory_space<vmem>> -> memref<80xi32, #tpu.memory_space<vmem>>
    %dma_start3A_25 = arith.constant 0 : i32
    %dma_start3A_26 = arith.constant 0 : i32
    %dma_start3A_27 = tpu.memref_slice %arg2[%dma_start3A_25, %dma_start3A_26] : memref<10000x128xf32, #tpu.memory_space<hbm>> -> memref<10000x128xf32, #tpu.memory_space<hbm>>
    tpu.enqueue_indirect_dma source(%dma_start3A_27 : memref<10000x128xf32, #tpu.memory_space<hbm>>) target(%arg12 : memref<80x128xf32, #tpu.memory_space<vmem>>) offsets(%dma_start3A_24 : memref<80xi32, #tpu.memory_space<vmem>>) semaphore(%arg19 : memref<!tpu.dma_semaphore, #tpu.memory_space<semaphore_mem>>)
    %dma_wait3A = arith.constant 0 : i32
    %dma_wait3A_28 = tpu.memref_slice %arg7[%dma_wait3A] : memref<10000xi32, #tpu.memory_space<vmem>> -> memref<80xi32, #tpu.memory_space<vmem>>
    %dma_wait3A_29 = arith.constant 0 : i32
    %dma_wait3A_30 = arith.constant 0 : i32
    %dma_wait3A_31 = tpu.memref_slice %arg2[%dma_wait3A_29, %dma_wait3A_30] : memref<10000x128xf32, #tpu.memory_space<hbm>> -> memref<10000x128xf32, #tpu.memory_space<hbm>>
    tpu.wait_indirect_dma semaphore(%arg18 : memref<!tpu.dma_semaphore, #tpu.memory_space<semaphore_mem>>) src(%dma_wait3A_31 : memref<10000x128xf32, #tpu.memory_space<hbm>>) dst(%arg11 : memref<80x128xf32, #tpu.memory_space<vmem>>)
    %dma_wait3A_32 = tpu.memref_slice %arg4[%multiple_of3A] : memref<320000xi32, #tpu.memory_space<hbm>> -> memref<80xi32, #tpu.memory_space<hbm>>
    %dma_wait3A_33 = tpu.memref_slice %arg4[%multiple_of3A] : memref<320000xi32, #tpu.memory_space<hbm>> -> memref<80xi32, #tpu.memory_space<hbm>>
    tpu.wait_dma2 semaphore(%arg15 : memref<!tpu.dma_semaphore, #tpu.memory_space<semaphore_mem>>) src(%dma_wait3A_33 : memref<80xi32, #tpu.memory_space<hbm>>) dst(%arg8 : memref<80xi32, #tpu.memory_space<vmem>>)
    %dma_start3A_34 = arith.constant 0 : i32
    %dma_start3A_35 = arith.constant 0 : i32
    %dma_start3A_36 = tpu.memref_slice %arg14[%dma_start3A_34, %dma_start3A_35] : memref<10000x128xf32, #tpu.memory_space<vmem_shared>> -> memref<10000x128xf32, #tpu.memory_space<vmem_shared>>
    tpu.enqueue_indirect_dma source(%arg11 : memref<80x128xf32, #tpu.memory_space<vmem>>) target(%dma_start3A_36 : memref<10000x128xf32, #tpu.memory_space<vmem_shared>>) offsets(%arg8 : memref<80xi32, #tpu.memory_space<vmem>>) semaphore(%arg21 : memref<!tpu.dma_semaphore, #tpu.memory_space<semaphore_mem>>) {add = true}
    %add3A_37 = arith.constant 160 : i32
    %add3A_38 = arith.addi %multiple_of3A, %add3A_37 : i32
    %multiple_of3A_39 = tpu.assume_multiple %add3A_38, 8 : i32
    %dma_start3A_40 = tpu.memref_slice %arg4[%multiple_of3A_39] : memref<320000xi32, #tpu.memory_space<hbm>> -> memref<80xi32, #tpu.memory_space<hbm>>
    %dma_start3A_41 = tpu.memref_slice %arg4[%multiple_of3A_39] : memref<320000xi32, #tpu.memory_space<hbm>> -> memref<80xi32, #tpu.memory_space<hbm>>
    tpu.enqueue_dma source(%dma_start3A_41 : memref<80xi32, #tpu.memory_space<hbm>>) target(%arg10 : memref<80xi32, #tpu.memory_space<vmem>>) target_semaphore(%arg17 : memref<!tpu.dma_semaphore, #tpu.memory_space<semaphore_mem>>)
    %dma_start3A_42 = arith.constant 160 : i32
    %dma_start3A_43 = tpu.memref_slice %arg7[%dma_start3A_42] : memref<10000xi32, #tpu.memory_space<vmem>> -> memref<80xi32, #tpu.memory_space<vmem>>
    %dma_start3A_44 = arith.constant 0 : i32
    %dma_start3A_45 = arith.constant 0 : i32
    %dma_start3A_46 = tpu.memref_slice %arg2[%dma_start3A_44, %dma_start3A_45] : memref<10000x128xf32, #tpu.memory_space<hbm>> -> memref<10000x128xf32, #tpu.memory_space<hbm>>
    tpu.enqueue_indirect_dma source(%dma_start3A_46 : memref<10000x128xf32, #tpu.memory_space<hbm>>) target(%arg13 : memref<80x128xf32, #tpu.memory_space<vmem>>) offsets(%dma_start3A_43 : memref<80xi32, #tpu.memory_space<vmem>>) semaphore(%arg20 : memref<!tpu.dma_semaphore, #tpu.memory_space<semaphore_mem>>)
    %dma_wait3A_47 = arith.constant 0 : i32
    %dma_wait3A_48 = tpu.memref_slice %arg7[%dma_wait3A_47] : memref<10000xi32, #tpu.memory_space<vmem>> -> memref<80xi32, #tpu.memory_space<vmem>>
    %dma_wait3A_49 = arith.constant 0 : i32
    %dma_wait3A_50 = arith.constant 0 : i32
    %dma_wait3A_51 = tpu.memref_slice %arg2[%dma_wait3A_49, %dma_wait3A_50] : memref<10000x128xf32, #tpu.memory_space<hbm>> -> memref<10000x128xf32, #tpu.memory_space<hbm>>
    tpu.wait_indirect_dma semaphore(%arg19 : memref<!tpu.dma_semaphore, #tpu.memory_space<semaphore_mem>>) src(%dma_wait3A_51 : memref<10000x128xf32, #tpu.memory_space<hbm>>) dst(%arg12 : memref<80x128xf32, #tpu.memory_space<vmem>>)
    %dma_wait3A_52 = tpu.memref_slice %arg4[%multiple_of3A] : memref<320000xi32, #tpu.memory_space<hbm>> -> memref<80xi32, #tpu.memory_space<hbm>>
    %dma_wait3A_53 = tpu.memref_slice %arg4[%multiple_of3A] : memref<320000xi32, #tpu.memory_space<hbm>> -> memref<80xi32, #tpu.memory_space<hbm>>
    tpu.wait_dma2 semaphore(%arg16 : memref<!tpu.dma_semaphore, #tpu.memory_space<semaphore_mem>>) src(%dma_wait3A_53 : memref<80xi32, #tpu.memory_space<hbm>>) dst(%arg9 : memref<80xi32, #tpu.memory_space<vmem>>)
    %dma_start3A_54 = arith.constant 0 : i32
    %dma_start3A_55 = arith.constant 0 : i32
    %dma_start3A_56 = tpu.memref_slice %arg14[%dma_start3A_54, %dma_start3A_55] : memref<10000x128xf32, #tpu.memory_space<vmem_shared>> -> memref<10000x128xf32, #tpu.memory_space<vmem_shared>>
    tpu.enqueue_indirect_dma source(%arg12 : memref<80x128xf32, #tpu.memory_space<vmem>>) target(%dma_start3A_56 : memref<10000x128xf32, #tpu.memory_space<vmem_shared>>) offsets(%arg9 : memref<80xi32, #tpu.memory_space<vmem>>) semaphore(%arg22 : memref<!tpu.dma_semaphore, #tpu.memory_space<semaphore_mem>>) {add = true}
    %scan3A = arith.constant 0 : i32
    %scan3A_57 = arith.constant 0 : i32
    %scan3A_58 = arith.constant 40 : i32
    %scan3A_59 = arith.addi %scan3A_57, %scan3A_58 : i32
    %scan3A_60 = arith.constant 1 : i32
    scf.for %scan3A_138 = %scan3A_57 to %scan3A_59 step %scan3A_60  : i32 {
      %mul3A_139 = arith.constant 3 : i32
      %mul3A_140 = arith.muli %mul3A_139, %scan3A_138 : i32
      %add3A_141 = arith.constant 3 : i32
      %add3A_142 = arith.addi %add3A_141, %mul3A_140 : i32
      %add3A_143 = arith.constant 0 : i32
      %add3A_144 = arith.addi %add3A_142, %add3A_143 : i32
      %dma_wait3A_145 = arith.constant 0 : i32
      %dma_wait3A_146 = arith.constant 0 : i32
      %dma_wait3A_147 = tpu.memref_slice %arg14[%dma_wait3A_145, %dma_wait3A_146] : memref<10000x128xf32, #tpu.memory_space<vmem_shared>> -> memref<10000x128xf32, #tpu.memory_space<vmem_shared>>
      tpu.wait_indirect_dma semaphore(%arg21 : memref<!tpu.dma_semaphore, #tpu.memory_space<semaphore_mem>>) src(%arg11 : memref<80x128xf32, #tpu.memory_space<vmem>>) dst(%dma_wait3A_147 : memref<10000x128xf32, #tpu.memory_space<vmem_shared>>)
      %mul3A_148 = arith.constant 80 : i32
      %mul3A_149 = arith.muli %add3A_144, %mul3A_148 : i32
      %add3A_150 = arith.addi %multiple_of3A, %mul3A_149 : i32
      %multiple_of3A_151 = tpu.assume_multiple %add3A_150, 8 : i32
      %dma_start3A_152 = tpu.memref_slice %arg4[%multiple_of3A_151] : memref<320000xi32, #tpu.memory_space<hbm>> -> memref<80xi32, #tpu.memory_space<hbm>>
      %dma_start3A_153 = tpu.memref_slice %arg4[%multiple_of3A_151] : memref<320000xi32, #tpu.memory_space<hbm>> -> memref<80xi32, #tpu.memory_space<hbm>>
      tpu.enqueue_dma source(%dma_start3A_153 : memref<80xi32, #tpu.memory_space<hbm>>) target(%arg8 : memref<80xi32, #tpu.memory_space<vmem>>) target_semaphore(%arg15 : memref<!tpu.dma_semaphore, #tpu.memory_space<semaphore_mem>>)
      %mul3A_154 = arith.constant 80 : i32
      %mul3A_155 = arith.muli %add3A_144, %mul3A_154 : i32
      %dma_start3A_156 = tpu.memref_slice %arg7[%mul3A_155] : memref<10000xi32, #tpu.memory_space<vmem>> -> memref<80xi32, #tpu.memory_space<vmem>>
      %dma_start3A_157 = arith.constant 0 : i32
      %dma_start3A_158 = arith.constant 0 : i32
      %dma_start3A_159 = tpu.memref_slice %arg2[%dma_start3A_157, %dma_start3A_158] : memref<10000x128xf32, #tpu.memory_space<hbm>> -> memref<10000x128xf32, #tpu.memory_space<hbm>>
      tpu.enqueue_indirect_dma source(%dma_start3A_159 : memref<10000x128xf32, #tpu.memory_space<hbm>>) target(%arg11 : memref<80x128xf32, #tpu.memory_space<vmem>>) offsets(%dma_start3A_156 : memref<80xi32, #tpu.memory_space<vmem>>) semaphore(%arg18 : memref<!tpu.dma_semaphore, #tpu.memory_space<semaphore_mem>>)
      %dma_wait3A_160 = arith.constant 0 : i32
      %dma_wait3A_161 = tpu.memref_slice %arg7[%dma_wait3A_160] : memref<10000xi32, #tpu.memory_space<vmem>> -> memref<80xi32, #tpu.memory_space<vmem>>
      %dma_wait3A_162 = arith.constant 0 : i32
      %dma_wait3A_163 = arith.constant 0 : i32
      %dma_wait3A_164 = tpu.memref_slice %arg2[%dma_wait3A_162, %dma_wait3A_163] : memref<10000x128xf32, #tpu.memory_space<hbm>> -> memref<10000x128xf32, #tpu.memory_space<hbm>>
      tpu.wait_indirect_dma semaphore(%arg20 : memref<!tpu.dma_semaphore, #tpu.memory_space<semaphore_mem>>) src(%dma_wait3A_164 : memref<10000x128xf32, #tpu.memory_space<hbm>>) dst(%arg13 : memref<80x128xf32, #tpu.memory_space<vmem>>)
      %dma_wait3A_165 = tpu.memref_slice %arg4[%multiple_of3A] : memref<320000xi32, #tpu.memory_space<hbm>> -> memref<80xi32, #tpu.memory_space<hbm>>
      %dma_wait3A_166 = tpu.memref_slice %arg4[%multiple_of3A] : memref<320000xi32, #tpu.memory_space<hbm>> -> memref<80xi32, #tpu.memory_space<hbm>>
      tpu.wait_dma2 semaphore(%arg17 : memref<!tpu.dma_semaphore, #tpu.memory_space<semaphore_mem>>) src(%dma_wait3A_166 : memref<80xi32, #tpu.memory_space<hbm>>) dst(%arg10 : memref<80xi32, #tpu.memory_space<vmem>>)
      %dma_start3A_167 = arith.constant 0 : i32
      %dma_start3A_168 = arith.constant 0 : i32
      %dma_start3A_169 = tpu.memref_slice %arg14[%dma_start3A_167, %dma_start3A_168] : memref<10000x128xf32, #tpu.memory_space<vmem_shared>> -> memref<10000x128xf32, #tpu.memory_space<vmem_shared>>
      tpu.enqueue_indirect_dma source(%arg13 : memref<80x128xf32, #tpu.memory_space<vmem>>) target(%dma_start3A_169 : memref<10000x128xf32, #tpu.memory_space<vmem_shared>>) offsets(%arg10 : memref<80xi32, #tpu.memory_space<vmem>>) semaphore(%arg23 : memref<!tpu.dma_semaphore, #tpu.memory_space<semaphore_mem>>) {add = true}
      %add3A_170 = arith.constant 1 : i32
      %add3A_171 = arith.addi %add3A_142, %add3A_170 : i32
      %dma_wait3A_172 = arith.constant 0 : i32
      %dma_wait3A_173 = arith.constant 0 : i32
      %dma_wait3A_174 = tpu.memref_slice %arg14[%dma_wait3A_172, %dma_wait3A_173] : memref<10000x128xf32, #tpu.memory_space<vmem_shared>> -> memref<10000x128xf32, #tpu.memory_space<vmem_shared>>
      tpu.wait_indirect_dma semaphore(%arg22 : memref<!tpu.dma_semaphore, #tpu.memory_space<semaphore_mem>>) src(%arg12 : memref<80x128xf32, #tpu.memory_space<vmem>>) dst(%dma_wait3A_174 : memref<10000x128xf32, #tpu.memory_space<vmem_shared>>)
      %mul3A_175 = arith.constant 80 : i32
      %mul3A_176 = arith.muli %add3A_171, %mul3A_175 : i32
      %add3A_177 = arith.addi %multiple_of3A, %mul3A_176 : i32
      %multiple_of3A_178 = tpu.assume_multiple %add3A_177, 8 : i32
      %dma_start3A_179 = tpu.memref_slice %arg4[%multiple_of3A_178] : memref<320000xi32, #tpu.memory_space<hbm>> -> memref<80xi32, #tpu.memory_space<hbm>>
      %dma_start3A_180 = tpu.memref_slice %arg4[%multiple_of3A_178] : memref<320000xi32, #tpu.memory_space<hbm>> -> memref<80xi32, #tpu.memory_space<hbm>>
      tpu.enqueue_dma source(%dma_start3A_180 : memref<80xi32, #tpu.memory_space<hbm>>) target(%arg9 : memref<80xi32, #tpu.memory_space<vmem>>) target_semaphore(%arg16 : memref<!tpu.dma_semaphore, #tpu.memory_space<semaphore_mem>>)
      %mul3A_181 = arith.constant 80 : i32
      %mul3A_182 = arith.muli %add3A_171, %mul3A_181 : i32
      %dma_start3A_183 = tpu.memref_slice %arg7[%mul3A_182] : memref<10000xi32, #tpu.memory_space<vmem>> -> memref<80xi32, #tpu.memory_space<vmem>>
      %dma_start3A_184 = arith.constant 0 : i32
      %dma_start3A_185 = arith.constant 0 : i32
      %dma_start3A_186 = tpu.memref_slice %arg2[%dma_start3A_184, %dma_start3A_185] : memref<10000x128xf32, #tpu.memory_space<hbm>> -> memref<10000x128xf32, #tpu.memory_space<hbm>>
      tpu.enqueue_indirect_dma source(%dma_start3A_186 : memref<10000x128xf32, #tpu.memory_space<hbm>>) target(%arg12 : memref<80x128xf32, #tpu.memory_space<vmem>>) offsets(%dma_start3A_183 : memref<80xi32, #tpu.memory_space<vmem>>) semaphore(%arg19 : memref<!tpu.dma_semaphore, #tpu.memory_space<semaphore_mem>>)
      %dma_wait3A_187 = arith.constant 0 : i32
      %dma_wait3A_188 = tpu.memref_slice %arg7[%dma_wait3A_187] : memref<10000xi32, #tpu.memory_space<vmem>> -> memref<80xi32, #tpu.memory_space<vmem>>
      %dma_wait3A_189 = arith.constant 0 : i32
      %dma_wait3A_190 = arith.constant 0 : i32
      %dma_wait3A_191 = tpu.memref_slice %arg2[%dma_wait3A_189, %dma_wait3A_190] : memref<10000x128xf32, #tpu.memory_space<hbm>> -> memref<10000x128xf32, #tpu.memory_space<hbm>>
      tpu.wait_indirect_dma semaphore(%arg18 : memref<!tpu.dma_semaphore, #tpu.memory_space<semaphore_mem>>) src(%dma_wait3A_191 : memref<10000x128xf32, #tpu.memory_space<hbm>>) dst(%arg11 : memref<80x128xf32, #tpu.memory_space<vmem>>)
      %dma_wait3A_192 = tpu.memref_slice %arg4[%multiple_of3A] : memref<320000xi32, #tpu.memory_space<hbm>> -> memref<80xi32, #tpu.memory_space<hbm>>
      %dma_wait3A_193 = tpu.memref_slice %arg4[%multiple_of3A] : memref<320000xi32, #tpu.memory_space<hbm>> -> memref<80xi32, #tpu.memory_space<hbm>>
      tpu.wait_dma2 semaphore(%arg15 : memref<!tpu.dma_semaphore, #tpu.memory_space<semaphore_mem>>) src(%dma_wait3A_193 : memref<80xi32, #tpu.memory_space<hbm>>) dst(%arg8 : memref<80xi32, #tpu.memory_space<vmem>>)
      %dma_start3A_194 = arith.constant 0 : i32
      %dma_start3A_195 = arith.constant 0 : i32
      %dma_start3A_196 = tpu.memref_slice %arg14[%dma_start3A_194, %dma_start3A_195] : memref<10000x128xf32, #tpu.memory_space<vmem_shared>> -> memref<10000x128xf32, #tpu.memory_space<vmem_shared>>
      tpu.enqueue_indirect_dma source(%arg11 : memref<80x128xf32, #tpu.memory_space<vmem>>) target(%dma_start3A_196 : memref<10000x128xf32, #tpu.memory_space<vmem_shared>>) offsets(%arg8 : memref<80xi32, #tpu.memory_space<vmem>>) semaphore(%arg21 : memref<!tpu.dma_semaphore, #tpu.memory_space<semaphore_mem>>) {add = true}
      %add3A_197 = arith.constant 2 : i32
      %add3A_198 = arith.addi %add3A_142, %add3A_197 : i32
      %dma_wait3A_199 = arith.constant 0 : i32
      %dma_wait3A_200 = arith.constant 0 : i32
      %dma_wait3A_201 = tpu.memref_slice %arg14[%dma_wait3A_199, %dma_wait3A_200] : memref<10000x128xf32, #tpu.memory_space<vmem_shared>> -> memref<10000x128xf32, #tpu.memory_space<vmem_shared>>
      tpu.wait_indirect_dma semaphore(%arg23 : memref<!tpu.dma_semaphore, #tpu.memory_space<semaphore_mem>>) src(%arg13 : memref<80x128xf32, #tpu.memory_space<vmem>>) dst(%dma_wait3A_201 : memref<10000x128xf32, #tpu.memory_space<vmem_shared>>)
      %mul3A_202 = arith.constant 80 : i32
      %mul3A_203 = arith.muli %add3A_198, %mul3A_202 : i32
      %add3A_204 = arith.addi %multiple_of3A, %mul3A_203 : i32
      %multiple_of3A_205 = tpu.assume_multiple %add3A_204, 8 : i32
      %dma_start3A_206 = tpu.memref_slice %arg4[%multiple_of3A_205] : memref<320000xi32, #tpu.memory_space<hbm>> -> memref<80xi32, #tpu.memory_space<hbm>>
      %dma_start3A_207 = tpu.memref_slice %arg4[%multiple_of3A_205] : memref<320000xi32, #tpu.memory_space<hbm>> -> memref<80xi32, #tpu.memory_space<hbm>>
      tpu.enqueue_dma source(%dma_start3A_207 : memref<80xi32, #tpu.memory_space<hbm>>) target(%arg10 : memref<80xi32, #tpu.memory_space<vmem>>) target_semaphore(%arg17 : memref<!tpu.dma_semaphore, #tpu.memory_space<semaphore_mem>>)
      %mul3A_208 = arith.constant 80 : i32
      %mul3A_209 = arith.muli %add3A_198, %mul3A_208 : i32
      %dma_start3A_210 = tpu.memref_slice %arg7[%mul3A_209] : memref<10000xi32, #tpu.memory_space<vmem>> -> memref<80xi32, #tpu.memory_space<vmem>>
      %dma_start3A_211 = arith.constant 0 : i32
      %dma_start3A_212 = arith.constant 0 : i32
      %dma_start3A_213 = tpu.memref_slice %arg2[%dma_start3A_211, %dma_start3A_212] : memref<10000x128xf32, #tpu.memory_space<hbm>> -> memref<10000x128xf32, #tpu.memory_space<hbm>>
      tpu.enqueue_indirect_dma source(%dma_start3A_213 : memref<10000x128xf32, #tpu.memory_space<hbm>>) target(%arg13 : memref<80x128xf32, #tpu.memory_space<vmem>>) offsets(%dma_start3A_210 : memref<80xi32, #tpu.memory_space<vmem>>) semaphore(%arg20 : memref<!tpu.dma_semaphore, #tpu.memory_space<semaphore_mem>>)
      %dma_wait3A_214 = arith.constant 0 : i32
      %dma_wait3A_215 = tpu.memref_slice %arg7[%dma_wait3A_214] : memref<10000xi32, #tpu.memory_space<vmem>> -> memref<80xi32, #tpu.memory_space<vmem>>
      %dma_wait3A_216 = arith.constant 0 : i32
      %dma_wait3A_217 = arith.constant 0 : i32
      %dma_wait3A_218 = tpu.memref_slice %arg2[%dma_wait3A_216, %dma_wait3A_217] : memref<10000x128xf32, #tpu.memory_space<hbm>> -> memref<10000x128xf32, #tpu.memory_space<hbm>>
      tpu.wait_indirect_dma semaphore(%arg19 : memref<!tpu.dma_semaphore, #tpu.memory_space<semaphore_mem>>) src(%dma_wait3A_218 : memref<10000x128xf32, #tpu.memory_space<hbm>>) dst(%arg12 : memref<80x128xf32, #tpu.memory_space<vmem>>)
      %dma_wait3A_219 = tpu.memref_slice %arg4[%multiple_of3A] : memref<320000xi32, #tpu.memory_space<hbm>> -> memref<80xi32, #tpu.memory_space<hbm>>
      %dma_wait3A_220 = tpu.memref_slice %arg4[%multiple_of3A] : memref<320000xi32, #tpu.memory_space<hbm>> -> memref<80xi32, #tpu.memory_space<hbm>>
      tpu.wait_dma2 semaphore(%arg16 : memref<!tpu.dma_semaphore, #tpu.memory_space<semaphore_mem>>) src(%dma_wait3A_220 : memref<80xi32, #tpu.memory_space<hbm>>) dst(%arg9 : memref<80xi32, #tpu.memory_space<vmem>>)
      %dma_start3A_221 = arith.constant 0 : i32
      %dma_start3A_222 = arith.constant 0 : i32
      %dma_start3A_223 = tpu.memref_slice %arg14[%dma_start3A_221, %dma_start3A_222] : memref<10000x128xf32, #tpu.memory_space<vmem_shared>> -> memref<10000x128xf32, #tpu.memory_space<vmem_shared>>
      tpu.enqueue_indirect_dma source(%arg12 : memref<80x128xf32, #tpu.memory_space<vmem>>) target(%dma_start3A_223 : memref<10000x128xf32, #tpu.memory_space<vmem_shared>>) offsets(%arg9 : memref<80xi32, #tpu.memory_space<vmem>>) semaphore(%arg22 : memref<!tpu.dma_semaphore, #tpu.memory_space<semaphore_mem>>) {add = true}
    }
    %scan3A_61 = arith.constant 40 : i32
    %dma_wait3A_62 = arith.constant 0 : i32
    %dma_wait3A_63 = arith.constant 0 : i32
    %dma_wait3A_64 = tpu.memref_slice %arg14[%dma_wait3A_62, %dma_wait3A_63] : memref<10000x128xf32, #tpu.memory_space<vmem_shared>> -> memref<10000x128xf32, #tpu.memory_space<vmem_shared>>
    tpu.wait_indirect_dma semaphore(%arg21 : memref<!tpu.dma_semaphore, #tpu.memory_space<semaphore_mem>>) src(%arg11 : memref<80x128xf32, #tpu.memory_space<vmem>>) dst(%dma_wait3A_64 : memref<10000x128xf32, #tpu.memory_space<vmem_shared>>)
    %add3A_65 = arith.constant 9840 : i32
    %add3A_66 = arith.addi %multiple_of3A, %add3A_65 : i32
    %multiple_of3A_67 = tpu.assume_multiple %add3A_66, 8 : i32
    %dma_start3A_68 = tpu.memref_slice %arg4[%multiple_of3A_67] : memref<320000xi32, #tpu.memory_space<hbm>> -> memref<80xi32, #tpu.memory_space<hbm>>
    %dma_start3A_69 = tpu.memref_slice %arg4[%multiple_of3A_67] : memref<320000xi32, #tpu.memory_space<hbm>> -> memref<80xi32, #tpu.memory_space<hbm>>
    tpu.enqueue_dma source(%dma_start3A_69 : memref<80xi32, #tpu.memory_space<hbm>>) target(%arg8 : memref<80xi32, #tpu.memory_space<vmem>>) target_semaphore(%arg15 : memref<!tpu.dma_semaphore, #tpu.memory_space<semaphore_mem>>)
    %dma_start3A_70 = arith.constant 9840 : i32
    %dma_start3A_71 = tpu.memref_slice %arg7[%dma_start3A_70] : memref<10000xi32, #tpu.memory_space<vmem>> -> memref<80xi32, #tpu.memory_space<vmem>>
    %dma_start3A_72 = arith.constant 0 : i32
    %dma_start3A_73 = arith.constant 0 : i32
    %dma_start3A_74 = tpu.memref_slice %arg2[%dma_start3A_72, %dma_start3A_73] : memref<10000x128xf32, #tpu.memory_space<hbm>> -> memref<10000x128xf32, #tpu.memory_space<hbm>>
    tpu.enqueue_indirect_dma source(%dma_start3A_74 : memref<10000x128xf32, #tpu.memory_space<hbm>>) target(%arg11 : memref<80x128xf32, #tpu.memory_space<vmem>>) offsets(%dma_start3A_71 : memref<80xi32, #tpu.memory_space<vmem>>) semaphore(%arg18 : memref<!tpu.dma_semaphore, #tpu.memory_space<semaphore_mem>>)
    %dma_wait3A_75 = arith.constant 0 : i32
    %dma_wait3A_76 = tpu.memref_slice %arg7[%dma_wait3A_75] : memref<10000xi32, #tpu.memory_space<vmem>> -> memref<80xi32, #tpu.memory_space<vmem>>
    %dma_wait3A_77 = arith.constant 0 : i32
    %dma_wait3A_78 = arith.constant 0 : i32
    %dma_wait3A_79 = tpu.memref_slice %arg2[%dma_wait3A_77, %dma_wait3A_78] : memref<10000x128xf32, #tpu.memory_space<hbm>> -> memref<10000x128xf32, #tpu.memory_space<hbm>>
    tpu.wait_indirect_dma semaphore(%arg20 : memref<!tpu.dma_semaphore, #tpu.memory_space<semaphore_mem>>) src(%dma_wait3A_79 : memref<10000x128xf32, #tpu.memory_space<hbm>>) dst(%arg13 : memref<80x128xf32, #tpu.memory_space<vmem>>)
    %dma_wait3A_80 = tpu.memref_slice %arg4[%multiple_of3A] : memref<320000xi32, #tpu.memory_space<hbm>> -> memref<80xi32, #tpu.memory_space<hbm>>
    %dma_wait3A_81 = tpu.memref_slice %arg4[%multiple_of3A] : memref<320000xi32, #tpu.memory_space<hbm>> -> memref<80xi32, #tpu.memory_space<hbm>>
    tpu.wait_dma2 semaphore(%arg17 : memref<!tpu.dma_semaphore, #tpu.memory_space<semaphore_mem>>) src(%dma_wait3A_81 : memref<80xi32, #tpu.memory_space<hbm>>) dst(%arg10 : memref<80xi32, #tpu.memory_space<vmem>>)
    %dma_start3A_82 = arith.constant 0 : i32
    %dma_start3A_83 = arith.constant 0 : i32
    %dma_start3A_84 = tpu.memref_slice %arg14[%dma_start3A_82, %dma_start3A_83] : memref<10000x128xf32, #tpu.memory_space<vmem_shared>> -> memref<10000x128xf32, #tpu.memory_space<vmem_shared>>
    tpu.enqueue_indirect_dma source(%arg13 : memref<80x128xf32, #tpu.memory_space<vmem>>) target(%dma_start3A_84 : memref<10000x128xf32, #tpu.memory_space<vmem_shared>>) offsets(%arg10 : memref<80xi32, #tpu.memory_space<vmem>>) semaphore(%arg23 : memref<!tpu.dma_semaphore, #tpu.memory_space<semaphore_mem>>) {add = true}
    %dma_wait3A_85 = arith.constant 0 : i32
    %dma_wait3A_86 = arith.constant 0 : i32
    %dma_wait3A_87 = tpu.memref_slice %arg14[%dma_wait3A_85, %dma_wait3A_86] : memref<10000x128xf32, #tpu.memory_space<vmem_shared>> -> memref<10000x128xf32, #tpu.memory_space<vmem_shared>>
    tpu.wait_indirect_dma semaphore(%arg22 : memref<!tpu.dma_semaphore, #tpu.memory_space<semaphore_mem>>) src(%arg12 : memref<80x128xf32, #tpu.memory_space<vmem>>) dst(%dma_wait3A_87 : memref<10000x128xf32, #tpu.memory_space<vmem_shared>>)
    %add3A_88 = arith.constant 9920 : i32
    %add3A_89 = arith.addi %multiple_of3A, %add3A_88 : i32
    %multiple_of3A_90 = tpu.assume_multiple %add3A_89, 8 : i32
    %dma_start3A_91 = tpu.memref_slice %arg4[%multiple_of3A_90] : memref<320000xi32, #tpu.memory_space<hbm>> -> memref<80xi32, #tpu.memory_space<hbm>>
    %dma_start3A_92 = tpu.memref_slice %arg4[%multiple_of3A_90] : memref<320000xi32, #tpu.memory_space<hbm>> -> memref<80xi32, #tpu.memory_space<hbm>>
    tpu.enqueue_dma source(%dma_start3A_92 : memref<80xi32, #tpu.memory_space<hbm>>) target(%arg9 : memref<80xi32, #tpu.memory_space<vmem>>) target_semaphore(%arg16 : memref<!tpu.dma_semaphore, #tpu.memory_space<semaphore_mem>>)
    %dma_start3A_93 = arith.constant 9920 : i32
    %dma_start3A_94 = tpu.memref_slice %arg7[%dma_start3A_93] : memref<10000xi32, #tpu.memory_space<vmem>> -> memref<80xi32, #tpu.memory_space<vmem>>
    %dma_start3A_95 = arith.constant 0 : i32
    %dma_start3A_96 = arith.constant 0 : i32
    %dma_start3A_97 = tpu.memref_slice %arg2[%dma_start3A_95, %dma_start3A_96] : memref<10000x128xf32, #tpu.memory_space<hbm>> -> memref<10000x128xf32, #tpu.memory_space<hbm>>
    tpu.enqueue_indirect_dma source(%dma_start3A_97 : memref<10000x128xf32, #tpu.memory_space<hbm>>) target(%arg12 : memref<80x128xf32, #tpu.memory_space<vmem>>) offsets(%dma_start3A_94 : memref<80xi32, #tpu.memory_space<vmem>>) semaphore(%arg19 : memref<!tpu.dma_semaphore, #tpu.memory_space<semaphore_mem>>)
    %dma_wait3A_98 = arith.constant 0 : i32
    %dma_wait3A_99 = tpu.memref_slice %arg7[%dma_wait3A_98] : memref<10000xi32, #tpu.memory_space<vmem>> -> memref<80xi32, #tpu.memory_space<vmem>>
    %dma_wait3A_100 = arith.constant 0 : i32
    %dma_wait3A_101 = arith.constant 0 : i32
    %dma_wait3A_102 = tpu.memref_slice %arg2[%dma_wait3A_100, %dma_wait3A_101] : memref<10000x128xf32, #tpu.memory_space<hbm>> -> memref<10000x128xf32, #tpu.memory_space<hbm>>
    tpu.wait_indirect_dma semaphore(%arg18 : memref<!tpu.dma_semaphore, #tpu.memory_space<semaphore_mem>>) src(%dma_wait3A_102 : memref<10000x128xf32, #tpu.memory_space<hbm>>) dst(%arg11 : memref<80x128xf32, #tpu.memory_space<vmem>>)
    %dma_wait3A_103 = tpu.memref_slice %arg4[%multiple_of3A] : memref<320000xi32, #tpu.memory_space<hbm>> -> memref<80xi32, #tpu.memory_space<hbm>>
    %dma_wait3A_104 = tpu.memref_slice %arg4[%multiple_of3A] : memref<320000xi32, #tpu.memory_space<hbm>> -> memref<80xi32, #tpu.memory_space<hbm>>
    tpu.wait_dma2 semaphore(%arg15 : memref<!tpu.dma_semaphore, #tpu.memory_space<semaphore_mem>>) src(%dma_wait3A_104 : memref<80xi32, #tpu.memory_space<hbm>>) dst(%arg8 : memref<80xi32, #tpu.memory_space<vmem>>)
    %dma_start3A_105 = arith.constant 0 : i32
    %dma_start3A_106 = arith.constant 0 : i32
    %dma_start3A_107 = tpu.memref_slice %arg14[%dma_start3A_105, %dma_start3A_106] : memref<10000x128xf32, #tpu.memory_space<vmem_shared>> -> memref<10000x128xf32, #tpu.memory_space<vmem_shared>>
    tpu.enqueue_indirect_dma source(%arg11 : memref<80x128xf32, #tpu.memory_space<vmem>>) target(%dma_start3A_107 : memref<10000x128xf32, #tpu.memory_space<vmem_shared>>) offsets(%arg8 : memref<80xi32, #tpu.memory_space<vmem>>) semaphore(%arg21 : memref<!tpu.dma_semaphore, #tpu.memory_space<semaphore_mem>>) {add = true}
    %dma_wait3A_108 = arith.constant 0 : i32
    %dma_wait3A_109 = tpu.memref_slice %arg7[%dma_wait3A_108] : memref<10000xi32, #tpu.memory_space<vmem>> -> memref<80xi32, #tpu.memory_space<vmem>>
    %dma_wait3A_110 = arith.constant 0 : i32
    %dma_wait3A_111 = arith.constant 0 : i32
    %dma_wait3A_112 = tpu.memref_slice %arg2[%dma_wait3A_110, %dma_wait3A_111] : memref<10000x128xf32, #tpu.memory_space<hbm>> -> memref<10000x128xf32, #tpu.memory_space<hbm>>
    tpu.wait_indirect_dma semaphore(%arg19 : memref<!tpu.dma_semaphore, #tpu.memory_space<semaphore_mem>>) src(%dma_wait3A_112 : memref<10000x128xf32, #tpu.memory_space<hbm>>) dst(%arg12 : memref<80x128xf32, #tpu.memory_space<vmem>>)
    %dma_wait3A_113 = tpu.memref_slice %arg4[%multiple_of3A] : memref<320000xi32, #tpu.memory_space<hbm>> -> memref<80xi32, #tpu.memory_space<hbm>>
    %dma_wait3A_114 = tpu.memref_slice %arg4[%multiple_of3A] : memref<320000xi32, #tpu.memory_space<hbm>> -> memref<80xi32, #tpu.memory_space<hbm>>
    tpu.wait_dma2 semaphore(%arg16 : memref<!tpu.dma_semaphore, #tpu.memory_space<semaphore_mem>>) src(%dma_wait3A_114 : memref<80xi32, #tpu.memory_space<hbm>>) dst(%arg9 : memref<80xi32, #tpu.memory_space<vmem>>)
    %dma_start3A_115 = arith.constant 0 : i32
    %dma_start3A_116 = arith.constant 0 : i32
    %dma_start3A_117 = tpu.memref_slice %arg14[%dma_start3A_115, %dma_start3A_116] : memref<10000x128xf32, #tpu.memory_space<vmem_shared>> -> memref<10000x128xf32, #tpu.memory_space<vmem_shared>>
    tpu.enqueue_indirect_dma source(%arg12 : memref<80x128xf32, #tpu.memory_space<vmem>>) target(%dma_start3A_117 : memref<10000x128xf32, #tpu.memory_space<vmem_shared>>) offsets(%arg9 : memref<80xi32, #tpu.memory_space<vmem>>) semaphore(%arg22 : memref<!tpu.dma_semaphore, #tpu.memory_space<semaphore_mem>>) {add = true}
    %dma_wait3A_118 = arith.constant 0 : i32
    %dma_wait3A_119 = arith.constant 0 : i32
    %dma_wait3A_120 = tpu.memref_slice %arg14[%dma_wait3A_118, %dma_wait3A_119] : memref<10000x128xf32, #tpu.memory_space<vmem_shared>> -> memref<10000x128xf32, #tpu.memory_space<vmem_shared>>
    tpu.wait_indirect_dma semaphore(%arg21 : memref<!tpu.dma_semaphore, #tpu.memory_space<semaphore_mem>>) src(%arg11 : memref<80x128xf32, #tpu.memory_space<vmem>>) dst(%dma_wait3A_120 : memref<10000x128xf32, #tpu.memory_space<vmem_shared>>)
    %dma_wait3A_121 = arith.constant 0 : i32
    %dma_wait3A_122 = arith.constant 0 : i32
    %dma_wait3A_123 = tpu.memref_slice %arg14[%dma_wait3A_121, %dma_wait3A_122] : memref<10000x128xf32, #tpu.memory_space<vmem_shared>> -> memref<10000x128xf32, #tpu.memory_space<vmem_shared>>
    tpu.wait_indirect_dma semaphore(%arg22 : memref<!tpu.dma_semaphore, #tpu.memory_space<semaphore_mem>>) src(%arg12 : memref<80x128xf32, #tpu.memory_space<vmem>>) dst(%dma_wait3A_123 : memref<10000x128xf32, #tpu.memory_space<vmem_shared>>)
    %dma_wait3A_124 = arith.constant 0 : i32
    %dma_wait3A_125 = arith.constant 0 : i32
    %dma_wait3A_126 = tpu.memref_slice %arg14[%dma_wait3A_124, %dma_wait3A_125] : memref<10000x128xf32, #tpu.memory_space<vmem_shared>> -> memref<10000x128xf32, #tpu.memory_space<vmem_shared>>
    tpu.wait_indirect_dma semaphore(%arg23 : memref<!tpu.dma_semaphore, #tpu.memory_space<semaphore_mem>>) src(%arg13 : memref<80x128xf32, #tpu.memory_space<vmem>>) dst(%dma_wait3A_126 : memref<10000x128xf32, #tpu.memory_space<vmem_shared>>)
    %barrier3A_127 = arith.constant 0 : index
    tpu.barrier barrier_id(%barrier3A_127)
    %lt3A_128 = arith.constant 15 : i32
    %lt3A_129 = arith.cmpi slt, %arg1, %lt3A_128 : i32
    %convert_element_type3A_130 = arith.extui %lt3A_129 : i1 to i32
    %cond3A_131 = arith.constant 0 : i32
    %cond3A_132 = arith.cmpi ne, %convert_element_type3A_130, %cond3A_131 : i32
    scf.if %cond3A_132 {
      %mul3A_138 = arith.constant 624 : i32
      %mul3A_139 = arith.muli %arg1, %mul3A_138 : i32
      %multiple_of3A_140 = tpu.assume_multiple %mul3A_139, 8 : i32
      "tpu.region"() ({
        %run_scoped3A = tpu.sem_alloc : memref<!tpu.dma_semaphore, #tpu.memory_space<semaphore_mem>>
        %dma_start3A_141 = arith.constant 0 : i32
        %dma_start3A_142 = tpu.memref_slice %arg6[%arg0, %multiple_of3A_140, %dma_start3A_141] : memref<2x10000x128xf32, #tpu.memory_space<hbm>> -> memref<1x624x128xf32, #tpu.memory_space<hbm>>
        %dma_start3A_143 = tpu.memref_squeeze %dma_start3A_142 : memref<1x624x128xf32, #tpu.memory_space<hbm>> -> memref<624x128xf32, #tpu.memory_space<hbm>>
        %dma_start3A_144 = arith.constant 0 : i32
        %dma_start3A_145 = tpu.memref_slice %arg14[%multiple_of3A_140, %dma_start3A_144] : memref<10000x128xf32, #tpu.memory_space<vmem_shared>> -> memref<624x128xf32, #tpu.memory_space<vmem_shared>>
        tpu.enqueue_dma source(%dma_start3A_145 : memref<624x128xf32, #tpu.memory_space<vmem_shared>>) target(%dma_start3A_143 : memref<624x128xf32, #tpu.memory_space<hbm>>) target_semaphore(%run_scoped3A : memref<!tpu.dma_semaphore, #tpu.memory_space<semaphore_mem>>)
        %dma_wait3A_146 = arith.constant 0 : i32
        %dma_wait3A_147 = tpu.memref_slice %arg6[%arg0, %multiple_of3A_140, %dma_wait3A_146] : memref<2x10000x128xf32, #tpu.memory_space<hbm>> -> memref<1x624x128xf32, #tpu.memory_space<hbm>>
        %dma_wait3A_148 = tpu.memref_squeeze %dma_wait3A_147 : memref<1x624x128xf32, #tpu.memory_space<hbm>> -> memref<624x128xf32, #tpu.memory_space<hbm>>
        %dma_wait3A_149 = arith.constant 0 : i32
        %dma_wait3A_150 = tpu.memref_slice %arg14[%multiple_of3A_140, %dma_wait3A_149] : memref<10000x128xf32, #tpu.memory_space<vmem_shared>> -> memref<624x128xf32, #tpu.memory_space<vmem_shared>>
        tpu.wait_dma2 semaphore(%run_scoped3A : memref<!tpu.dma_semaphore, #tpu.memory_space<semaphore_mem>>) src(%dma_wait3A_150 : memref<624x128xf32, #tpu.memory_space<vmem_shared>>) dst(%dma_wait3A_148 : memref<624x128xf32, #tpu.memory_space<hbm>>)
        tpu.yield
      }) : () -> ()
    } else {
    }
    %eq3A_133 = arith.constant 15 : i32
    %eq3A_134 = arith.cmpi eq, %arg1, %eq3A_133 : i32
    %convert_element_type3A_135 = arith.extui %eq3A_134 : i1 to i32
    %cond3A_136 = arith.constant 0 : i32
    %cond3A_137 = arith.cmpi ne, %convert_element_type3A_135, %cond3A_136 : i32
    scf.if %cond3A_137 {
      "tpu.region"() ({
        %run_scoped3A = tpu.sem_alloc : memref<!tpu.dma_semaphore, #tpu.memory_space<semaphore_mem>>
        %dma_start3A_138 = arith.constant 9360 : i32
        %dma_start3A_139 = arith.constant 0 : i32
        %dma_start3A_140 = tpu.memref_slice %arg6[%arg0, %dma_start3A_138, %dma_start3A_139] : memref<2x10000x128xf32, #tpu.memory_space<hbm>> -> memref<1x640x128xf32, #tpu.memory_space<hbm>>
        %dma_start3A_141 = tpu.memref_squeeze %dma_start3A_140 : memref<1x640x128xf32, #tpu.memory_space<hbm>> -> memref<640x128xf32, #tpu.memory_space<hbm>>
        %dma_start3A_142 = arith.constant 9360 : i32
        %dma_start3A_143 = arith.constant 0 : i32
        %dma_start3A_144 = tpu.memref_slice %arg14[%dma_start3A_142, %dma_start3A_143] : memref<10000x128xf32, #tpu.memory_space<vmem_shared>> -> memref<640x128xf32, #tpu.memory_space<vmem_shared>>
        tpu.enqueue_dma source(%dma_start3A_144 : memref<640x128xf32, #tpu.memory_space<vmem_shared>>) target(%dma_start3A_141 : memref<640x128xf32, #tpu.memory_space<hbm>>) target_semaphore(%run_scoped3A : memref<!tpu.dma_semaphore, #tpu.memory_space<semaphore_mem>>)
        %dma_wait3A_145 = arith.constant 9360 : i32
        %dma_wait3A_146 = arith.constant 0 : i32
        %dma_wait3A_147 = tpu.memref_slice %arg6[%arg0, %dma_wait3A_145, %dma_wait3A_146] : memref<2x10000x128xf32, #tpu.memory_space<hbm>> -> memref<1x640x128xf32, #tpu.memory_space<hbm>>
        %dma_wait3A_148 = tpu.memref_squeeze %dma_wait3A_147 : memref<1x640x128xf32, #tpu.memory_space<hbm>> -> memref<640x128xf32, #tpu.memory_space<hbm>>
        %dma_wait3A_149 = arith.constant 9360 : i32
        %dma_wait3A_150 = arith.constant 0 : i32
        %dma_wait3A_151 = tpu.memref_slice %arg14[%dma_wait3A_149, %dma_wait3A_150] : memref<10000x128xf32, #tpu.memory_space<vmem_shared>> -> memref<640x128xf32, #tpu.memory_space<vmem_shared>>
        tpu.wait_dma2 semaphore(%run_scoped3A : memref<!tpu.dma_semaphore, #tpu.memory_space<semaphore_mem>>) src(%dma_wait3A_151 : memref<640x128xf32, #tpu.memory_space<vmem_shared>>) dst(%dma_wait3A_148 : memref<640x128xf32, #tpu.memory_space<hbm>>)
        tpu.yield
      }) : () -> ()
    } else {
    }
    return
  }
}

#map = affine_map<(d0, d1) -> (0, 0)>
#map1 = affine_map<(d0, d1) -> (0)>
#map2 = affine_map<(d0, d1) -> (0, 0, 0)>
module attributes {stable_mosaic.version = 14 : i64} {
  func.func @_agg_kernel(%arg0: i32, %arg1: i32, %arg2: memref<10000x128xf32, #tpu.memory_space<hbm>>, %arg3: memref<320000xi32, #tpu.memory_space<hbm>>, %arg4: memref<320000xi32, #tpu.memory_space<hbm>>, %arg5: memref<10000x128xf32, #tpu.memory_space<hbm>>, %arg6: memref<2x10000x128xf32, #tpu.memory_space<hbm>>, %arg7: memref<10000xi32, #tpu.memory_space<vmem>>, %arg8: memref<80xi32, #tpu.memory_space<vmem>>, %arg9: memref<80xi32, #tpu.memory_space<vmem>>, %arg10: memref<80xi32, #tpu.memory_space<vmem>>, %arg11: memref<80x128xf32, #tpu.memory_space<vmem>>, %arg12: memref<80x128xf32, #tpu.memory_space<vmem>>, %arg13: memref<80x128xf32, #tpu.memory_space<vmem>>, %arg14: memref<10000x128xf32, #tpu.memory_space<vmem_shared>>, %arg15: memref<!tpu.dma_semaphore, #tpu.memory_space<semaphore_mem>>, %arg16: memref<!tpu.dma_semaphore, #tpu.memory_space<semaphore_mem>>, %arg17: memref<!tpu.dma_semaphore, #tpu.memory_space<semaphore_mem>>, %arg18: memref<!tpu.dma_semaphore, #tpu.memory_space<semaphore_mem>>, %arg19: memref<!tpu.dma_semaphore, #tpu.memory_space<semaphore_mem>>, %arg20: memref<!tpu.dma_semaphore, #tpu.memory_space<semaphore_mem>>, %arg21: memref<!tpu.dma_semaphore, #tpu.memory_space<semaphore_mem>>, %arg22: memref<!tpu.dma_semaphore, #tpu.memory_space<semaphore_mem>>, %arg23: memref<!tpu.dma_semaphore, #tpu.memory_space<semaphore_mem>>) attributes {dimension_semantics = [#tpu.dimension_semantics<core_parallel>, #tpu.dimension_semantics<subcore_parallel>], iteration_bounds = array<i64: 2, 16>, scalar_prefetch = 0 : i64, scratch_operands = 17 : i64, tpu.core_type = #tpu.core_type<sc_vector_subcore>, window_params = [{transform_indices = #map}, {transform_indices = #map1}, {transform_indices = #map1}, {transform_indices = #map}, {transform_indices = #map2}]} {
    %mul3A = arith.constant 2 : i32
    %mul3A_0 = arith.muli %arg1, %mul3A : i32
    %add3A = arith.addi %mul3A_0, %arg0 : i32
    %lt3A = arith.constant 15 : i32
    %lt3A_1 = arith.cmpi slt, %arg1, %lt3A : i32
    %convert_element_type3A = arith.extui %lt3A_1 : i1 to i32
    %cond3A = arith.constant 0 : i32
    %cond3A_2 = arith.cmpi ne, %convert_element_type3A, %cond3A : i32
    scf.if %cond3A_2 {
      %mul3A_138 = arith.constant 624 : i32
      %mul3A_139 = arith.muli %arg1, %mul3A_138 : i32
      %multiple_of3A_140 = tpu.assume_multiple %mul3A_139, 8 : i32
      "tpu.region"() ({
        %run_scoped3A = tpu.sem_alloc : memref<!tpu.dma_semaphore, #tpu.memory_space<semaphore_mem>>
        %dma_start3A_141 = arith.constant 0 : i32
        %dma_start3A_142 = tpu.memref_slice %arg14[%multiple_of3A_140, %dma_start3A_141] : memref<10000x128xf32, #tpu.memory_space<vmem_shared>> -> memref<624x128xf32, #tpu.memory_space<vmem_shared>>
        %dma_start3A_143 = arith.constant 0 : i32
        %dma_start3A_144 = tpu.memref_slice %arg5[%multiple_of3A_140, %dma_start3A_143] : memref<10000x128xf32, #tpu.memory_space<hbm>> -> memref<624x128xf32, #tpu.memory_space<hbm>>
        tpu.enqueue_dma source(%dma_start3A_144 : memref<624x128xf32, #tpu.memory_space<hbm>>) target(%dma_start3A_142 : memref<624x128xf32, #tpu.memory_space<vmem_shared>>) target_semaphore(%run_scoped3A : memref<!tpu.dma_semaphore, #tpu.memory_space<semaphore_mem>>)
        %dma_wait3A_145 = arith.constant 0 : i32
        %dma_wait3A_146 = tpu.memref_slice %arg14[%multiple_of3A_140, %dma_wait3A_145] : memref<10000x128xf32, #tpu.memory_space<vmem_shared>> -> memref<624x128xf32, #tpu.memory_space<vmem_shared>>
        %dma_wait3A_147 = arith.constant 0 : i32
        %dma_wait3A_148 = tpu.memref_slice %arg5[%multiple_of3A_140, %dma_wait3A_147] : memref<10000x128xf32, #tpu.memory_space<hbm>> -> memref<624x128xf32, #tpu.memory_space<hbm>>
        tpu.wait_dma2 semaphore(%run_scoped3A : memref<!tpu.dma_semaphore, #tpu.memory_space<semaphore_mem>>) src(%dma_wait3A_148 : memref<624x128xf32, #tpu.memory_space<hbm>>) dst(%dma_wait3A_146 : memref<624x128xf32, #tpu.memory_space<vmem_shared>>)
        tpu.yield
      }) : () -> ()
    } else {
    }
    %eq3A = arith.constant 15 : i32
    %eq3A_3 = arith.cmpi eq, %arg1, %eq3A : i32
    %convert_element_type3A_4 = arith.extui %eq3A_3 : i1 to i32
    %cond3A_5 = arith.constant 0 : i32
    %cond3A_6 = arith.cmpi ne, %convert_element_type3A_4, %cond3A_5 : i32
    scf.if %cond3A_6 {
      "tpu.region"() ({
        %run_scoped3A = tpu.sem_alloc : memref<!tpu.dma_semaphore, #tpu.memory_space<semaphore_mem>>
        %dma_start3A_138 = arith.constant 9360 : i32
        %dma_start3A_139 = arith.constant 0 : i32
        %dma_start3A_140 = tpu.memref_slice %arg14[%dma_start3A_138, %dma_start3A_139] : memref<10000x128xf32, #tpu.memory_space<vmem_shared>> -> memref<640x128xf32, #tpu.memory_space<vmem_shared>>
        %dma_start3A_141 = arith.constant 9360 : i32
        %dma_start3A_142 = arith.constant 0 : i32
        %dma_start3A_143 = tpu.memref_slice %arg5[%dma_start3A_141, %dma_start3A_142] : memref<10000x128xf32, #tpu.memory_space<hbm>> -> memref<640x128xf32, #tpu.memory_space<hbm>>
        tpu.enqueue_dma source(%dma_start3A_143 : memref<640x128xf32, #tpu.memory_space<hbm>>) target(%dma_start3A_140 : memref<640x128xf32, #tpu.memory_space<vmem_shared>>) target_semaphore(%run_scoped3A : memref<!tpu.dma_semaphore, #tpu.memory_space<semaphore_mem>>)
        %dma_wait3A_144 = arith.constant 9360 : i32
        %dma_wait3A_145 = arith.constant 0 : i32
        %dma_wait3A_146 = tpu.memref_slice %arg14[%dma_wait3A_144, %dma_wait3A_145] : memref<10000x128xf32, #tpu.memory_space<vmem_shared>> -> memref<640x128xf32, #tpu.memory_space<vmem_shared>>
        %dma_wait3A_147 = arith.constant 9360 : i32
        %dma_wait3A_148 = arith.constant 0 : i32
        %dma_wait3A_149 = tpu.memref_slice %arg5[%dma_wait3A_147, %dma_wait3A_148] : memref<10000x128xf32, #tpu.memory_space<hbm>> -> memref<640x128xf32, #tpu.memory_space<hbm>>
        tpu.wait_dma2 semaphore(%run_scoped3A : memref<!tpu.dma_semaphore, #tpu.memory_space<semaphore_mem>>) src(%dma_wait3A_149 : memref<640x128xf32, #tpu.memory_space<hbm>>) dst(%dma_wait3A_146 : memref<640x128xf32, #tpu.memory_space<vmem_shared>>)
        tpu.yield
      }) : () -> ()
    } else {
    }
    %mul3A_7 = arith.constant 10000 : i32
    %mul3A_8 = arith.muli %add3A, %mul3A_7 : i32
    %multiple_of3A = tpu.assume_multiple %mul3A_8, 8 : i32
    "tpu.region"() ({
      %run_scoped3A = tpu.sem_alloc : memref<!tpu.dma_semaphore, #tpu.memory_space<semaphore_mem>>
      %dma_start3A_138 = tpu.memref_slice %arg3[%multiple_of3A] : memref<320000xi32, #tpu.memory_space<hbm>> -> memref<10000xi32, #tpu.memory_space<hbm>>
      %dma_start3A_139 = tpu.memref_slice %arg3[%multiple_of3A] : memref<320000xi32, #tpu.memory_space<hbm>> -> memref<10000xi32, #tpu.memory_space<hbm>>
      tpu.enqueue_dma source(%dma_start3A_139 : memref<10000xi32, #tpu.memory_space<hbm>>) target(%arg7 : memref<10000xi32, #tpu.memory_space<vmem>>) target_semaphore(%run_scoped3A : memref<!tpu.dma_semaphore, #tpu.memory_space<semaphore_mem>>)
      %dma_wait3A_140 = tpu.memref_slice %arg3[%multiple_of3A] : memref<320000xi32, #tpu.memory_space<hbm>> -> memref<10000xi32, #tpu.memory_space<hbm>>
      %dma_wait3A_141 = tpu.memref_slice %arg3[%multiple_of3A] : memref<320000xi32, #tpu.memory_space<hbm>> -> memref<10000xi32, #tpu.memory_space<hbm>>
      tpu.wait_dma2 semaphore(%run_scoped3A : memref<!tpu.dma_semaphore, #tpu.memory_space<semaphore_mem>>) src(%dma_wait3A_141 : memref<10000xi32, #tpu.memory_space<hbm>>) dst(%arg7 : memref<10000xi32, #tpu.memory_space<vmem>>)
      tpu.yield
    }) : () -> ()
    %barrier3A = arith.constant 0 : index
    tpu.barrier barrier_id(%barrier3A)
    %add3A_9 = arith.constant 0 : i32
    %add3A_10 = arith.addi %multiple_of3A, %add3A_9 : i32
    %multiple_of3A_11 = tpu.assume_multiple %add3A_10, 8 : i32
    %dma_start3A = tpu.memref_slice %arg4[%multiple_of3A_11] : memref<320000xi32, #tpu.memory_space<hbm>> -> memref<80xi32, #tpu.memory_space<hbm>>
    %dma_start3A_12 = tpu.memref_slice %arg4[%multiple_of3A_11] : memref<320000xi32, #tpu.memory_space<hbm>> -> memref<80xi32, #tpu.memory_space<hbm>>
    tpu.enqueue_dma source(%dma_start3A_12 : memref<80xi32, #tpu.memory_space<hbm>>) target(%arg8 : memref<80xi32, #tpu.memory_space<vmem>>) target_semaphore(%arg15 : memref<!tpu.dma_semaphore, #tpu.memory_space<semaphore_mem>>)
    %dma_start3A_13 = arith.constant 0 : i32
    %dma_start3A_14 = tpu.memref_slice %arg7[%dma_start3A_13] : memref<10000xi32, #tpu.memory_space<vmem>> -> memref<80xi32, #tpu.memory_space<vmem>>
    %dma_start3A_15 = arith.constant 0 : i32
    %dma_start3A_16 = arith.constant 0 : i32
    %dma_start3A_17 = tpu.memref_slice %arg2[%dma_start3A_15, %dma_start3A_16] : memref<10000x128xf32, #tpu.memory_space<hbm>> -> memref<10000x128xf32, #tpu.memory_space<hbm>>
    tpu.enqueue_indirect_dma source(%dma_start3A_17 : memref<10000x128xf32, #tpu.memory_space<hbm>>) target(%arg11 : memref<80x128xf32, #tpu.memory_space<vmem>>) offsets(%dma_start3A_14 : memref<80xi32, #tpu.memory_space<vmem>>) semaphore(%arg18 : memref<!tpu.dma_semaphore, #tpu.memory_space<semaphore_mem>>)
    %add3A_18 = arith.constant 80 : i32
    %add3A_19 = arith.addi %multiple_of3A, %add3A_18 : i32
    %multiple_of3A_20 = tpu.assume_multiple %add3A_19, 8 : i32
    %dma_start3A_21 = tpu.memref_slice %arg4[%multiple_of3A_20] : memref<320000xi32, #tpu.memory_space<hbm>> -> memref<80xi32, #tpu.memory_space<hbm>>
    %dma_start3A_22 = tpu.memref_slice %arg4[%multiple_of3A_20] : memref<320000xi32, #tpu.memory_space<hbm>> -> memref<80xi32, #tpu.memory_space<hbm>>
    tpu.enqueue_dma source(%dma_start3A_22 : memref<80xi32, #tpu.memory_space<hbm>>) target(%arg9 : memref<80xi32, #tpu.memory_space<vmem>>) target_semaphore(%arg16 : memref<!tpu.dma_semaphore, #tpu.memory_space<semaphore_mem>>)
    %dma_start3A_23 = arith.constant 80 : i32
    %dma_start3A_24 = tpu.memref_slice %arg7[%dma_start3A_23] : memref<10000xi32, #tpu.memory_space<vmem>> -> memref<80xi32, #tpu.memory_space<vmem>>
    %dma_start3A_25 = arith.constant 0 : i32
    %dma_start3A_26 = arith.constant 0 : i32
    %dma_start3A_27 = tpu.memref_slice %arg2[%dma_start3A_25, %dma_start3A_26] : memref<10000x128xf32, #tpu.memory_space<hbm>> -> memref<10000x128xf32, #tpu.memory_space<hbm>>
    tpu.enqueue_indirect_dma source(%dma_start3A_27 : memref<10000x128xf32, #tpu.memory_space<hbm>>) target(%arg12 : memref<80x128xf32, #tpu.memory_space<vmem>>) offsets(%dma_start3A_24 : memref<80xi32, #tpu.memory_space<vmem>>) semaphore(%arg19 : memref<!tpu.dma_semaphore, #tpu.memory_space<semaphore_mem>>)
    %dma_wait3A = arith.constant 0 : i32
    %dma_wait3A_28 = tpu.memref_slice %arg7[%dma_wait3A] : memref<10000xi32, #tpu.memory_space<vmem>> -> memref<80xi32, #tpu.memory_space<vmem>>
    %dma_wait3A_29 = arith.constant 0 : i32
    %dma_wait3A_30 = arith.constant 0 : i32
    %dma_wait3A_31 = tpu.memref_slice %arg2[%dma_wait3A_29, %dma_wait3A_30] : memref<10000x128xf32, #tpu.memory_space<hbm>> -> memref<10000x128xf32, #tpu.memory_space<hbm>>
    tpu.wait_indirect_dma semaphore(%arg18 : memref<!tpu.dma_semaphore, #tpu.memory_space<semaphore_mem>>) src(%dma_wait3A_31 : memref<10000x128xf32, #tpu.memory_space<hbm>>) dst(%arg11 : memref<80x128xf32, #tpu.memory_space<vmem>>)
    %dma_wait3A_32 = tpu.memref_slice %arg4[%multiple_of3A] : memref<320000xi32, #tpu.memory_space<hbm>> -> memref<80xi32, #tpu.memory_space<hbm>>
    %dma_wait3A_33 = tpu.memref_slice %arg4[%multiple_of3A] : memref<320000xi32, #tpu.memory_space<hbm>> -> memref<80xi32, #tpu.memory_space<hbm>>
    tpu.wait_dma2 semaphore(%arg15 : memref<!tpu.dma_semaphore, #tpu.memory_space<semaphore_mem>>) src(%dma_wait3A_33 : memref<80xi32, #tpu.memory_space<hbm>>) dst(%arg8 : memref<80xi32, #tpu.memory_space<vmem>>)
    %dma_start3A_34 = arith.constant 0 : i32
    %dma_start3A_35 = arith.constant 0 : i32
    %dma_start3A_36 = tpu.memref_slice %arg14[%dma_start3A_34, %dma_start3A_35] : memref<10000x128xf32, #tpu.memory_space<vmem_shared>> -> memref<10000x128xf32, #tpu.memory_space<vmem_shared>>
    tpu.enqueue_indirect_dma source(%arg11 : memref<80x128xf32, #tpu.memory_space<vmem>>) target(%dma_start3A_36 : memref<10000x128xf32, #tpu.memory_space<vmem_shared>>) offsets(%arg8 : memref<80xi32, #tpu.memory_space<vmem>>) semaphore(%arg21 : memref<!tpu.dma_semaphore, #tpu.memory_space<semaphore_mem>>) {add = true}
    %add3A_37 = arith.constant 160 : i32
    %add3A_38 = arith.addi %multiple_of3A, %add3A_37 : i32
    %multiple_of3A_39 = tpu.assume_multiple %add3A_38, 8 : i32
    %dma_start3A_40 = tpu.memref_slice %arg4[%multiple_of3A_39] : memref<320000xi32, #tpu.memory_space<hbm>> -> memref<80xi32, #tpu.memory_space<hbm>>
    %dma_start3A_41 = tpu.memref_slice %arg4[%multiple_of3A_39] : memref<320000xi32, #tpu.memory_space<hbm>> -> memref<80xi32, #tpu.memory_space<hbm>>
    tpu.enqueue_dma source(%dma_start3A_41 : memref<80xi32, #tpu.memory_space<hbm>>) target(%arg10 : memref<80xi32, #tpu.memory_space<vmem>>) target_semaphore(%arg17 : memref<!tpu.dma_semaphore, #tpu.memory_space<semaphore_mem>>)
    %dma_start3A_42 = arith.constant 160 : i32
    %dma_start3A_43 = tpu.memref_slice %arg7[%dma_start3A_42] : memref<10000xi32, #tpu.memory_space<vmem>> -> memref<80xi32, #tpu.memory_space<vmem>>
    %dma_start3A_44 = arith.constant 0 : i32
    %dma_start3A_45 = arith.constant 0 : i32
    %dma_start3A_46 = tpu.memref_slice %arg2[%dma_start3A_44, %dma_start3A_45] : memref<10000x128xf32, #tpu.memory_space<hbm>> -> memref<10000x128xf32, #tpu.memory_space<hbm>>
    tpu.enqueue_indirect_dma source(%dma_start3A_46 : memref<10000x128xf32, #tpu.memory_space<hbm>>) target(%arg13 : memref<80x128xf32, #tpu.memory_space<vmem>>) offsets(%dma_start3A_43 : memref<80xi32, #tpu.memory_space<vmem>>) semaphore(%arg20 : memref<!tpu.dma_semaphore, #tpu.memory_space<semaphore_mem>>)
    %dma_wait3A_47 = arith.constant 0 : i32
    %dma_wait3A_48 = tpu.memref_slice %arg7[%dma_wait3A_47] : memref<10000xi32, #tpu.memory_space<vmem>> -> memref<80xi32, #tpu.memory_space<vmem>>
    %dma_wait3A_49 = arith.constant 0 : i32
    %dma_wait3A_50 = arith.constant 0 : i32
    %dma_wait3A_51 = tpu.memref_slice %arg2[%dma_wait3A_49, %dma_wait3A_50] : memref<10000x128xf32, #tpu.memory_space<hbm>> -> memref<10000x128xf32, #tpu.memory_space<hbm>>
    tpu.wait_indirect_dma semaphore(%arg19 : memref<!tpu.dma_semaphore, #tpu.memory_space<semaphore_mem>>) src(%dma_wait3A_51 : memref<10000x128xf32, #tpu.memory_space<hbm>>) dst(%arg12 : memref<80x128xf32, #tpu.memory_space<vmem>>)
    %dma_wait3A_52 = tpu.memref_slice %arg4[%multiple_of3A] : memref<320000xi32, #tpu.memory_space<hbm>> -> memref<80xi32, #tpu.memory_space<hbm>>
    %dma_wait3A_53 = tpu.memref_slice %arg4[%multiple_of3A] : memref<320000xi32, #tpu.memory_space<hbm>> -> memref<80xi32, #tpu.memory_space<hbm>>
    tpu.wait_dma2 semaphore(%arg16 : memref<!tpu.dma_semaphore, #tpu.memory_space<semaphore_mem>>) src(%dma_wait3A_53 : memref<80xi32, #tpu.memory_space<hbm>>) dst(%arg9 : memref<80xi32, #tpu.memory_space<vmem>>)
    %dma_start3A_54 = arith.constant 0 : i32
    %dma_start3A_55 = arith.constant 0 : i32
    %dma_start3A_56 = tpu.memref_slice %arg14[%dma_start3A_54, %dma_start3A_55] : memref<10000x128xf32, #tpu.memory_space<vmem_shared>> -> memref<10000x128xf32, #tpu.memory_space<vmem_shared>>
    tpu.enqueue_indirect_dma source(%arg12 : memref<80x128xf32, #tpu.memory_space<vmem>>) target(%dma_start3A_56 : memref<10000x128xf32, #tpu.memory_space<vmem_shared>>) offsets(%arg9 : memref<80xi32, #tpu.memory_space<vmem>>) semaphore(%arg22 : memref<!tpu.dma_semaphore, #tpu.memory_space<semaphore_mem>>) {add = true}
    %scan3A = arith.constant 0 : i32
    %scan3A_57 = arith.constant 0 : i32
    %scan3A_58 = arith.constant 40 : i32
    %scan3A_59 = arith.addi %scan3A_57, %scan3A_58 : i32
    %scan3A_60 = arith.constant 1 : i32
    scf.for %scan3A_138 = %scan3A_57 to %scan3A_59 step %scan3A_60  : i32 {
      %mul3A_139 = arith.constant 3 : i32
      %mul3A_140 = arith.muli %mul3A_139, %scan3A_138 : i32
      %add3A_141 = arith.constant 3 : i32
      %add3A_142 = arith.addi %add3A_141, %mul3A_140 : i32
      %add3A_143 = arith.constant 0 : i32
      %add3A_144 = arith.addi %add3A_142, %add3A_143 : i32
      %dma_wait3A_145 = arith.constant 0 : i32
      %dma_wait3A_146 = arith.constant 0 : i32
      %dma_wait3A_147 = tpu.memref_slice %arg14[%dma_wait3A_145, %dma_wait3A_146] : memref<10000x128xf32, #tpu.memory_space<vmem_shared>> -> memref<10000x128xf32, #tpu.memory_space<vmem_shared>>
      tpu.wait_indirect_dma semaphore(%arg21 : memref<!tpu.dma_semaphore, #tpu.memory_space<semaphore_mem>>) src(%arg11 : memref<80x128xf32, #tpu.memory_space<vmem>>) dst(%dma_wait3A_147 : memref<10000x128xf32, #tpu.memory_space<vmem_shared>>)
      %mul3A_148 = arith.constant 80 : i32
      %mul3A_149 = arith.muli %add3A_144, %mul3A_148 : i32
      %add3A_150 = arith.addi %multiple_of3A, %mul3A_149 : i32
      %multiple_of3A_151 = tpu.assume_multiple %add3A_150, 8 : i32
      %dma_start3A_152 = tpu.memref_slice %arg4[%multiple_of3A_151] : memref<320000xi32, #tpu.memory_space<hbm>> -> memref<80xi32, #tpu.memory_space<hbm>>
      %dma_start3A_153 = tpu.memref_slice %arg4[%multiple_of3A_151] : memref<320000xi32, #tpu.memory_space<hbm>> -> memref<80xi32, #tpu.memory_space<hbm>>
      tpu.enqueue_dma source(%dma_start3A_153 : memref<80xi32, #tpu.memory_space<hbm>>) target(%arg8 : memref<80xi32, #tpu.memory_space<vmem>>) target_semaphore(%arg15 : memref<!tpu.dma_semaphore, #tpu.memory_space<semaphore_mem>>)
      %mul3A_154 = arith.constant 80 : i32
      %mul3A_155 = arith.muli %add3A_144, %mul3A_154 : i32
      %dma_start3A_156 = tpu.memref_slice %arg7[%mul3A_155] : memref<10000xi32, #tpu.memory_space<vmem>> -> memref<80xi32, #tpu.memory_space<vmem>>
      %dma_start3A_157 = arith.constant 0 : i32
      %dma_start3A_158 = arith.constant 0 : i32
      %dma_start3A_159 = tpu.memref_slice %arg2[%dma_start3A_157, %dma_start3A_158] : memref<10000x128xf32, #tpu.memory_space<hbm>> -> memref<10000x128xf32, #tpu.memory_space<hbm>>
      tpu.enqueue_indirect_dma source(%dma_start3A_159 : memref<10000x128xf32, #tpu.memory_space<hbm>>) target(%arg11 : memref<80x128xf32, #tpu.memory_space<vmem>>) offsets(%dma_start3A_156 : memref<80xi32, #tpu.memory_space<vmem>>) semaphore(%arg18 : memref<!tpu.dma_semaphore, #tpu.memory_space<semaphore_mem>>)
      %dma_wait3A_160 = arith.constant 0 : i32
      %dma_wait3A_161 = tpu.memref_slice %arg7[%dma_wait3A_160] : memref<10000xi32, #tpu.memory_space<vmem>> -> memref<80xi32, #tpu.memory_space<vmem>>
      %dma_wait3A_162 = arith.constant 0 : i32
      %dma_wait3A_163 = arith.constant 0 : i32
      %dma_wait3A_164 = tpu.memref_slice %arg2[%dma_wait3A_162, %dma_wait3A_163] : memref<10000x128xf32, #tpu.memory_space<hbm>> -> memref<10000x128xf32, #tpu.memory_space<hbm>>
      tpu.wait_indirect_dma semaphore(%arg20 : memref<!tpu.dma_semaphore, #tpu.memory_space<semaphore_mem>>) src(%dma_wait3A_164 : memref<10000x128xf32, #tpu.memory_space<hbm>>) dst(%arg13 : memref<80x128xf32, #tpu.memory_space<vmem>>)
      %dma_wait3A_165 = tpu.memref_slice %arg4[%multiple_of3A] : memref<320000xi32, #tpu.memory_space<hbm>> -> memref<80xi32, #tpu.memory_space<hbm>>
      %dma_wait3A_166 = tpu.memref_slice %arg4[%multiple_of3A] : memref<320000xi32, #tpu.memory_space<hbm>> -> memref<80xi32, #tpu.memory_space<hbm>>
      tpu.wait_dma2 semaphore(%arg17 : memref<!tpu.dma_semaphore, #tpu.memory_space<semaphore_mem>>) src(%dma_wait3A_166 : memref<80xi32, #tpu.memory_space<hbm>>) dst(%arg10 : memref<80xi32, #tpu.memory_space<vmem>>)
      %dma_start3A_167 = arith.constant 0 : i32
      %dma_start3A_168 = arith.constant 0 : i32
      %dma_start3A_169 = tpu.memref_slice %arg14[%dma_start3A_167, %dma_start3A_168] : memref<10000x128xf32, #tpu.memory_space<vmem_shared>> -> memref<10000x128xf32, #tpu.memory_space<vmem_shared>>
      tpu.enqueue_indirect_dma source(%arg13 : memref<80x128xf32, #tpu.memory_space<vmem>>) target(%dma_start3A_169 : memref<10000x128xf32, #tpu.memory_space<vmem_shared>>) offsets(%arg10 : memref<80xi32, #tpu.memory_space<vmem>>) semaphore(%arg23 : memref<!tpu.dma_semaphore, #tpu.memory_space<semaphore_mem>>) {add = true}
      %add3A_170 = arith.constant 1 : i32
      %add3A_171 = arith.addi %add3A_142, %add3A_170 : i32
      %dma_wait3A_172 = arith.constant 0 : i32
      %dma_wait3A_173 = arith.constant 0 : i32
      %dma_wait3A_174 = tpu.memref_slice %arg14[%dma_wait3A_172, %dma_wait3A_173] : memref<10000x128xf32, #tpu.memory_space<vmem_shared>> -> memref<10000x128xf32, #tpu.memory_space<vmem_shared>>
      tpu.wait_indirect_dma semaphore(%arg22 : memref<!tpu.dma_semaphore, #tpu.memory_space<semaphore_mem>>) src(%arg12 : memref<80x128xf32, #tpu.memory_space<vmem>>) dst(%dma_wait3A_174 : memref<10000x128xf32, #tpu.memory_space<vmem_shared>>)
      %mul3A_175 = arith.constant 80 : i32
      %mul3A_176 = arith.muli %add3A_171, %mul3A_175 : i32
      %add3A_177 = arith.addi %multiple_of3A, %mul3A_176 : i32
      %multiple_of3A_178 = tpu.assume_multiple %add3A_177, 8 : i32
      %dma_start3A_179 = tpu.memref_slice %arg4[%multiple_of3A_178] : memref<320000xi32, #tpu.memory_space<hbm>> -> memref<80xi32, #tpu.memory_space<hbm>>
      %dma_start3A_180 = tpu.memref_slice %arg4[%multiple_of3A_178] : memref<320000xi32, #tpu.memory_space<hbm>> -> memref<80xi32, #tpu.memory_space<hbm>>
      tpu.enqueue_dma source(%dma_start3A_180 : memref<80xi32, #tpu.memory_space<hbm>>) target(%arg9 : memref<80xi32, #tpu.memory_space<vmem>>) target_semaphore(%arg16 : memref<!tpu.dma_semaphore, #tpu.memory_space<semaphore_mem>>)
      %mul3A_181 = arith.constant 80 : i32
      %mul3A_182 = arith.muli %add3A_171, %mul3A_181 : i32
      %dma_start3A_183 = tpu.memref_slice %arg7[%mul3A_182] : memref<10000xi32, #tpu.memory_space<vmem>> -> memref<80xi32, #tpu.memory_space<vmem>>
      %dma_start3A_184 = arith.constant 0 : i32
      %dma_start3A_185 = arith.constant 0 : i32
      %dma_start3A_186 = tpu.memref_slice %arg2[%dma_start3A_184, %dma_start3A_185] : memref<10000x128xf32, #tpu.memory_space<hbm>> -> memref<10000x128xf32, #tpu.memory_space<hbm>>
      tpu.enqueue_indirect_dma source(%dma_start3A_186 : memref<10000x128xf32, #tpu.memory_space<hbm>>) target(%arg12 : memref<80x128xf32, #tpu.memory_space<vmem>>) offsets(%dma_start3A_183 : memref<80xi32, #tpu.memory_space<vmem>>) semaphore(%arg19 : memref<!tpu.dma_semaphore, #tpu.memory_space<semaphore_mem>>)
      %dma_wait3A_187 = arith.constant 0 : i32
      %dma_wait3A_188 = tpu.memref_slice %arg7[%dma_wait3A_187] : memref<10000xi32, #tpu.memory_space<vmem>> -> memref<80xi32, #tpu.memory_space<vmem>>
      %dma_wait3A_189 = arith.constant 0 : i32
      %dma_wait3A_190 = arith.constant 0 : i32
      %dma_wait3A_191 = tpu.memref_slice %arg2[%dma_wait3A_189, %dma_wait3A_190] : memref<10000x128xf32, #tpu.memory_space<hbm>> -> memref<10000x128xf32, #tpu.memory_space<hbm>>
      tpu.wait_indirect_dma semaphore(%arg18 : memref<!tpu.dma_semaphore, #tpu.memory_space<semaphore_mem>>) src(%dma_wait3A_191 : memref<10000x128xf32, #tpu.memory_space<hbm>>) dst(%arg11 : memref<80x128xf32, #tpu.memory_space<vmem>>)
      %dma_wait3A_192 = tpu.memref_slice %arg4[%multiple_of3A] : memref<320000xi32, #tpu.memory_space<hbm>> -> memref<80xi32, #tpu.memory_space<hbm>>
      %dma_wait3A_193 = tpu.memref_slice %arg4[%multiple_of3A] : memref<320000xi32, #tpu.memory_space<hbm>> -> memref<80xi32, #tpu.memory_space<hbm>>
      tpu.wait_dma2 semaphore(%arg15 : memref<!tpu.dma_semaphore, #tpu.memory_space<semaphore_mem>>) src(%dma_wait3A_193 : memref<80xi32, #tpu.memory_space<hbm>>) dst(%arg8 : memref<80xi32, #tpu.memory_space<vmem>>)
      %dma_start3A_194 = arith.constant 0 : i32
      %dma_start3A_195 = arith.constant 0 : i32
      %dma_start3A_196 = tpu.memref_slice %arg14[%dma_start3A_194, %dma_start3A_195] : memref<10000x128xf32, #tpu.memory_space<vmem_shared>> -> memref<10000x128xf32, #tpu.memory_space<vmem_shared>>
      tpu.enqueue_indirect_dma source(%arg11 : memref<80x128xf32, #tpu.memory_space<vmem>>) target(%dma_start3A_196 : memref<10000x128xf32, #tpu.memory_space<vmem_shared>>) offsets(%arg8 : memref<80xi32, #tpu.memory_space<vmem>>) semaphore(%arg21 : memref<!tpu.dma_semaphore, #tpu.memory_space<semaphore_mem>>) {add = true}
      %add3A_197 = arith.constant 2 : i32
      %add3A_198 = arith.addi %add3A_142, %add3A_197 : i32
      %dma_wait3A_199 = arith.constant 0 : i32
      %dma_wait3A_200 = arith.constant 0 : i32
      %dma_wait3A_201 = tpu.memref_slice %arg14[%dma_wait3A_199, %dma_wait3A_200] : memref<10000x128xf32, #tpu.memory_space<vmem_shared>> -> memref<10000x128xf32, #tpu.memory_space<vmem_shared>>
      tpu.wait_indirect_dma semaphore(%arg23 : memref<!tpu.dma_semaphore, #tpu.memory_space<semaphore_mem>>) src(%arg13 : memref<80x128xf32, #tpu.memory_space<vmem>>) dst(%dma_wait3A_201 : memref<10000x128xf32, #tpu.memory_space<vmem_shared>>)
      %mul3A_202 = arith.constant 80 : i32
      %mul3A_203 = arith.muli %add3A_198, %mul3A_202 : i32
      %add3A_204 = arith.addi %multiple_of3A, %mul3A_203 : i32
      %multiple_of3A_205 = tpu.assume_multiple %add3A_204, 8 : i32
      %dma_start3A_206 = tpu.memref_slice %arg4[%multiple_of3A_205] : memref<320000xi32, #tpu.memory_space<hbm>> -> memref<80xi32, #tpu.memory_space<hbm>>
      %dma_start3A_207 = tpu.memref_slice %arg4[%multiple_of3A_205] : memref<320000xi32, #tpu.memory_space<hbm>> -> memref<80xi32, #tpu.memory_space<hbm>>
      tpu.enqueue_dma source(%dma_start3A_207 : memref<80xi32, #tpu.memory_space<hbm>>) target(%arg10 : memref<80xi32, #tpu.memory_space<vmem>>) target_semaphore(%arg17 : memref<!tpu.dma_semaphore, #tpu.memory_space<semaphore_mem>>)
      %mul3A_208 = arith.constant 80 : i32
      %mul3A_209 = arith.muli %add3A_198, %mul3A_208 : i32
      %dma_start3A_210 = tpu.memref_slice %arg7[%mul3A_209] : memref<10000xi32, #tpu.memory_space<vmem>> -> memref<80xi32, #tpu.memory_space<vmem>>
      %dma_start3A_211 = arith.constant 0 : i32
      %dma_start3A_212 = arith.constant 0 : i32
      %dma_start3A_213 = tpu.memref_slice %arg2[%dma_start3A_211, %dma_start3A_212] : memref<10000x128xf32, #tpu.memory_space<hbm>> -> memref<10000x128xf32, #tpu.memory_space<hbm>>
      tpu.enqueue_indirect_dma source(%dma_start3A_213 : memref<10000x128xf32, #tpu.memory_space<hbm>>) target(%arg13 : memref<80x128xf32, #tpu.memory_space<vmem>>) offsets(%dma_start3A_210 : memref<80xi32, #tpu.memory_space<vmem>>) semaphore(%arg20 : memref<!tpu.dma_semaphore, #tpu.memory_space<semaphore_mem>>)
      %dma_wait3A_214 = arith.constant 0 : i32
      %dma_wait3A_215 = tpu.memref_slice %arg7[%dma_wait3A_214] : memref<10000xi32, #tpu.memory_space<vmem>> -> memref<80xi32, #tpu.memory_space<vmem>>
      %dma_wait3A_216 = arith.constant 0 : i32
      %dma_wait3A_217 = arith.constant 0 : i32
      %dma_wait3A_218 = tpu.memref_slice %arg2[%dma_wait3A_216, %dma_wait3A_217] : memref<10000x128xf32, #tpu.memory_space<hbm>> -> memref<10000x128xf32, #tpu.memory_space<hbm>>
      tpu.wait_indirect_dma semaphore(%arg19 : memref<!tpu.dma_semaphore, #tpu.memory_space<semaphore_mem>>) src(%dma_wait3A_218 : memref<10000x128xf32, #tpu.memory_space<hbm>>) dst(%arg12 : memref<80x128xf32, #tpu.memory_space<vmem>>)
      %dma_wait3A_219 = tpu.memref_slice %arg4[%multiple_of3A] : memref<320000xi32, #tpu.memory_space<hbm>> -> memref<80xi32, #tpu.memory_space<hbm>>
      %dma_wait3A_220 = tpu.memref_slice %arg4[%multiple_of3A] : memref<320000xi32, #tpu.memory_space<hbm>> -> memref<80xi32, #tpu.memory_space<hbm>>
      tpu.wait_dma2 semaphore(%arg16 : memref<!tpu.dma_semaphore, #tpu.memory_space<semaphore_mem>>) src(%dma_wait3A_220 : memref<80xi32, #tpu.memory_space<hbm>>) dst(%arg9 : memref<80xi32, #tpu.memory_space<vmem>>)
      %dma_start3A_221 = arith.constant 0 : i32
      %dma_start3A_222 = arith.constant 0 : i32
      %dma_start3A_223 = tpu.memref_slice %arg14[%dma_start3A_221, %dma_start3A_222] : memref<10000x128xf32, #tpu.memory_space<vmem_shared>> -> memref<10000x128xf32, #tpu.memory_space<vmem_shared>>
      tpu.enqueue_indirect_dma source(%arg12 : memref<80x128xf32, #tpu.memory_space<vmem>>) target(%dma_start3A_223 : memref<10000x128xf32, #tpu.memory_space<vmem_shared>>) offsets(%arg9 : memref<80xi32, #tpu.memory_space<vmem>>) semaphore(%arg22 : memref<!tpu.dma_semaphore, #tpu.memory_space<semaphore_mem>>) {add = true}
    }
    %scan3A_61 = arith.constant 40 : i32
    %dma_wait3A_62 = arith.constant 0 : i32
    %dma_wait3A_63 = arith.constant 0 : i32
    %dma_wait3A_64 = tpu.memref_slice %arg14[%dma_wait3A_62, %dma_wait3A_63] : memref<10000x128xf32, #tpu.memory_space<vmem_shared>> -> memref<10000x128xf32, #tpu.memory_space<vmem_shared>>
    tpu.wait_indirect_dma semaphore(%arg21 : memref<!tpu.dma_semaphore, #tpu.memory_space<semaphore_mem>>) src(%arg11 : memref<80x128xf32, #tpu.memory_space<vmem>>) dst(%dma_wait3A_64 : memref<10000x128xf32, #tpu.memory_space<vmem_shared>>)
    %add3A_65 = arith.constant 9840 : i32
    %add3A_66 = arith.addi %multiple_of3A, %add3A_65 : i32
    %multiple_of3A_67 = tpu.assume_multiple %add3A_66, 8 : i32
    %dma_start3A_68 = tpu.memref_slice %arg4[%multiple_of3A_67] : memref<320000xi32, #tpu.memory_space<hbm>> -> memref<80xi32, #tpu.memory_space<hbm>>
    %dma_start3A_69 = tpu.memref_slice %arg4[%multiple_of3A_67] : memref<320000xi32, #tpu.memory_space<hbm>> -> memref<80xi32, #tpu.memory_space<hbm>>
    tpu.enqueue_dma source(%dma_start3A_69 : memref<80xi32, #tpu.memory_space<hbm>>) target(%arg8 : memref<80xi32, #tpu.memory_space<vmem>>) target_semaphore(%arg15 : memref<!tpu.dma_semaphore, #tpu.memory_space<semaphore_mem>>)
    %dma_start3A_70 = arith.constant 9840 : i32
    %dma_start3A_71 = tpu.memref_slice %arg7[%dma_start3A_70] : memref<10000xi32, #tpu.memory_space<vmem>> -> memref<80xi32, #tpu.memory_space<vmem>>
    %dma_start3A_72 = arith.constant 0 : i32
    %dma_start3A_73 = arith.constant 0 : i32
    %dma_start3A_74 = tpu.memref_slice %arg2[%dma_start3A_72, %dma_start3A_73] : memref<10000x128xf32, #tpu.memory_space<hbm>> -> memref<10000x128xf32, #tpu.memory_space<hbm>>
    tpu.enqueue_indirect_dma source(%dma_start3A_74 : memref<10000x128xf32, #tpu.memory_space<hbm>>) target(%arg11 : memref<80x128xf32, #tpu.memory_space<vmem>>) offsets(%dma_start3A_71 : memref<80xi32, #tpu.memory_space<vmem>>) semaphore(%arg18 : memref<!tpu.dma_semaphore, #tpu.memory_space<semaphore_mem>>)
    %dma_wait3A_75 = arith.constant 0 : i32
    %dma_wait3A_76 = tpu.memref_slice %arg7[%dma_wait3A_75] : memref<10000xi32, #tpu.memory_space<vmem>> -> memref<80xi32, #tpu.memory_space<vmem>>
    %dma_wait3A_77 = arith.constant 0 : i32
    %dma_wait3A_78 = arith.constant 0 : i32
    %dma_wait3A_79 = tpu.memref_slice %arg2[%dma_wait3A_77, %dma_wait3A_78] : memref<10000x128xf32, #tpu.memory_space<hbm>> -> memref<10000x128xf32, #tpu.memory_space<hbm>>
    tpu.wait_indirect_dma semaphore(%arg20 : memref<!tpu.dma_semaphore, #tpu.memory_space<semaphore_mem>>) src(%dma_wait3A_79 : memref<10000x128xf32, #tpu.memory_space<hbm>>) dst(%arg13 : memref<80x128xf32, #tpu.memory_space<vmem>>)
    %dma_wait3A_80 = tpu.memref_slice %arg4[%multiple_of3A] : memref<320000xi32, #tpu.memory_space<hbm>> -> memref<80xi32, #tpu.memory_space<hbm>>
    %dma_wait3A_81 = tpu.memref_slice %arg4[%multiple_of3A] : memref<320000xi32, #tpu.memory_space<hbm>> -> memref<80xi32, #tpu.memory_space<hbm>>
    tpu.wait_dma2 semaphore(%arg17 : memref<!tpu.dma_semaphore, #tpu.memory_space<semaphore_mem>>) src(%dma_wait3A_81 : memref<80xi32, #tpu.memory_space<hbm>>) dst(%arg10 : memref<80xi32, #tpu.memory_space<vmem>>)
    %dma_start3A_82 = arith.constant 0 : i32
    %dma_start3A_83 = arith.constant 0 : i32
    %dma_start3A_84 = tpu.memref_slice %arg14[%dma_start3A_82, %dma_start3A_83] : memref<10000x128xf32, #tpu.memory_space<vmem_shared>> -> memref<10000x128xf32, #tpu.memory_space<vmem_shared>>
    tpu.enqueue_indirect_dma source(%arg13 : memref<80x128xf32, #tpu.memory_space<vmem>>) target(%dma_start3A_84 : memref<10000x128xf32, #tpu.memory_space<vmem_shared>>) offsets(%arg10 : memref<80xi32, #tpu.memory_space<vmem>>) semaphore(%arg23 : memref<!tpu.dma_semaphore, #tpu.memory_space<semaphore_mem>>) {add = true}
    %dma_wait3A_85 = arith.constant 0 : i32
    %dma_wait3A_86 = arith.constant 0 : i32
    %dma_wait3A_87 = tpu.memref_slice %arg14[%dma_wait3A_85, %dma_wait3A_86] : memref<10000x128xf32, #tpu.memory_space<vmem_shared>> -> memref<10000x128xf32, #tpu.memory_space<vmem_shared>>
    tpu.wait_indirect_dma semaphore(%arg22 : memref<!tpu.dma_semaphore, #tpu.memory_space<semaphore_mem>>) src(%arg12 : memref<80x128xf32, #tpu.memory_space<vmem>>) dst(%dma_wait3A_87 : memref<10000x128xf32, #tpu.memory_space<vmem_shared>>)
    %add3A_88 = arith.constant 9920 : i32
    %add3A_89 = arith.addi %multiple_of3A, %add3A_88 : i32
    %multiple_of3A_90 = tpu.assume_multiple %add3A_89, 8 : i32
    %dma_start3A_91 = tpu.memref_slice %arg4[%multiple_of3A_90] : memref<320000xi32, #tpu.memory_space<hbm>> -> memref<80xi32, #tpu.memory_space<hbm>>
    %dma_start3A_92 = tpu.memref_slice %arg4[%multiple_of3A_90] : memref<320000xi32, #tpu.memory_space<hbm>> -> memref<80xi32, #tpu.memory_space<hbm>>
    tpu.enqueue_dma source(%dma_start3A_92 : memref<80xi32, #tpu.memory_space<hbm>>) target(%arg9 : memref<80xi32, #tpu.memory_space<vmem>>) target_semaphore(%arg16 : memref<!tpu.dma_semaphore, #tpu.memory_space<semaphore_mem>>)
    %dma_start3A_93 = arith.constant 9920 : i32
    %dma_start3A_94 = tpu.memref_slice %arg7[%dma_start3A_93] : memref<10000xi32, #tpu.memory_space<vmem>> -> memref<80xi32, #tpu.memory_space<vmem>>
    %dma_start3A_95 = arith.constant 0 : i32
    %dma_start3A_96 = arith.constant 0 : i32
    %dma_start3A_97 = tpu.memref_slice %arg2[%dma_start3A_95, %dma_start3A_96] : memref<10000x128xf32, #tpu.memory_space<hbm>> -> memref<10000x128xf32, #tpu.memory_space<hbm>>
    tpu.enqueue_indirect_dma source(%dma_start3A_97 : memref<10000x128xf32, #tpu.memory_space<hbm>>) target(%arg12 : memref<80x128xf32, #tpu.memory_space<vmem>>) offsets(%dma_start3A_94 : memref<80xi32, #tpu.memory_space<vmem>>) semaphore(%arg19 : memref<!tpu.dma_semaphore, #tpu.memory_space<semaphore_mem>>)
    %dma_wait3A_98 = arith.constant 0 : i32
    %dma_wait3A_99 = tpu.memref_slice %arg7[%dma_wait3A_98] : memref<10000xi32, #tpu.memory_space<vmem>> -> memref<80xi32, #tpu.memory_space<vmem>>
    %dma_wait3A_100 = arith.constant 0 : i32
    %dma_wait3A_101 = arith.constant 0 : i32
    %dma_wait3A_102 = tpu.memref_slice %arg2[%dma_wait3A_100, %dma_wait3A_101] : memref<10000x128xf32, #tpu.memory_space<hbm>> -> memref<10000x128xf32, #tpu.memory_space<hbm>>
    tpu.wait_indirect_dma semaphore(%arg18 : memref<!tpu.dma_semaphore, #tpu.memory_space<semaphore_mem>>) src(%dma_wait3A_102 : memref<10000x128xf32, #tpu.memory_space<hbm>>) dst(%arg11 : memref<80x128xf32, #tpu.memory_space<vmem>>)
    %dma_wait3A_103 = tpu.memref_slice %arg4[%multiple_of3A] : memref<320000xi32, #tpu.memory_space<hbm>> -> memref<80xi32, #tpu.memory_space<hbm>>
    %dma_wait3A_104 = tpu.memref_slice %arg4[%multiple_of3A] : memref<320000xi32, #tpu.memory_space<hbm>> -> memref<80xi32, #tpu.memory_space<hbm>>
    tpu.wait_dma2 semaphore(%arg15 : memref<!tpu.dma_semaphore, #tpu.memory_space<semaphore_mem>>) src(%dma_wait3A_104 : memref<80xi32, #tpu.memory_space<hbm>>) dst(%arg8 : memref<80xi32, #tpu.memory_space<vmem>>)
    %dma_start3A_105 = arith.constant 0 : i32
    %dma_start3A_106 = arith.constant 0 : i32
    %dma_start3A_107 = tpu.memref_slice %arg14[%dma_start3A_105, %dma_start3A_106] : memref<10000x128xf32, #tpu.memory_space<vmem_shared>> -> memref<10000x128xf32, #tpu.memory_space<vmem_shared>>
    tpu.enqueue_indirect_dma source(%arg11 : memref<80x128xf32, #tpu.memory_space<vmem>>) target(%dma_start3A_107 : memref<10000x128xf32, #tpu.memory_space<vmem_shared>>) offsets(%arg8 : memref<80xi32, #tpu.memory_space<vmem>>) semaphore(%arg21 : memref<!tpu.dma_semaphore, #tpu.memory_space<semaphore_mem>>) {add = true}
    %dma_wait3A_108 = arith.constant 0 : i32
    %dma_wait3A_109 = tpu.memref_slice %arg7[%dma_wait3A_108] : memref<10000xi32, #tpu.memory_space<vmem>> -> memref<80xi32, #tpu.memory_space<vmem>>
    %dma_wait3A_110 = arith.constant 0 : i32
    %dma_wait3A_111 = arith.constant 0 : i32
    %dma_wait3A_112 = tpu.memref_slice %arg2[%dma_wait3A_110, %dma_wait3A_111] : memref<10000x128xf32, #tpu.memory_space<hbm>> -> memref<10000x128xf32, #tpu.memory_space<hbm>>
    tpu.wait_indirect_dma semaphore(%arg19 : memref<!tpu.dma_semaphore, #tpu.memory_space<semaphore_mem>>) src(%dma_wait3A_112 : memref<10000x128xf32, #tpu.memory_space<hbm>>) dst(%arg12 : memref<80x128xf32, #tpu.memory_space<vmem>>)
    %dma_wait3A_113 = tpu.memref_slice %arg4[%multiple_of3A] : memref<320000xi32, #tpu.memory_space<hbm>> -> memref<80xi32, #tpu.memory_space<hbm>>
    %dma_wait3A_114 = tpu.memref_slice %arg4[%multiple_of3A] : memref<320000xi32, #tpu.memory_space<hbm>> -> memref<80xi32, #tpu.memory_space<hbm>>
    tpu.wait_dma2 semaphore(%arg16 : memref<!tpu.dma_semaphore, #tpu.memory_space<semaphore_mem>>) src(%dma_wait3A_114 : memref<80xi32, #tpu.memory_space<hbm>>) dst(%arg9 : memref<80xi32, #tpu.memory_space<vmem>>)
    %dma_start3A_115 = arith.constant 0 : i32
    %dma_start3A_116 = arith.constant 0 : i32
    %dma_start3A_117 = tpu.memref_slice %arg14[%dma_start3A_115, %dma_start3A_116] : memref<10000x128xf32, #tpu.memory_space<vmem_shared>> -> memref<10000x128xf32, #tpu.memory_space<vmem_shared>>
    tpu.enqueue_indirect_dma source(%arg12 : memref<80x128xf32, #tpu.memory_space<vmem>>) target(%dma_start3A_117 : memref<10000x128xf32, #tpu.memory_space<vmem_shared>>) offsets(%arg9 : memref<80xi32, #tpu.memory_space<vmem>>) semaphore(%arg22 : memref<!tpu.dma_semaphore, #tpu.memory_space<semaphore_mem>>) {add = true}
    %dma_wait3A_118 = arith.constant 0 : i32
    %dma_wait3A_119 = arith.constant 0 : i32
    %dma_wait3A_120 = tpu.memref_slice %arg14[%dma_wait3A_118, %dma_wait3A_119] : memref<10000x128xf32, #tpu.memory_space<vmem_shared>> -> memref<10000x128xf32, #tpu.memory_space<vmem_shared>>
    tpu.wait_indirect_dma semaphore(%arg21 : memref<!tpu.dma_semaphore, #tpu.memory_space<semaphore_mem>>) src(%arg11 : memref<80x128xf32, #tpu.memory_space<vmem>>) dst(%dma_wait3A_120 : memref<10000x128xf32, #tpu.memory_space<vmem_shared>>)
    %dma_wait3A_121 = arith.constant 0 : i32
    %dma_wait3A_122 = arith.constant 0 : i32
    %dma_wait3A_123 = tpu.memref_slice %arg14[%dma_wait3A_121, %dma_wait3A_122] : memref<10000x128xf32, #tpu.memory_space<vmem_shared>> -> memref<10000x128xf32, #tpu.memory_space<vmem_shared>>
    tpu.wait_indirect_dma semaphore(%arg22 : memref<!tpu.dma_semaphore, #tpu.memory_space<semaphore_mem>>) src(%arg12 : memref<80x128xf32, #tpu.memory_space<vmem>>) dst(%dma_wait3A_123 : memref<10000x128xf32, #tpu.memory_space<vmem_shared>>)
    %dma_wait3A_124 = arith.constant 0 : i32
    %dma_wait3A_125 = arith.constant 0 : i32
    %dma_wait3A_126 = tpu.memref_slice %arg14[%dma_wait3A_124, %dma_wait3A_125] : memref<10000x128xf32, #tpu.memory_space<vmem_shared>> -> memref<10000x128xf32, #tpu.memory_space<vmem_shared>>
    tpu.wait_indirect_dma semaphore(%arg23 : memref<!tpu.dma_semaphore, #tpu.memory_space<semaphore_mem>>) src(%arg13 : memref<80x128xf32, #tpu.memory_space<vmem>>) dst(%dma_wait3A_126 : memref<10000x128xf32, #tpu.memory_space<vmem_shared>>)
    %barrier3A_127 = arith.constant 0 : index
    tpu.barrier barrier_id(%barrier3A_127)
    %lt3A_128 = arith.constant 15 : i32
    %lt3A_129 = arith.cmpi slt, %arg1, %lt3A_128 : i32
    %convert_element_type3A_130 = arith.extui %lt3A_129 : i1 to i32
    %cond3A_131 = arith.constant 0 : i32
    %cond3A_132 = arith.cmpi ne, %convert_element_type3A_130, %cond3A_131 : i32
    scf.if %cond3A_132 {
      %mul3A_138 = arith.constant 624 : i32
      %mul3A_139 = arith.muli %arg1, %mul3A_138 : i32
      %multiple_of3A_140 = tpu.assume_multiple %mul3A_139, 8 : i32
      "tpu.region"() ({
        %run_scoped3A = tpu.sem_alloc : memref<!tpu.dma_semaphore, #tpu.memory_space<semaphore_mem>>
        %dma_start3A_141 = arith.constant 0 : i32
        %dma_start3A_142 = tpu.memref_slice %arg6[%arg0, %multiple_of3A_140, %dma_start3A_141] : memref<2x10000x128xf32, #tpu.memory_space<hbm>> -> memref<1x624x128xf32, #tpu.memory_space<hbm>>
        %dma_start3A_143 = tpu.memref_squeeze %dma_start3A_142 : memref<1x624x128xf32, #tpu.memory_space<hbm>> -> memref<624x128xf32, #tpu.memory_space<hbm>>
        %dma_start3A_144 = arith.constant 0 : i32
        %dma_start3A_145 = tpu.memref_slice %arg14[%multiple_of3A_140, %dma_start3A_144] : memref<10000x128xf32, #tpu.memory_space<vmem_shared>> -> memref<624x128xf32, #tpu.memory_space<vmem_shared>>
        tpu.enqueue_dma source(%dma_start3A_145 : memref<624x128xf32, #tpu.memory_space<vmem_shared>>) target(%dma_start3A_143 : memref<624x128xf32, #tpu.memory_space<hbm>>) target_semaphore(%run_scoped3A : memref<!tpu.dma_semaphore, #tpu.memory_space<semaphore_mem>>)
        %dma_wait3A_146 = arith.constant 0 : i32
        %dma_wait3A_147 = tpu.memref_slice %arg6[%arg0, %multiple_of3A_140, %dma_wait3A_146] : memref<2x10000x128xf32, #tpu.memory_space<hbm>> -> memref<1x624x128xf32, #tpu.memory_space<hbm>>
        %dma_wait3A_148 = tpu.memref_squeeze %dma_wait3A_147 : memref<1x624x128xf32, #tpu.memory_space<hbm>> -> memref<624x128xf32, #tpu.memory_space<hbm>>
        %dma_wait3A_149 = arith.constant 0 : i32
        %dma_wait3A_150 = tpu.memref_slice %arg14[%multiple_of3A_140, %dma_wait3A_149] : memref<10000x128xf32, #tpu.memory_space<vmem_shared>> -> memref<624x128xf32, #tpu.memory_space<vmem_shared>>
        tpu.wait_dma2 semaphore(%run_scoped3A : memref<!tpu.dma_semaphore, #tpu.memory_space<semaphore_mem>>) src(%dma_wait3A_150 : memref<624x128xf32, #tpu.memory_space<vmem_shared>>) dst(%dma_wait3A_148 : memref<624x128xf32, #tpu.memory_space<hbm>>)
        tpu.yield
      }) : () -> ()
    } else {
    }
    %eq3A_133 = arith.constant 15 : i32
    %eq3A_134 = arith.cmpi eq, %arg1, %eq3A_133 : i32
    %convert_element_type3A_135 = arith.extui %eq3A_134 : i1 to i32
    %cond3A_136 = arith.constant 0 : i32
    %cond3A_137 = arith.cmpi ne, %convert_element_type3A_135, %cond3A_136 : i32
    scf.if %cond3A_137 {
      "tpu.region"() ({
        %run_scoped3A = tpu.sem_alloc : memref<!tpu.dma_semaphore, #tpu.memory_space<semaphore_mem>>
        %dma_start3A_138 = arith.constant 9360 : i32
        %dma_start3A_139 = arith.constant 0 : i32
        %dma_start3A_140 = tpu.memref_slice %arg6[%arg0, %dma_start3A_138, %dma_start3A_139] : memref<2x10000x128xf32, #tpu.memory_space<hbm>> -> memref<1x640x128xf32, #tpu.memory_space<hbm>>
        %dma_start3A_141 = tpu.memref_squeeze %dma_start3A_140 : memref<1x640x128xf32, #tpu.memory_space<hbm>> -> memref<640x128xf32, #tpu.memory_space<hbm>>
        %dma_start3A_142 = arith.constant 9360 : i32
        %dma_start3A_143 = arith.constant 0 : i32
        %dma_start3A_144 = tpu.memref_slice %arg14[%dma_start3A_142, %dma_start3A_143] : memref<10000x128xf32, #tpu.memory_space<vmem_shared>> -> memref<640x128xf32, #tpu.memory_space<vmem_shared>>
        tpu.enqueue_dma source(%dma_start3A_144 : memref<640x128xf32, #tpu.memory_space<vmem_shared>>) target(%dma_start3A_141 : memref<640x128xf32, #tpu.memory_space<hbm>>) target_semaphore(%run_scoped3A : memref<!tpu.dma_semaphore, #tpu.memory_space<semaphore_mem>>)
        %dma_wait3A_145 = arith.constant 9360 : i32
        %dma_wait3A_146 = arith.constant 0 : i32
        %dma_wait3A_147 = tpu.memref_slice %arg6[%arg0, %dma_wait3A_145, %dma_wait3A_146] : memref<2x10000x128xf32, #tpu.memory_space<hbm>> -> memref<1x640x128xf32, #tpu.memory_space<hbm>>
        %dma_wait3A_148 = tpu.memref_squeeze %dma_wait3A_147 : memref<1x640x128xf32, #tpu.memory_space<hbm>> -> memref<640x128xf32, #tpu.memory_space<hbm>>
        %dma_wait3A_149 = arith.constant 9360 : i32
        %dma_wait3A_150 = arith.constant 0 : i32
        %dma_wait3A_151 = tpu.memref_slice %arg14[%dma_wait3A_149, %dma_wait3A_150] : memref<10000x128xf32, #tpu.memory_space<vmem_shared>> -> memref<640x128xf32, #tpu.memory_space<vmem_shared>>
        tpu.wait_dma2 semaphore(%run_scoped3A : memref<!tpu.dma_semaphore, #tpu.memory_space<semaphore_mem>>) src(%dma_wait3A_151 : memref<640x128xf32, #tpu.memory_space<vmem_shared>>) dst(%dma_wait3A_148 : memref<640x128xf32, #tpu.memory_space<hbm>>)
        tpu.yield
      }) : () -> ()
    } else {
    }
    return
  }
}

module attributes {stable_mosaic.version = 14 : i64} {
  func.func @_tc_first_body(%arg0: i32, %arg1: memref<2000x2xf32, #tpu.memory_space<vmem>>, %arg2: memref<2000x128xf32, #tpu.memory_space<vmem>>, %arg3: memref<128x128xf32, #tpu.memory_space<vmem>>, %arg4: memref<2000x128xf32, #tpu.memory_space<vmem>>) attributes {dimension_semantics = [#tpu.dimension_semantics<arbitrary>], iteration_bounds = array<i64: 5>, scalar_prefetch = 0 : i64, scratch_operands = 0 : i64, tpu.core_type = #tpu.core_type<tc>, window_params = [{transform_indices = @transform_0, window_bounds = array<i64: 2000, 2>}, {transform_indices = @transform_1, window_bounds = array<i64: 2000, 128>}, {pipeline_mode = #tpu.pipeline_mode<synchronous>, transform_indices = @transform_2, window_bounds = array<i64: 128, 128>}, {transform_indices = @transform_3, window_bounds = array<i64: 2000, 128>}]} {
    %get3A = arith.constant 0 : index
    %get3A_0 = arith.constant 0 : index
    %get3A_1 = vector.load %arg1[%get3A, %get3A_0] : memref<2000x2xf32, #tpu.memory_space<vmem>>, vector<2000x1xf32>
    %add3A = arith.constant 1.000000e+00 : f32
    %add3A_2 = vector.broadcast %add3A : f32 to vector<2000x1xf32>
    %add3A_3 = arith.addf %add3A_2, %get3A_1 : vector<2000x1xf32>
    %get3A_4 = arith.constant 0 : index
    %get3A_5 = arith.constant 1 : index
    %get3A_6 = vector.load %arg1[%get3A_4, %get3A_5] : memref<2000x2xf32, #tpu.memory_space<vmem>>, vector<2000x1xf32>
    %add3A_7 = arith.addf %add3A_3, %get3A_6 : vector<2000x1xf32>
    %rsqrt3A = math.rsqrt %add3A_7 : vector<2000x1xf32>
    %get3A_8 = arith.constant 0 : index
    %get3A_9 = arith.constant 0 : index
    %get3A_10 = vector.load %arg2[%get3A_8, %get3A_9] : memref<2000x128xf32, #tpu.memory_space<vmem>>, vector<2000x128xf32>
    %mul3A = vector.broadcast %rsqrt3A : vector<2000x1xf32> to vector<2000x128xf32>
    %mul3A_11 = arith.mulf %mul3A, %get3A_10 : vector<2000x128xf32>
    %get3A_12 = arith.constant 0 : index
    %get3A_13 = arith.constant 0 : index
    %get3A_14 = vector.load %arg3[%get3A_12, %get3A_13] : memref<128x128xf32, #tpu.memory_space<vmem>>, vector<128x128xf32>
    %dot_general3A = arith.constant dense<0.000000e+00> : vector<2000x128xf32>
    %dot_general3A_15 = tpu.matmul %mul3A_11, %get3A_14, %dot_general3A {dimension_numbers = #tpu.dot_dimension_numbers<[1], [0], [0], [1], [0, 0, 1, 1], [], []>, transpose_lhs_hint = false} : vector<2000x128xf32>, vector<128x128xf32>, vector<2000x128xf32> -> vector<2000x128xf32>
    %swap3A = arith.constant 0 : index
    %swap3A_16 = arith.constant 0 : index
    %swap3A_17 = vector.load %arg4[%swap3A, %swap3A_16] : memref<2000x128xf32, #tpu.memory_space<vmem>>, vector<2000x128xf32>
    tpu.vector_store %arg4[%swap3A, %swap3A_16], %dot_general3A_15 {strides = array<i32>} : memref<2000x128xf32, #tpu.memory_space<vmem>>, vector<2000x128xf32>,
    return
  }
  func.func @transform_0(%arg0: i32) -> (i32, i32) {
    %c0_i32 = arith.constant 0 : i32
    %c0_i32_0 = arith.constant 0 : i32
    return %arg0, %c0_i32 : i32, i32
  }
  func.func @transform_1(%arg0: i32) -> (i32, i32) {
    %c0_i32 = arith.constant 0 : i32
    %c0_i32_0 = arith.constant 0 : i32
    return %arg0, %c0_i32 : i32, i32
  }
  func.func @transform_2(%arg0: i32) -> (i32, i32) {
    %c0_i32 = arith.constant 0 : i32
    %c0_i32_0 = arith.constant 0 : i32
    %c0_i32_1 = arith.constant 0 : i32
    return %c0_i32, %c0_i32_0 : i32, i32
  }
  func.func @transform_3(%arg0: i32) -> (i32, i32) {
    %c0_i32 = arith.constant 0 : i32
    %c0_i32_0 = arith.constant 0 : i32
    return %arg0, %c0_i32 : i32, i32
  }
}

module attributes {stable_mosaic.version = 14 : i64} {
  func.func @_tc_mid_body(%arg0: i32, %arg1: memref<2000x2xf32, #tpu.memory_space<vmem>>, %arg2: memref<2x2000x128xf32, #tpu.memory_space<vmem>>, %arg3: memref<2000x128xf32, #tpu.memory_space<vmem>>, %arg4: memref<1x128xf32, #tpu.memory_space<vmem>>, %arg5: memref<128x128xf32, #tpu.memory_space<vmem>>, %arg6: memref<2000x128xf32, #tpu.memory_space<vmem>>) attributes {dimension_semantics = [#tpu.dimension_semantics<arbitrary>], iteration_bounds = array<i64: 5>, scalar_prefetch = 0 : i64, scratch_operands = 0 : i64, tpu.core_type = #tpu.core_type<tc>, window_params = [{transform_indices = @transform_0, window_bounds = array<i64: 2000, 2>}, {transform_indices = @transform_1, window_bounds = array<i64: 2, 2000, 128>}, {transform_indices = @transform_2, window_bounds = array<i64: 2000, 128>}, {pipeline_mode = #tpu.pipeline_mode<synchronous>, transform_indices = @transform_3, window_bounds = array<i64: 1, 128>}, {pipeline_mode = #tpu.pipeline_mode<synchronous>, transform_indices = @transform_4, window_bounds = array<i64: 128, 128>}, {transform_indices = @transform_5, window_bounds = array<i64: 2000, 128>}]} {
    %get3A = arith.constant 0 : index
    %get3A_0 = arith.constant 0 : index
    %get3A_1 = vector.load %arg1[%get3A, %get3A_0] : memref<2000x2xf32, #tpu.memory_space<vmem>>, vector<2000x1xf32>
    %add3A = arith.constant 1.000000e+00 : f32
    %add3A_2 = vector.broadcast %add3A : f32 to vector<2000x1xf32>
    %add3A_3 = arith.addf %add3A_2, %get3A_1 : vector<2000x1xf32>
    %get3A_4 = arith.constant 0 : index
    %get3A_5 = arith.constant 1 : index
    %get3A_6 = vector.load %arg1[%get3A_4, %get3A_5] : memref<2000x2xf32, #tpu.memory_space<vmem>>, vector<2000x1xf32>
    %add3A_7 = arith.addf %add3A_3, %get3A_6 : vector<2000x1xf32>
    %rsqrt3A = math.rsqrt %add3A_7 : vector<2000x1xf32>
    %get3A_8 = arith.constant 0 : index
    %get3A_9 = arith.constant 0 : index
    %get3A_10 = arith.constant 0 : index
    %get3A_11 = vector.load %arg2[%get3A_8, %get3A_9, %get3A_10] : memref<2x2000x128xf32, #tpu.memory_space<vmem>>, vector<1x2000x128xf32>
    %get3A_12 = vector.shape_cast %get3A_11 : vector<1x2000x128xf32> to vector<2000x128xf32>
    %get3A_13 = arith.constant 1 : index
    %get3A_14 = arith.constant 0 : index
    %get3A_15 = arith.constant 0 : index
    %get3A_16 = vector.load %arg2[%get3A_13, %get3A_14, %get3A_15] : memref<2x2000x128xf32, #tpu.memory_space<vmem>>, vector<1x2000x128xf32>
    %get3A_17 = vector.shape_cast %get3A_16 : vector<1x2000x128xf32> to vector<2000x128xf32>
    %add3A_18 = arith.addf %get3A_12, %get3A_17 : vector<2000x128xf32>
    %get3A_19 = arith.constant 0 : index
    %get3A_20 = arith.constant 0 : index
    %get3A_21 = vector.load %arg3[%get3A_19, %get3A_20] : memref<2000x128xf32, #tpu.memory_space<vmem>>, vector<2000x128xf32>
    %add3A_22 = arith.addf %add3A_18, %get3A_21 : vector<2000x128xf32>
    %mul3A = vector.broadcast %rsqrt3A : vector<2000x1xf32> to vector<2000x128xf32>
    %mul3A_23 = arith.mulf %mul3A, %add3A_22 : vector<2000x128xf32>
    %get3A_24 = arith.constant 0 : index
    %get3A_25 = arith.constant 0 : index
    %get3A_26 = vector.load %arg4[%get3A_24, %get3A_25] : memref<1x128xf32, #tpu.memory_space<vmem>>, vector<1x128xf32>
    %add3A_27 = vector.broadcast %get3A_26 : vector<1x128xf32> to vector<2000x128xf32>
    %add3A_28 = arith.addf %mul3A_23, %add3A_27 : vector<2000x128xf32>
    %max3A = arith.constant 0.000000e+00 : f32
    %max3A_29 = vector.broadcast %max3A : f32 to vector<2000x128xf32>
    %max3A_30 = arith.maximumf %add3A_28, %max3A_29 : vector<2000x128xf32>
    %mul3A_31 = vector.broadcast %rsqrt3A : vector<2000x1xf32> to vector<2000x128xf32>
    %mul3A_32 = arith.mulf %mul3A_31, %max3A_30 : vector<2000x128xf32>
    %get3A_33 = arith.constant 0 : index
    %get3A_34 = arith.constant 0 : index
    %get3A_35 = vector.load %arg5[%get3A_33, %get3A_34] : memref<128x128xf32, #tpu.memory_space<vmem>>, vector<128x128xf32>
    %dot_general3A = arith.constant dense<0.000000e+00> : vector<2000x128xf32>
    %dot_general3A_36 = tpu.matmul %mul3A_32, %get3A_35, %dot_general3A {dimension_numbers = #tpu.dot_dimension_numbers<[1], [0], [0], [1], [0, 0, 1, 1], [], []>, transpose_lhs_hint = false} : vector<2000x128xf32>, vector<128x128xf32>, vector<2000x128xf32> -> vector<2000x128xf32>
    %swap3A = arith.constant 0 : index
    %swap3A_37 = arith.constant 0 : index
    %swap3A_38 = vector.load %arg6[%swap3A, %swap3A_37] : memref<2000x128xf32, #tpu.memory_space<vmem>>, vector<2000x128xf32>
    tpu.vector_store %arg6[%swap3A, %swap3A_37], %dot_general3A_36 {strides = array<i32>} : memref<2000x128xf32, #tpu.memory_space<vmem>>, vector<2000x128xf32>,
    return
  }
  func.func @transform_0(%arg0: i32) -> (i32, i32) {
    %c0_i32 = arith.constant 0 : i32
    %c0_i32_0 = arith.constant 0 : i32
    return %arg0, %c0_i32 : i32, i32
  }
  func.func @transform_1(%arg0: i32) -> (i32, i32, i32) {
    %c0_i32 = arith.constant 0 : i32
    %c0_i32_0 = arith.constant 0 : i32
    %c0_i32_1 = arith.constant 0 : i32
    return %c0_i32, %arg0, %c0_i32_0 : i32, i32, i32
  }
  func.func @transform_2(%arg0: i32) -> (i32, i32) {
    %c0_i32 = arith.constant 0 : i32
    %c0_i32_0 = arith.constant 0 : i32
    return %arg0, %c0_i32 : i32, i32
  }
  func.func @transform_3(%arg0: i32) -> (i32, i32) {
    %c0_i32 = arith.constant 0 : i32
    %c0_i32_0 = arith.constant 0 : i32
    %c0_i32_1 = arith.constant 0 : i32
    return %c0_i32, %c0_i32_0 : i32, i32
  }
  func.func @transform_4(%arg0: i32) -> (i32, i32) {
    %c0_i32 = arith.constant 0 : i32
    %c0_i32_0 = arith.constant 0 : i32
    %c0_i32_1 = arith.constant 0 : i32
    return %c0_i32, %c0_i32_0 : i32, i32
  }
  func.func @transform_5(%arg0: i32) -> (i32, i32) {
    %c0_i32 = arith.constant 0 : i32
    %c0_i32_0 = arith.constant 0 : i32
    return %arg0, %c0_i32 : i32, i32
  }
}

module attributes {stable_mosaic.version = 14 : i64} {
  func.func @_tc_last_body(%arg0: i32, %arg1: memref<2000x2xf32, #tpu.memory_space<vmem>>, %arg2: memref<2x2000x128xf32, #tpu.memory_space<vmem>>, %arg3: memref<2000x128xf32, #tpu.memory_space<vmem>>, %arg4: memref<1x128xf32, #tpu.memory_space<vmem>>, %arg5: memref<128x128xf32, #tpu.memory_space<vmem>>, %arg6: memref<1x128xf32, #tpu.memory_space<vmem>>, %arg7: memref<2000x128xf32, #tpu.memory_space<vmem>>) attributes {dimension_semantics = [#tpu.dimension_semantics<arbitrary>], iteration_bounds = array<i64: 5>, scalar_prefetch = 0 : i64, scratch_operands = 0 : i64, tpu.core_type = #tpu.core_type<tc>, window_params = [{transform_indices = @transform_0, window_bounds = array<i64: 2000, 2>}, {transform_indices = @transform_1, window_bounds = array<i64: 2, 2000, 128>}, {transform_indices = @transform_2, window_bounds = array<i64: 2000, 128>}, {pipeline_mode = #tpu.pipeline_mode<synchronous>, transform_indices = @transform_3, window_bounds = array<i64: 1, 128>}, {pipeline_mode = #tpu.pipeline_mode<synchronous>, transform_indices = @transform_4, window_bounds = array<i64: 128, 128>}, {pipeline_mode = #tpu.pipeline_mode<synchronous>, transform_indices = @transform_5, window_bounds = array<i64: 1, 128>}, {transform_indices = @transform_6, window_bounds = array<i64: 2000, 128>}]} {
    %get3A = arith.constant 0 : index
    %get3A_0 = arith.constant 0 : index
    %get3A_1 = vector.load %arg1[%get3A, %get3A_0] : memref<2000x2xf32, #tpu.memory_space<vmem>>, vector<2000x1xf32>
    %add3A = arith.constant 1.000000e+00 : f32
    %add3A_2 = vector.broadcast %add3A : f32 to vector<2000x1xf32>
    %add3A_3 = arith.addf %add3A_2, %get3A_1 : vector<2000x1xf32>
    %get3A_4 = arith.constant 0 : index
    %get3A_5 = arith.constant 1 : index
    %get3A_6 = vector.load %arg1[%get3A_4, %get3A_5] : memref<2000x2xf32, #tpu.memory_space<vmem>>, vector<2000x1xf32>
    %add3A_7 = arith.addf %add3A_3, %get3A_6 : vector<2000x1xf32>
    %rsqrt3A = math.rsqrt %add3A_7 : vector<2000x1xf32>
    %get3A_8 = arith.constant 0 : index
    %get3A_9 = arith.constant 0 : index
    %get3A_10 = arith.constant 0 : index
    %get3A_11 = vector.load %arg2[%get3A_8, %get3A_9, %get3A_10] : memref<2x2000x128xf32, #tpu.memory_space<vmem>>, vector<1x2000x128xf32>
    %get3A_12 = vector.shape_cast %get3A_11 : vector<1x2000x128xf32> to vector<2000x128xf32>
    %get3A_13 = arith.constant 1 : index
    %get3A_14 = arith.constant 0 : index
    %get3A_15 = arith.constant 0 : index
    %get3A_16 = vector.load %arg2[%get3A_13, %get3A_14, %get3A_15] : memref<2x2000x128xf32, #tpu.memory_space<vmem>>, vector<1x2000x128xf32>
    %get3A_17 = vector.shape_cast %get3A_16 : vector<1x2000x128xf32> to vector<2000x128xf32>
    %add3A_18 = arith.addf %get3A_12, %get3A_17 : vector<2000x128xf32>
    %get3A_19 = arith.constant 0 : index
    %get3A_20 = arith.constant 0 : index
    %get3A_21 = vector.load %arg3[%get3A_19, %get3A_20] : memref<2000x128xf32, #tpu.memory_space<vmem>>, vector<2000x128xf32>
    %add3A_22 = arith.addf %add3A_18, %get3A_21 : vector<2000x128xf32>
    %mul3A = vector.broadcast %rsqrt3A : vector<2000x1xf32> to vector<2000x128xf32>
    %mul3A_23 = arith.mulf %mul3A, %add3A_22 : vector<2000x128xf32>
    %get3A_24 = arith.constant 0 : index
    %get3A_25 = arith.constant 0 : index
    %get3A_26 = vector.load %arg4[%get3A_24, %get3A_25] : memref<1x128xf32, #tpu.memory_space<vmem>>, vector<1x128xf32>
    %add3A_27 = vector.broadcast %get3A_26 : vector<1x128xf32> to vector<2000x128xf32>
    %add3A_28 = arith.addf %mul3A_23, %add3A_27 : vector<2000x128xf32>
    %get3A_29 = arith.constant 0 : index
    %get3A_30 = arith.constant 0 : index
    %get3A_31 = vector.load %arg5[%get3A_29, %get3A_30] : memref<128x128xf32, #tpu.memory_space<vmem>>, vector<128x128xf32>
    %dot_general3A = arith.constant dense<0.000000e+00> : vector<2000x128xf32>
    %dot_general3A_32 = tpu.matmul %add3A_28, %get3A_31, %dot_general3A {dimension_numbers = #tpu.dot_dimension_numbers<[1], [0], [0], [1], [0, 0, 1, 1], [], []>, transpose_lhs_hint = false} : vector<2000x128xf32>, vector<128x128xf32>, vector<2000x128xf32> -> vector<2000x128xf32>
    %get3A_33 = arith.constant 0 : index
    %get3A_34 = arith.constant 0 : index
    %get3A_35 = vector.load %arg6[%get3A_33, %get3A_34] : memref<1x128xf32, #tpu.memory_space<vmem>>, vector<1x128xf32>
    %add3A_36 = vector.broadcast %get3A_35 : vector<1x128xf32> to vector<2000x128xf32>
    %add3A_37 = arith.addf %dot_general3A_32, %add3A_36 : vector<2000x128xf32>
    %swap3A = arith.constant 0 : index
    %swap3A_38 = arith.constant 0 : index
    %swap3A_39 = vector.load %arg7[%swap3A, %swap3A_38] : memref<2000x128xf32, #tpu.memory_space<vmem>>, vector<2000x128xf32>
    tpu.vector_store %arg7[%swap3A, %swap3A_38], %add3A_37 {strides = array<i32>} : memref<2000x128xf32, #tpu.memory_space<vmem>>, vector<2000x128xf32>,
    return
  }
  func.func @transform_0(%arg0: i32) -> (i32, i32) {
    %c0_i32 = arith.constant 0 : i32
    %c0_i32_0 = arith.constant 0 : i32
    return %arg0, %c0_i32 : i32, i32
  }
  func.func @transform_1(%arg0: i32) -> (i32, i32, i32) {
    %c0_i32 = arith.constant 0 : i32
    %c0_i32_0 = arith.constant 0 : i32
    %c0_i32_1 = arith.constant 0 : i32
    return %c0_i32, %arg0, %c0_i32_0 : i32, i32, i32
  }
  func.func @transform_2(%arg0: i32) -> (i32, i32) {
    %c0_i32 = arith.constant 0 : i32
    %c0_i32_0 = arith.constant 0 : i32
    return %arg0, %c0_i32 : i32, i32
  }
  func.func @transform_3(%arg0: i32) -> (i32, i32) {
    %c0_i32 = arith.constant 0 : i32
    %c0_i32_0 = arith.constant 0 : i32
    %c0_i32_1 = arith.constant 0 : i32
    return %c0_i32, %c0_i32_0 : i32, i32
  }
  func.func @transform_4(%arg0: i32) -> (i32, i32) {
    %c0_i32 = arith.constant 0 : i32
    %c0_i32_0 = arith.constant 0 : i32
    %c0_i32_1 = arith.constant 0 : i32
    return %c0_i32, %c0_i32_0 : i32, i32
  }
  func.func @transform_5(%arg0: i32) -> (i32, i32) {
    %c0_i32 = arith.constant 0 : i32
    %c0_i32_0 = arith.constant 0 : i32
    %c0_i32_1 = arith.constant 0 : i32
    return %c0_i32, %c0_i32_0 : i32, i32
  }
  func.func @transform_6(%arg0: i32) -> (i32, i32) {
    %c0_i32 = arith.constant 0 : i32
    %c0_i32_0 = arith.constant 0 : i32
    return %arg0, %c0_i32 : i32, i32
  }
}

</mosaic_0001>

<sc_bundles>
// kernel: kernel.10.cloned.1.call-start
scs
__scs_entry_jumppad:
0x0: {  	(pc) =	sbr.rel $0x88, $3  }
0x1: {  	(tag) =	ssettag $0x0;
	lr =	simm.s32 $0x1  }
0x2: {  	[smem:$0x3F97] =	sst lr;
	_ =	strace $0xD0000000  }
0x3: {  	_ = 	snop  }
0x4: {  	_ = 	snop  }
0x5: {  	_ = 	snop  }
0x6: {  	_ = 	snop  }
0x7: {  	_ = 	snop  }
__scs_overlays_trampoline_lowered:
0x8: {  	[smem:$0x3FA6] =	sst s0  }
0x9: {  	[smem:$0x3FA7] =	sst s1  }
0xa: {  	[smem:$0x3FA8] =	sst s2  }
0xb: {  	[smem:$0x3FA9] =	sst s3  }
0xc: {  	[smem:$0x3FAA] =	sst s4  }
0xd: {  	[smem:$0x3FAB] =	sst s5  }
0xe: {  	[smem:$0x3FAC] =	sst s6  }
0xf: {  	[smem:$0x3FAD] =	sst s7  }
0x10: {  	[smem:$0x3FAE] =	sst s8  }
0x11: {  	[smem:$0x3FAF] =	sst s9;
	s0 =	simm.s32 @!p0 $0x0  }
0x12: {  	s1 =	sld [smem:$0x3F95];
	s0 =	simm.s32 @p0 $0x1  }
0x13: {  	[smem:$0x3FB0] =	sst s0;
	s0 =	simm.s32 @!p1 $0x0  }
0x14: {  	s2 =	sld [smem:$0x3F94];
	s0 =	simm.s32 @p1 $0x1  }
0x15: {  	[smem:$0x3FB1] =	sst s0;
	s0 =	simm.s32 @!p2 $0x0  }
0x16: {  	s3 =	sld [smem:$0x3FDB];
	s0 =	simm.s32 @p2 $0x1  }
0x17: {  	s4 =	simm.s32 $0x1BF5;
	[smem:$0x3FB3] =	sst s0  }
0x18: {  	s0 =	sld [smem:$0x3F96];
	_ =	swait.ge [sflag:s4], $0x0  }
0x19: {  	s7 =	sld [smem:$0x3F97]  }
0x1a: {  	s8 =	sadd.s32 $0xFFFFE003, lr  }
0x1b: {  	s9 =	sadd.s32 $0xFFFFFEF7, lr;
	s5 =	simm.s32 $0xFFFFFFFF;
	p2 =	slt.u32 s8, $0xFFFFF086  }
0x1c: {  	p1 =	slt.u32 s9, $0xF7A;
	s5 =	simm.s32 @!p2 $0x0  }
0x1d: {  	s5 =	simm.s32 @p1 $0x1;
	p0 =	seq.s32 s7, s2  }
0x1e: {  	s7 =	smul.u32 @!p0 $0xF7A, s2;
	p2 =	seq.s32 @!p0 s5, $0x0  }
0x1f: {  	s9 =	smul.u32 $0xF7A, s1;
	s8 =	simm.s32 @!p0 $0x1BF5;
	p2 =	por !p2, p0  }
0x20: {  	[sflag:s8] =	ssyncset.s32 @!p0 $0xFFFFF086;
	s6 =	sadd.s32 @!p0 s3, s7;
	s7 =	simm.s32 @!p0 $0x108  }
0x21: {  	s3 =	sadd.s32 s3, s9;
	s6 =	sadd.s32 @!p0 $0x88, s6;
	s7 =	simm.s32 @p2 $0x1082  }
0x22: {  	[simem:s7], [sflag:s8] =	dma.local @!p0 [hbm:s6], $0xF7A  }
0x23: {  	s9 =	sor.u32 $0xD0000000, s2;
	s6 =	simm.s32 $0x108;
	_ =	swait.ge @!p0 [sflag:s8], $0x0  }
0x24: {  	s3 =	sadd.s32 $0x88, s3;
	s6 =	simm.s32 @!p1 $0x1082;
	[sflag:s4] =	ssyncset.s32 $0xFFFFF086  }
0x25: {  	[simem:s6], [sflag:s4] =	dma.local [hbm:s3], $0xF7A  }
0x26: {  	[smem:$0x3F97] =	sst s1;
	(tag) =	ssettag s2;
	_ =	strace s9  }
0x27: {  	s1 =	sld [smem:$0x3FA7]  }
0x28: {  	s2 =	sld [smem:$0x3FA8]  }
0x29: {  	s4 =	sld [smem:$0x3FAA]  }
0x2a: {  	p0 =	seq.s32 s5, $0x0;
	s5 =	sld [smem:$0x3FAB]  }
0x2b: {  	s6 =	sld [smem:$0x3FAC]  }
0x2c: {  	s7 =	sld [smem:$0x3FAD]  }
0x2d: {  	s3 =	simm.s32 $0x108;
	s8 =	sld [smem:$0x3FAE]  }
0x2e: {  	s3 =	simm.s32 @!p0 $0x1082;
	s9 =	sld [smem:$0x3FAF]  }
0x2f: {  	lr =	sadd.s32 s0, s3;
	s0 =	sld [smem:$0x3FA6]  }
0x30: {  	s3 =	sld [smem:$0x3FA9]  }
0x31: {  	[smem:$0x3FB2] =	sst s10  }
0x32: {  	s10 =	sld [smem:$0x3FB0];
	_ =	sdelay $0x3  }
0x33: {  	p0 =	seq.s32 s10, $0x1;
	s10 =	sld [smem:$0x3FB2];
	_ =	sdelay $0x3  }
0x34: {  	[smem:$0x3FB2] =	sst s10  }
0x35: {  	s10 =	sld [smem:$0x3FB1];
	_ =	sdelay $0x3  }
0x36: {  	p1 =	seq.s32 s10, $0x1;
	s10 =	sld [smem:$0x3FB2];
	_ =	sdelay $0x3  }
0x37: {  	[smem:$0x3FB2] =	sst s10  }
0x38: {  	s10 =	sld [smem:$0x3FB3]  }
0x39: {  	_ = 	snop;
	(pc) =	sbr.ind lr, $3  }
0x3a: {  	_ = 	snop  }
0x3b: {  	_ = 	snop  }
0x3c: {  	p2 =	seq.s32 s10, $0x1;
	s10 =	sld [smem:$0x3FB2]  }
0x3d: {  	_ =	shalt  }
0x3e: {  	_ =	shalt  }
0x3f: {  	_ =	shalt  }
0x40: {  	_ =	shalt  }
0x41: {  	_ =	shalt  }
0x42: {  	_ =	shalt  }
0x43: {  	_ =	shalt  }
0x44: {  	_ =	shalt  }
0x45: {  	_ =	shalt  }
0x46: {  	_ =	shalt  }
0x47: {  	_ =	shalt  }
0x48: {  	_ =	shalt  }
0x49: {  	_ =	shalt  }
0x4a: {  	_ =	shalt  }
0x4b: {  	_ =	shalt  }
0x4c: {  	_ =	shalt  }
0x4d: {  	_ =	shalt  }
0x4e: {  	_ =	shalt  }
0x4f: {  	_ =	shalt  }
0x50: {  	_ =	shalt  }
0x51: {  	_ =	shalt  }
0x52: {  	_ =	shalt  }
0x53: {  	_ =	shalt  }
0x54: {  	_ =	shalt  }
0x55: {  	_ =	shalt  }
0x56: {  	_ =	shalt  }
0x57: {  	_ =	shalt  }
0x58: {  	_ =	shalt  }
0x59: {  	_ =	shalt  }
0x5a: {  	_ =	shalt  }
0x5b: {  	_ =	shalt  }
0x5c: {  	_ =	shalt  }
0x5d: {  	_ =	shalt  }
0x5e: {  	_ =	shalt  }
0x5f: {  	_ =	shalt  }
0x60: {  	_ =	shalt  }
0x61: {  	_ =	shalt  }
0x62: {  	_ =	shalt  }
0x63: {  	_ =	shalt  }
0x64: {  	_ =	shalt  }
0x65: {  	_ =	shalt  }
0x66: {  	_ =	shalt  }
0x67: {  	_ =	shalt  }
0x68: {  	_ =	shalt  }
0x69: {  	_ =	shalt  }
0x6a: {  	_ =	shalt  }
0x6b: {  	_ =	shalt  }
0x6c: {  	_ =	shalt  }
0x6d: {  	_ =	shalt  }
0x6e: {  	_ =	shalt  }
0x6f: {  	_ =	shalt  }
0x70: {  	_ =	shalt  }
0x71: {  	_ =	shalt  }
0x72: {  	_ =	shalt  }
0x73: {  	_ =	shalt  }
0x74: {  	_ =	shalt  }
0x75: {  	_ =	shalt  }
0x76: {  	_ =	shalt  }
0x77: {  	_ =	shalt  }
0x78: {  	_ =	shalt  }
0x79: {  	_ =	shalt  }
0x7a: {  	_ =	shalt  }
0x7b: {  	_ =	shalt  }
0x7c: {  	_ =	shalt  }
0x7d: {  	_ =	shalt  }
0x7e: {  	_ =	shalt  }
0x7f: {  	_ =	shalt  }
0x80: {  	_ =	shalt  }
0x81: {  	_ =	shalt  }
0x82: {  	_ =	shalt  }
0x83: {  	_ =	shalt  }
0x84: {  	_ =	shalt  }
0x85: {  	_ =	shalt  }
0x86: {  	_ =	shalt  }
0x87: {  	_ =	shalt  }
.Lfunc_end0:
.L_simem_size_0:
called_computation_lowered:
.L_overlay_start_0:
0x88: {  	s2 =	sld [smem:$0x3FD9]  }
0x89: {  	s3 =	sld [smem:$0x3FFE];
	_ =	sdelay $0x1  }
0x8a: {  	s1 =	srdreg.scid  }
0x8b: {  	s0 =	sand.u32 $0x1, s1  }
0x8c: {  	s17 =	sshll.u32 s0, $0xA;
	s2 =	sadd.s32 s3, s2  }
0x8d: {  	s2 =	sadd.s32 s2, s17  }
0x8e: {  	[smem:$0x3FBE] =	sst s2  }
0x8f: {  	_ = 	snop  }
0x90: {  	s2 =	sld [smem:$0x3FD0];
	(tm) =	ssettm $0x1  }
0x91: {  	s18 =	sld [smem:$0x3FFB];
	_ =	sdelay $0x3  }
0x92: {  	_ =	strace s18  }
0x93: {  	s3 =	sld [smem:$0x3FFC];
	_ =	sdelay $0x3  }
0x94: {  	_ =	strace s3  }
0x95: {  	s3 =	sld [smem:$0x3FFD];
	_ =	sdelay $0x3  }
0x96: {  	_ =	strace s3  }
0x97: {  	_ =	strace $0x8FFFFFFF  }
0x98: {  	s19 =	sld [smem:$0x3FDB];
	_ =	sdelay $0x1  }
0x99: {  	s4 =	simm.s32 $_scs_section_size  }
0x9a: {  	s5 =	simm.s32 $_size__tile_overlayer_lowered;
	s6 =	simm.s32 $_tile_overlayer_lowered  }
0x9b: {  	s22 =	simm.s32 $0x1BFF;
	s21 =	sshll.u32 s6, $0x1;
	s3 =	sadd.s32 s4, s19  }
0x9c: {  	s7 =	simm.s32 $0x0;
	s20 =	sshll.u32 s5, $0x1;
	s5 =	sadd.s32 s21, s3  }
0x9d: {  	[timem:s7], [sflag:s22] =	dma.local [hbm:s5], s20  }
0x9e: {  	_ =	swait.ge [sflag:s22], s20  }
0x9f: {  	s4 =	ssub.s32 $0x0, s20;
	[sflag:s22] =	ssyncset.done $0x0  }
0xa0: {  	[sflag:s22] =	ssyncadd.s32 s4;
	_ =	sdelay $0x1  }
0xa1: {  	s23 =	simm.s32 $0x1B8B  }
0xa2: {  	_ =	swait.ge [sflag:s23], $0x1  }
0xa3: {  	[sflag:s23] =	ssyncset.done $0x0  }
0xa4: {  	s25 =	simm.s32 $0x1B8E;
	s24 =	sld [smem:$0x3FFE];
	[sflag:s23] =	ssyncadd.s32 $0xFFFFFFFF  }
0xa5: {  	s26 =	simm.s32 $execute0_lowered;
	[smem:$0x3FD2] =	sst s25  }
0xa6: {  	s5 =	sshll.u32 s26, $0x1;
	_ =	strace $0x80000046;
	[dreg:$0x1] =	wrdreg $0xFFFFFFFF  }
0xa7: {  	s28 =	simm.s32 $_size_execute0_lowered;
	s3 =	sadd.s32 s3, s5;
	[dreg:$0x0] =	wrdreg $0x0  }
0xa8: {  	s5 =	sshll.u32 s28, $0x1;
	[dreg:$0x2] =	wrdreg s3  }
0xa9: {  	[dreg:$0x3] =	wrdreg s5  }
0xaa: {  	[dreg:$0x4] =	wrdreg $0xC0  }
0xab: {  	_ =	task [dreg:s7], $0x5FFFF  }
0xac: {  	[dreg:$0x1] =	wrdreg $0xFFFFFFFF  }
0xad: {  	[dreg:$0x0] =	wrdreg $0x60  }
0xae: {  	[dreg:$0x2] =	wrdreg s24  }
0xaf: {  	[dreg:$0x3] =	wrdreg s2  }
0xb0: {  	[dreg:$0x4] =	wrdreg $0x2C800  }
0xb1: {  	[dreg:$0x5] =	wrdreg $0x9  }
0xb2: {  	_ =	task.clear_ibuf [dreg:s7], $0x6FFFF;
	_ =	strace $0x90000046  }
0xb3: {  	s29 =	simm.s32 $0x9;
	_ =	strace $0x80000048  }
0xb4: {  	_ =	swait.ge [sflag:s29], $0x1  }
0xb5: {  	[sflag:s29] =	ssyncadd.s32 $0xFFFFFFFF  }
0xb6: {  	_ =	strace $0x90000048  }
0xb7: {  	_ =	sfence  }
0xb8: {  	s30 =	sld [smem:$0x0];
	_ =	sdelay $0x2  }
0xb9: {  	s31 =	sshll.u32 s1, $0xD;
	s1 =	sshrl.u32 s1, $0x2  }
0xba: {  	s3 =	sand.u32 $0x4000, s31;
	s1 =	sadd.s32 s1, s30  }
0xbb: {  	s0 =	sor.u32 s3, s0;
	s1 =	sshll.u32 s1, $0x11  }
0xbc: {  	s0 =	sor.u32 s1, s0  }
0xbd: {  	s0 =	sadd.s32 $0x8F2B, s0  }
0xbe: {  	[sflag:s0] =	ssyncadd.remote.s32 $0x1  }
0xbf: {  	_ =	sfence.sel $0xFFFF  }
0xc0: {  	[dreg:$0x0] =	wrdreg $0xFFFFFFFF;
	(pc) =	sbr.abs _section_cstart, $3  }
0xc1: {  	[dreg:$0x1] =	wrdreg $0xFFFFFFFF  }
0xc2: {  	_ =	task.clear_ibuf [dreg:s7], $0x2FFFF;
	_ =	strace $0x9FFFFFFF  }
0xc3: {  	(tm) =	ssettm $0x7FFFFFFF  }
tec
execute0_lowered:
.L_overlay_start_1:
0x0: {  	(tag) =	ssettag $0x1  }
0x1: {  	s4 =	rddreg [dreg:$0x0]  }
0x2: {  	s1 =	srdreg.scid;
	s9 =	rddreg [dreg:$0x1]  }
0x3: {  	s0 =	stileid.u32;
	s2 =	rddreg [dreg:$0x2];
	s3 =	simm.s32 $0x0  }
0x4: {  	s13 =	simm.s32 $0x2780;
	s14 =	simm.s32 $0x2980;
	s15 =	simm.s32 $0x2800  }
0x5: {  	s16 =	simm.s32 $0x2880;
	s17 =	simm.s32 $0x2900;
	s18 =	simm.s32 $0x1  }
0x6: {  	s19 =	simm.s32 $0x2;
	s20 =	simm.s32 $0x3;
	s21 =	simm.s32 $0x4  }
0x7: {  	s22 =	simm.s32 $0x0;
	s5 =	sand.u32 $0x1, s1;
	s7 =	smul.u32 $0x9C0, s0  }
0x8: {  	s28 =	sshll.u32 s0, $0x1;
	[smem:$0x7FF] =	sst s3;
	s10 =	smul.u32 $0x270, s0  }
0x9: {  	p0 =	seq.s32 s0, $0xF;
	s1 =	sor.u32 s5, s28;
	s12 =	smul.u32 $0x2710, s5  }
0xa: {  	s8 =	ssub.s32 $0x2, s5;
	s5 =	sadd.s32 $0x2490, s2;
	s6 =	smul.u32 $0x4E2, s1  }
0xb: {  	s1 =	rddreg [dreg:$0x3];
	_ =	strace $0x80000047;
	s11 =	sshrl.u32 s8, $0x1  }
0xc: {  	s29 =	sshrl.u32 s7, $0x2;
	s7 =	sadd.s32 s10, s2;
	s11 =	ssub.s32 s8, s11  }
0xd: {  	s30 =	sadd.s32 s10, s12;
	s12 =	sshrl.u32 s12, $0x3;
	s6 =	sadd.s32 s6, s4  }
0xe: {  	s4 =	sadd.s32 s29, s2;
	s31 =	sshrl.u32 s30, $0x3;
	s10 =	smax.u32 s11, $0x1  }
0xf: {  	s11 =	simm.s32 $0x5;
	s8 =	sadd.s32 s9, s31;
	s9 =	sadd.s32 s9, s12  }
0x10: {  	v0 =	vimm.f32 $0.0e+00;
	v1 =	vimm.f32 $1.000000000e+00;
	s6 =	sadd.s32 $0xCC00, s6;
	s12 =	simm.s32 $0x50;
	s9 =	sadd.s32 $0x492, s9  }
.LBB2_1:
0x11: {  	[tilespmem:$0x2A00] =	vst v0  }
0x12: {  	[tilespmem:$0x2A10] =	vst v0  }
0x13: {  	[tilespmem:$0x2A20] =	vst v0  }
0x14: {  	[tilespmem:$0x2A30] =	vst v0  }
0x15: {  	[tilespmem:$0x2A40] =	vst v0  }
0x16: {  	[tilespmem:$0x2A50] =	vst v0  }
0x17: {  	[tilespmem:$0x2A60] =	vst v0  }
0x18: {  	[tilespmem:$0x2A70] =	vst v0  }
0x19: {  	[tilespmem:$0x2A80] =	vst v0  }
0x1a: {  	[tilespmem:$0x2A90] =	vst v0  }
0x1b: {  	[tilespmem:$0x2AA0] =	vst v0  }
0x1c: {  	[tilespmem:$0x2AB0] =	vst v0  }
0x1d: {  	[tilespmem:$0x2AC0] =	vst v0  }
0x1e: {  	[tilespmem:$0x2AD0] =	vst v0  }
0x1f: {  	[tilespmem:$0x2AE0] =	vst v0  }
0x20: {  	[tilespmem:$0x2AF0] =	vst v0  }
0x21: {  	[tilespmem:$0x2B00] =	vst v0  }
0x22: {  	[tilespmem:$0x2B10] =	vst v0  }
0x23: {  	[tilespmem:$0x2B20] =	vst v0  }
0x24: {  	[tilespmem:$0x2B30] =	vst v0  }
0x25: {  	[tilespmem:$0x2B40] =	vst v0  }
0x26: {  	[tilespmem:$0x2B50] =	vst v0  }
0x27: {  	[tilespmem:$0x2B60] =	vst v0  }
0x28: {  	[tilespmem:$0x2B70] =	vst v0  }
0x29: {  	[tilespmem:$0x2B80] =	vst v0  }
0x2a: {  	[tilespmem:$0x2B90] =	vst v0  }
0x2b: {  	[tilespmem:$0x2BA0] =	vst v0  }
0x2c: {  	[tilespmem:$0x2BB0] =	vst v0  }
0x2d: {  	[tilespmem:$0x2BC0] =	vst v0  }
0x2e: {  	[tilespmem:$0x2BD0] =	vst v0  }
0x2f: {  	[tilespmem:$0x2BE0] =	vst v0  }
0x30: {  	[tilespmem:$0x2BF0] =	vst v0  }
0x31: {  	[tilespmem:$0x2C00] =	vst v0  }
0x32: {  	[tilespmem:$0x2C10] =	vst v0  }
0x33: {  	[tilespmem:$0x2C20] =	vst v0  }
0x34: {  	[tilespmem:$0x2C30] =	vst v0  }
0x35: {  	[tilespmem:$0x2C40] =	vst v0  }
0x36: {  	[tilespmem:$0x2C50] =	vst v0  }
0x37: {  	[tilespmem:$0x2C60] =	vst v0  }
0x38: {  	[tilespmem:$0x2C70] =	vst v0;
	s23 =	simm.s32 @p0 $0x2A00  }
0x39: {  	[spmem:s5] =	stream.linear.scatter @p0 [tilespmem:s23], [sflag:$0x5], $0x280, $0x38;
	[tilespmem:$0x2EF8] =	vst v63  }
0x3a: {  	s23 =	simm.s32 @p0 $0x5  }
0x3b: {  	_ =	swait.ge @p0 [sflag:s23], $0x280  }
0x3c: {  	[sflag:s23] =	ssyncset.done @p0 $0x0  }
0x3d: {  	[sflag:s23] =	ssyncadd.s32 @p0 $0xFFFFFD80;
	s23 =	simm.s32 @!p0 $0x2A00  }
0x3e: {  	[spmem:s4] =	stream.linear.scatter @!p0 [tilespmem:s23], [sflag:$0x5], $0x270, $0x38;
	[tilespmem:$0x2EF8] =	vst v63  }
0x3f: {  	s23 =	simm.s32 @!p0 $0x5  }
0x40: {  	_ =	swait.ge @!p0 [sflag:s23], $0x270  }
0x41: {  	[sflag:s23] =	ssyncset.done @!p0 $0x0  }
0x42: {  	[sflag:s23] =	ssyncadd.s32 @!p0 $0xFFFFFD90  }
0x43: {  	[tilespmem:$0x2980] =	vst v1  }
0x44: {  	[tilespmem:$0x2990] =	vst v1  }
0x45: {  	[tilespmem:$0x29A0] =	vst v1  }
0x46: {  	[tilespmem:$0x29B0] =	vst v1  }
0x47: {  	[tilespmem:$0x29C0] =	vst v1  }
0x48: {  	[tilespmem:s3], [sflag:$0x5] =	stream.linear.gather [hbm4b:s6+s3], $0x2710, $0x38;
	[tilespmem:$0x2EF8] =	vst v63  }
0x49: {  	_ =	swait.ge [sflag:s11], $0x2710  }
0x4a: {  	[sflag:s11] =	ssyncset.done $0x0  }
0x4b: {  	[sflag:s11] =	ssyncadd.s32 $0xFFFFD8F0  }
0x4c: {  	[bflag:$0x0] =	sbarrier.arrive $0xFFFF  }
0x4d: {  	v2 =	vld [tilespmem:$0x0]  }
0x4e: {  	v3 =	vld [tilespmem:$0x10]  }
0x4f: {  	v4 =	vld [tilespmem:$0x20]  }
0x50: {  	v5 =	vld [tilespmem:$0x30]  }
0x51: {  	v6 =	vld [tilespmem:$0x40]  }
0x52: {  	[tilespmem:$0x2780] =	vst v2  }
0x53: {  	[tilespmem:$0x2790] =	vst v3  }
0x54: {  	[tilespmem:$0x27A0] =	vst v4  }
0x55: {  	[tilespmem:$0x27B0] =	vst v5  }
0x56: {  	[tilespmem:$0x27C0] =	vst v6  }
0x57: {  	[spmem:s2] =	stream.indirect.scatter.add.f32 [tilespmem:s14], [sflag:$0x1], $0x1, s13, s12, $0xb8;
	[tilespmem:$0x2EF8] =	vst v63  }
0x58: {  	v2 =	vld [tilespmem:$0x50]  }
0x59: {  	v3 =	vld [tilespmem:$0x60]  }
0x5a: {  	v55 =	vld [tilespmem:$0x70]  }
0x5b: {  	v56 =	vld [tilespmem:$0x80]  }
0x5c: {  	v57 =	vld [tilespmem:$0x90]  }
0x5d: {  	[tilespmem:$0x2800] =	vst v2  }
0x5e: {  	[tilespmem:$0x2810] =	vst v3  }
0x5f: {  	[tilespmem:$0x2820] =	vst v55  }
0x60: {  	[tilespmem:$0x2830] =	vst v56  }
0x61: {  	[tilespmem:$0x2840] =	vst v57  }
0x62: {  	[spmem:s2] =	stream.indirect.scatter.add.f32 [tilespmem:s14], [sflag:$0x2], $0x1, s15, s12, $0xb8;
	[tilespmem:$0x2EF8] =	vst v63  }
0x63: {  	v2 =	vld [tilespmem:$0xA0]  }
0x64: {  	v3 =	vld [tilespmem:$0xB0]  }
0x65: {  	v58 =	vld [tilespmem:$0xC0]  }
0x66: {  	v59 =	vld [tilespmem:$0xD0]  }
0x67: {  	v60 =	vld [tilespmem:$0xE0]  }
0x68: {  	[tilespmem:$0x2880] =	vst v2  }
0x69: {  	[tilespmem:$0x2890] =	vst v3  }
0x6a: {  	[tilespmem:$0x28A0] =	vst v58  }
0x6b: {  	[tilespmem:$0x28B0] =	vst v59  }
0x6c: {  	[tilespmem:$0x28C0] =	vst v60  }
0x6d: {  	[spmem:s2] =	stream.indirect.scatter.add.f32 [tilespmem:s14], [sflag:$0x3], $0x1, s16, s12, $0xb8;
	[tilespmem:$0x2EF8] =	vst v63  }
0x6e: {  	v2 =	vld [tilespmem:$0xF0]  }
0x6f: {  	v3 =	vld [tilespmem:$0x100]  }
0x70: {  	v61 =	vld [tilespmem:$0x110]  }
0x71: {  	v62 =	vld [tilespmem:$0x120]  }
0x72: {  	v63 =	vld [tilespmem:$0x130]  }
0x73: {  	[tilespmem:$0x2900] =	vst v2  }
0x74: {  	[tilespmem:$0x2910] =	vst v3  }
0x75: {  	[tilespmem:$0x2920] =	vst v61  }
0x76: {  	[tilespmem:$0x2930] =	vst v62  }
0x77: {  	[tilespmem:$0x2940] =	vst v63  }
0x78: {  	[spmem:s2] =	stream.indirect.scatter.add.f32 [tilespmem:s14], [sflag:$0x4], $0x1, s17, s12, $0xb8;
	[tilespmem:$0x2EF8] =	vst v63  }
0x79: {  	_ =	swait.ge [sflag:s18], $0x50  }
0x7a: {  	[sflag:s18] =	ssyncset.done $0x0  }
0x7b: {  	s31 =	simm.s32 $0x270;
	[sflag:s18] =	ssyncadd.s32 $0xFFFFFFB0  }
0x7c: {  	v2 =	vld [tilespmem:s31+$0xFFFFFED0];
	_ =	sdelay $0x4  }
0x7d: {  	[tilespmem:$0x2780] =	vst v2  }
0x7e: {  	v2 =	vld [tilespmem:s31+$0xFFFFFEE0];
	_ =	sdelay $0x4  }
0x7f: {  	[tilespmem:$0x2790] =	vst v2  }
0x80: {  	v2 =	vld [tilespmem:s31+$0xFFFFFEF0];
	_ =	sdelay $0x4  }
0x81: {  	[tilespmem:$0x27A0] =	vst v2  }
0x82: {  	v2 =	vld [tilespmem:s31+$0xFFFFFF00];
	_ =	sdelay $0x4  }
0x83: {  	s24 =	sand.u32 $0x3FC0, s3;
	[tilespmem:$0x27B0] =	vst v2  }
0x84: {  	v2 =	vld [tilespmem:s24+$0x180];
	_ =	sdelay $0x4  }
0x85: {  	[tilespmem:$0x27C0] =	vst v2  }
0x86: {  	[spmem:s2] =	stream.indirect.scatter.add.f32 [tilespmem:s14], [sflag:$0x1], $0x1, s13, s12, $0xb8;
	[tilespmem:$0x2EF8] =	vst v63  }
0x87: {  	_ =	swait.ge [sflag:s19], $0x50  }
0x88: {  	[sflag:s19] =	ssyncset.done $0x0  }
0x89: {  	[sflag:s19] =	ssyncadd.s32 $0xFFFFFFB0  }
0x8a: {  	v2 =	vld [tilespmem:s31+$0xFFFFFF20];
	_ =	sdelay $0x4  }
0x8b: {  	[tilespmem:$0x2800] =	vst v2  }
0x8c: {  	v2 =	vld [tilespmem:s31+$0xFFFFFF30];
	_ =	sdelay $0x4  }
0x8d: {  	[tilespmem:$0x2810] =	vst v2  }
0x8e: {  	v2 =	vld [tilespmem:s31+$0xFFFFFF40];
	_ =	sdelay $0x4  }
0x8f: {  	[tilespmem:$0x2820] =	vst v2  }
0x90: {  	v2 =	vld [tilespmem:s31+$0xFFFFFF50];
	_ =	sdelay $0x4  }
0x91: {  	[tilespmem:$0x2830] =	vst v2  }
0x92: {  	v2 =	vld [tilespmem:s31+$0xFFFFFF60];
	_ =	sdelay $0x4  }
0x93: {  	[tilespmem:$0x2840] =	vst v2  }
0x94: {  	[spmem:s2] =	stream.indirect.scatter.add.f32 [tilespmem:s14], [sflag:$0x2], $0x1, s15, s12, $0xb8;
	[tilespmem:$0x2EF8] =	vst v63  }
0x95: {  	_ =	swait.ge [sflag:s20], $0x50  }
0x96: {  	[sflag:s20] =	ssyncset.done $0x0  }
0x97: {  	[sflag:s20] =	ssyncadd.s32 $0xFFFFFFB0  }
0x98: {  	v2 =	vld [tilespmem:s31+$0xFFFFFF70];
	_ =	sdelay $0x4  }
0x99: {  	[tilespmem:$0x2880] =	vst v2  }
0x9a: {  	v2 =	vld [tilespmem:s31+$0xFFFFFF80];
	_ =	sdelay $0x4  }
0x9b: {  	[tilespmem:$0x2890] =	vst v2  }
0x9c: {  	v2 =	vld [tilespmem:s24+$0x200];
	_ =	sdelay $0x4  }
0x9d: {  	[tilespmem:$0x28A0] =	vst v2  }
0x9e: {  	v2 =	vld [tilespmem:s31+$0xFFFFFFA0];
	_ =	sdelay $0x4  }
0x9f: {  	[tilespmem:$0x28B0] =	vst v2  }
0xa0: {  	v2 =	vld [tilespmem:s31+$0xFFFFFFB0];
	_ =	sdelay $0x4  }
0xa1: {  	[tilespmem:$0x28C0] =	vst v2  }
0xa2: {  	[spmem:s2] =	stream.indirect.scatter.add.f32 [tilespmem:s14], [sflag:$0x3], $0x1, s16, s12, $0xb8;
	[tilespmem:$0x2EF8] =	vst v63  }
0xa3: {  	_ =	swait.ge [sflag:s21], $0x50  }
0xa4: {  	[sflag:s21] =	ssyncset.done $0x0  }
0xa5: {  	[sflag:s21] =	ssyncadd.s32 $0xFFFFFFB0  }
0xa6: {  	v2 =	vld [tilespmem:s31+$0xFFFFFFC0];
	_ =	sdelay $0x4  }
0xa7: {  	[tilespmem:$0x2900] =	vst v2  }
0xa8: {  	v2 =	vld [tilespmem:s31+$0xFFFFFFD0];
	_ =	sdelay $0x4  }
0xa9: {  	[tilespmem:$0x2910] =	vst v2  }
0xaa: {  	v2 =	vld [tilespmem:s31+$0xFFFFFFE0];
	_ =	sdelay $0x4  }
0xab: {  	[tilespmem:$0x2920] =	vst v2  }
0xac: {  	v2 =	vld [tilespmem:s31+$0xFFFFFFF0];
	_ =	sdelay $0x4  }
0xad: {  	[tilespmem:$0x2930] =	vst v2  }
0xae: {  	v2 =	vld [tilespmem:s31+$0x0];
	_ =	sdelay $0x4  }
0xaf: {  	s23 =	simm.s32 $0x140;
	s24 =	simm.s32 $0x3B0;
	[tilespmem:$0x2940] =	vst v2  }
.LBB2_2:
0xb0: {  	[spmem:s2] =	stream.indirect.scatter.add.f32 [tilespmem:s14], [sflag:$0x4], $0x1, s17, s12, $0xb8;
	[tilespmem:$0x2EF8] =	vst v63  }
0xb1: {  	s25 =	smov.u32 s23  }
0xb2: {  	p1 =	sne.s32 s23, $0x2440;
	s23 =	sadd.s32 $0x140, s23;
	_ =	swait.ge [sflag:s18], $0x50  }
0xb3: {  	[sflag:s18] =	ssyncset.done $0x0  }
0xb4: {  	[sflag:s18] =	ssyncadd.s32 $0xFFFFFFB0  }
0xb5: {  	v2 =	vld [tilespmem:s24+$0xFFFFFED0];
	_ =	sdelay $0x4  }
0xb6: {  	[tilespmem:$0x2780] =	vst v2  }
0xb7: {  	v2 =	vld [tilespmem:s24+$0xFFFFFEE0];
	_ =	sdelay $0x4  }
0xb8: {  	[tilespmem:$0x2790] =	vst v2  }
0xb9: {  	v2 =	vld [tilespmem:s24+$0xFFFFFEF0];
	_ =	sdelay $0x4  }
0xba: {  	[tilespmem:$0x27A0] =	vst v2  }
0xbb: {  	v2 =	vld [tilespmem:s24+$0xFFFFFF00];
	_ =	sdelay $0x4  }
0xbc: {  	s25 =	sand.u32 $0x3FC0, s25;
	[tilespmem:$0x27B0] =	vst v2  }
0xbd: {  	v2 =	vld [tilespmem:s25+$0x180];
	_ =	sdelay $0x4  }
0xbe: {  	[tilespmem:$0x27C0] =	vst v2  }
0xbf: {  	[spmem:s2] =	stream.indirect.scatter.add.f32 [tilespmem:s14], [sflag:$0x1], $0x1, s13, s12, $0xb8;
	[tilespmem:$0x2EF8] =	vst v63  }
0xc0: {  	_ =	swait.ge [sflag:s19], $0x50  }
0xc1: {  	[sflag:s19] =	ssyncset.done $0x0  }
0xc2: {  	[sflag:s19] =	ssyncadd.s32 $0xFFFFFFB0  }
0xc3: {  	v2 =	vld [tilespmem:s24+$0xFFFFFF20];
	_ =	sdelay $0x4  }
0xc4: {  	[tilespmem:$0x2800] =	vst v2  }
0xc5: {  	v2 =	vld [tilespmem:s24+$0xFFFFFF30];
	_ =	sdelay $0x4  }
0xc6: {  	[tilespmem:$0x2810] =	vst v2  }
0xc7: {  	v2 =	vld [tilespmem:s24+$0xFFFFFF40];
	_ =	sdelay $0x4  }
0xc8: {  	[tilespmem:$0x2820] =	vst v2  }
0xc9: {  	v2 =	vld [tilespmem:s24+$0xFFFFFF50];
	_ =	sdelay $0x4  }
0xca: {  	[tilespmem:$0x2830] =	vst v2  }
0xcb: {  	v2 =	vld [tilespmem:s24+$0xFFFFFF60];
	_ =	sdelay $0x4  }
0xcc: {  	[tilespmem:$0x2840] =	vst v2  }
0xcd: {  	[spmem:s2] =	stream.indirect.scatter.add.f32 [tilespmem:s14], [sflag:$0x2], $0x1, s15, s12, $0xb8;
	[tilespmem:$0x2EF8] =	vst v63  }
0xce: {  	_ =	swait.ge [sflag:s20], $0x50  }
0xcf: {  	[sflag:s20] =	ssyncset.done $0x0  }
0xd0: {  	[sflag:s20] =	ssyncadd.s32 $0xFFFFFFB0  }
0xd1: {  	v2 =	vld [tilespmem:s24+$0xFFFFFF70];
	_ =	sdelay $0x4  }
0xd2: {  	[tilespmem:$0x2880] =	vst v2  }
0xd3: {  	v2 =	vld [tilespmem:s24+$0xFFFFFF80];
	_ =	sdelay $0x4  }
0xd4: {  	[tilespmem:$0x2890] =	vst v2  }
0xd5: {  	v2 =	vld [tilespmem:s25+$0x200];
	_ =	sdelay $0x4  }
0xd6: {  	[tilespmem:$0x28A0] =	vst v2  }
0xd7: {  	v2 =	vld [tilespmem:s24+$0xFFFFFFA0];
	_ =	sdelay $0x4  }
0xd8: {  	[tilespmem:$0x28B0] =	vst v2  }
0xd9: {  	v2 =	vld [tilespmem:s24+$0xFFFFFFB0];
	_ =	sdelay $0x4  }
0xda: {  	[tilespmem:$0x28C0] =	vst v2  }
0xdb: {  	[spmem:s2] =	stream.indirect.scatter.add.f32 [tilespmem:s14], [sflag:$0x3], $0x1, s16, s12, $0xb8;
	[tilespmem:$0x2EF8] =	vst v63  }
0xdc: {  	_ =	swait.ge [sflag:s21], $0x50  }
0xdd: {  	[sflag:s21] =	ssyncset.done $0x0  }
0xde: {  	[sflag:s21] =	ssyncadd.s32 $0xFFFFFFB0  }
0xdf: {  	v2 =	vld [tilespmem:s24+$0xFFFFFFC0];
	_ =	sdelay $0x4  }
0xe0: {  	[tilespmem:$0x2900] =	vst v2  }
0xe1: {  	v2 =	vld [tilespmem:s24+$0xFFFFFFD0];
	_ =	sdelay $0x4  }
0xe2: {  	[tilespmem:$0x2910] =	vst v2  }
0xe3: {  	v2 =	vld [tilespmem:s24+$0xFFFFFFE0];
	_ =	sdelay $0x4  }
0xe4: {  	[tilespmem:$0x2920] =	vst v2  }
0xe5: {  	v2 =	vld [tilespmem:s24+$0xFFFFFFF0];
	_ =	sdelay $0x4  }
0xe6: {  	[tilespmem:$0x2930] =	vst v2  }
0xe7: {  	v2 =	vld [tilespmem:s24+$0x0]  }
.Ltmp0:
0xe8: {  	(pc) =	sbr.rel @p1 .LBB2_2-.Ltmp0, $2  }
0xe9: {  	_ =	sdelay $0x2  }
0xea: {  	s24 =	sadd.s32 $0x140, s24;
	[tilespmem:$0x2940] =	vst v2  }
0xeb: {  	[spmem:s2] =	stream.indirect.scatter.add.f32 [tilespmem:s14], [sflag:$0x4], $0x1, s17, s12, $0xb8;
	[tilespmem:$0x2EF8] =	vst v63  }
0xec: {  	_ =	swait.ge [sflag:s18], $0x50  }
0xed: {  	[sflag:s18] =	ssyncset.done $0x0  }
0xee: {  	[sflag:s18] =	ssyncadd.s32 $0xFFFFFFB0  }
0xef: {  	v2 =	vld [tilespmem:$0x26C0]  }
0xf0: {  	v3 =	vld [tilespmem:$0x26D0]  }
0xf1: {  	v4 =	vld [tilespmem:$0x26E0]  }
0xf2: {  	v5 =	vld [tilespmem:$0x26F0]  }
0xf3: {  	v6 =	vld [tilespmem:$0x2700]  }
0xf4: {  	[tilespmem:$0x2780] =	vst v2  }
0xf5: {  	[tilespmem:$0x2790] =	vst v3  }
0xf6: {  	[tilespmem:$0x27A0] =	vst v4  }
0xf7: {  	[tilespmem:$0x27B0] =	vst v5  }
0xf8: {  	[tilespmem:$0x27C0] =	vst v6  }
0xf9: {  	[spmem:s2] =	stream.indirect.scatter.add.f32 [tilespmem:s14], [sflag:$0x1], $0x1, s13, s12, $0xb8;
	[tilespmem:$0x2EF8] =	vst v63  }
0xfa: {  	_ =	swait.ge [sflag:s19], $0x50  }
0xfb: {  	[sflag:s19] =	ssyncset.done $0x0  }
0xfc: {  	[sflag:s19] =	ssyncadd.s32 $0xFFFFFFB0  }
0xfd: {  	_ =	swait.ge [sflag:s20], $0x50  }
0xfe: {  	[sflag:s20] =	ssyncset.done $0x0  }
0xff: {  	[sflag:s20] =	ssyncadd.s32 $0xFFFFFFB0  }
0x100: {  	_ =	swait.ge [sflag:s21], $0x50  }
0x101: {  	[sflag:s21] =	ssyncset.done $0x0  }
0x102: {  	[sflag:s21] =	ssyncadd.s32 $0xFFFFFFB0  }
0x103: {  	_ =	swait.ge [sflag:s18], $0x50  }
0x104: {  	[sflag:s18] =	ssyncset.done $0x0  }
0x105: {  	[sflag:s18] =	ssyncadd.s32 $0xFFFFFFB0  }
0x106: {  	s23 =	simm.s32 @p0 $0x2A00;
	s24 =	simm.s32 @p0 $0x5;
	[bflag:$0x0] =	sbarrier.arrive $0xFFFF  }
0x107: {  	[tilespmem:s23], [sflag:$0x5] =	stream.linear.gather @p0 [spmem:s5], $0x280, $0x38;
	[tilespmem:$0x2EF8] =	vst v63  }
0x108: {  	_ =	swait.ge @p0 [sflag:s24], $0x280  }
0x109: {  	[sflag:s24] =	ssyncset.done @p0 $0x0  }
0x10a: {  	s25 =	simm.s32 @p0 $0x0;
	[sflag:s24] =	ssyncadd.s32 @p0 $0xFFFFFD80  }
0x10b: {  	[hbm4b:s9+s25] =	stream.linear.scatter @p0 [tilespmem:s23], [sflag:$0x5], $0x280, $0x38;
	[tilespmem:$0x2EF8] =	vst v63  }
0x10c: {  	_ =	swait.ge @p0 [sflag:s24], $0x280  }
0x10d: {  	[sflag:s24] =	ssyncset.done @p0 $0x0  }
0x10e: {  	s23 =	simm.s32 @!p0 $0x2A00;
	[sflag:s24] =	ssyncadd.s32 @p0 $0xFFFFFD80;
	s24 =	simm.s32 @!p0 $0x5  }
0x10f: {  	[tilespmem:s23], [sflag:$0x5] =	stream.linear.gather @!p0 [spmem:s7], $0x270, $0x38;
	[tilespmem:$0x2EF8] =	vst v63  }
0x110: {  	s22 =	sadd.s32 $0x1, s22;
	_ =	swait.ge @!p0 [sflag:s24], $0x270  }
0x111: {  	p1 =	sne.s32 s22, s10;
	[sflag:s24] =	ssyncset.done @!p0 $0x0  }
.Ltmp1:
0x112: {  	s25 =	simm.s32 @!p0 $0x0;
	[sflag:s24] =	ssyncadd.s32 @!p0 $0xFFFFFD90;
	(pc) =	sbr.rel @p1 .LBB2_1-.Ltmp1, $4  }
0x113: {  	[hbm4b:s8+s25] =	stream.linear.scatter @!p0 [tilespmem:s23], [sflag:$0x5], $0x270, $0x38;
	[tilespmem:$0x2EF8] =	vst v63  }
0x114: {  	_ =	swait.ge @!p0 [sflag:s24], $0x270  }
0x115: {  	[sflag:s24] =	ssyncset.done @!p0 $0x0  }
0x116: {  	[sflag:s24] =	ssyncadd.s32 @!p0 $0xFFFFFD90  }
0x117: {  	_ =	sfence.sel $0x180000  }
0x118: {  	[bflag:$0x0] =	sbarrier.arrive $0xFFFF  }
0x119: {  	p0 =	sne.s32 s0, $0x0;
	_ =	strace $0x90000047  }
0x11a: {  	s0 =	sadd.s32 @!p0 $0x100000, s1;
	[bflag:$0x2] =	sbarrier.arrive $0xFFFF  }
0x11b: {  	[sflag:s0] =	ssyncadd.tile.s32 @!p0 $0x1;
	_ =	shalt  }
.Lfunc_end2:
_tile_overlayer_lowered:
.L_overlay_start_2:
0x11c: {  	(tag) =	ssettag $0x2  }
0x11d: {  	s0 =	rddreg [dreg:$0x0];
	s2 =	stileid.u32  }
0x11e: {  	s1 =	rddreg [dreg:$0x1];
	p0 =	sne.s32 s2, $0x0  }
0x11f: {  	s3 =	rddreg [dreg:$0x2];
	[bflag:$0x3] =	sbarrier.arrive $0xFFFF;
	s2 =	simm.s32 @!p0 $0x1C05  }
0x120: {  	[timem:s3], [sflag:s2] =	dma.local @!p0 [hbm:s0], s1  }
0x121: {  	s0 =	simm.s32 @!p0 $0x5  }
0x122: {  	_ =	swait.ge @!p0 [sflag:s0], s1  }
0x123: {  	s1 =	ssub.s32 @!p0 $0x0, s1;
	[sflag:s0] =	ssyncset.done @!p0 $0x0  }
0x124: {  	[sflag:s0] =	ssyncadd.s32 @!p0 s1  }
0x125: {  	[bflag:$0x3] =	sbarrier.arrive $0xFFFF  }
0x126: {  	_ =	shalt  }

// kernel: kernel.13.cloned.1.call-start
scs
__scs_entry_jumppad:
0x0: {  	(pc) =	sbr.rel $0x88, $3  }
0x1: {  	(tag) =	ssettag $0x0;
	lr =	simm.s32 $0x1  }
0x2: {  	[smem:$0x3F97] =	sst lr;
	_ =	strace $0xD0000000  }
0x3: {  	_ = 	snop  }
0x4: {  	_ = 	snop  }
0x5: {  	_ = 	snop  }
0x6: {  	_ = 	snop  }
0x7: {  	_ = 	snop  }
__scs_overlays_trampoline_lowered:
0x8: {  	[smem:$0x3FA6] =	sst s0  }
0x9: {  	[smem:$0x3FA7] =	sst s1  }
0xa: {  	[smem:$0x3FA8] =	sst s2  }
0xb: {  	[smem:$0x3FA9] =	sst s3  }
0xc: {  	[smem:$0x3FAA] =	sst s4  }
0xd: {  	[smem:$0x3FAB] =	sst s5  }
0xe: {  	[smem:$0x3FAC] =	sst s6  }
0xf: {  	[smem:$0x3FAD] =	sst s7  }
0x10: {  	[smem:$0x3FAE] =	sst s8  }
0x11: {  	[smem:$0x3FAF] =	sst s9;
	s0 =	simm.s32 @!p0 $0x0  }
0x12: {  	s1 =	sld [smem:$0x3F95];
	s0 =	simm.s32 @p0 $0x1  }
0x13: {  	[smem:$0x3FB0] =	sst s0;
	s0 =	simm.s32 @!p1 $0x0  }
0x14: {  	s2 =	sld [smem:$0x3F94];
	s0 =	simm.s32 @p1 $0x1  }
0x15: {  	[smem:$0x3FB1] =	sst s0;
	s0 =	simm.s32 @!p2 $0x0  }
0x16: {  	s3 =	sld [smem:$0x3FDB];
	s0 =	simm.s32 @p2 $0x1  }
0x17: {  	s4 =	simm.s32 $0x1BF5;
	[smem:$0x3FB3] =	sst s0  }
0x18: {  	s0 =	sld [smem:$0x3F96];
	_ =	swait.ge [sflag:s4], $0x0  }
0x19: {  	s7 =	sld [smem:$0x3F97]  }
0x1a: {  	s8 =	sadd.s32 $0xFFFFE003, lr  }
0x1b: {  	s9 =	sadd.s32 $0xFFFFFEF7, lr;
	s5 =	simm.s32 $0xFFFFFFFF;
	p2 =	slt.u32 s8, $0xFFFFF086  }
0x1c: {  	p1 =	slt.u32 s9, $0xF7A;
	s5 =	simm.s32 @!p2 $0x0  }
0x1d: {  	s5 =	simm.s32 @p1 $0x1;
	p0 =	seq.s32 s7, s2  }
0x1e: {  	s7 =	smul.u32 @!p0 $0xF7A, s2;
	p2 =	seq.s32 @!p0 s5, $0x0  }
0x1f: {  	s9 =	smul.u32 $0xF7A, s1;
	s8 =	simm.s32 @!p0 $0x1BF5;
	p2 =	por !p2, p0  }
0x20: {  	[sflag:s8] =	ssyncset.s32 @!p0 $0xFFFFF086;
	s6 =	sadd.s32 @!p0 s3, s7;
	s7 =	simm.s32 @!p0 $0x108  }
0x21: {  	s3 =	sadd.s32 s3, s9;
	s6 =	sadd.s32 @!p0 $0x88, s6;
	s7 =	simm.s32 @p2 $0x1082  }
0x22: {  	[simem:s7], [sflag:s8] =	dma.local @!p0 [hbm:s6], $0xF7A  }
0x23: {  	s9 =	sor.u32 $0xD0000000, s2;
	s6 =	simm.s32 $0x108;
	_ =	swait.ge @!p0 [sflag:s8], $0x0  }
0x24: {  	s3 =	sadd.s32 $0x88, s3;
	s6 =	simm.s32 @!p1 $0x1082;
	[sflag:s4] =	ssyncset.s32 $0xFFFFF086  }
0x25: {  	[simem:s6], [sflag:s4] =	dma.local [hbm:s3], $0xF7A  }
0x26: {  	[smem:$0x3F97] =	sst s1;
	(tag) =	ssettag s2;
	_ =	strace s9  }
0x27: {  	s1 =	sld [smem:$0x3FA7]  }
0x28: {  	s2 =	sld [smem:$0x3FA8]  }
0x29: {  	s4 =	sld [smem:$0x3FAA]  }
0x2a: {  	p0 =	seq.s32 s5, $0x0;
	s5 =	sld [smem:$0x3FAB]  }
0x2b: {  	s6 =	sld [smem:$0x3FAC]  }
0x2c: {  	s7 =	sld [smem:$0x3FAD]  }
0x2d: {  	s3 =	simm.s32 $0x108;
	s8 =	sld [smem:$0x3FAE]  }
0x2e: {  	s3 =	simm.s32 @!p0 $0x1082;
	s9 =	sld [smem:$0x3FAF]  }
0x2f: {  	lr =	sadd.s32 s0, s3;
	s0 =	sld [smem:$0x3FA6]  }
0x30: {  	s3 =	sld [smem:$0x3FA9]  }
0x31: {  	[smem:$0x3FB2] =	sst s10  }
0x32: {  	s10 =	sld [smem:$0x3FB0];
	_ =	sdelay $0x3  }
0x33: {  	p0 =	seq.s32 s10, $0x1;
	s10 =	sld [smem:$0x3FB2];
	_ =	sdelay $0x3  }
0x34: {  	[smem:$0x3FB2] =	sst s10  }
0x35: {  	s10 =	sld [smem:$0x3FB1];
	_ =	sdelay $0x3  }
0x36: {  	p1 =	seq.s32 s10, $0x1;
	s10 =	sld [smem:$0x3FB2];
	_ =	sdelay $0x3  }
0x37: {  	[smem:$0x3FB2] =	sst s10  }
0x38: {  	s10 =	sld [smem:$0x3FB3]  }
0x39: {  	_ = 	snop;
	(pc) =	sbr.ind lr, $3  }
0x3a: {  	_ = 	snop  }
0x3b: {  	_ = 	snop  }
0x3c: {  	p2 =	seq.s32 s10, $0x1;
	s10 =	sld [smem:$0x3FB2]  }
0x3d: {  	_ =	shalt  }
0x3e: {  	_ =	shalt  }
0x3f: {  	_ =	shalt  }
0x40: {  	_ =	shalt  }
0x41: {  	_ =	shalt  }
0x42: {  	_ =	shalt  }
0x43: {  	_ =	shalt  }
0x44: {  	_ =	shalt  }
0x45: {  	_ =	shalt  }
0x46: {  	_ =	shalt  }
0x47: {  	_ =	shalt  }
0x48: {  	_ =	shalt  }
0x49: {  	_ =	shalt  }
0x4a: {  	_ =	shalt  }
0x4b: {  	_ =	shalt  }
0x4c: {  	_ =	shalt  }
0x4d: {  	_ =	shalt  }
0x4e: {  	_ =	shalt  }
0x4f: {  	_ =	shalt  }
0x50: {  	_ =	shalt  }
0x51: {  	_ =	shalt  }
0x52: {  	_ =	shalt  }
0x53: {  	_ =	shalt  }
0x54: {  	_ =	shalt  }
0x55: {  	_ =	shalt  }
0x56: {  	_ =	shalt  }
0x57: {  	_ =	shalt  }
0x58: {  	_ =	shalt  }
0x59: {  	_ =	shalt  }
0x5a: {  	_ =	shalt  }
0x5b: {  	_ =	shalt  }
0x5c: {  	_ =	shalt  }
0x5d: {  	_ =	shalt  }
0x5e: {  	_ =	shalt  }
0x5f: {  	_ =	shalt  }
0x60: {  	_ =	shalt  }
0x61: {  	_ =	shalt  }
0x62: {  	_ =	shalt  }
0x63: {  	_ =	shalt  }
0x64: {  	_ =	shalt  }
0x65: {  	_ =	shalt  }
0x66: {  	_ =	shalt  }
0x67: {  	_ =	shalt  }
0x68: {  	_ =	shalt  }
0x69: {  	_ =	shalt  }
0x6a: {  	_ =	shalt  }
0x6b: {  	_ =	shalt  }
0x6c: {  	_ =	shalt  }
0x6d: {  	_ =	shalt  }
0x6e: {  	_ =	shalt  }
0x6f: {  	_ =	shalt  }
0x70: {  	_ =	shalt  }
0x71: {  	_ =	shalt  }
0x72: {  	_ =	shalt  }
0x73: {  	_ =	shalt  }
0x74: {  	_ =	shalt  }
0x75: {  	_ =	shalt  }
0x76: {  	_ =	shalt  }
0x77: {  	_ =	shalt  }
0x78: {  	_ =	shalt  }
0x79: {  	_ =	shalt  }
0x7a: {  	_ =	shalt  }
0x7b: {  	_ =	shalt  }
0x7c: {  	_ =	shalt  }
0x7d: {  	_ =	shalt  }
0x7e: {  	_ =	shalt  }
0x7f: {  	_ =	shalt  }
0x80: {  	_ =	shalt  }
0x81: {  	_ =	shalt  }
0x82: {  	_ =	shalt  }
0x83: {  	_ =	shalt  }
0x84: {  	_ =	shalt  }
0x85: {  	_ =	shalt  }
0x86: {  	_ =	shalt  }
0x87: {  	_ =	shalt  }
.Lfunc_end0:
.L_simem_size_0:
called_computation.1_lowered:
.L_overlay_start_0:
0x88: {  	s2 =	sld [smem:$0x3FD9]  }
0x89: {  	s3 =	sld [smem:$0x3FFE];
	_ =	sdelay $0x1  }
0x8a: {  	s1 =	srdreg.scid  }
0x8b: {  	s0 =	sand.u32 $0x1, s1  }
0x8c: {  	s17 =	sshll.u32 s0, $0xA;
	s2 =	sadd.s32 s3, s2  }
0x8d: {  	s2 =	sadd.s32 s2, s17  }
0x8e: {  	[smem:$0x3FBE] =	sst s2  }
0x8f: {  	_ = 	snop  }
0x90: {  	s2 =	sld [smem:$0x3FD0];
	(tm) =	ssettm $0x1  }
0x91: {  	s18 =	sld [smem:$0x3FFB];
	_ =	sdelay $0x3  }
0x92: {  	_ =	strace s18  }
0x93: {  	s3 =	sld [smem:$0x3FFC];
	_ =	sdelay $0x3  }
0x94: {  	_ =	strace s3  }
0x95: {  	s3 =	sld [smem:$0x3FFD];
	_ =	sdelay $0x3  }
0x96: {  	_ =	strace s3  }
0x97: {  	_ =	strace $0x8FFFFFFF  }
0x98: {  	s19 =	sld [smem:$0x3FDB];
	_ =	sdelay $0x1  }
0x99: {  	s4 =	simm.s32 $_scs_section_size  }
0x9a: {  	s5 =	simm.s32 $_size__tile_overlayer_lowered;
	s6 =	simm.s32 $_tile_overlayer_lowered  }
0x9b: {  	s22 =	simm.s32 $0x1BFF;
	s21 =	sshll.u32 s6, $0x1;
	s3 =	sadd.s32 s4, s19  }
0x9c: {  	s7 =	simm.s32 $0x0;
	s20 =	sshll.u32 s5, $0x1;
	s5 =	sadd.s32 s21, s3  }
0x9d: {  	[timem:s7], [sflag:s22] =	dma.local [hbm:s5], s20  }
0x9e: {  	_ =	swait.ge [sflag:s22], s20  }
0x9f: {  	s4 =	ssub.s32 $0x0, s20;
	[sflag:s22] =	ssyncset.done $0x0  }
0xa0: {  	[sflag:s22] =	ssyncadd.s32 s4;
	_ =	sdelay $0x1  }
0xa1: {  	s23 =	simm.s32 $0x1B8B  }
0xa2: {  	_ =	swait.ge [sflag:s23], $0x1  }
0xa3: {  	[sflag:s23] =	ssyncset.done $0x0  }
0xa4: {  	s25 =	simm.s32 $0x1B8E;
	s24 =	sld [smem:$0x3FFE];
	[sflag:s23] =	ssyncadd.s32 $0xFFFFFFFF  }
0xa5: {  	s26 =	simm.s32 $execute0_lowered;
	[smem:$0x3FD2] =	sst s25  }
0xa6: {  	s5 =	sshll.u32 s26, $0x1;
	_ =	strace $0x80000049;
	[dreg:$0x1] =	wrdreg $0xFFFFFFFF  }
0xa7: {  	s28 =	simm.s32 $_size_execute0_lowered;
	s3 =	sadd.s32 s3, s5;
	[dreg:$0x0] =	wrdreg $0x0  }
0xa8: {  	s5 =	sshll.u32 s28, $0x1;
	[dreg:$0x2] =	wrdreg s3  }
0xa9: {  	[dreg:$0x3] =	wrdreg s5  }
0xaa: {  	[dreg:$0x4] =	wrdreg $0xC0  }
0xab: {  	_ =	task [dreg:s7], $0x5FFFF  }
0xac: {  	[dreg:$0x1] =	wrdreg $0xFFFFFFFF  }
0xad: {  	[dreg:$0x0] =	wrdreg $0x60  }
0xae: {  	[dreg:$0x2] =	wrdreg s2  }
0xaf: {  	[dreg:$0x3] =	wrdreg s24  }
0xb0: {  	[dreg:$0x4] =	wrdreg $0xA1000  }
0xb1: {  	[dreg:$0x5] =	wrdreg $0x9  }
0xb2: {  	_ =	task.clear_ibuf [dreg:s7], $0x6FFFF;
	_ =	strace $0x90000049  }
0xb3: {  	s29 =	simm.s32 $0x9;
	_ =	strace $0x8000004B  }
0xb4: {  	_ =	swait.ge [sflag:s29], $0x1  }
0xb5: {  	[sflag:s29] =	ssyncadd.s32 $0xFFFFFFFF  }
0xb6: {  	_ =	strace $0x9000004B  }
0xb7: {  	_ =	sfence  }
0xb8: {  	s30 =	sld [smem:$0x0];
	_ =	sdelay $0x2  }
0xb9: {  	s31 =	sshll.u32 s1, $0xD;
	s1 =	sshrl.u32 s1, $0x2  }
0xba: {  	s3 =	sand.u32 $0x4000, s31;
	s1 =	sadd.s32 s1, s30  }
0xbb: {  	s0 =	sor.u32 s3, s0;
	s1 =	sshll.u32 s1, $0x11  }
0xbc: {  	s0 =	sor.u32 s1, s0  }
0xbd: {  	s0 =	sadd.s32 $0x8F2B, s0  }
0xbe: {  	[sflag:s0] =	ssyncadd.remote.s32 $0x1  }
0xbf: {  	_ =	sfence.sel $0xFFFF  }
0xc0: {  	[dreg:$0x0] =	wrdreg $0xFFFFFFFF;
	(pc) =	sbr.abs _section_cstart, $3  }
0xc1: {  	[dreg:$0x1] =	wrdreg $0xFFFFFFFF  }
0xc2: {  	_ =	task.clear_ibuf [dreg:s7], $0x2FFFF;
	_ =	strace $0x9FFFFFFF  }
0xc3: {  	(tm) =	ssettm $0x7FFFFFFF  }
tec
execute0_lowered:
.L_overlay_start_1:
0x0: {  	(tag) =	ssettag $0x1  }
0x1: {  	s1 =	rddreg [dreg:$0x0];
	s0 =	srdreg.scid  }
0x2: {  	s13 =	stileid.u32;
	s2 =	rddreg [dreg:$0x1]  }
0x3: {  	s3 =	rddreg [dreg:$0x2];
	s7 =	smul.u32 $0x2700, s13  }
0x4: {  	s28 =	simm.s32 $0x2800;
	s29 =	simm.s32 $0x5100;
	s10 =	smul.u32 $0x4E000, s13  }
0x5: {  	s30 =	simm.s32 $0x4;
	s31 =	simm.s32 $0x1;
	s19 =	smul.u32 $0x13800, s13  }
0x6: {  	s14 =	simm.s32 $0x0;
	s0 =	sand.u32 $0x1, s0;
	s22 =	smul.u32 $0x4E20, s13  }
0x7: {  	s4 =	sshll.u32 s13, $0x1;
	s12 =	sadd.s32 $0x3DC00, s2;
	s16 =	smul.u32 $0x138800, s0  }
0x8: {  	s5 =	sor.u32 s0, s4;
	s9 =	ssub.s32 $0x2, s0;
	s0 =	smul.u32 $0x2710, s0  }
0x9: {  	p0 =	seq.s32 s13, $0xF;
	s4 =	simm.s32 $0x0;
	s5 =	smul.u32 $0x2710, s5  }
0xa: {  	[smem:$0x7FF] =	sst s4;
	s7 =	sadd.s32 s7, s2;
	s11 =	sshrl.u32 s9, $0x1  }
0xb: {  	s10 =	sshrl.u32 s10, $0x2;
	_ =	strace $0x8000004A;
	s9 =	ssub.s32 s9, s11  }
0xc: {  	s10 =	sadd.s32 s10, s3;
	s7 =	sadd.s32 $0x16A00, s7;
	s0 =	sadd.s32 s0, s22  }
0xd: {  	s11 =	simm.s32 $0x3;
	s6 =	sshrl.u32 s5, $0x3;
	[dreg:$0x4] =	wrdreg s10  }
0xe: {  	s5 =	sadd.s32 $0xCC00, s2;
	[dreg:$0x5] =	wrdreg s7;
	s23 =	smax.u32 s9, $0x1  }
0xf: {  	s8 =	sadd.s32 s6, s2;
	s2 =	sadd.s32 $0x3B300, s2;
	[dreg:$0xf] =	wrdreg s23  }
0x10: {  	s7 =	sadd.s32 $0x124800, s3;
	s15 =	sadd.s32 s5, s6;
	[dreg:$0x6] =	wrdreg s2  }
0x11: {  	s24 =	sadd.s32 $0x190, s0;
	s17 =	sadd.s32 $0x2E00, s8;
	[dreg:$0x7] =	wrdreg s15  }
0x12: {  	s25 =	sadd.s32 $0x140, s0;
	s18 =	sadd.s32 $0xA, s15;
	[dreg:$0x8] =	wrdreg s17  }
0x13: {  	s6 =	sadd.s32 s19, s16;
	s20 =	sadd.s32 $0x14, s15;
	[dreg:$0x9] =	wrdreg s18  }
0x14: {  	s21 =	sadd.s32 $0x4CE, s15;
	s2 =	sshrl.u32 s16, $0x3;
	[dreg:$0xa] =	wrdreg s20  }
0x15: {  	s10 =	sadd.s32 $0x4D8, s15;
	s6 =	sshrl.u32 s6, $0x3;
	[dreg:$0xb] =	wrdreg s21  }
0x16: {  	s8 =	simm.s32 $0x7;
	[dreg:$0xc] =	wrdreg s10;
	s2 =	sadd.s32 s12, s2  }
0x17: {  	s6 =	sadd.s32 s12, s6;
	s20 =	sadd.s32 $0xF0, s0;
	s21 =	sshrl.u32 @p0 s7, $0x3  }
0x18: {  	s0 =	simm.s32 $0x7900;
	s7 =	simm.s32 $0x2;
	s10 =	simm.s32 $0x6  }
0x19: {  	s12 =	simm.s32 $0x8;
	[dreg:$0xd] =	wrdreg s6;
	s2 =	sadd.s32 $0x24900, s2  }
0x1a: {  	s6 =	sshrl.u32 s25, $0x3;
	s25 =	simm.s32 $0x50;
	[dreg:$0xe] =	wrdreg s2  }
0x1b: {  	s2 =	sshrl.u32 s24, $0x3;
	s26 =	sadd.s32 s6, s5;
	s24 =	simm.s32 $0x2780  }
0x1c: {  	s6 =	simm.s32 $0x5;
	s2 =	sadd.s32 s2, s5;
	[dreg:$0x11] =	wrdreg s26  }
0x1d: {  	s26 =	simm.s32 $0x2900;
	[dreg:$0x10] =	wrdreg s2;
	s2 =	sshll.u32 @!p0 s13, $0x6  }
0x1e: {  	s13 =	simm.s32 $0x9;
	s22 =	sor.u32 @!p0 $0x1C0A, s2;
	s2 =	simm.s32 $0x2880  }
.LBB2_1:
0x1f: {  	s9 =	simm.s32 @p0 $0x1FCA;
	s15 =	rddreg [dreg:$0x6]  }
0x20: {  	[spmem:s21], [sflag:s9] =	dma.local @p0 [hbm:s15], $0x2800  }
0x21: {  	s9 =	simm.s32 @p0 $0xA  }
0x22: {  	_ =	swait.ge @p0 [sflag:s9], $0x2800  }
0x23: {  	[sflag:s9] =	ssyncset.done @p0 $0x0  }
0x24: {  	[sflag:s9] =	ssyncadd.s32 @p0 $0xFFFFD800;
	s9 =	rddreg [dreg:$0x4]  }
0x25: {  	s15 =	sshrl.u32 @!p0 s9, $0x3;
	s9 =	rddreg [dreg:$0x5]  }
0x26: {  	[spmem:s15], [sflag:s22] =	dma.local @!p0 [hbm:s9], $0x2700  }
0x27: {  	s9 =	simm.s32 @!p0 $0xA  }
0x28: {  	_ =	swait.ge @!p0 [sflag:s9], $0x2700  }
0x29: {  	[sflag:s9] =	ssyncset.done @!p0 $0x0  }
0x2a: {  	s16 =	simm.s32 $0xA;
	s23 =	rddreg [dreg:$0x8];
	[sflag:s9] =	ssyncadd.s32 @!p0 $0xFFFFD900  }
0x2b: {  	[tilespmem:s4], [sflag:$0xA] =	stream.linear.gather [hbm4b:s23+s4], $0x2710, $0x38;
	[tilespmem:$0x1D980] =	vst v63  }
0x2c: {  	_ =	swait.ge [sflag:s16], $0x2710  }
0x2d: {  	[sflag:s16] =	ssyncset.done $0x0  }
0x2e: {  	[sflag:s16] =	ssyncadd.s32 $0xFFFFD8F0  }
0x2f: {  	[bflag:$0x0] =	sbarrier.arrive $0xFFFF  }
0x30: {  	s17 =	rddreg [dreg:$0x7]  }
0x31: {  	[tilespmem:s24], [sflag:$0x1] =	stream.linear.gather [hbm4b:s17+s4], $0x50, $0x38;
	[tilespmem:$0x1D980] =	vst v63  }
0x32: {  	_ = 	snop  }
0x33: {  	[tilespmem:s26], [sflag:$0x4] =	stream.indirect.gather [hbm4b:s1+s25], $0x80, s4, s25, $0xb8;
	[tilespmem:$0x1D980] =	vst v63  }
0x34: {  	s18 =	rddreg [dreg:$0x9]  }
0x35: {  	[tilespmem:s28], [sflag:$0x2] =	stream.linear.gather [hbm4b:s18+s4], $0x50, $0x38;
	[tilespmem:$0x1D980] =	vst v63  }
0x36: {  	_ = 	snop  }
0x37: {  	[tilespmem:s29], [sflag:$0x5] =	stream.indirect.gather [hbm4b:s1+s25], $0x80, s25, s25, $0xb8;
	[tilespmem:$0x1D980] =	vst v63  }
0x38: {  	_ =	swait.ge [sflag:s30], $0x2800  }
0x39: {  	[sflag:s30] =	ssyncset.done $0x0  }
0x3a: {  	[sflag:s30] =	ssyncadd.s32 $0xFFFFD800  }
0x3b: {  	_ =	swait.ge [sflag:s31], $0x50  }
0x3c: {  	[sflag:s31] =	ssyncset.done $0x0  }
0x3d: {  	[sflag:s31] =	ssyncadd.s32 $0xFFFFFFB0  }
0x3e: {  	[spmem:s3] =	stream.indirect.scatter.add.f32 [tilespmem:s26], [sflag:$0x7], $0x80, s24, s25, $0xb8;
	[tilespmem:$0x1D980] =	vst v63  }
0x3f: {  	s19 =	rddreg [dreg:$0xa]  }
0x40: {  	[tilespmem:s2], [sflag:$0x3] =	stream.linear.gather [hbm4b:s19+s4], $0x50, $0x38;
	[tilespmem:$0x1D980] =	vst v63  }
0x41: {  	s23 =	simm.s32 $0xA0  }
0x42: {  	[tilespmem:s0], [sflag:$0x6] =	stream.indirect.gather [hbm4b:s1+s25], $0x80, s23, s25, $0xb8;
	[tilespmem:$0x1D980] =	vst v63  }
0x43: {  	_ =	swait.ge [sflag:s6], $0x2800  }
0x44: {  	[sflag:s6] =	ssyncset.done $0x0  }
0x45: {  	[sflag:s6] =	ssyncadd.s32 $0xFFFFD800  }
0x46: {  	_ =	swait.ge [sflag:s7], $0x50  }
0x47: {  	[sflag:s7] =	ssyncset.done $0x0  }
0x48: {  	[sflag:s7] =	ssyncadd.s32 $0xFFFFFFB0  }
0x49: {  	[spmem:s3] =	stream.indirect.scatter.add.f32 [tilespmem:s29], [sflag:$0x8], $0x80, s28, s25, $0xb8;
	[tilespmem:$0x1D980] =	vst v63  }
0x4a: {  	_ =	swait.ge [sflag:s8], $0x2800  }
0x4b: {  	s16 =	sshrl.u32 s20, $0x3;
	[sflag:s8] =	ssyncset.done $0x0  }
0x4c: {  	s9 =	sadd.s32 s5, s16;
	[sflag:s8] =	ssyncadd.s32 $0xFFFFD800  }
0x4d: {  	[tilespmem:s24], [sflag:$0x1] =	stream.linear.gather [hbm4b:s9+s4], $0x50, $0x38;
	[tilespmem:$0x1D980] =	vst v63  }
0x4e: {  	s17 =	simm.s32 $0xF0  }
0x4f: {  	[tilespmem:s26], [sflag:$0x4] =	stream.indirect.gather [hbm4b:s1+s25], $0x80, s17, s25, $0xb8;
	[tilespmem:$0x1D980] =	vst v63  }
0x50: {  	_ =	swait.ge [sflag:s10], $0x2800  }
0x51: {  	[sflag:s10] =	ssyncset.done $0x0  }
0x52: {  	[sflag:s10] =	ssyncadd.s32 $0xFFFFD800  }
0x53: {  	_ =	swait.ge [sflag:s11], $0x50  }
0x54: {  	[sflag:s11] =	ssyncset.done $0x0  }
0x55: {  	[sflag:s11] =	ssyncadd.s32 $0xFFFFFFB0  }
0x56: {  	[spmem:s3] =	stream.indirect.scatter.add.f32 [tilespmem:s0], [sflag:$0x9], $0x80, s2, s25, $0xb8;
	[tilespmem:$0x1D980] =	vst v63  }
0x57: {  	_ =	swait.ge [sflag:s12], $0x2800  }
0x58: {  	[sflag:s12] =	ssyncset.done $0x0  }
0x59: {  	s19 =	rddreg [dreg:$0x11];
	[sflag:s12] =	ssyncadd.s32 $0xFFFFD800  }
0x5a: {  	[tilespmem:s28], [sflag:$0x2] =	stream.linear.gather [hbm4b:s19+s4], $0x50, $0x38;
	[tilespmem:$0x1D980] =	vst v63  }
0x5b: {  	s18 =	simm.s32 $0x140  }
0x5c: {  	[tilespmem:s29], [sflag:$0x5] =	stream.indirect.gather [hbm4b:s1+s25], $0x80, s18, s25, $0xb8;
	[tilespmem:$0x1D980] =	vst v63  }
0x5d: {  	_ =	swait.ge [sflag:s30], $0x2800  }
0x5e: {  	[sflag:s30] =	ssyncset.done $0x0  }
0x5f: {  	[sflag:s30] =	ssyncadd.s32 $0xFFFFD800  }
0x60: {  	_ =	swait.ge [sflag:s31], $0x50  }
0x61: {  	[sflag:s31] =	ssyncset.done $0x0  }
0x62: {  	[sflag:s31] =	ssyncadd.s32 $0xFFFFFFB0  }
0x63: {  	[spmem:s3] =	stream.indirect.scatter.add.f32 [tilespmem:s26], [sflag:$0x7], $0x80, s24, s25, $0xb8;
	[tilespmem:$0x1D980] =	vst v63  }
0x64: {  	_ =	swait.ge [sflag:s13], $0x2800  }
0x65: {  	[sflag:s13] =	ssyncset.done $0x0  }
0x66: {  	s18 =	rddreg [dreg:$0x10];
	[sflag:s13] =	ssyncadd.s32 $0xFFFFD800  }
0x67: {  	[tilespmem:s2], [sflag:$0x3] =	stream.linear.gather [hbm4b:s18+s4], $0x50, $0x38;
	[tilespmem:$0x1D980] =	vst v63  }
0x68: {  	s23 =	simm.s32 $0x190  }
0x69: {  	[tilespmem:s0], [sflag:$0x6] =	stream.indirect.gather [hbm4b:s1+s25], $0x80, s23, s25, $0xb8;
	[tilespmem:$0x1D980] =	vst v63  }
0x6a: {  	_ =	swait.ge [sflag:s6], $0x2800  }
0x6b: {  	[sflag:s6] =	ssyncset.done $0x0  }
0x6c: {  	[sflag:s6] =	ssyncadd.s32 $0xFFFFD800  }
0x6d: {  	_ =	swait.ge [sflag:s7], $0x50  }
0x6e: {  	s16 =	simm.s32 $0x3C0;
	s17 =	sadd.s32 $0xF0, s20;
	[sflag:s7] =	ssyncset.done $0x0  }
0x6f: {  	s9 =	sadd.s32 $0x1E, s18;
	s23 =	sadd.s32 $0x1E, s19;
	[sflag:s7] =	ssyncadd.s32 $0xFFFFFFB0  }
.LBB2_2:
0x70: {  	[spmem:s3] =	stream.indirect.scatter.add.f32 [tilespmem:s29], [sflag:$0x8], $0x80, s28, s25, $0xb8;
	[tilespmem:$0x1D980] =	vst v63  }
0x71: {  	s18 =	smov.u32 s16  }
0x72: {  	p1 =	sne.s32 s16, $0x9240;
	s16 =	sadd.s32 $0x3C0, s16;
	_ =	swait.ge [sflag:s8], $0x2800  }
0x73: {  	s19 =	sshrl.u32 s17, $0x3;
	[sflag:s8] =	ssyncset.done $0x0  }
0x74: {  	s19 =	sadd.s32 s5, s19;
	s18 =	sshra.s32 s18, $0x2;
	[sflag:s8] =	ssyncadd.s32 $0xFFFFD800  }
0x75: {  	[tilespmem:s24], [sflag:$0x1] =	stream.linear.gather [hbm4b:s19+s4], $0x50, $0x38;
	[tilespmem:$0x1D980] =	vst v63  }
0x76: {  	s19 =	sadd.s32 $0xF0, s18  }
0x77: {  	[tilespmem:s26], [sflag:$0x4] =	stream.indirect.gather [hbm4b:s1+s25], $0x80, s19, s25, $0xb8;
	[tilespmem:$0x1D980] =	vst v63  }
0x78: {  	_ =	swait.ge [sflag:s10], $0x2800  }
0x79: {  	[sflag:s10] =	ssyncset.done $0x0  }
0x7a: {  	[sflag:s10] =	ssyncadd.s32 $0xFFFFD800  }
0x7b: {  	_ =	swait.ge [sflag:s11], $0x50  }
0x7c: {  	[sflag:s11] =	ssyncset.done $0x0  }
0x7d: {  	[sflag:s11] =	ssyncadd.s32 $0xFFFFFFB0  }
0x7e: {  	[spmem:s3] =	stream.indirect.scatter.add.f32 [tilespmem:s0], [sflag:$0x9], $0x80, s2, s25, $0xb8;
	[tilespmem:$0x1D980] =	vst v63  }
0x7f: {  	_ =	swait.ge [sflag:s12], $0x2800  }
0x80: {  	[sflag:s12] =	ssyncset.done $0x0  }
0x81: {  	[sflag:s12] =	ssyncadd.s32 $0xFFFFD800  }
0x82: {  	[tilespmem:s28], [sflag:$0x2] =	stream.linear.gather [hbm4b:s23+s4], $0x50, $0x38;
	[tilespmem:$0x1D980] =	vst v63  }
0x83: {  	s19 =	sadd.s32 $0x140, s18  }
0x84: {  	[tilespmem:s29], [sflag:$0x5] =	stream.indirect.gather [hbm4b:s1+s25], $0x80, s19, s25, $0xb8;
	[tilespmem:$0x1D980] =	vst v63  }
0x85: {  	_ =	swait.ge [sflag:s30], $0x2800  }
0x86: {  	[sflag:s30] =	ssyncset.done $0x0  }
0x87: {  	[sflag:s30] =	ssyncadd.s32 $0xFFFFD800  }
0x88: {  	_ =	swait.ge [sflag:s31], $0x50  }
0x89: {  	[sflag:s31] =	ssyncset.done $0x0  }
0x8a: {  	[sflag:s31] =	ssyncadd.s32 $0xFFFFFFB0  }
0x8b: {  	[spmem:s3] =	stream.indirect.scatter.add.f32 [tilespmem:s26], [sflag:$0x7], $0x80, s24, s25, $0xb8;
	[tilespmem:$0x1D980] =	vst v63  }
0x8c: {  	_ =	swait.ge [sflag:s13], $0x2800  }
0x8d: {  	[sflag:s13] =	ssyncset.done $0x0  }
0x8e: {  	[sflag:s13] =	ssyncadd.s32 $0xFFFFD800  }
0x8f: {  	[tilespmem:s2], [sflag:$0x3] =	stream.linear.gather [hbm4b:s9+s4], $0x50, $0x38;
	[tilespmem:$0x1D980] =	vst v63  }
0x90: {  	s18 =	sadd.s32 $0x190, s18  }
0x91: {  	[tilespmem:s0], [sflag:$0x6] =	stream.indirect.gather [hbm4b:s1+s25], $0x80, s18, s25, $0xb8;
	[tilespmem:$0x1D980] =	vst v63  }
0x92: {  	_ =	swait.ge [sflag:s6], $0x2800  }
.Ltmp0:
0x93: {  	[sflag:s6] =	ssyncset.done $0x0;
	(pc) =	sbr.rel @p1 .LBB2_2-.Ltmp0, $4  }
0x94: {  	[sflag:s6] =	ssyncadd.s32 $0xFFFFD800  }
0x95: {  	_ =	swait.ge [sflag:s7], $0x50  }
0x96: {  	s17 =	sadd.s32 $0xF0, s17;
	[sflag:s7] =	ssyncset.done $0x0  }
0x97: {  	s23 =	sadd.s32 $0x1E, s23;
	s9 =	sadd.s32 $0x1E, s9;
	[sflag:s7] =	ssyncadd.s32 $0xFFFFFFB0  }
0x98: {  	[spmem:s3] =	stream.indirect.scatter.add.f32 [tilespmem:s29], [sflag:$0x8], $0x80, s28, s25, $0xb8;
	[tilespmem:$0x1D980] =	vst v63  }
0x99: {  	_ =	swait.ge [sflag:s8], $0x2800  }
0x9a: {  	[sflag:s8] =	ssyncset.done $0x0  }
0x9b: {  	s9 =	rddreg [dreg:$0xb];
	[sflag:s8] =	ssyncadd.s32 $0xFFFFD800  }
0x9c: {  	[tilespmem:s24], [sflag:$0x1] =	stream.linear.gather [hbm4b:s9+s4], $0x50, $0x38;
	[tilespmem:$0x1D980] =	vst v63  }
0x9d: {  	s17 =	simm.s32 $0x2670  }
0x9e: {  	[tilespmem:s26], [sflag:$0x4] =	stream.indirect.gather [hbm4b:s1+s25], $0x80, s17, s25, $0xb8;
	[tilespmem:$0x1D980] =	vst v63  }
0x9f: {  	_ =	swait.ge [sflag:s10], $0x2800  }
0xa0: {  	[sflag:s10] =	ssyncset.done $0x0  }
0xa1: {  	[sflag:s10] =	ssyncadd.s32 $0xFFFFD800  }
0xa2: {  	_ =	swait.ge [sflag:s11], $0x50  }
0xa3: {  	[sflag:s11] =	ssyncset.done $0x0  }
0xa4: {  	[sflag:s11] =	ssyncadd.s32 $0xFFFFFFB0  }
0xa5: {  	[spmem:s3] =	stream.indirect.scatter.add.f32 [tilespmem:s0], [sflag:$0x9], $0x80, s2, s25, $0xb8;
	[tilespmem:$0x1D980] =	vst v63  }
0xa6: {  	_ =	swait.ge [sflag:s12], $0x2800  }
0xa7: {  	[sflag:s12] =	ssyncset.done $0x0  }
0xa8: {  	s18 =	rddreg [dreg:$0xc];
	[sflag:s12] =	ssyncadd.s32 $0xFFFFD800  }
0xa9: {  	[tilespmem:s28], [sflag:$0x2] =	stream.linear.gather [hbm4b:s18+s4], $0x50, $0x38;
	[tilespmem:$0x1D980] =	vst v63  }
0xaa: {  	s19 =	simm.s32 $0x26C0  }
0xab: {  	[tilespmem:s29], [sflag:$0x5] =	stream.indirect.gather [hbm4b:s1+s25], $0x80, s19, s25, $0xb8;
	[tilespmem:$0x1D980] =	vst v63  }
0xac: {  	_ =	swait.ge [sflag:s30], $0x2800  }
0xad: {  	[sflag:s30] =	ssyncset.done $0x0  }
0xae: {  	[sflag:s30] =	ssyncadd.s32 $0xFFFFD800  }
0xaf: {  	_ =	swait.ge [sflag:s31], $0x50  }
0xb0: {  	[sflag:s31] =	ssyncset.done $0x0  }
0xb1: {  	[sflag:s31] =	ssyncadd.s32 $0xFFFFFFB0  }
0xb2: {  	[spmem:s3] =	stream.indirect.scatter.add.f32 [tilespmem:s26], [sflag:$0x7], $0x80, s24, s25, $0xb8;
	[tilespmem:$0x1D980] =	vst v63  }
0xb3: {  	_ =	swait.ge [sflag:s6], $0x2800  }
0xb4: {  	[sflag:s6] =	ssyncset.done $0x0  }
0xb5: {  	[sflag:s6] =	ssyncadd.s32 $0xFFFFD800  }
0xb6: {  	_ =	swait.ge [sflag:s7], $0x50  }
0xb7: {  	[sflag:s7] =	ssyncset.done $0x0  }
0xb8: {  	[sflag:s7] =	ssyncadd.s32 $0xFFFFFFB0  }
0xb9: {  	[spmem:s3] =	stream.indirect.scatter.add.f32 [tilespmem:s29], [sflag:$0x8], $0x80, s28, s25, $0xb8;
	[tilespmem:$0x1D980] =	vst v63  }
0xba: {  	_ =	swait.ge [sflag:s8], $0x2800  }
0xbb: {  	[sflag:s8] =	ssyncset.done $0x0  }
0xbc: {  	[sflag:s8] =	ssyncadd.s32 $0xFFFFD800  }
0xbd: {  	_ =	swait.ge [sflag:s12], $0x2800  }
0xbe: {  	[sflag:s12] =	ssyncset.done $0x0  }
0xbf: {  	[sflag:s12] =	ssyncadd.s32 $0xFFFFD800  }
0xc0: {  	_ =	swait.ge [sflag:s13], $0x2800  }
0xc1: {  	[sflag:s13] =	ssyncset.done $0x0  }
0xc2: {  	[sflag:s13] =	ssyncadd.s32 $0xFFFFD800  }
0xc3: {  	[bflag:$0x0] =	sbarrier.arrive $0xFFFF  }
0xc4: {  	s9 =	simm.s32 @p0 $0x1FCA;
	s16 =	rddreg [dreg:$0xe]  }
0xc5: {  	[hbm:s16], [sflag:s9] =	dma.local @p0 [spmem:s21], $0x2800  }
0xc6: {  	s9 =	simm.s32 @p0 $0xA  }
0xc7: {  	_ =	swait.ge @p0 [sflag:s9], $0x2800  }
0xc8: {  	[sflag:s9] =	ssyncset.done @p0 $0x0  }
0xc9: {  	[sflag:s9] =	ssyncadd.s32 @p0 $0xFFFFD800;
	s9 =	rddreg [dreg:$0xd]  }
0xca: {  	[hbm:s9], [sflag:s22] =	dma.local @!p0 [spmem:s15], $0x2700  }
0xcb: {  	s9 =	simm.s32 @!p0 $0xA  }
0xcc: {  	_ =	swait.ge @!p0 [sflag:s9], $0x2700  }
0xcd: {  	s14 =	sadd.s32 $0x1, s14;
	s23 =	rddreg [dreg:$0xf]  }
0xce: {  	p1 =	sne.s32 s14, s23  }
.Ltmp1:
0xcf: {  	_ = 	snop;
	(pc) =	sbr.rel @p1 .LBB2_1-.Ltmp1, $3  }
0xd0: {  	_ =	sdelay $0x1  }
0xd1: {  	[sflag:s9] =	ssyncset.done @!p0 $0x0  }
0xd2: {  	[sflag:s9] =	ssyncadd.s32 @!p0 $0xFFFFD900  }
0xd3: {  	_ =	sfence.sel $0x180000  }
0xd4: {  	[bflag:$0x0] =	sbarrier.arrive $0xFFFF  }
0xd5: {  	_ =	strace $0x9000004A  }
0xd6: {  	s0 =	stileid.u32;
	[bflag:$0x2] =	sbarrier.arrive $0xFFFF  }
0xd7: {  	p0 =	sne.s32 s0, $0x0;
	s0 =	rddreg [dreg:$0x3]  }
0xd8: {  	s0 =	sadd.s32 @!p0 $0x100000, s0  }
0xd9: {  	[sflag:s0] =	ssyncadd.tile.s32 @!p0 $0x1;
	_ =	shalt  }
.Lfunc_end2:
_tile_overlayer_lowered:
.L_overlay_start_2:
0xda: {  	(tag) =	ssettag $0x2  }
0xdb: {  	s0 =	rddreg [dreg:$0x0];
	s2 =	stileid.u32  }
0xdc: {  	s1 =	rddreg [dreg:$0x1];
	p0 =	sne.s32 s2, $0x0  }
0xdd: {  	s3 =	rddreg [dreg:$0x2];
	[bflag:$0x3] =	sbarrier.arrive $0xFFFF;
	s2 =	simm.s32 @!p0 $0x1C0A  }
0xde: {  	[timem:s3], [sflag:s2] =	dma.local @!p0 [hbm:s0], s1  }
0xdf: {  	s0 =	simm.s32 @!p0 $0xA  }
0xe0: {  	_ =	swait.ge @!p0 [sflag:s0], s1  }
0xe1: {  	s1 =	ssub.s32 @!p0 $0x0, s1;
	[sflag:s0] =	ssyncset.done @!p0 $0x0  }
0xe2: {  	[sflag:s0] =	ssyncadd.s32 @!p0 s1  }
0xe3: {  	[bflag:$0x3] =	sbarrier.arrive $0xFFFF  }
0xe4: {  	_ =	shalt  }

// kernel: kernel.16.cloned.1.call-start
scs
__scs_entry_jumppad:
0x0: {  	(pc) =	sbr.rel $0x88, $3  }
0x1: {  	(tag) =	ssettag $0x0;
	lr =	simm.s32 $0x1  }
0x2: {  	[smem:$0x3F97] =	sst lr;
	_ =	strace $0xD0000000  }
0x3: {  	_ = 	snop  }
0x4: {  	_ = 	snop  }
0x5: {  	_ = 	snop  }
0x6: {  	_ = 	snop  }
0x7: {  	_ = 	snop  }
__scs_overlays_trampoline_lowered:
0x8: {  	[smem:$0x3FA6] =	sst s0  }
0x9: {  	[smem:$0x3FA7] =	sst s1  }
0xa: {  	[smem:$0x3FA8] =	sst s2  }
0xb: {  	[smem:$0x3FA9] =	sst s3  }
0xc: {  	[smem:$0x3FAA] =	sst s4  }
0xd: {  	[smem:$0x3FAB] =	sst s5  }
0xe: {  	[smem:$0x3FAC] =	sst s6  }
0xf: {  	[smem:$0x3FAD] =	sst s7  }
0x10: {  	[smem:$0x3FAE] =	sst s8  }
0x11: {  	[smem:$0x3FAF] =	sst s9;
	s0 =	simm.s32 @!p0 $0x0  }
0x12: {  	s1 =	sld [smem:$0x3F95];
	s0 =	simm.s32 @p0 $0x1  }
0x13: {  	[smem:$0x3FB0] =	sst s0;
	s0 =	simm.s32 @!p1 $0x0  }
0x14: {  	s2 =	sld [smem:$0x3F94];
	s0 =	simm.s32 @p1 $0x1  }
0x15: {  	[smem:$0x3FB1] =	sst s0;
	s0 =	simm.s32 @!p2 $0x0  }
0x16: {  	s3 =	sld [smem:$0x3FDB];
	s0 =	simm.s32 @p2 $0x1  }
0x17: {  	s4 =	simm.s32 $0x1BF5;
	[smem:$0x3FB3] =	sst s0  }
0x18: {  	s0 =	sld [smem:$0x3F96];
	_ =	swait.ge [sflag:s4], $0x0  }
0x19: {  	s7 =	sld [smem:$0x3F97]  }
0x1a: {  	s8 =	sadd.s32 $0xFFFFE003, lr  }
0x1b: {  	s9 =	sadd.s32 $0xFFFFFEF7, lr;
	s5 =	simm.s32 $0xFFFFFFFF;
	p2 =	slt.u32 s8, $0xFFFFF086  }
0x1c: {  	p1 =	slt.u32 s9, $0xF7A;
	s5 =	simm.s32 @!p2 $0x0  }
0x1d: {  	s5 =	simm.s32 @p1 $0x1;
	p0 =	seq.s32 s7, s2  }
0x1e: {  	s7 =	smul.u32 @!p0 $0xF7A, s2;
	p2 =	seq.s32 @!p0 s5, $0x0  }
0x1f: {  	s9 =	smul.u32 $0xF7A, s1;
	s8 =	simm.s32 @!p0 $0x1BF5;
	p2 =	por !p2, p0  }
0x20: {  	[sflag:s8] =	ssyncset.s32 @!p0 $0xFFFFF086;
	s6 =	sadd.s32 @!p0 s3, s7;
	s7 =	simm.s32 @!p0 $0x108  }
0x21: {  	s3 =	sadd.s32 s3, s9;
	s6 =	sadd.s32 @!p0 $0x88, s6;
	s7 =	simm.s32 @p2 $0x1082  }
0x22: {  	[simem:s7], [sflag:s8] =	dma.local @!p0 [hbm:s6], $0xF7A  }
0x23: {  	s9 =	sor.u32 $0xD0000000, s2;
	s6 =	simm.s32 $0x108;
	_ =	swait.ge @!p0 [sflag:s8], $0x0  }
0x24: {  	s3 =	sadd.s32 $0x88, s3;
	s6 =	simm.s32 @!p1 $0x1082;
	[sflag:s4] =	ssyncset.s32 $0xFFFFF086  }
0x25: {  	[simem:s6], [sflag:s4] =	dma.local [hbm:s3], $0xF7A  }
0x26: {  	[smem:$0x3F97] =	sst s1;
	(tag) =	ssettag s2;
	_ =	strace s9  }
0x27: {  	s1 =	sld [smem:$0x3FA7]  }
0x28: {  	s2 =	sld [smem:$0x3FA8]  }
0x29: {  	s4 =	sld [smem:$0x3FAA]  }
0x2a: {  	p0 =	seq.s32 s5, $0x0;
	s5 =	sld [smem:$0x3FAB]  }
0x2b: {  	s6 =	sld [smem:$0x3FAC]  }
0x2c: {  	s7 =	sld [smem:$0x3FAD]  }
0x2d: {  	s3 =	simm.s32 $0x108;
	s8 =	sld [smem:$0x3FAE]  }
0x2e: {  	s3 =	simm.s32 @!p0 $0x1082;
	s9 =	sld [smem:$0x3FAF]  }
0x2f: {  	lr =	sadd.s32 s0, s3;
	s0 =	sld [smem:$0x3FA6]  }
0x30: {  	s3 =	sld [smem:$0x3FA9]  }
0x31: {  	[smem:$0x3FB2] =	sst s10  }
0x32: {  	s10 =	sld [smem:$0x3FB0];
	_ =	sdelay $0x3  }
0x33: {  	p0 =	seq.s32 s10, $0x1;
	s10 =	sld [smem:$0x3FB2];
	_ =	sdelay $0x3  }
0x34: {  	[smem:$0x3FB2] =	sst s10  }
0x35: {  	s10 =	sld [smem:$0x3FB1];
	_ =	sdelay $0x3  }
0x36: {  	p1 =	seq.s32 s10, $0x1;
	s10 =	sld [smem:$0x3FB2];
	_ =	sdelay $0x3  }
0x37: {  	[smem:$0x3FB2] =	sst s10  }
0x38: {  	s10 =	sld [smem:$0x3FB3]  }
0x39: {  	_ = 	snop;
	(pc) =	sbr.ind lr, $3  }
0x3a: {  	_ = 	snop  }
0x3b: {  	_ = 	snop  }
0x3c: {  	p2 =	seq.s32 s10, $0x1;
	s10 =	sld [smem:$0x3FB2]  }
0x3d: {  	_ =	shalt  }
0x3e: {  	_ =	shalt  }
0x3f: {  	_ =	shalt  }
0x40: {  	_ =	shalt  }
0x41: {  	_ =	shalt  }
0x42: {  	_ =	shalt  }
0x43: {  	_ =	shalt  }
0x44: {  	_ =	shalt  }
0x45: {  	_ =	shalt  }
0x46: {  	_ =	shalt  }
0x47: {  	_ =	shalt  }
0x48: {  	_ =	shalt  }
0x49: {  	_ =	shalt  }
0x4a: {  	_ =	shalt  }
0x4b: {  	_ =	shalt  }
0x4c: {  	_ =	shalt  }
0x4d: {  	_ =	shalt  }
0x4e: {  	_ =	shalt  }
0x4f: {  	_ =	shalt  }
0x50: {  	_ =	shalt  }
0x51: {  	_ =	shalt  }
0x52: {  	_ =	shalt  }
0x53: {  	_ =	shalt  }
0x54: {  	_ =	shalt  }
0x55: {  	_ =	shalt  }
0x56: {  	_ =	shalt  }
0x57: {  	_ =	shalt  }
0x58: {  	_ =	shalt  }
0x59: {  	_ =	shalt  }
0x5a: {  	_ =	shalt  }
0x5b: {  	_ =	shalt  }
0x5c: {  	_ =	shalt  }
0x5d: {  	_ =	shalt  }
0x5e: {  	_ =	shalt  }
0x5f: {  	_ =	shalt  }
0x60: {  	_ =	shalt  }
0x61: {  	_ =	shalt  }
0x62: {  	_ =	shalt  }
0x63: {  	_ =	shalt  }
0x64: {  	_ =	shalt  }
0x65: {  	_ =	shalt  }
0x66: {  	_ =	shalt  }
0x67: {  	_ =	shalt  }
0x68: {  	_ =	shalt  }
0x69: {  	_ =	shalt  }
0x6a: {  	_ =	shalt  }
0x6b: {  	_ =	shalt  }
0x6c: {  	_ =	shalt  }
0x6d: {  	_ =	shalt  }
0x6e: {  	_ =	shalt  }
0x6f: {  	_ =	shalt  }
0x70: {  	_ =	shalt  }
0x71: {  	_ =	shalt  }
0x72: {  	_ =	shalt  }
0x73: {  	_ =	shalt  }
0x74: {  	_ =	shalt  }
0x75: {  	_ =	shalt  }
0x76: {  	_ =	shalt  }
0x77: {  	_ =	shalt  }
0x78: {  	_ =	shalt  }
0x79: {  	_ =	shalt  }
0x7a: {  	_ =	shalt  }
0x7b: {  	_ =	shalt  }
0x7c: {  	_ =	shalt  }
0x7d: {  	_ =	shalt  }
0x7e: {  	_ =	shalt  }
0x7f: {  	_ =	shalt  }
0x80: {  	_ =	shalt  }
0x81: {  	_ =	shalt  }
0x82: {  	_ =	shalt  }
0x83: {  	_ =	shalt  }
0x84: {  	_ =	shalt  }
0x85: {  	_ =	shalt  }
0x86: {  	_ =	shalt  }
0x87: {  	_ =	shalt  }
.Lfunc_end0:
.L_simem_size_0:
called_computation.2_lowered:
.L_overlay_start_0:
0x88: {  	s2 =	sld [smem:$0x3FD9]  }
0x89: {  	s3 =	sld [smem:$0x3FFE];
	_ =	sdelay $0x1  }
0x8a: {  	s1 =	srdreg.scid  }
0x8b: {  	s0 =	sand.u32 $0x1, s1  }
0x8c: {  	s17 =	sshll.u32 s0, $0xA;
	s2 =	sadd.s32 s3, s2  }
0x8d: {  	s2 =	sadd.s32 s2, s17  }
0x8e: {  	[smem:$0x3FBE] =	sst s2  }
0x8f: {  	_ = 	snop  }
0x90: {  	s2 =	sld [smem:$0x3FD0];
	(tm) =	ssettm $0x1  }
0x91: {  	s18 =	sld [smem:$0x3FFB];
	_ =	sdelay $0x3  }
0x92: {  	_ =	strace s18  }
0x93: {  	s3 =	sld [smem:$0x3FFC];
	_ =	sdelay $0x3  }
0x94: {  	_ =	strace s3  }
0x95: {  	s3 =	sld [smem:$0x3FFD];
	_ =	sdelay $0x3  }
0x96: {  	_ =	strace s3  }
0x97: {  	_ =	strace $0x8FFFFFFF  }
0x98: {  	s19 =	sld [smem:$0x3FDB];
	_ =	sdelay $0x1  }
0x99: {  	s4 =	simm.s32 $_scs_section_size  }
0x9a: {  	s5 =	simm.s32 $_size__tile_overlayer_lowered;
	s6 =	simm.s32 $_tile_overlayer_lowered  }
0x9b: {  	s22 =	simm.s32 $0x1BFF;
	s21 =	sshll.u32 s6, $0x1;
	s3 =	sadd.s32 s4, s19  }
0x9c: {  	s7 =	simm.s32 $0x0;
	s20 =	sshll.u32 s5, $0x1;
	s5 =	sadd.s32 s21, s3  }
0x9d: {  	[timem:s7], [sflag:s22] =	dma.local [hbm:s5], s20  }
0x9e: {  	_ =	swait.ge [sflag:s22], s20  }
0x9f: {  	s4 =	ssub.s32 $0x0, s20;
	[sflag:s22] =	ssyncset.done $0x0  }
0xa0: {  	[sflag:s22] =	ssyncadd.s32 s4;
	_ =	sdelay $0x1  }
0xa1: {  	s23 =	simm.s32 $0x1B8B  }
0xa2: {  	_ =	swait.ge [sflag:s23], $0x1  }
0xa3: {  	[sflag:s23] =	ssyncset.done $0x0  }
0xa4: {  	s25 =	simm.s32 $0x1B8E;
	s24 =	sld [smem:$0x3FFE];
	[sflag:s23] =	ssyncadd.s32 $0xFFFFFFFF  }
0xa5: {  	s26 =	simm.s32 $execute0_lowered;
	[smem:$0x3FD2] =	sst s25  }
0xa6: {  	s5 =	sshll.u32 s26, $0x1;
	_ =	strace $0x8000004C;
	[dreg:$0x1] =	wrdreg $0xFFFFFFFF  }
0xa7: {  	s28 =	simm.s32 $_size_execute0_lowered;
	s3 =	sadd.s32 s3, s5;
	[dreg:$0x0] =	wrdreg $0x0  }
0xa8: {  	s5 =	sshll.u32 s28, $0x1;
	[dreg:$0x2] =	wrdreg s3  }
0xa9: {  	[dreg:$0x3] =	wrdreg s5  }
0xaa: {  	[dreg:$0x4] =	wrdreg $0xC0  }
0xab: {  	_ =	task [dreg:s7], $0x5FFFF  }
0xac: {  	[dreg:$0x1] =	wrdreg $0xFFFFFFFF  }
0xad: {  	[dreg:$0x0] =	wrdreg $0x60  }
0xae: {  	[dreg:$0x2] =	wrdreg s2  }
0xaf: {  	[dreg:$0x3] =	wrdreg s24  }
0xb0: {  	[dreg:$0x4] =	wrdreg $0xA1000  }
0xb1: {  	[dreg:$0x5] =	wrdreg $0x9  }
0xb2: {  	_ =	task.clear_ibuf [dreg:s7], $0x6FFFF;
	_ =	strace $0x9000004C  }
0xb3: {  	s29 =	simm.s32 $0x9;
	_ =	strace $0x8000004E  }
0xb4: {  	_ =	swait.ge [sflag:s29], $0x1  }
0xb5: {  	[sflag:s29] =	ssyncadd.s32 $0xFFFFFFFF  }
0xb6: {  	_ =	strace $0x9000004E  }
0xb7: {  	_ =	sfence  }
0xb8: {  	s30 =	sld [smem:$0x0];
	_ =	sdelay $0x2  }
0xb9: {  	s31 =	sshll.u32 s1, $0xD;
	s1 =	sshrl.u32 s1, $0x2  }
0xba: {  	s3 =	sand.u32 $0x4000, s31;
	s1 =	sadd.s32 s1, s30  }
0xbb: {  	s0 =	sor.u32 s3, s0;
	s1 =	sshll.u32 s1, $0x11  }
0xbc: {  	s0 =	sor.u32 s1, s0  }
0xbd: {  	s0 =	sadd.s32 $0x8F2B, s0  }
0xbe: {  	[sflag:s0] =	ssyncadd.remote.s32 $0x1  }
0xbf: {  	_ =	sfence.sel $0xFFFF  }
0xc0: {  	[dreg:$0x0] =	wrdreg $0xFFFFFFFF;
	(pc) =	sbr.abs _section_cstart, $3  }
0xc1: {  	[dreg:$0x1] =	wrdreg $0xFFFFFFFF  }
0xc2: {  	_ =	task.clear_ibuf [dreg:s7], $0x2FFFF;
	_ =	strace $0x9FFFFFFF  }
0xc3: {  	(tm) =	ssettm $0x7FFFFFFF  }
tec
execute0_lowered:
.L_overlay_start_1:
0x0: {  	(tag) =	ssettag $0x1  }
0x1: {  	s1 =	rddreg [dreg:$0x0];
	s0 =	srdreg.scid  }
0x2: {  	s13 =	stileid.u32;
	s2 =	rddreg [dreg:$0x1]  }
0x3: {  	s3 =	rddreg [dreg:$0x2];
	s7 =	smul.u32 $0x2700, s13  }
0x4: {  	s28 =	simm.s32 $0x2800;
	s29 =	simm.s32 $0x5100;
	s10 =	smul.u32 $0x4E000, s13  }
0x5: {  	s30 =	simm.s32 $0x4;
	s31 =	simm.s32 $0x1;
	s19 =	smul.u32 $0x13800, s13  }
0x6: {  	s14 =	simm.s32 $0x0;
	s0 =	sand.u32 $0x1, s0;
	s22 =	smul.u32 $0x4E20, s13  }
0x7: {  	s4 =	sshll.u32 s13, $0x1;
	s12 =	sadd.s32 $0x3DC00, s2;
	s16 =	smul.u32 $0x138800, s0  }
0x8: {  	s5 =	sor.u32 s0, s4;
	s9 =	ssub.s32 $0x2, s0;
	s0 =	smul.u32 $0x2710, s0  }
0x9: {  	p0 =	seq.s32 s13, $0xF;
	s4 =	simm.s32 $0x0;
	s5 =	smul.u32 $0x2710, s5  }
0xa: {  	[smem:$0x7FF] =	sst s4;
	s7 =	sadd.s32 s7, s2;
	s11 =	sshrl.u32 s9, $0x1  }
0xb: {  	s10 =	sshrl.u32 s10, $0x2;
	_ =	strace $0x8000004D;
	s9 =	ssub.s32 s9, s11  }
0xc: {  	s10 =	sadd.s32 s10, s3;
	s7 =	sadd.s32 $0x16A00, s7;
	s0 =	sadd.s32 s0, s22  }
0xd: {  	s11 =	simm.s32 $0x3;
	s6 =	sshrl.u32 s5, $0x3;
	[dreg:$0x4] =	wrdreg s10  }
0xe: {  	s5 =	sadd.s32 $0xCC00, s2;
	[dreg:$0x5] =	wrdreg s7;
	s23 =	smax.u32 s9, $0x1  }
0xf: {  	s8 =	sadd.s32 s6, s2;
	s2 =	sadd.s32 $0x3B300, s2;
	[dreg:$0xf] =	wrdreg s23  }
0x10: {  	s7 =	sadd.s32 $0x124800, s3;
	s15 =	sadd.s32 s5, s6;
	[dreg:$0x6] =	wrdreg s2  }
0x11: {  	s24 =	sadd.s32 $0x190, s0;
	s17 =	sadd.s32 $0x2E00, s8;
	[dreg:$0x7] =	wrdreg s15  }
0x12: {  	s25 =	sadd.s32 $0x140, s0;
	s18 =	sadd.s32 $0xA, s15;
	[dreg:$0x8] =	wrdreg s17  }
0x13: {  	s6 =	sadd.s32 s19, s16;
	s20 =	sadd.s32 $0x14, s15;
	[dreg:$0x9] =	wrdreg s18  }
0x14: {  	s21 =	sadd.s32 $0x4CE, s15;
	s2 =	sshrl.u32 s16, $0x3;
	[dreg:$0xa] =	wrdreg s20  }
0x15: {  	s10 =	sadd.s32 $0x4D8, s15;
	s6 =	sshrl.u32 s6, $0x3;
	[dreg:$0xb] =	wrdreg s21  }
0x16: {  	s8 =	simm.s32 $0x7;
	[dreg:$0xc] =	wrdreg s10;
	s2 =	sadd.s32 s12, s2  }
0x17: {  	s6 =	sadd.s32 s12, s6;
	s20 =	sadd.s32 $0xF0, s0;
	s21 =	sshrl.u32 @p0 s7, $0x3  }
0x18: {  	s0 =	simm.s32 $0x7900;
	s7 =	simm.s32 $0x2;
	s10 =	simm.s32 $0x6  }
0x19: {  	s12 =	simm.s32 $0x8;
	[dreg:$0xd] =	wrdreg s6;
	s2 =	sadd.s32 $0x24900, s2  }
0x1a: {  	s6 =	sshrl.u32 s25, $0x3;
	s25 =	simm.s32 $0x50;
	[dreg:$0xe] =	wrdreg s2  }
0x1b: {  	s2 =	sshrl.u32 s24, $0x3;
	s26 =	sadd.s32 s6, s5;
	s24 =	simm.s32 $0x2780  }
0x1c: {  	s6 =	simm.s32 $0x5;
	s2 =	sadd.s32 s2, s5;
	[dreg:$0x11] =	wrdreg s26  }
0x1d: {  	s26 =	simm.s32 $0x2900;
	[dreg:$0x10] =	wrdreg s2;
	s2 =	sshll.u32 @!p0 s13, $0x6  }
0x1e: {  	s13 =	simm.s32 $0x9;
	s22 =	sor.u32 @!p0 $0x1C0A, s2;
	s2 =	simm.s32 $0x2880  }
.LBB2_1:
0x1f: {  	s9 =	simm.s32 @p0 $0x1FCA;
	s15 =	rddreg [dreg:$0x6]  }
0x20: {  	[spmem:s21], [sflag:s9] =	dma.local @p0 [hbm:s15], $0x2800  }
0x21: {  	s9 =	simm.s32 @p0 $0xA  }
0x22: {  	_ =	swait.ge @p0 [sflag:s9], $0x2800  }
0x23: {  	[sflag:s9] =	ssyncset.done @p0 $0x0  }
0x24: {  	[sflag:s9] =	ssyncadd.s32 @p0 $0xFFFFD800;
	s9 =	rddreg [dreg:$0x4]  }
0x25: {  	s15 =	sshrl.u32 @!p0 s9, $0x3;
	s9 =	rddreg [dreg:$0x5]  }
0x26: {  	[spmem:s15], [sflag:s22] =	dma.local @!p0 [hbm:s9], $0x2700  }
0x27: {  	s9 =	simm.s32 @!p0 $0xA  }
0x28: {  	_ =	swait.ge @!p0 [sflag:s9], $0x2700  }
0x29: {  	[sflag:s9] =	ssyncset.done @!p0 $0x0  }
0x2a: {  	s16 =	simm.s32 $0xA;
	s23 =	rddreg [dreg:$0x8];
	[sflag:s9] =	ssyncadd.s32 @!p0 $0xFFFFD900  }
0x2b: {  	[tilespmem:s4], [sflag:$0xA] =	stream.linear.gather [hbm4b:s23+s4], $0x2710, $0x38;
	[tilespmem:$0x1D980] =	vst v63  }
0x2c: {  	_ =	swait.ge [sflag:s16], $0x2710  }
0x2d: {  	[sflag:s16] =	ssyncset.done $0x0  }
0x2e: {  	[sflag:s16] =	ssyncadd.s32 $0xFFFFD8F0  }
0x2f: {  	[bflag:$0x0] =	sbarrier.arrive $0xFFFF  }
0x30: {  	s17 =	rddreg [dreg:$0x7]  }
0x31: {  	[tilespmem:s24], [sflag:$0x1] =	stream.linear.gather [hbm4b:s17+s4], $0x50, $0x38;
	[tilespmem:$0x1D980] =	vst v63  }
0x32: {  	_ = 	snop  }
0x33: {  	[tilespmem:s26], [sflag:$0x4] =	stream.indirect.gather [hbm4b:s1+s25], $0x80, s4, s25, $0xb8;
	[tilespmem:$0x1D980] =	vst v63  }
0x34: {  	s18 =	rddreg [dreg:$0x9]  }
0x35: {  	[tilespmem:s28], [sflag:$0x2] =	stream.linear.gather [hbm4b:s18+s4], $0x50, $0x38;
	[tilespmem:$0x1D980] =	vst v63  }
0x36: {  	_ = 	snop  }
0x37: {  	[tilespmem:s29], [sflag:$0x5] =	stream.indirect.gather [hbm4b:s1+s25], $0x80, s25, s25, $0xb8;
	[tilespmem:$0x1D980] =	vst v63  }
0x38: {  	_ =	swait.ge [sflag:s30], $0x2800  }
0x39: {  	[sflag:s30] =	ssyncset.done $0x0  }
0x3a: {  	[sflag:s30] =	ssyncadd.s32 $0xFFFFD800  }
0x3b: {  	_ =	swait.ge [sflag:s31], $0x50  }
0x3c: {  	[sflag:s31] =	ssyncset.done $0x0  }
0x3d: {  	[sflag:s31] =	ssyncadd.s32 $0xFFFFFFB0  }
0x3e: {  	[spmem:s3] =	stream.indirect.scatter.add.f32 [tilespmem:s26], [sflag:$0x7], $0x80, s24, s25, $0xb8;
	[tilespmem:$0x1D980] =	vst v63  }
0x3f: {  	s19 =	rddreg [dreg:$0xa]  }
0x40: {  	[tilespmem:s2], [sflag:$0x3] =	stream.linear.gather [hbm4b:s19+s4], $0x50, $0x38;
	[tilespmem:$0x1D980] =	vst v63  }
0x41: {  	s23 =	simm.s32 $0xA0  }
0x42: {  	[tilespmem:s0], [sflag:$0x6] =	stream.indirect.gather [hbm4b:s1+s25], $0x80, s23, s25, $0xb8;
	[tilespmem:$0x1D980] =	vst v63  }
0x43: {  	_ =	swait.ge [sflag:s6], $0x2800  }
0x44: {  	[sflag:s6] =	ssyncset.done $0x0  }
0x45: {  	[sflag:s6] =	ssyncadd.s32 $0xFFFFD800  }
0x46: {  	_ =	swait.ge [sflag:s7], $0x50  }
0x47: {  	[sflag:s7] =	ssyncset.done $0x0  }
0x48: {  	[sflag:s7] =	ssyncadd.s32 $0xFFFFFFB0  }
0x49: {  	[spmem:s3] =	stream.indirect.scatter.add.f32 [tilespmem:s29], [sflag:$0x8], $0x80, s28, s25, $0xb8;
	[tilespmem:$0x1D980] =	vst v63  }
0x4a: {  	_ =	swait.ge [sflag:s8], $0x2800  }
0x4b: {  	s16 =	sshrl.u32 s20, $0x3;
	[sflag:s8] =	ssyncset.done $0x0  }
0x4c: {  	s9 =	sadd.s32 s5, s16;
	[sflag:s8] =	ssyncadd.s32 $0xFFFFD800  }
0x4d: {  	[tilespmem:s24], [sflag:$0x1] =	stream.linear.gather [hbm4b:s9+s4], $0x50, $0x38;
	[tilespmem:$0x1D980] =	vst v63  }
0x4e: {  	s17 =	simm.s32 $0xF0  }
0x4f: {  	[tilespmem:s26], [sflag:$0x4] =	stream.indirect.gather [hbm4b:s1+s25], $0x80, s17, s25, $0xb8;
	[tilespmem:$0x1D980] =	vst v63  }
0x50: {  	_ =	swait.ge [sflag:s10], $0x2800  }
0x51: {  	[sflag:s10] =	ssyncset.done $0x0  }
0x52: {  	[sflag:s10] =	ssyncadd.s32 $0xFFFFD800  }
0x53: {  	_ =	swait.ge [sflag:s11], $0x50  }
0x54: {  	[sflag:s11] =	ssyncset.done $0x0  }
0x55: {  	[sflag:s11] =	ssyncadd.s32 $0xFFFFFFB0  }
0x56: {  	[spmem:s3] =	stream.indirect.scatter.add.f32 [tilespmem:s0], [sflag:$0x9], $0x80, s2, s25, $0xb8;
	[tilespmem:$0x1D980] =	vst v63  }
0x57: {  	_ =	swait.ge [sflag:s12], $0x2800  }
0x58: {  	[sflag:s12] =	ssyncset.done $0x0  }
0x59: {  	s19 =	rddreg [dreg:$0x11];
	[sflag:s12] =	ssyncadd.s32 $0xFFFFD800  }
0x5a: {  	[tilespmem:s28], [sflag:$0x2] =	stream.linear.gather [hbm4b:s19+s4], $0x50, $0x38;
	[tilespmem:$0x1D980] =	vst v63  }
0x5b: {  	s18 =	simm.s32 $0x140  }
0x5c: {  	[tilespmem:s29], [sflag:$0x5] =	stream.indirect.gather [hbm4b:s1+s25], $0x80, s18, s25, $0xb8;
	[tilespmem:$0x1D980] =	vst v63  }
0x5d: {  	_ =	swait.ge [sflag:s30], $0x2800  }
0x5e: {  	[sflag:s30] =	ssyncset.done $0x0  }
0x5f: {  	[sflag:s30] =	ssyncadd.s32 $0xFFFFD800  }
0x60: {  	_ =	swait.ge [sflag:s31], $0x50  }
0x61: {  	[sflag:s31] =	ssyncset.done $0x0  }
0x62: {  	[sflag:s31] =	ssyncadd.s32 $0xFFFFFFB0  }
0x63: {  	[spmem:s3] =	stream.indirect.scatter.add.f32 [tilespmem:s26], [sflag:$0x7], $0x80, s24, s25, $0xb8;
	[tilespmem:$0x1D980] =	vst v63  }
0x64: {  	_ =	swait.ge [sflag:s13], $0x2800  }
0x65: {  	[sflag:s13] =	ssyncset.done $0x0  }
0x66: {  	s18 =	rddreg [dreg:$0x10];
	[sflag:s13] =	ssyncadd.s32 $0xFFFFD800  }
0x67: {  	[tilespmem:s2], [sflag:$0x3] =	stream.linear.gather [hbm4b:s18+s4], $0x50, $0x38;
	[tilespmem:$0x1D980] =	vst v63  }
0x68: {  	s23 =	simm.s32 $0x190  }
0x69: {  	[tilespmem:s0], [sflag:$0x6] =	stream.indirect.gather [hbm4b:s1+s25], $0x80, s23, s25, $0xb8;
	[tilespmem:$0x1D980] =	vst v63  }
0x6a: {  	_ =	swait.ge [sflag:s6], $0x2800  }
0x6b: {  	[sflag:s6] =	ssyncset.done $0x0  }
0x6c: {  	[sflag:s6] =	ssyncadd.s32 $0xFFFFD800  }
0x6d: {  	_ =	swait.ge [sflag:s7], $0x50  }
0x6e: {  	s16 =	simm.s32 $0x3C0;
	s17 =	sadd.s32 $0xF0, s20;
	[sflag:s7] =	ssyncset.done $0x0  }
0x6f: {  	s9 =	sadd.s32 $0x1E, s18;
	s23 =	sadd.s32 $0x1E, s19;
	[sflag:s7] =	ssyncadd.s32 $0xFFFFFFB0  }
.LBB2_2:
0x70: {  	[spmem:s3] =	stream.indirect.scatter.add.f32 [tilespmem:s29], [sflag:$0x8], $0x80, s28, s25, $0xb8;
	[tilespmem:$0x1D980] =	vst v63  }
0x71: {  	s18 =	smov.u32 s16  }
0x72: {  	p1 =	sne.s32 s16, $0x9240;
	s16 =	sadd.s32 $0x3C0, s16;
	_ =	swait.ge [sflag:s8], $0x2800  }
0x73: {  	s19 =	sshrl.u32 s17, $0x3;
	[sflag:s8] =	ssyncset.done $0x0  }
0x74: {  	s19 =	sadd.s32 s5, s19;
	s18 =	sshra.s32 s18, $0x2;
	[sflag:s8] =	ssyncadd.s32 $0xFFFFD800  }
0x75: {  	[tilespmem:s24], [sflag:$0x1] =	stream.linear.gather [hbm4b:s19+s4], $0x50, $0x38;
	[tilespmem:$0x1D980] =	vst v63  }
0x76: {  	s19 =	sadd.s32 $0xF0, s18  }
0x77: {  	[tilespmem:s26], [sflag:$0x4] =	stream.indirect.gather [hbm4b:s1+s25], $0x80, s19, s25, $0xb8;
	[tilespmem:$0x1D980] =	vst v63  }
0x78: {  	_ =	swait.ge [sflag:s10], $0x2800  }
0x79: {  	[sflag:s10] =	ssyncset.done $0x0  }
0x7a: {  	[sflag:s10] =	ssyncadd.s32 $0xFFFFD800  }
0x7b: {  	_ =	swait.ge [sflag:s11], $0x50  }
0x7c: {  	[sflag:s11] =	ssyncset.done $0x0  }
0x7d: {  	[sflag:s11] =	ssyncadd.s32 $0xFFFFFFB0  }
0x7e: {  	[spmem:s3] =	stream.indirect.scatter.add.f32 [tilespmem:s0], [sflag:$0x9], $0x80, s2, s25, $0xb8;
	[tilespmem:$0x1D980] =	vst v63  }
0x7f: {  	_ =	swait.ge [sflag:s12], $0x2800  }
0x80: {  	[sflag:s12] =	ssyncset.done $0x0  }
0x81: {  	[sflag:s12] =	ssyncadd.s32 $0xFFFFD800  }
0x82: {  	[tilespmem:s28], [sflag:$0x2] =	stream.linear.gather [hbm4b:s23+s4], $0x50, $0x38;
	[tilespmem:$0x1D980] =	vst v63  }
0x83: {  	s19 =	sadd.s32 $0x140, s18  }
0x84: {  	[tilespmem:s29], [sflag:$0x5] =	stream.indirect.gather [hbm4b:s1+s25], $0x80, s19, s25, $0xb8;
	[tilespmem:$0x1D980] =	vst v63  }
0x85: {  	_ =	swait.ge [sflag:s30], $0x2800  }
0x86: {  	[sflag:s30] =	ssyncset.done $0x0  }
0x87: {  	[sflag:s30] =	ssyncadd.s32 $0xFFFFD800  }
0x88: {  	_ =	swait.ge [sflag:s31], $0x50  }
0x89: {  	[sflag:s31] =	ssyncset.done $0x0  }
0x8a: {  	[sflag:s31] =	ssyncadd.s32 $0xFFFFFFB0  }
0x8b: {  	[spmem:s3] =	stream.indirect.scatter.add.f32 [tilespmem:s26], [sflag:$0x7], $0x80, s24, s25, $0xb8;
	[tilespmem:$0x1D980] =	vst v63  }
0x8c: {  	_ =	swait.ge [sflag:s13], $0x2800  }
0x8d: {  	[sflag:s13] =	ssyncset.done $0x0  }
0x8e: {  	[sflag:s13] =	ssyncadd.s32 $0xFFFFD800  }
0x8f: {  	[tilespmem:s2], [sflag:$0x3] =	stream.linear.gather [hbm4b:s9+s4], $0x50, $0x38;
	[tilespmem:$0x1D980] =	vst v63  }
0x90: {  	s18 =	sadd.s32 $0x190, s18  }
0x91: {  	[tilespmem:s0], [sflag:$0x6] =	stream.indirect.gather [hbm4b:s1+s25], $0x80, s18, s25, $0xb8;
	[tilespmem:$0x1D980] =	vst v63  }
0x92: {  	_ =	swait.ge [sflag:s6], $0x2800  }
.Ltmp0:
0x93: {  	[sflag:s6] =	ssyncset.done $0x0;
	(pc) =	sbr.rel @p1 .LBB2_2-.Ltmp0, $4  }
0x94: {  	[sflag:s6] =	ssyncadd.s32 $0xFFFFD800  }
0x95: {  	_ =	swait.ge [sflag:s7], $0x50  }
0x96: {  	s17 =	sadd.s32 $0xF0, s17;
	[sflag:s7] =	ssyncset.done $0x0  }
0x97: {  	s23 =	sadd.s32 $0x1E, s23;
	s9 =	sadd.s32 $0x1E, s9;
	[sflag:s7] =	ssyncadd.s32 $0xFFFFFFB0  }
0x98: {  	[spmem:s3] =	stream.indirect.scatter.add.f32 [tilespmem:s29], [sflag:$0x8], $0x80, s28, s25, $0xb8;
	[tilespmem:$0x1D980] =	vst v63  }
0x99: {  	_ =	swait.ge [sflag:s8], $0x2800  }
0x9a: {  	[sflag:s8] =	ssyncset.done $0x0  }
0x9b: {  	s9 =	rddreg [dreg:$0xb];
	[sflag:s8] =	ssyncadd.s32 $0xFFFFD800  }
0x9c: {  	[tilespmem:s24], [sflag:$0x1] =	stream.linear.gather [hbm4b:s9+s4], $0x50, $0x38;
	[tilespmem:$0x1D980] =	vst v63  }
0x9d: {  	s17 =	simm.s32 $0x2670  }
0x9e: {  	[tilespmem:s26], [sflag:$0x4] =	stream.indirect.gather [hbm4b:s1+s25], $0x80, s17, s25, $0xb8;
	[tilespmem:$0x1D980] =	vst v63  }
0x9f: {  	_ =	swait.ge [sflag:s10], $0x2800  }
0xa0: {  	[sflag:s10] =	ssyncset.done $0x0  }
0xa1: {  	[sflag:s10] =	ssyncadd.s32 $0xFFFFD800  }
0xa2: {  	_ =	swait.ge [sflag:s11], $0x50  }
0xa3: {  	[sflag:s11] =	ssyncset.done $0x0  }
0xa4: {  	[sflag:s11] =	ssyncadd.s32 $0xFFFFFFB0  }
0xa5: {  	[spmem:s3] =	stream.indirect.scatter.add.f32 [tilespmem:s0], [sflag:$0x9], $0x80, s2, s25, $0xb8;
	[tilespmem:$0x1D980] =	vst v63  }
0xa6: {  	_ =	swait.ge [sflag:s12], $0x2800  }
0xa7: {  	[sflag:s12] =	ssyncset.done $0x0  }
0xa8: {  	s18 =	rddreg [dreg:$0xc];
	[sflag:s12] =	ssyncadd.s32 $0xFFFFD800  }
0xa9: {  	[tilespmem:s28], [sflag:$0x2] =	stream.linear.gather [hbm4b:s18+s4], $0x50, $0x38;
	[tilespmem:$0x1D980] =	vst v63  }
0xaa: {  	s19 =	simm.s32 $0x26C0  }
0xab: {  	[tilespmem:s29], [sflag:$0x5] =	stream.indirect.gather [hbm4b:s1+s25], $0x80, s19, s25, $0xb8;
	[tilespmem:$0x1D980] =	vst v63  }
0xac: {  	_ =	swait.ge [sflag:s30], $0x2800  }
0xad: {  	[sflag:s30] =	ssyncset.done $0x0  }
0xae: {  	[sflag:s30] =	ssyncadd.s32 $0xFFFFD800  }
0xaf: {  	_ =	swait.ge [sflag:s31], $0x50  }
0xb0: {  	[sflag:s31] =	ssyncset.done $0x0  }
0xb1: {  	[sflag:s31] =	ssyncadd.s32 $0xFFFFFFB0  }
0xb2: {  	[spmem:s3] =	stream.indirect.scatter.add.f32 [tilespmem:s26], [sflag:$0x7], $0x80, s24, s25, $0xb8;
	[tilespmem:$0x1D980] =	vst v63  }
0xb3: {  	_ =	swait.ge [sflag:s6], $0x2800  }
0xb4: {  	[sflag:s6] =	ssyncset.done $0x0  }
0xb5: {  	[sflag:s6] =	ssyncadd.s32 $0xFFFFD800  }
0xb6: {  	_ =	swait.ge [sflag:s7], $0x50  }
0xb7: {  	[sflag:s7] =	ssyncset.done $0x0  }
0xb8: {  	[sflag:s7] =	ssyncadd.s32 $0xFFFFFFB0  }
0xb9: {  	[spmem:s3] =	stream.indirect.scatter.add.f32 [tilespmem:s29], [sflag:$0x8], $0x80, s28, s25, $0xb8;
	[tilespmem:$0x1D980] =	vst v63  }
0xba: {  	_ =	swait.ge [sflag:s8], $0x2800  }
0xbb: {  	[sflag:s8] =	ssyncset.done $0x0  }
0xbc: {  	[sflag:s8] =	ssyncadd.s32 $0xFFFFD800  }
0xbd: {  	_ =	swait.ge [sflag:s12], $0x2800  }
0xbe: {  	[sflag:s12] =	ssyncset.done $0x0  }
0xbf: {  	[sflag:s12] =	ssyncadd.s32 $0xFFFFD800  }
0xc0: {  	_ =	swait.ge [sflag:s13], $0x2800  }
0xc1: {  	[sflag:s13] =	ssyncset.done $0x0  }
0xc2: {  	[sflag:s13] =	ssyncadd.s32 $0xFFFFD800  }
0xc3: {  	[bflag:$0x0] =	sbarrier.arrive $0xFFFF  }
0xc4: {  	s9 =	simm.s32 @p0 $0x1FCA;
	s16 =	rddreg [dreg:$0xe]  }
0xc5: {  	[hbm:s16], [sflag:s9] =	dma.local @p0 [spmem:s21], $0x2800  }
0xc6: {  	s9 =	simm.s32 @p0 $0xA  }
0xc7: {  	_ =	swait.ge @p0 [sflag:s9], $0x2800  }
0xc8: {  	[sflag:s9] =	ssyncset.done @p0 $0x0  }
0xc9: {  	[sflag:s9] =	ssyncadd.s32 @p0 $0xFFFFD800;
	s9 =	rddreg [dreg:$0xd]  }
0xca: {  	[hbm:s9], [sflag:s22] =	dma.local @!p0 [spmem:s15], $0x2700  }
0xcb: {  	s9 =	simm.s32 @!p0 $0xA  }
0xcc: {  	_ =	swait.ge @!p0 [sflag:s9], $0x2700  }
0xcd: {  	s14 =	sadd.s32 $0x1, s14;
	s23 =	rddreg [dreg:$0xf]  }
0xce: {  	p1 =	sne.s32 s14, s23  }
.Ltmp1:
0xcf: {  	_ = 	snop;
	(pc) =	sbr.rel @p1 .LBB2_1-.Ltmp1, $3  }
0xd0: {  	_ =	sdelay $0x1  }
0xd1: {  	[sflag:s9] =	ssyncset.done @!p0 $0x0  }
0xd2: {  	[sflag:s9] =	ssyncadd.s32 @!p0 $0xFFFFD900  }
0xd3: {  	_ =	sfence.sel $0x180000  }
0xd4: {  	[bflag:$0x0] =	sbarrier.arrive $0xFFFF  }
0xd5: {  	_ =	strace $0x9000004D  }
0xd6: {  	s0 =	stileid.u32;
	[bflag:$0x2] =	sbarrier.arrive $0xFFFF  }
0xd7: {  	p0 =	sne.s32 s0, $0x0;
	s0 =	rddreg [dreg:$0x3]  }
0xd8: {  	s0 =	sadd.s32 @!p0 $0x100000, s0  }
0xd9: {  	[sflag:s0] =	ssyncadd.tile.s32 @!p0 $0x1;
	_ =	shalt  }
.Lfunc_end2:
_tile_overlayer_lowered:
.L_overlay_start_2:
0xda: {  	(tag) =	ssettag $0x2  }
0xdb: {  	s0 =	rddreg [dreg:$0x0];
	s2 =	stileid.u32  }
0xdc: {  	s1 =	rddreg [dreg:$0x1];
	p0 =	sne.s32 s2, $0x0  }
0xdd: {  	s3 =	rddreg [dreg:$0x2];
	[bflag:$0x3] =	sbarrier.arrive $0xFFFF;
	s2 =	simm.s32 @!p0 $0x1C0A  }
0xde: {  	[timem:s3], [sflag:s2] =	dma.local @!p0 [hbm:s0], s1  }
0xdf: {  	s0 =	simm.s32 @!p0 $0xA  }
0xe0: {  	_ =	swait.ge @!p0 [sflag:s0], s1  }
0xe1: {  	s1 =	ssub.s32 @!p0 $0x0, s1;
	[sflag:s0] =	ssyncset.done @!p0 $0x0  }
0xe2: {  	[sflag:s0] =	ssyncadd.s32 @!p0 s1  }
0xe3: {  	[bflag:$0x3] =	sbarrier.arrive $0xFFFF  }
0xe4: {  	_ =	shalt  }

// kernel: kernel.19.cloned.1.call-start
scs
__scs_entry_jumppad:
0x0: {  	(pc) =	sbr.rel $0x88, $3  }
0x1: {  	(tag) =	ssettag $0x0;
	lr =	simm.s32 $0x1  }
0x2: {  	[smem:$0x3F97] =	sst lr;
	_ =	strace $0xD0000000  }
0x3: {  	_ = 	snop  }
0x4: {  	_ = 	snop  }
0x5: {  	_ = 	snop  }
0x6: {  	_ = 	snop  }
0x7: {  	_ = 	snop  }
__scs_overlays_trampoline_lowered:
0x8: {  	[smem:$0x3FA6] =	sst s0  }
0x9: {  	[smem:$0x3FA7] =	sst s1  }
0xa: {  	[smem:$0x3FA8] =	sst s2  }
0xb: {  	[smem:$0x3FA9] =	sst s3  }
0xc: {  	[smem:$0x3FAA] =	sst s4  }
0xd: {  	[smem:$0x3FAB] =	sst s5  }
0xe: {  	[smem:$0x3FAC] =	sst s6  }
0xf: {  	[smem:$0x3FAD] =	sst s7  }
0x10: {  	[smem:$0x3FAE] =	sst s8  }
0x11: {  	[smem:$0x3FAF] =	sst s9;
	s0 =	simm.s32 @!p0 $0x0  }
0x12: {  	s1 =	sld [smem:$0x3F95];
	s0 =	simm.s32 @p0 $0x1  }
0x13: {  	[smem:$0x3FB0] =	sst s0;
	s0 =	simm.s32 @!p1 $0x0  }
0x14: {  	s2 =	sld [smem:$0x3F94];
	s0 =	simm.s32 @p1 $0x1  }
0x15: {  	[smem:$0x3FB1] =	sst s0;
	s0 =	simm.s32 @!p2 $0x0  }
0x16: {  	s3 =	sld [smem:$0x3FDB];
	s0 =	simm.s32 @p2 $0x1  }
0x17: {  	s4 =	simm.s32 $0x1BF5;
	[smem:$0x3FB3] =	sst s0  }
0x18: {  	s0 =	sld [smem:$0x3F96];
	_ =	swait.ge [sflag:s4], $0x0  }
0x19: {  	s7 =	sld [smem:$0x3F97]  }
0x1a: {  	s8 =	sadd.s32 $0xFFFFE003, lr  }
0x1b: {  	s9 =	sadd.s32 $0xFFFFFEF7, lr;
	s5 =	simm.s32 $0xFFFFFFFF;
	p2 =	slt.u32 s8, $0xFFFFF086  }
0x1c: {  	p1 =	slt.u32 s9, $0xF7A;
	s5 =	simm.s32 @!p2 $0x0  }
0x1d: {  	s5 =	simm.s32 @p1 $0x1;
	p0 =	seq.s32 s7, s2  }
0x1e: {  	s7 =	smul.u32 @!p0 $0xF7A, s2;
	p2 =	seq.s32 @!p0 s5, $0x0  }
0x1f: {  	s9 =	smul.u32 $0xF7A, s1;
	s8 =	simm.s32 @!p0 $0x1BF5;
	p2 =	por !p2, p0  }
0x20: {  	[sflag:s8] =	ssyncset.s32 @!p0 $0xFFFFF086;
	s6 =	sadd.s32 @!p0 s3, s7;
	s7 =	simm.s32 @!p0 $0x108  }
0x21: {  	s3 =	sadd.s32 s3, s9;
	s6 =	sadd.s32 @!p0 $0x88, s6;
	s7 =	simm.s32 @p2 $0x1082  }
0x22: {  	[simem:s7], [sflag:s8] =	dma.local @!p0 [hbm:s6], $0xF7A  }
0x23: {  	s9 =	sor.u32 $0xD0000000, s2;
	s6 =	simm.s32 $0x108;
	_ =	swait.ge @!p0 [sflag:s8], $0x0  }
0x24: {  	s3 =	sadd.s32 $0x88, s3;
	s6 =	simm.s32 @!p1 $0x1082;
	[sflag:s4] =	ssyncset.s32 $0xFFFFF086  }
0x25: {  	[simem:s6], [sflag:s4] =	dma.local [hbm:s3], $0xF7A  }
0x26: {  	[smem:$0x3F97] =	sst s1;
	(tag) =	ssettag s2;
	_ =	strace s9  }
0x27: {  	s1 =	sld [smem:$0x3FA7]  }
0x28: {  	s2 =	sld [smem:$0x3FA8]  }
0x29: {  	s4 =	sld [smem:$0x3FAA]  }
0x2a: {  	p0 =	seq.s32 s5, $0x0;
	s5 =	sld [smem:$0x3FAB]  }
0x2b: {  	s6 =	sld [smem:$0x3FAC]  }
0x2c: {  	s7 =	sld [smem:$0x3FAD]  }
0x2d: {  	s3 =	simm.s32 $0x108;
	s8 =	sld [smem:$0x3FAE]  }
0x2e: {  	s3 =	simm.s32 @!p0 $0x1082;
	s9 =	sld [smem:$0x3FAF]  }
0x2f: {  	lr =	sadd.s32 s0, s3;
	s0 =	sld [smem:$0x3FA6]  }
0x30: {  	s3 =	sld [smem:$0x3FA9]  }
0x31: {  	[smem:$0x3FB2] =	sst s10  }
0x32: {  	s10 =	sld [smem:$0x3FB0];
	_ =	sdelay $0x3  }
0x33: {  	p0 =	seq.s32 s10, $0x1;
	s10 =	sld [smem:$0x3FB2];
	_ =	sdelay $0x3  }
0x34: {  	[smem:$0x3FB2] =	sst s10  }
0x35: {  	s10 =	sld [smem:$0x3FB1];
	_ =	sdelay $0x3  }
0x36: {  	p1 =	seq.s32 s10, $0x1;
	s10 =	sld [smem:$0x3FB2];
	_ =	sdelay $0x3  }
0x37: {  	[smem:$0x3FB2] =	sst s10  }
0x38: {  	s10 =	sld [smem:$0x3FB3]  }
0x39: {  	_ = 	snop;
	(pc) =	sbr.ind lr, $3  }
0x3a: {  	_ = 	snop  }
0x3b: {  	_ = 	snop  }
0x3c: {  	p2 =	seq.s32 s10, $0x1;
	s10 =	sld [smem:$0x3FB2]  }
0x3d: {  	_ =	shalt  }
0x3e: {  	_ =	shalt  }
0x3f: {  	_ =	shalt  }
0x40: {  	_ =	shalt  }
0x41: {  	_ =	shalt  }
0x42: {  	_ =	shalt  }
0x43: {  	_ =	shalt  }
0x44: {  	_ =	shalt  }
0x45: {  	_ =	shalt  }
0x46: {  	_ =	shalt  }
0x47: {  	_ =	shalt  }
0x48: {  	_ =	shalt  }
0x49: {  	_ =	shalt  }
0x4a: {  	_ =	shalt  }
0x4b: {  	_ =	shalt  }
0x4c: {  	_ =	shalt  }
0x4d: {  	_ =	shalt  }
0x4e: {  	_ =	shalt  }
0x4f: {  	_ =	shalt  }
0x50: {  	_ =	shalt  }
0x51: {  	_ =	shalt  }
0x52: {  	_ =	shalt  }
0x53: {  	_ =	shalt  }
0x54: {  	_ =	shalt  }
0x55: {  	_ =	shalt  }
0x56: {  	_ =	shalt  }
0x57: {  	_ =	shalt  }
0x58: {  	_ =	shalt  }
0x59: {  	_ =	shalt  }
0x5a: {  	_ =	shalt  }
0x5b: {  	_ =	shalt  }
0x5c: {  	_ =	shalt  }
0x5d: {  	_ =	shalt  }
0x5e: {  	_ =	shalt  }
0x5f: {  	_ =	shalt  }
0x60: {  	_ =	shalt  }
0x61: {  	_ =	shalt  }
0x62: {  	_ =	shalt  }
0x63: {  	_ =	shalt  }
0x64: {  	_ =	shalt  }
0x65: {  	_ =	shalt  }
0x66: {  	_ =	shalt  }
0x67: {  	_ =	shalt  }
0x68: {  	_ =	shalt  }
0x69: {  	_ =	shalt  }
0x6a: {  	_ =	shalt  }
0x6b: {  	_ =	shalt  }
0x6c: {  	_ =	shalt  }
0x6d: {  	_ =	shalt  }
0x6e: {  	_ =	shalt  }
0x6f: {  	_ =	shalt  }
0x70: {  	_ =	shalt  }
0x71: {  	_ =	shalt  }
0x72: {  	_ =	shalt  }
0x73: {  	_ =	shalt  }
0x74: {  	_ =	shalt  }
0x75: {  	_ =	shalt  }
0x76: {  	_ =	shalt  }
0x77: {  	_ =	shalt  }
0x78: {  	_ =	shalt  }
0x79: {  	_ =	shalt  }
0x7a: {  	_ =	shalt  }
0x7b: {  	_ =	shalt  }
0x7c: {  	_ =	shalt  }
0x7d: {  	_ =	shalt  }
0x7e: {  	_ =	shalt  }
0x7f: {  	_ =	shalt  }
0x80: {  	_ =	shalt  }
0x81: {  	_ =	shalt  }
0x82: {  	_ =	shalt  }
0x83: {  	_ =	shalt  }
0x84: {  	_ =	shalt  }
0x85: {  	_ =	shalt  }
0x86: {  	_ =	shalt  }
0x87: {  	_ =	shalt  }
.Lfunc_end0:
.L_simem_size_0:
called_computation.3_lowered:
.L_overlay_start_0:
0x88: {  	s2 =	sld [smem:$0x3FD9]  }
0x89: {  	s3 =	sld [smem:$0x3FFE];
	_ =	sdelay $0x1  }
0x8a: {  	s1 =	srdreg.scid  }
0x8b: {  	s0 =	sand.u32 $0x1, s1  }
0x8c: {  	s17 =	sshll.u32 s0, $0xA;
	s2 =	sadd.s32 s3, s2  }
0x8d: {  	s2 =	sadd.s32 s2, s17  }
0x8e: {  	[smem:$0x3FBE] =	sst s2  }
0x8f: {  	_ = 	snop  }
0x90: {  	s2 =	sld [smem:$0x3FD0];
	(tm) =	ssettm $0x1  }
0x91: {  	s18 =	sld [smem:$0x3FFB];
	_ =	sdelay $0x3  }
0x92: {  	_ =	strace s18  }
0x93: {  	s3 =	sld [smem:$0x3FFC];
	_ =	sdelay $0x3  }
0x94: {  	_ =	strace s3  }
0x95: {  	s3 =	sld [smem:$0x3FFD];
	_ =	sdelay $0x3  }
0x96: {  	_ =	strace s3  }
0x97: {  	_ =	strace $0x8FFFFFFF  }
0x98: {  	s19 =	sld [smem:$0x3FDB];
	_ =	sdelay $0x1  }
0x99: {  	s4 =	simm.s32 $_scs_section_size  }
0x9a: {  	s5 =	simm.s32 $_size__tile_overlayer_lowered;
	s6 =	simm.s32 $_tile_overlayer_lowered  }
0x9b: {  	s22 =	simm.s32 $0x1BFF;
	s21 =	sshll.u32 s6, $0x1;
	s3 =	sadd.s32 s4, s19  }
0x9c: {  	s7 =	simm.s32 $0x0;
	s20 =	sshll.u32 s5, $0x1;
	s5 =	sadd.s32 s21, s3  }
0x9d: {  	[timem:s7], [sflag:s22] =	dma.local [hbm:s5], s20  }
0x9e: {  	_ =	swait.ge [sflag:s22], s20  }
0x9f: {  	s4 =	ssub.s32 $0x0, s20;
	[sflag:s22] =	ssyncset.done $0x0  }
0xa0: {  	[sflag:s22] =	ssyncadd.s32 s4;
	_ =	sdelay $0x1  }
0xa1: {  	s23 =	simm.s32 $0x1B8B  }
0xa2: {  	_ =	swait.ge [sflag:s23], $0x1  }
0xa3: {  	[sflag:s23] =	ssyncset.done $0x0  }
0xa4: {  	s25 =	simm.s32 $0x1B8E;
	s24 =	sld [smem:$0x3FFE];
	[sflag:s23] =	ssyncadd.s32 $0xFFFFFFFF  }
0xa5: {  	s26 =	simm.s32 $execute0_lowered;
	[smem:$0x3FD2] =	sst s25  }
0xa6: {  	s5 =	sshll.u32 s26, $0x1;
	_ =	strace $0x8000004F;
	[dreg:$0x1] =	wrdreg $0xFFFFFFFF  }
0xa7: {  	s28 =	simm.s32 $_size_execute0_lowered;
	s3 =	sadd.s32 s3, s5;
	[dreg:$0x0] =	wrdreg $0x0  }
0xa8: {  	s5 =	sshll.u32 s28, $0x1;
	[dreg:$0x2] =	wrdreg s3  }
0xa9: {  	[dreg:$0x3] =	wrdreg s5  }
0xaa: {  	[dreg:$0x4] =	wrdreg $0xC0  }
0xab: {  	_ =	task [dreg:s7], $0x5FFFF  }
0xac: {  	[dreg:$0x1] =	wrdreg $0xFFFFFFFF  }
0xad: {  	[dreg:$0x0] =	wrdreg $0x60  }
0xae: {  	[dreg:$0x2] =	wrdreg s2  }
0xaf: {  	[dreg:$0x3] =	wrdreg s24  }
0xb0: {  	[dreg:$0x4] =	wrdreg $0xA1000  }
0xb1: {  	[dreg:$0x5] =	wrdreg $0x9  }
0xb2: {  	_ =	task.clear_ibuf [dreg:s7], $0x6FFFF;
	_ =	strace $0x9000004F  }
0xb3: {  	s29 =	simm.s32 $0x9;
	_ =	strace $0x80000051  }
0xb4: {  	_ =	swait.ge [sflag:s29], $0x1  }
0xb5: {  	[sflag:s29] =	ssyncadd.s32 $0xFFFFFFFF  }
0xb6: {  	_ =	strace $0x90000051  }
0xb7: {  	_ =	sfence  }
0xb8: {  	s30 =	sld [smem:$0x0];
	_ =	sdelay $0x2  }
0xb9: {  	s31 =	sshll.u32 s1, $0xD;
	s1 =	sshrl.u32 s1, $0x2  }
0xba: {  	s3 =	sand.u32 $0x4000, s31;
	s1 =	sadd.s32 s1, s30  }
0xbb: {  	s0 =	sor.u32 s3, s0;
	s1 =	sshll.u32 s1, $0x11  }
0xbc: {  	s0 =	sor.u32 s1, s0  }
0xbd: {  	s0 =	sadd.s32 $0x8F2B, s0  }
0xbe: {  	[sflag:s0] =	ssyncadd.remote.s32 $0x1  }
0xbf: {  	_ =	sfence.sel $0xFFFF  }
0xc0: {  	[dreg:$0x0] =	wrdreg $0xFFFFFFFF;
	(pc) =	sbr.abs _section_cstart, $3  }
0xc1: {  	[dreg:$0x1] =	wrdreg $0xFFFFFFFF  }
0xc2: {  	_ =	task.clear_ibuf [dreg:s7], $0x2FFFF;
	_ =	strace $0x9FFFFFFF  }
0xc3: {  	(tm) =	ssettm $0x7FFFFFFF  }
tec
execute0_lowered:
.L_overlay_start_1:
0x0: {  	(tag) =	ssettag $0x1  }
0x1: {  	s1 =	rddreg [dreg:$0x0];
	s0 =	srdreg.scid  }
0x2: {  	s13 =	stileid.u32;
	s2 =	rddreg [dreg:$0x1]  }
0x3: {  	s3 =	rddreg [dreg:$0x2];
	s7 =	smul.u32 $0x2700, s13  }
0x4: {  	s28 =	simm.s32 $0x2800;
	s29 =	simm.s32 $0x5100;
	s10 =	smul.u32 $0x4E000, s13  }
0x5: {  	s30 =	simm.s32 $0x4;
	s31 =	simm.s32 $0x1;
	s19 =	smul.u32 $0x13800, s13  }
0x6: {  	s14 =	simm.s32 $0x0;
	s0 =	sand.u32 $0x1, s0;
	s22 =	smul.u32 $0x4E20, s13  }
0x7: {  	s4 =	sshll.u32 s13, $0x1;
	s12 =	sadd.s32 $0x3DC00, s2;
	s16 =	smul.u32 $0x138800, s0  }
0x8: {  	s5 =	sor.u32 s0, s4;
	s9 =	ssub.s32 $0x2, s0;
	s0 =	smul.u32 $0x2710, s0  }
0x9: {  	p0 =	seq.s32 s13, $0xF;
	s4 =	simm.s32 $0x0;
	s5 =	smul.u32 $0x2710, s5  }
0xa: {  	[smem:$0x7FF] =	sst s4;
	s7 =	sadd.s32 s7, s2;
	s11 =	sshrl.u32 s9, $0x1  }
0xb: {  	s10 =	sshrl.u32 s10, $0x2;
	_ =	strace $0x80000050;
	s9 =	ssub.s32 s9, s11  }
0xc: {  	s10 =	sadd.s32 s10, s3;
	s7 =	sadd.s32 $0x16A00, s7;
	s0 =	sadd.s32 s0, s22  }
0xd: {  	s11 =	simm.s32 $0x3;
	s6 =	sshrl.u32 s5, $0x3;
	[dreg:$0x4] =	wrdreg s10  }
0xe: {  	s5 =	sadd.s32 $0xCC00, s2;
	[dreg:$0x5] =	wrdreg s7;
	s23 =	smax.u32 s9, $0x1  }
0xf: {  	s8 =	sadd.s32 s6, s2;
	s2 =	sadd.s32 $0x3B300, s2;
	[dreg:$0xf] =	wrdreg s23  }
0x10: {  	s7 =	sadd.s32 $0x124800, s3;
	s15 =	sadd.s32 s5, s6;
	[dreg:$0x6] =	wrdreg s2  }
0x11: {  	s24 =	sadd.s32 $0x190, s0;
	s17 =	sadd.s32 $0x2E00, s8;
	[dreg:$0x7] =	wrdreg s15  }
0x12: {  	s25 =	sadd.s32 $0x140, s0;
	s18 =	sadd.s32 $0xA, s15;
	[dreg:$0x8] =	wrdreg s17  }
0x13: {  	s6 =	sadd.s32 s19, s16;
	s20 =	sadd.s32 $0x14, s15;
	[dreg:$0x9] =	wrdreg s18  }
0x14: {  	s21 =	sadd.s32 $0x4CE, s15;
	s2 =	sshrl.u32 s16, $0x3;
	[dreg:$0xa] =	wrdreg s20  }
0x15: {  	s10 =	sadd.s32 $0x4D8, s15;
	s6 =	sshrl.u32 s6, $0x3;
	[dreg:$0xb] =	wrdreg s21  }
0x16: {  	s8 =	simm.s32 $0x7;
	[dreg:$0xc] =	wrdreg s10;
	s2 =	sadd.s32 s12, s2  }
0x17: {  	s6 =	sadd.s32 s12, s6;
	s20 =	sadd.s32 $0xF0, s0;
	s21 =	sshrl.u32 @p0 s7, $0x3  }
0x18: {  	s0 =	simm.s32 $0x7900;
	s7 =	simm.s32 $0x2;
	s10 =	simm.s32 $0x6  }
0x19: {  	s12 =	simm.s32 $0x8;
	[dreg:$0xd] =	wrdreg s6;
	s2 =	sadd.s32 $0x24900, s2  }
0x1a: {  	s6 =	sshrl.u32 s25, $0x3;
	s25 =	simm.s32 $0x50;
	[dreg:$0xe] =	wrdreg s2  }
0x1b: {  	s2 =	sshrl.u32 s24, $0x3;
	s26 =	sadd.s32 s6, s5;
	s24 =	simm.s32 $0x2780  }
0x1c: {  	s6 =	simm.s32 $0x5;
	s2 =	sadd.s32 s2, s5;
	[dreg:$0x11] =	wrdreg s26  }
0x1d: {  	s26 =	simm.s32 $0x2900;
	[dreg:$0x10] =	wrdreg s2;
	s2 =	sshll.u32 @!p0 s13, $0x6  }
0x1e: {  	s13 =	simm.s32 $0x9;
	s22 =	sor.u32 @!p0 $0x1C0A, s2;
	s2 =	simm.s32 $0x2880  }
.LBB2_1:
0x1f: {  	s9 =	simm.s32 @p0 $0x1FCA;
	s15 =	rddreg [dreg:$0x6]  }
0x20: {  	[spmem:s21], [sflag:s9] =	dma.local @p0 [hbm:s15], $0x2800  }
0x21: {  	s9 =	simm.s32 @p0 $0xA  }
0x22: {  	_ =	swait.ge @p0 [sflag:s9], $0x2800  }
0x23: {  	[sflag:s9] =	ssyncset.done @p0 $0x0  }
0x24: {  	[sflag:s9] =	ssyncadd.s32 @p0 $0xFFFFD800;
	s9 =	rddreg [dreg:$0x4]  }
0x25: {  	s15 =	sshrl.u32 @!p0 s9, $0x3;
	s9 =	rddreg [dreg:$0x5]  }
0x26: {  	[spmem:s15], [sflag:s22] =	dma.local @!p0 [hbm:s9], $0x2700  }
0x27: {  	s9 =	simm.s32 @!p0 $0xA  }
0x28: {  	_ =	swait.ge @!p0 [sflag:s9], $0x2700  }
0x29: {  	[sflag:s9] =	ssyncset.done @!p0 $0x0  }
0x2a: {  	s16 =	simm.s32 $0xA;
	s23 =	rddreg [dreg:$0x8];
	[sflag:s9] =	ssyncadd.s32 @!p0 $0xFFFFD900  }
0x2b: {  	[tilespmem:s4], [sflag:$0xA] =	stream.linear.gather [hbm4b:s23+s4], $0x2710, $0x38;
	[tilespmem:$0x1D980] =	vst v63  }
0x2c: {  	_ =	swait.ge [sflag:s16], $0x2710  }
0x2d: {  	[sflag:s16] =	ssyncset.done $0x0  }
0x2e: {  	[sflag:s16] =	ssyncadd.s32 $0xFFFFD8F0  }
0x2f: {  	[bflag:$0x0] =	sbarrier.arrive $0xFFFF  }
0x30: {  	s17 =	rddreg [dreg:$0x7]  }
0x31: {  	[tilespmem:s24], [sflag:$0x1] =	stream.linear.gather [hbm4b:s17+s4], $0x50, $0x38;
	[tilespmem:$0x1D980] =	vst v63  }
0x32: {  	_ = 	snop  }
0x33: {  	[tilespmem:s26], [sflag:$0x4] =	stream.indirect.gather [hbm4b:s1+s25], $0x80, s4, s25, $0xb8;
	[tilespmem:$0x1D980] =	vst v63  }
0x34: {  	s18 =	rddreg [dreg:$0x9]  }
0x35: {  	[tilespmem:s28], [sflag:$0x2] =	stream.linear.gather [hbm4b:s18+s4], $0x50, $0x38;
	[tilespmem:$0x1D980] =	vst v63  }
0x36: {  	_ = 	snop  }
0x37: {  	[tilespmem:s29], [sflag:$0x5] =	stream.indirect.gather [hbm4b:s1+s25], $0x80, s25, s25, $0xb8;
	[tilespmem:$0x1D980] =	vst v63  }
0x38: {  	_ =	swait.ge [sflag:s30], $0x2800  }
0x39: {  	[sflag:s30] =	ssyncset.done $0x0  }
0x3a: {  	[sflag:s30] =	ssyncadd.s32 $0xFFFFD800  }
0x3b: {  	_ =	swait.ge [sflag:s31], $0x50  }
0x3c: {  	[sflag:s31] =	ssyncset.done $0x0  }
0x3d: {  	[sflag:s31] =	ssyncadd.s32 $0xFFFFFFB0  }
0x3e: {  	[spmem:s3] =	stream.indirect.scatter.add.f32 [tilespmem:s26], [sflag:$0x7], $0x80, s24, s25, $0xb8;
	[tilespmem:$0x1D980] =	vst v63  }
0x3f: {  	s19 =	rddreg [dreg:$0xa]  }
0x40: {  	[tilespmem:s2], [sflag:$0x3] =	stream.linear.gather [hbm4b:s19+s4], $0x50, $0x38;
	[tilespmem:$0x1D980] =	vst v63  }
0x41: {  	s23 =	simm.s32 $0xA0  }
0x42: {  	[tilespmem:s0], [sflag:$0x6] =	stream.indirect.gather [hbm4b:s1+s25], $0x80, s23, s25, $0xb8;
	[tilespmem:$0x1D980] =	vst v63  }
0x43: {  	_ =	swait.ge [sflag:s6], $0x2800  }
0x44: {  	[sflag:s6] =	ssyncset.done $0x0  }
0x45: {  	[sflag:s6] =	ssyncadd.s32 $0xFFFFD800  }
0x46: {  	_ =	swait.ge [sflag:s7], $0x50  }
0x47: {  	[sflag:s7] =	ssyncset.done $0x0  }
0x48: {  	[sflag:s7] =	ssyncadd.s32 $0xFFFFFFB0  }
0x49: {  	[spmem:s3] =	stream.indirect.scatter.add.f32 [tilespmem:s29], [sflag:$0x8], $0x80, s28, s25, $0xb8;
	[tilespmem:$0x1D980] =	vst v63  }
0x4a: {  	_ =	swait.ge [sflag:s8], $0x2800  }
0x4b: {  	s16 =	sshrl.u32 s20, $0x3;
	[sflag:s8] =	ssyncset.done $0x0  }
0x4c: {  	s9 =	sadd.s32 s5, s16;
	[sflag:s8] =	ssyncadd.s32 $0xFFFFD800  }
0x4d: {  	[tilespmem:s24], [sflag:$0x1] =	stream.linear.gather [hbm4b:s9+s4], $0x50, $0x38;
	[tilespmem:$0x1D980] =	vst v63  }
0x4e: {  	s17 =	simm.s32 $0xF0  }
0x4f: {  	[tilespmem:s26], [sflag:$0x4] =	stream.indirect.gather [hbm4b:s1+s25], $0x80, s17, s25, $0xb8;
	[tilespmem:$0x1D980] =	vst v63  }
0x50: {  	_ =	swait.ge [sflag:s10], $0x2800  }
0x51: {  	[sflag:s10] =	ssyncset.done $0x0  }
0x52: {  	[sflag:s10] =	ssyncadd.s32 $0xFFFFD800  }
0x53: {  	_ =	swait.ge [sflag:s11], $0x50  }
0x54: {  	[sflag:s11] =	ssyncset.done $0x0  }
0x55: {  	[sflag:s11] =	ssyncadd.s32 $0xFFFFFFB0  }
0x56: {  	[spmem:s3] =	stream.indirect.scatter.add.f32 [tilespmem:s0], [sflag:$0x9], $0x80, s2, s25, $0xb8;
	[tilespmem:$0x1D980] =	vst v63  }
0x57: {  	_ =	swait.ge [sflag:s12], $0x2800  }
0x58: {  	[sflag:s12] =	ssyncset.done $0x0  }
0x59: {  	s19 =	rddreg [dreg:$0x11];
	[sflag:s12] =	ssyncadd.s32 $0xFFFFD800  }
0x5a: {  	[tilespmem:s28], [sflag:$0x2] =	stream.linear.gather [hbm4b:s19+s4], $0x50, $0x38;
	[tilespmem:$0x1D980] =	vst v63  }
0x5b: {  	s18 =	simm.s32 $0x140  }
0x5c: {  	[tilespmem:s29], [sflag:$0x5] =	stream.indirect.gather [hbm4b:s1+s25], $0x80, s18, s25, $0xb8;
	[tilespmem:$0x1D980] =	vst v63  }
0x5d: {  	_ =	swait.ge [sflag:s30], $0x2800  }
0x5e: {  	[sflag:s30] =	ssyncset.done $0x0  }
0x5f: {  	[sflag:s30] =	ssyncadd.s32 $0xFFFFD800  }
0x60: {  	_ =	swait.ge [sflag:s31], $0x50  }
0x61: {  	[sflag:s31] =	ssyncset.done $0x0  }
0x62: {  	[sflag:s31] =	ssyncadd.s32 $0xFFFFFFB0  }
0x63: {  	[spmem:s3] =	stream.indirect.scatter.add.f32 [tilespmem:s26], [sflag:$0x7], $0x80, s24, s25, $0xb8;
	[tilespmem:$0x1D980] =	vst v63  }
0x64: {  	_ =	swait.ge [sflag:s13], $0x2800  }
0x65: {  	[sflag:s13] =	ssyncset.done $0x0  }
0x66: {  	s18 =	rddreg [dreg:$0x10];
	[sflag:s13] =	ssyncadd.s32 $0xFFFFD800  }
0x67: {  	[tilespmem:s2], [sflag:$0x3] =	stream.linear.gather [hbm4b:s18+s4], $0x50, $0x38;
	[tilespmem:$0x1D980] =	vst v63  }
0x68: {  	s23 =	simm.s32 $0x190  }
0x69: {  	[tilespmem:s0], [sflag:$0x6] =	stream.indirect.gather [hbm4b:s1+s25], $0x80, s23, s25, $0xb8;
	[tilespmem:$0x1D980] =	vst v63  }
0x6a: {  	_ =	swait.ge [sflag:s6], $0x2800  }
0x6b: {  	[sflag:s6] =	ssyncset.done $0x0  }
0x6c: {  	[sflag:s6] =	ssyncadd.s32 $0xFFFFD800  }
0x6d: {  	_ =	swait.ge [sflag:s7], $0x50  }
0x6e: {  	s16 =	simm.s32 $0x3C0;
	s17 =	sadd.s32 $0xF0, s20;
	[sflag:s7] =	ssyncset.done $0x0  }
0x6f: {  	s9 =	sadd.s32 $0x1E, s18;
	s23 =	sadd.s32 $0x1E, s19;
	[sflag:s7] =	ssyncadd.s32 $0xFFFFFFB0  }
.LBB2_2:
0x70: {  	[spmem:s3] =	stream.indirect.scatter.add.f32 [tilespmem:s29], [sflag:$0x8], $0x80, s28, s25, $0xb8;
	[tilespmem:$0x1D980] =	vst v63  }
0x71: {  	s18 =	smov.u32 s16  }
0x72: {  	p1 =	sne.s32 s16, $0x9240;
	s16 =	sadd.s32 $0x3C0, s16;
	_ =	swait.ge [sflag:s8], $0x2800  }
0x73: {  	s19 =	sshrl.u32 s17, $0x3;
	[sflag:s8] =	ssyncset.done $0x0  }
0x74: {  	s19 =	sadd.s32 s5, s19;
	s18 =	sshra.s32 s18, $0x2;
	[sflag:s8] =	ssyncadd.s32 $0xFFFFD800  }
0x75: {  	[tilespmem:s24], [sflag:$0x1] =	stream.linear.gather [hbm4b:s19+s4], $0x50, $0x38;
	[tilespmem:$0x1D980] =	vst v63  }
0x76: {  	s19 =	sadd.s32 $0xF0, s18  }
0x77: {  	[tilespmem:s26], [sflag:$0x4] =	stream.indirect.gather [hbm4b:s1+s25], $0x80, s19, s25, $0xb8;
	[tilespmem:$0x1D980] =	vst v63  }
0x78: {  	_ =	swait.ge [sflag:s10], $0x2800  }
0x79: {  	[sflag:s10] =	ssyncset.done $0x0  }
0x7a: {  	[sflag:s10] =	ssyncadd.s32 $0xFFFFD800  }
0x7b: {  	_ =	swait.ge [sflag:s11], $0x50  }
0x7c: {  	[sflag:s11] =	ssyncset.done $0x0  }
0x7d: {  	[sflag:s11] =	ssyncadd.s32 $0xFFFFFFB0  }
0x7e: {  	[spmem:s3] =	stream.indirect.scatter.add.f32 [tilespmem:s0], [sflag:$0x9], $0x80, s2, s25, $0xb8;
	[tilespmem:$0x1D980] =	vst v63  }
0x7f: {  	_ =	swait.ge [sflag:s12], $0x2800  }
0x80: {  	[sflag:s12] =	ssyncset.done $0x0  }
0x81: {  	[sflag:s12] =	ssyncadd.s32 $0xFFFFD800  }
0x82: {  	[tilespmem:s28], [sflag:$0x2] =	stream.linear.gather [hbm4b:s23+s4], $0x50, $0x38;
	[tilespmem:$0x1D980] =	vst v63  }
0x83: {  	s19 =	sadd.s32 $0x140, s18  }
0x84: {  	[tilespmem:s29], [sflag:$0x5] =	stream.indirect.gather [hbm4b:s1+s25], $0x80, s19, s25, $0xb8;
	[tilespmem:$0x1D980] =	vst v63  }
0x85: {  	_ =	swait.ge [sflag:s30], $0x2800  }
0x86: {  	[sflag:s30] =	ssyncset.done $0x0  }
0x87: {  	[sflag:s30] =	ssyncadd.s32 $0xFFFFD800  }
0x88: {  	_ =	swait.ge [sflag:s31], $0x50  }
0x89: {  	[sflag:s31] =	ssyncset.done $0x0  }
0x8a: {  	[sflag:s31] =	ssyncadd.s32 $0xFFFFFFB0  }
0x8b: {  	[spmem:s3] =	stream.indirect.scatter.add.f32 [tilespmem:s26], [sflag:$0x7], $0x80, s24, s25, $0xb8;
	[tilespmem:$0x1D980] =	vst v63  }
0x8c: {  	_ =	swait.ge [sflag:s13], $0x2800  }
0x8d: {  	[sflag:s13] =	ssyncset.done $0x0  }
0x8e: {  	[sflag:s13] =	ssyncadd.s32 $0xFFFFD800  }
0x8f: {  	[tilespmem:s2], [sflag:$0x3] =	stream.linear.gather [hbm4b:s9+s4], $0x50, $0x38;
	[tilespmem:$0x1D980] =	vst v63  }
0x90: {  	s18 =	sadd.s32 $0x190, s18  }
0x91: {  	[tilespmem:s0], [sflag:$0x6] =	stream.indirect.gather [hbm4b:s1+s25], $0x80, s18, s25, $0xb8;
	[tilespmem:$0x1D980] =	vst v63  }
0x92: {  	_ =	swait.ge [sflag:s6], $0x2800  }
.Ltmp0:
0x93: {  	[sflag:s6] =	ssyncset.done $0x0;
	(pc) =	sbr.rel @p1 .LBB2_2-.Ltmp0, $4  }
0x94: {  	[sflag:s6] =	ssyncadd.s32 $0xFFFFD800  }
0x95: {  	_ =	swait.ge [sflag:s7], $0x50  }
0x96: {  	s17 =	sadd.s32 $0xF0, s17;
	[sflag:s7] =	ssyncset.done $0x0  }
0x97: {  	s23 =	sadd.s32 $0x1E, s23;
	s9 =	sadd.s32 $0x1E, s9;
	[sflag:s7] =	ssyncadd.s32 $0xFFFFFFB0  }
0x98: {  	[spmem:s3] =	stream.indirect.scatter.add.f32 [tilespmem:s29], [sflag:$0x8], $0x80, s28, s25, $0xb8;
	[tilespmem:$0x1D980] =	vst v63  }
0x99: {  	_ =	swait.ge [sflag:s8], $0x2800  }
0x9a: {  	[sflag:s8] =	ssyncset.done $0x0  }
0x9b: {  	s9 =	rddreg [dreg:$0xb];
	[sflag:s8] =	ssyncadd.s32 $0xFFFFD800  }
0x9c: {  	[tilespmem:s24], [sflag:$0x1] =	stream.linear.gather [hbm4b:s9+s4], $0x50, $0x38;
	[tilespmem:$0x1D980] =	vst v63  }
0x9d: {  	s17 =	simm.s32 $0x2670  }
0x9e: {  	[tilespmem:s26], [sflag:$0x4] =	stream.indirect.gather [hbm4b:s1+s25], $0x80, s17, s25, $0xb8;
	[tilespmem:$0x1D980] =	vst v63  }
0x9f: {  	_ =	swait.ge [sflag:s10], $0x2800  }
0xa0: {  	[sflag:s10] =	ssyncset.done $0x0  }
0xa1: {  	[sflag:s10] =	ssyncadd.s32 $0xFFFFD800  }
0xa2: {  	_ =	swait.ge [sflag:s11], $0x50  }
0xa3: {  	[sflag:s11] =	ssyncset.done $0x0  }
0xa4: {  	[sflag:s11] =	ssyncadd.s32 $0xFFFFFFB0  }
0xa5: {  	[spmem:s3] =	stream.indirect.scatter.add.f32 [tilespmem:s0], [sflag:$0x9], $0x80, s2, s25, $0xb8;
	[tilespmem:$0x1D980] =	vst v63  }
0xa6: {  	_ =	swait.ge [sflag:s12], $0x2800  }
0xa7: {  	[sflag:s12] =	ssyncset.done $0x0  }
0xa8: {  	s18 =	rddreg [dreg:$0xc];
	[sflag:s12] =	ssyncadd.s32 $0xFFFFD800  }
0xa9: {  	[tilespmem:s28], [sflag:$0x2] =	stream.linear.gather [hbm4b:s18+s4], $0x50, $0x38;
	[tilespmem:$0x1D980] =	vst v63  }
0xaa: {  	s19 =	simm.s32 $0x26C0  }
0xab: {  	[tilespmem:s29], [sflag:$0x5] =	stream.indirect.gather [hbm4b:s1+s25], $0x80, s19, s25, $0xb8;
	[tilespmem:$0x1D980] =	vst v63  }
0xac: {  	_ =	swait.ge [sflag:s30], $0x2800  }
0xad: {  	[sflag:s30] =	ssyncset.done $0x0  }
0xae: {  	[sflag:s30] =	ssyncadd.s32 $0xFFFFD800  }
0xaf: {  	_ =	swait.ge [sflag:s31], $0x50  }
0xb0: {  	[sflag:s31] =	ssyncset.done $0x0  }
0xb1: {  	[sflag:s31] =	ssyncadd.s32 $0xFFFFFFB0  }
0xb2: {  	[spmem:s3] =	stream.indirect.scatter.add.f32 [tilespmem:s26], [sflag:$0x7], $0x80, s24, s25, $0xb8;
	[tilespmem:$0x1D980] =	vst v63  }
0xb3: {  	_ =	swait.ge [sflag:s6], $0x2800  }
0xb4: {  	[sflag:s6] =	ssyncset.done $0x0  }
0xb5: {  	[sflag:s6] =	ssyncadd.s32 $0xFFFFD800  }
0xb6: {  	_ =	swait.ge [sflag:s7], $0x50  }
0xb7: {  	[sflag:s7] =	ssyncset.done $0x0  }
0xb8: {  	[sflag:s7] =	ssyncadd.s32 $0xFFFFFFB0  }
0xb9: {  	[spmem:s3] =	stream.indirect.scatter.add.f32 [tilespmem:s29], [sflag:$0x8], $0x80, s28, s25, $0xb8;
	[tilespmem:$0x1D980] =	vst v63  }
0xba: {  	_ =	swait.ge [sflag:s8], $0x2800  }
0xbb: {  	[sflag:s8] =	ssyncset.done $0x0  }
0xbc: {  	[sflag:s8] =	ssyncadd.s32 $0xFFFFD800  }
0xbd: {  	_ =	swait.ge [sflag:s12], $0x2800  }
0xbe: {  	[sflag:s12] =	ssyncset.done $0x0  }
0xbf: {  	[sflag:s12] =	ssyncadd.s32 $0xFFFFD800  }
0xc0: {  	_ =	swait.ge [sflag:s13], $0x2800  }
0xc1: {  	[sflag:s13] =	ssyncset.done $0x0  }
0xc2: {  	[sflag:s13] =	ssyncadd.s32 $0xFFFFD800  }
0xc3: {  	[bflag:$0x0] =	sbarrier.arrive $0xFFFF  }
0xc4: {  	s9 =	simm.s32 @p0 $0x1FCA;
	s16 =	rddreg [dreg:$0xe]  }
0xc5: {  	[hbm:s16], [sflag:s9] =	dma.local @p0 [spmem:s21], $0x2800  }
0xc6: {  	s9 =	simm.s32 @p0 $0xA  }
0xc7: {  	_ =	swait.ge @p0 [sflag:s9], $0x2800  }
0xc8: {  	[sflag:s9] =	ssyncset.done @p0 $0x0  }
0xc9: {  	[sflag:s9] =	ssyncadd.s32 @p0 $0xFFFFD800;
	s9 =	rddreg [dreg:$0xd]  }
0xca: {  	[hbm:s9], [sflag:s22] =	dma.local @!p0 [spmem:s15], $0x2700  }
0xcb: {  	s9 =	simm.s32 @!p0 $0xA  }
0xcc: {  	_ =	swait.ge @!p0 [sflag:s9], $0x2700  }
0xcd: {  	s14 =	sadd.s32 $0x1, s14;
	s23 =	rddreg [dreg:$0xf]  }
0xce: {  	p1 =	sne.s32 s14, s23  }
.Ltmp1:
0xcf: {  	_ = 	snop;
	(pc) =	sbr.rel @p1 .LBB2_1-.Ltmp1, $3  }
0xd0: {  	_ =	sdelay $0x1  }
0xd1: {  	[sflag:s9] =	ssyncset.done @!p0 $0x0  }
0xd2: {  	[sflag:s9] =	ssyncadd.s32 @!p0 $0xFFFFD900  }
0xd3: {  	_ =	sfence.sel $0x180000  }
0xd4: {  	[bflag:$0x0] =	sbarrier.arrive $0xFFFF  }
0xd5: {  	_ =	strace $0x90000050  }
0xd6: {  	s0 =	stileid.u32;
	[bflag:$0x2] =	sbarrier.arrive $0xFFFF  }
0xd7: {  	p0 =	sne.s32 s0, $0x0;
	s0 =	rddreg [dreg:$0x3]  }
0xd8: {  	s0 =	sadd.s32 @!p0 $0x100000, s0  }
0xd9: {  	[sflag:s0] =	ssyncadd.tile.s32 @!p0 $0x1;
	_ =	shalt  }
.Lfunc_end2:
_tile_overlayer_lowered:
.L_overlay_start_2:
0xda: {  	(tag) =	ssettag $0x2  }
0xdb: {  	s0 =	rddreg [dreg:$0x0];
	s2 =	stileid.u32  }
0xdc: {  	s1 =	rddreg [dreg:$0x1];
	p0 =	sne.s32 s2, $0x0  }
0xdd: {  	s3 =	rddreg [dreg:$0x2];
	[bflag:$0x3] =	sbarrier.arrive $0xFFFF;
	s2 =	simm.s32 @!p0 $0x1C0A  }
0xde: {  	[timem:s3], [sflag:s2] =	dma.local @!p0 [hbm:s0], s1  }
0xdf: {  	s0 =	simm.s32 @!p0 $0xA  }
0xe0: {  	_ =	swait.ge @!p0 [sflag:s0], s1  }
0xe1: {  	s1 =	ssub.s32 @!p0 $0x0, s1;
	[sflag:s0] =	ssyncset.done @!p0 $0x0  }
0xe2: {  	[sflag:s0] =	ssyncadd.s32 @!p0 s1  }
0xe3: {  	[bflag:$0x3] =	sbarrier.arrive $0xFFFF  }
0xe4: {  	_ =	shalt  }

</sc_bundles>
